<compile_context>
chip_gen: v7x
topology: tpu7x:2x2x1
jax: 0.10.2.dev20260603
libtpu: 0.0.44.dev20260713+nightly
codegen_flags: <defaults>
</compile_context>

<pallas_src>
import functools

import jax
import jax.numpy as jnp
from jax import lax
from jax.experimental import pallas as pl
from jax.experimental.pallas import tpu as pltpu
from jax.experimental.pallas import tpu_sc as plsc


@functools.lru_cache(maxsize=None)
def _build(V: int, D: int, B: int, H: int):
    info = plsc.get_sparse_core_info()
    NC, NS, L = info.num_cores, info.num_subcores, info.num_lanes
    NW = NC * NS
    assert D == 32 and L == 16 and H == 50 and V == 1000000
    assert B % NW == 0 and (B // NW) % (8 * L) == 0
    b_per_w = B // NW
    WROWS = V // 4
    NBLK = V // 128
    TAIL = V - NBLK * 128
    base_cnt = NBLK // NW
    extra = NBLK - base_cnt * NW
    NBUF = 2

    mesh = plsc.VectorSubcoreMesh(core_axis_name="c", subcore_axis_name="s")
    cparams = pltpu.CompilerParams(
        use_tc_tiling_on_sc=True, needs_layout_passes=False)


    @functools.partial(
        pl.kernel,
        out_type=jax.ShapeDtypeStruct((WROWS, 128), jnp.float32),
        mesh=mesh,
        compiler_params=cparams,
        scratch_types=[
            pltpu.VMEM((NBUF, D, 128), jnp.float32),
            pltpu.VMEM((NBUF, D, 128), jnp.float32),
            pltpu.VMEM((D, TAIL), jnp.float32),
            pltpu.VMEM((TAIL // 4, 128), jnp.float32),
        ] + [pltpu.SemaphoreType.DMA] * (2 * NBUF),
    )
    def transpose_kernel(wt_hbm, w_hbm, inb, outb, intail, outtail, *sems):
        wid = lax.axis_index("s") * NC + lax.axis_index("c")
        isems = sems[:NBUF]
        osems = sems[NBUF:]
        lane = jnp.arange(L, dtype=jnp.int32)
        dv = (lane, L + lane)

        def in_cp(buf, g):
            return pltpu.make_async_copy(
                wt_hbm.at[:, pl.ds(g * 128, 128)], inb.at[buf], isems[buf])

        def out_cp(buf, g):
            return pltpu.make_async_copy(
                outb.at[buf], w_hbm.at[pl.ds(g * 32, 32), :], osems[buf])

        def transpose_block(buf):
            @plsc.parallel_loop(0, 32, 1, unroll=4)
            def _(w):
                for v in range(8):
                    vec = plsc.load_gather(
                        inb.at[buf],
                        [dv[v % 2], jnp.zeros((L,), jnp.int32) + (4 * w + v // 2)])
                    outb[buf, w, pl.ds(16 * v, 16)] = vec

        for b in range(NBUF):
            in_cp(b, b * NW + wid).start()

        def body(j, carry):
            for sub in range(NBUF):
                i = NBUF * j + sub
                g = i * NW + wid
                in_cp(sub, g).wait()

                @pl.when(j > 0)
                def _():
                    out_cp(sub, g).wait()

                transpose_block(sub)
                out_cp(sub, g).start()
                inxt = i + NBUF
                ok = jnp.logical_or(
                    inxt < base_cnt,
                    jnp.logical_and(inxt == base_cnt, wid < extra))

                @pl.when(ok)
                def _():
                    in_cp(sub, inxt * NW + wid).start()
            return carry

        lax.fori_loop(0, base_cnt // NBUF, body, 0)

        @pl.when(wid < extra)
        def _():
            g = base_cnt * NW + wid
            in_cp(0, g).wait()
            out_cp(0, g).wait()
            transpose_block(0)
            out_cp(0, g).start()

        @pl.when(wid == extra)
        def _():
            pltpu.sync_copy(wt_hbm.at[:, pl.ds(NBLK * 128, TAIL)], intail)

            @plsc.parallel_loop(0, TAIL // 4, 1, unroll=4)
            def _(w):
                for v in range(8):
                    vec = plsc.load_gather(
                        intail,
                        [dv[v % 2], jnp.zeros((L,), jnp.int32) + (4 * w + v // 2)])
                    outtail[w, pl.ds(16 * v, 16)] = vec

            pltpu.sync_copy(outtail, w_hbm.at[pl.ds(NBLK * 32, TAIL // 4), :])

        for b in range(NBUF):
            out_cp(b, 0).wait()


    @functools.partial(
        pl.kernel,
        out_type=jax.ShapeDtypeStruct((H, D // 8, NW, 8, L * 8), jnp.float32),
        mesh=mesh,
        compiler_params=cparams,
        scratch_types=[
            pltpu.VMEM((b_per_w * H,), jnp.int32),
            pltpu.VMEM((b_per_w,), jnp.int32),
            pltpu.VMEM((b_per_w,), jnp.int32),
            pltpu.VMEM((b_per_w,), jnp.int32),
            pltpu.VMEM((b_per_w,), jnp.int32),
            pltpu.VMEM((2, b_per_w, 128), jnp.float32),
            pltpu.VMEM((2, D // 8, 8, b_per_w), jnp.float32),
            pltpu.SemaphoreType.DMA,
            pltpu.SemaphoreType.DMA,
            pltpu.SemaphoreType.DMA,
            pltpu.SemaphoreType.DMA,
        ],
    )
    def gather_kernel(w_hbm, idx_hbm, out_hbm, idx_v, rowid0, rowid1,
                      colb0, colb1, rows_v, stage_v,
                      gsem0, gsem1, wsem0, wsem1):
        wid = lax.axis_index("s") * NC + lax.axis_index("c")
        pltpu.sync_copy(idx_hbm.at[pl.ds(wid * b_per_w * H, b_per_w * H)], idx_v)
        rowids = (rowid0, rowid1)
        colbs = (colb0, colb1)
        gsems = (gsem0, gsem1)
        wsems = (wsem0, wsem1)
        lane = jnp.arange(L, dtype=jnp.int32)
        lane50 = lane * H
        rowvs = [jnp.zeros((L,), jnp.int32) + (blq * L + lane)
                 for blq in range(b_per_w // L)]

        def prep(h, buf):
            for blq in range(b_per_w // L):
                vidx = plsc.load_gather(idx_v, [lane50 + (blq * L * H + h)])
                rowids[buf][pl.ds(blq * L, L)] = lax.shift_right_logical(vidx, 2)
                colbs[buf][pl.ds(blq * L, L)] = lax.shift_left(
                    jnp.bitwise_and(vidx, 3), 5)

        def g_cp(buf):
            return pltpu.make_async_copy(
                w_hbm.at[rowids[buf]], rows_v.at[buf], gsems[buf])

        def w_cp(buf, h):
            return pltpu.make_async_copy(
                stage_v.at[buf], out_hbm.at[h, :, wid, :, :], wsems[buf])

        def transpose_chunk(buf):
            cbs = [colbs[buf][pl.ds(blq * L, L)] for blq in range(b_per_w // L)]
            for r in range(D // 8):

                @plsc.parallel_loop(0, 8, 1, unroll=4)
                def _(s):
                    d = r * 8 + s
                    for blq in range(b_per_w // L):
                        vec = plsc.load_gather(
                            rows_v.at[buf], [rowvs[blq], cbs[blq] + d])
                        stage_v[buf, r, s, pl.ds(blq * L, L)] = vec

        prep(0, 0)
        g_cp(0).start()
        prep(1, 1)
        g_cp(1).start()

        def body(j, carry):
            for sub in range(2):
                h = 2 * j + sub
                g_cp(sub).wait()

                @pl.when(j > 0)
                def _():
                    w_cp(sub, h).wait()

                transpose_chunk(sub)
                w_cp(sub, h).start()

                @pl.when(h + 2 < H)
                def _():
                    prep(h + 2, sub)
                    g_cp(sub).start()
            return carry

        lax.fori_loop(0, H // 2, body, 0)
        w_cp(0, 0).wait()
        w_cp(1, 0).wait()

    return transpose_kernel, gather_kernel


def kernel(word_embedding, input_token_ids):
    V, D = word_embedding.shape
    B, H = input_token_ids.shape
    tk, gk = _build(V, D, B, H)
    wrm = tk(word_embedding.T)
    idx = input_token_ids.astype(jnp.int32).reshape(-1)
    out5 = gk(wrm, idx)
    return out5.transpose(2, 4, 0, 1, 3).reshape(B, H, D)

# --- scband reference (transcript-rebuilt; emitter-appended) ---
"""Pipeline reference for scband-pretrained-word-embedding-66357244723771 (READ-ONLY COPY).

The authoritative reference and input builder live on the scoring server;
editing this copy changes nothing except your own understanding.
"""

import jax, jax.numpy as jnp
import numpy as np

VOCAB = 1000000
EMBED_DIM = 32
BATCH = 4096
HIST = 50

def setup_inputs(seed: int = 0) -> dict:
    key = jax.random.key(seed)
    k_tab, k_idx = jax.random.split(key)
    word_embedding = jax.random.normal(k_tab, (VOCAB, EMBED_DIM), dtype=jnp.float32)
    input_token_ids = jax.random.randint(k_idx, (BATCH, HIST), 0, VOCAB, dtype=jnp.int64)
    return {"word_embedding": word_embedding, "input_token_ids": input_token_ids}

def reference(word_embedding, input_token_ids):
    # PretrainedWordEmbedding.forward: nn.Embedding lookup on _input_token_ids
    input_embedding = jnp.take(word_embedding, input_token_ids, axis=0)
    return input_embedding

if __name__ == "__main__":
    import jax
    _d = setup_inputs()
    print(jax.jit(kernel)(*tuple(_d.values())))

</pallas_src>

<mosaic_0001>
#map = affine_map<(d0, d1) -> (0, 0)>
#map1 = affine_map<(d0, d1) -> (0)>
#map2 = affine_map<(d0, d1) -> (0, 0, 0, 0, 0)>
module attributes {stable_mosaic.version = 14 : i64} {
  func.func @gather_kernel(%arg0: i32, %arg1: i32, %arg2: memref<250000x128xf32, #tpu.memory_space<hbm>>, %arg3: memref<204800xi32, #tpu.memory_space<hbm>>, %arg4: memref<50x4x32x8x128xf32, #tpu.memory_space<hbm>>, %arg5: memref<6400xi32, #tpu.memory_space<vmem>>, %arg6: memref<128xi32, #tpu.memory_space<vmem>>, %arg7: memref<128xi32, #tpu.memory_space<vmem>>, %arg8: memref<128xi32, #tpu.memory_space<vmem>>, %arg9: memref<128xi32, #tpu.memory_space<vmem>>, %arg10: memref<2x128x128xf32, #tpu.memory_space<vmem>>, %arg11: memref<2x4x8x128xf32, #tpu.memory_space<vmem>>, %arg12: memref<!tpu.dma_semaphore, #tpu.memory_space<semaphore_mem>>, %arg13: memref<!tpu.dma_semaphore, #tpu.memory_space<semaphore_mem>>, %arg14: memref<!tpu.dma_semaphore, #tpu.memory_space<semaphore_mem>>, %arg15: memref<!tpu.dma_semaphore, #tpu.memory_space<semaphore_mem>>) attributes {dimension_semantics = [#tpu.dimension_semantics<core_parallel>, #tpu.dimension_semantics<subcore_parallel>], iteration_bounds = array<i64: 2, 16>, scalar_prefetch = 0 : i64, scratch_operands = 11 : i64, tpu.core_type = #tpu.core_type<sc_vector_subcore>, window_params = [{transform_indices = #map}, {transform_indices = #map1}, {transform_indices = #map2}]} {
    %mul3A = arith.constant 2 : i32
    %mul3A_0 = arith.muli %arg1, %mul3A : i32
    %add3A = arith.addi %mul3A_0, %arg0 : i32
    %mul3A_1 = arith.constant 128 : i32
    %mul3A_2 = arith.muli %add3A, %mul3A_1 : i32
    %mul3A_3 = arith.constant 50 : i32
    %mul3A_4 = arith.muli %mul3A_2, %mul3A_3 : i32
    "tpu.region"() ({
      %run_scoped3A = tpu.sem_alloc : memref<!tpu.dma_semaphore, #tpu.memory_space<semaphore_mem>>
      %dma_start3A_385 = tpu.memref_slice %arg3[%mul3A_4] : memref<204800xi32, #tpu.memory_space<hbm>> -> memref<6400xi32, #tpu.memory_space<hbm>>
      %dma_start3A_386 = tpu.memref_slice %arg3[%mul3A_4] : memref<204800xi32, #tpu.memory_space<hbm>> -> memref<6400xi32, #tpu.memory_space<hbm>>
      tpu.enqueue_dma source(%dma_start3A_386 : memref<6400xi32, #tpu.memory_space<hbm>>) target(%arg5 : memref<6400xi32, #tpu.memory_space<vmem>>) target_semaphore(%run_scoped3A : memref<!tpu.dma_semaphore, #tpu.memory_space<semaphore_mem>>)
      %dma_wait3A_387 = tpu.memref_slice %arg3[%mul3A_4] : memref<204800xi32, #tpu.memory_space<hbm>> -> memref<6400xi32, #tpu.memory_space<hbm>>
      %dma_wait3A_388 = tpu.memref_slice %arg3[%mul3A_4] : memref<204800xi32, #tpu.memory_space<hbm>> -> memref<6400xi32, #tpu.memory_space<hbm>>
      tpu.wait_dma2 semaphore(%run_scoped3A : memref<!tpu.dma_semaphore, #tpu.memory_space<semaphore_mem>>) src(%dma_wait3A_388 : memref<6400xi32, #tpu.memory_space<hbm>>) dst(%arg5 : memref<6400xi32, #tpu.memory_space<vmem>>)
      tpu.yield
    }) : () -> ()
    %iota3A = tpu.iota {dimensions = array<i32: 0>} : vector<16xi32>
    %mul3A_5 = arith.constant 50 : i32
    %mul3A_6 = vector.broadcast %mul3A_5 : i32 to vector<16xi32>
    %mul3A_7 = arith.muli %iota3A, %mul3A_6 : vector<16xi32>
    %broadcast_in_dim3A = arith.constant 0 : i32
    %broadcast_in_dim3A_8 = vector.broadcast %broadcast_in_dim3A : i32 to vector<16xi32>
    %add3A_9 = arith.constant 0 : i32
    %add3A_10 = vector.broadcast %add3A_9 : i32 to vector<16xi32>
    %add3A_11 = arith.addi %add3A_10, %iota3A : vector<16xi32>
    %add3A_12 = arith.addi %broadcast_in_dim3A_8, %add3A_11 : vector<16xi32>
    %broadcast_in_dim3A_13 = arith.constant 0 : i32
    %broadcast_in_dim3A_14 = vector.broadcast %broadcast_in_dim3A_13 : i32 to vector<16xi32>
    %add3A_15 = arith.constant 16 : i32
    %add3A_16 = vector.broadcast %add3A_15 : i32 to vector<16xi32>
    %add3A_17 = arith.addi %add3A_16, %iota3A : vector<16xi32>
    %add3A_18 = arith.addi %broadcast_in_dim3A_14, %add3A_17 : vector<16xi32>
    %broadcast_in_dim3A_19 = arith.constant 0 : i32
    %broadcast_in_dim3A_20 = vector.broadcast %broadcast_in_dim3A_19 : i32 to vector<16xi32>
    %add3A_21 = arith.constant 32 : i32
    %add3A_22 = vector.broadcast %add3A_21 : i32 to vector<16xi32>
    %add3A_23 = arith.addi %add3A_22, %iota3A : vector<16xi32>
    %add3A_24 = arith.addi %broadcast_in_dim3A_20, %add3A_23 : vector<16xi32>
    %broadcast_in_dim3A_25 = arith.constant 0 : i32
    %broadcast_in_dim3A_26 = vector.broadcast %broadcast_in_dim3A_25 : i32 to vector<16xi32>
    %add3A_27 = arith.constant 48 : i32
    %add3A_28 = vector.broadcast %add3A_27 : i32 to vector<16xi32>
    %add3A_29 = arith.addi %add3A_28, %iota3A : vector<16xi32>
    %add3A_30 = arith.addi %broadcast_in_dim3A_26, %add3A_29 : vector<16xi32>
    %broadcast_in_dim3A_31 = arith.constant 0 : i32
    %broadcast_in_dim3A_32 = vector.broadcast %broadcast_in_dim3A_31 : i32 to vector<16xi32>
    %add3A_33 = arith.constant 64 : i32
    %add3A_34 = vector.broadcast %add3A_33 : i32 to vector<16xi32>
    %add3A_35 = arith.addi %add3A_34, %iota3A : vector<16xi32>
    %add3A_36 = arith.addi %broadcast_in_dim3A_32, %add3A_35 : vector<16xi32>
    %broadcast_in_dim3A_37 = arith.constant 0 : i32
    %broadcast_in_dim3A_38 = vector.broadcast %broadcast_in_dim3A_37 : i32 to vector<16xi32>
    %add3A_39 = arith.constant 80 : i32
    %add3A_40 = vector.broadcast %add3A_39 : i32 to vector<16xi32>
    %add3A_41 = arith.addi %add3A_40, %iota3A : vector<16xi32>
    %add3A_42 = arith.addi %broadcast_in_dim3A_38, %add3A_41 : vector<16xi32>
    %broadcast_in_dim3A_43 = arith.constant 0 : i32
    %broadcast_in_dim3A_44 = vector.broadcast %broadcast_in_dim3A_43 : i32 to vector<16xi32>
    %add3A_45 = arith.constant 96 : i32
    %add3A_46 = vector.broadcast %add3A_45 : i32 to vector<16xi32>
    %add3A_47 = arith.addi %add3A_46, %iota3A : vector<16xi32>
    %add3A_48 = arith.addi %broadcast_in_dim3A_44, %add3A_47 : vector<16xi32>
    %broadcast_in_dim3A_49 = arith.constant 0 : i32
    %broadcast_in_dim3A_50 = vector.broadcast %broadcast_in_dim3A_49 : i32 to vector<16xi32>
    %add3A_51 = arith.constant 112 : i32
    %add3A_52 = vector.broadcast %add3A_51 : i32 to vector<16xi32>
    %add3A_53 = arith.addi %add3A_52, %iota3A : vector<16xi32>
    %add3A_54 = arith.addi %broadcast_in_dim3A_50, %add3A_53 : vector<16xi32>
    %add3A_55 = arith.constant 0 : i32
    %add3A_56 = vector.broadcast %add3A_55 : i32 to vector<16xi32>
    %add3A_57 = arith.addi %mul3A_7, %add3A_56 : vector<16xi32>
    %gather3A = tpu.vector_load_idx %arg5[%add3A_57] : memref<6400xi32, #tpu.memory_space<vmem>>[vector<16xi32>], vector<16xi32>,
    %shift_right_logical3A = arith.constant 2 : i32
    %shift_right_logical3A_58 = vector.broadcast %shift_right_logical3A : i32 to vector<16xi32>
    %shift_right_logical3A_59 = arith.shrui %gather3A, %shift_right_logical3A_58 : vector<16xi32>
    %swap3A = arith.constant 0 : index
    %swap3A_60 = tpu.vector_load %arg6[%swap3A] {strides = array<i32>} : memref<128xi32, #tpu.memory_space<vmem>>, vector<16xi32>,
    tpu.vector_store %arg6[%swap3A], %shift_right_logical3A_59 {strides = array<i32>} : memref<128xi32, #tpu.memory_space<vmem>>, vector<16xi32>,
    %and3A = arith.constant 3 : i32
    %and3A_61 = vector.broadcast %and3A : i32 to vector<16xi32>
    %and3A_62 = arith.andi %gather3A, %and3A_61 : vector<16xi32>
    %shift_left3A = arith.constant 5 : i32
    %shift_left3A_63 = vector.broadcast %shift_left3A : i32 to vector<16xi32>
    %shift_left3A_64 = arith.shli %and3A_62, %shift_left3A_63 : vector<16xi32>
    %swap3A_65 = arith.constant 0 : index
    %swap3A_66 = tpu.vector_load %arg8[%swap3A_65] {strides = array<i32>} : memref<128xi32, #tpu.memory_space<vmem>>, vector<16xi32>,
    tpu.vector_store %arg8[%swap3A_65], %shift_left3A_64 {strides = array<i32>} : memref<128xi32, #tpu.memory_space<vmem>>, vector<16xi32>,
    %add3A_67 = arith.constant 800 : i32
    %add3A_68 = vector.broadcast %add3A_67 : i32 to vector<16xi32>
    %add3A_69 = arith.addi %mul3A_7, %add3A_68 : vector<16xi32>
    %gather3A_70 = tpu.vector_load_idx %arg5[%add3A_69] : memref<6400xi32, #tpu.memory_space<vmem>>[vector<16xi32>], vector<16xi32>,
    %shift_right_logical3A_71 = arith.constant 2 : i32
    %shift_right_logical3A_72 = vector.broadcast %shift_right_logical3A_71 : i32 to vector<16xi32>
    %shift_right_logical3A_73 = arith.shrui %gather3A_70, %shift_right_logical3A_72 : vector<16xi32>
    %swap3A_74 = arith.constant 16 : index
    %swap3A_75 = tpu.vector_load %arg6[%swap3A_74] {strides = array<i32>} : memref<128xi32, #tpu.memory_space<vmem>>, vector<16xi32>,
    tpu.vector_store %arg6[%swap3A_74], %shift_right_logical3A_73 {strides = array<i32>} : memref<128xi32, #tpu.memory_space<vmem>>, vector<16xi32>,
    %and3A_76 = arith.constant 3 : i32
    %and3A_77 = vector.broadcast %and3A_76 : i32 to vector<16xi32>
    %and3A_78 = arith.andi %gather3A_70, %and3A_77 : vector<16xi32>
    %shift_left3A_79 = arith.constant 5 : i32
    %shift_left3A_80 = vector.broadcast %shift_left3A_79 : i32 to vector<16xi32>
    %shift_left3A_81 = arith.shli %and3A_78, %shift_left3A_80 : vector<16xi32>
    %swap3A_82 = arith.constant 16 : index
    %swap3A_83 = tpu.vector_load %arg8[%swap3A_82] {strides = array<i32>} : memref<128xi32, #tpu.memory_space<vmem>>, vector<16xi32>,
    tpu.vector_store %arg8[%swap3A_82], %shift_left3A_81 {strides = array<i32>} : memref<128xi32, #tpu.memory_space<vmem>>, vector<16xi32>,
    %add3A_84 = arith.constant 1600 : i32
    %add3A_85 = vector.broadcast %add3A_84 : i32 to vector<16xi32>
    %add3A_86 = arith.addi %mul3A_7, %add3A_85 : vector<16xi32>
    %gather3A_87 = tpu.vector_load_idx %arg5[%add3A_86] : memref<6400xi32, #tpu.memory_space<vmem>>[vector<16xi32>], vector<16xi32>,
    %shift_right_logical3A_88 = arith.constant 2 : i32
    %shift_right_logical3A_89 = vector.broadcast %shift_right_logical3A_88 : i32 to vector<16xi32>
    %shift_right_logical3A_90 = arith.shrui %gather3A_87, %shift_right_logical3A_89 : vector<16xi32>
    %swap3A_91 = arith.constant 32 : index
    %swap3A_92 = tpu.vector_load %arg6[%swap3A_91] {strides = array<i32>} : memref<128xi32, #tpu.memory_space<vmem>>, vector<16xi32>,
    tpu.vector_store %arg6[%swap3A_91], %shift_right_logical3A_90 {strides = array<i32>} : memref<128xi32, #tpu.memory_space<vmem>>, vector<16xi32>,
    %and3A_93 = arith.constant 3 : i32
    %and3A_94 = vector.broadcast %and3A_93 : i32 to vector<16xi32>
    %and3A_95 = arith.andi %gather3A_87, %and3A_94 : vector<16xi32>
    %shift_left3A_96 = arith.constant 5 : i32
    %shift_left3A_97 = vector.broadcast %shift_left3A_96 : i32 to vector<16xi32>
    %shift_left3A_98 = arith.shli %and3A_95, %shift_left3A_97 : vector<16xi32>
    %swap3A_99 = arith.constant 32 : index
    %swap3A_100 = tpu.vector_load %arg8[%swap3A_99] {strides = array<i32>} : memref<128xi32, #tpu.memory_space<vmem>>, vector<16xi32>,
    tpu.vector_store %arg8[%swap3A_99], %shift_left3A_98 {strides = array<i32>} : memref<128xi32, #tpu.memory_space<vmem>>, vector<16xi32>,
    %add3A_101 = arith.constant 2400 : i32
    %add3A_102 = vector.broadcast %add3A_101 : i32 to vector<16xi32>
    %add3A_103 = arith.addi %mul3A_7, %add3A_102 : vector<16xi32>
    %gather3A_104 = tpu.vector_load_idx %arg5[%add3A_103] : memref<6400xi32, #tpu.memory_space<vmem>>[vector<16xi32>], vector<16xi32>,
    %shift_right_logical3A_105 = arith.constant 2 : i32
    %shift_right_logical3A_106 = vector.broadcast %shift_right_logical3A_105 : i32 to vector<16xi32>
    %shift_right_logical3A_107 = arith.shrui %gather3A_104, %shift_right_logical3A_106 : vector<16xi32>
    %swap3A_108 = arith.constant 48 : index
    %swap3A_109 = tpu.vector_load %arg6[%swap3A_108] {strides = array<i32>} : memref<128xi32, #tpu.memory_space<vmem>>, vector<16xi32>,
    tpu.vector_store %arg6[%swap3A_108], %shift_right_logical3A_107 {strides = array<i32>} : memref<128xi32, #tpu.memory_space<vmem>>, vector<16xi32>,
    %and3A_110 = arith.constant 3 : i32
    %and3A_111 = vector.broadcast %and3A_110 : i32 to vector<16xi32>
    %and3A_112 = arith.andi %gather3A_104, %and3A_111 : vector<16xi32>
    %shift_left3A_113 = arith.constant 5 : i32
    %shift_left3A_114 = vector.broadcast %shift_left3A_113 : i32 to vector<16xi32>
    %shift_left3A_115 = arith.shli %and3A_112, %shift_left3A_114 : vector<16xi32>
    %swap3A_116 = arith.constant 48 : index
    %swap3A_117 = tpu.vector_load %arg8[%swap3A_116] {strides = array<i32>} : memref<128xi32, #tpu.memory_space<vmem>>, vector<16xi32>,
    tpu.vector_store %arg8[%swap3A_116], %shift_left3A_115 {strides = array<i32>} : memref<128xi32, #tpu.memory_space<vmem>>, vector<16xi32>,
    %add3A_118 = arith.constant 3200 : i32
    %add3A_119 = vector.broadcast %add3A_118 : i32 to vector<16xi32>
    %add3A_120 = arith.addi %mul3A_7, %add3A_119 : vector<16xi32>
    %gather3A_121 = tpu.vector_load_idx %arg5[%add3A_120] : memref<6400xi32, #tpu.memory_space<vmem>>[vector<16xi32>], vector<16xi32>,
    %shift_right_logical3A_122 = arith.constant 2 : i32
    %shift_right_logical3A_123 = vector.broadcast %shift_right_logical3A_122 : i32 to vector<16xi32>
    %shift_right_logical3A_124 = arith.shrui %gather3A_121, %shift_right_logical3A_123 : vector<16xi32>
    %swap3A_125 = arith.constant 64 : index
    %swap3A_126 = tpu.vector_load %arg6[%swap3A_125] {strides = array<i32>} : memref<128xi32, #tpu.memory_space<vmem>>, vector<16xi32>,
    tpu.vector_store %arg6[%swap3A_125], %shift_right_logical3A_124 {strides = array<i32>} : memref<128xi32, #tpu.memory_space<vmem>>, vector<16xi32>,
    %and3A_127 = arith.constant 3 : i32
    %and3A_128 = vector.broadcast %and3A_127 : i32 to vector<16xi32>
    %and3A_129 = arith.andi %gather3A_121, %and3A_128 : vector<16xi32>
    %shift_left3A_130 = arith.constant 5 : i32
    %shift_left3A_131 = vector.broadcast %shift_left3A_130 : i32 to vector<16xi32>
    %shift_left3A_132 = arith.shli %and3A_129, %shift_left3A_131 : vector<16xi32>
    %swap3A_133 = arith.constant 64 : index
    %swap3A_134 = tpu.vector_load %arg8[%swap3A_133] {strides = array<i32>} : memref<128xi32, #tpu.memory_space<vmem>>, vector<16xi32>,
    tpu.vector_store %arg8[%swap3A_133], %shift_left3A_132 {strides = array<i32>} : memref<128xi32, #tpu.memory_space<vmem>>, vector<16xi32>,
    %add3A_135 = arith.constant 4000 : i32
    %add3A_136 = vector.broadcast %add3A_135 : i32 to vector<16xi32>
    %add3A_137 = arith.addi %mul3A_7, %add3A_136 : vector<16xi32>
    %gather3A_138 = tpu.vector_load_idx %arg5[%add3A_137] : memref<6400xi32, #tpu.memory_space<vmem>>[vector<16xi32>], vector<16xi32>,
    %shift_right_logical3A_139 = arith.constant 2 : i32
    %shift_right_logical3A_140 = vector.broadcast %shift_right_logical3A_139 : i32 to vector<16xi32>
    %shift_right_logical3A_141 = arith.shrui %gather3A_138, %shift_right_logical3A_140 : vector<16xi32>
    %swap3A_142 = arith.constant 80 : index
    %swap3A_143 = tpu.vector_load %arg6[%swap3A_142] {strides = array<i32>} : memref<128xi32, #tpu.memory_space<vmem>>, vector<16xi32>,
    tpu.vector_store %arg6[%swap3A_142], %shift_right_logical3A_141 {strides = array<i32>} : memref<128xi32, #tpu.memory_space<vmem>>, vector<16xi32>,
    %and3A_144 = arith.constant 3 : i32
    %and3A_145 = vector.broadcast %and3A_144 : i32 to vector<16xi32>
    %and3A_146 = arith.andi %gather3A_138, %and3A_145 : vector<16xi32>
    %shift_left3A_147 = arith.constant 5 : i32
    %shift_left3A_148 = vector.broadcast %shift_left3A_147 : i32 to vector<16xi32>
    %shift_left3A_149 = arith.shli %and3A_146, %shift_left3A_148 : vector<16xi32>
    %swap3A_150 = arith.constant 80 : index
    %swap3A_151 = tpu.vector_load %arg8[%swap3A_150] {strides = array<i32>} : memref<128xi32, #tpu.memory_space<vmem>>, vector<16xi32>,
    tpu.vector_store %arg8[%swap3A_150], %shift_left3A_149 {strides = array<i32>} : memref<128xi32, #tpu.memory_space<vmem>>, vector<16xi32>,
    %add3A_152 = arith.constant 4800 : i32
    %add3A_153 = vector.broadcast %add3A_152 : i32 to vector<16xi32>
    %add3A_154 = arith.addi %mul3A_7, %add3A_153 : vector<16xi32>
    %gather3A_155 = tpu.vector_load_idx %arg5[%add3A_154] : memref<6400xi32, #tpu.memory_space<vmem>>[vector<16xi32>], vector<16xi32>,
    %shift_right_logical3A_156 = arith.constant 2 : i32
    %shift_right_logical3A_157 = vector.broadcast %shift_right_logical3A_156 : i32 to vector<16xi32>
    %shift_right_logical3A_158 = arith.shrui %gather3A_155, %shift_right_logical3A_157 : vector<16xi32>
    %swap3A_159 = arith.constant 96 : index
    %swap3A_160 = tpu.vector_load %arg6[%swap3A_159] {strides = array<i32>} : memref<128xi32, #tpu.memory_space<vmem>>, vector<16xi32>,
    tpu.vector_store %arg6[%swap3A_159], %shift_right_logical3A_158 {strides = array<i32>} : memref<128xi32, #tpu.memory_space<vmem>>, vector<16xi32>,
    %and3A_161 = arith.constant 3 : i32
    %and3A_162 = vector.broadcast %and3A_161 : i32 to vector<16xi32>
    %and3A_163 = arith.andi %gather3A_155, %and3A_162 : vector<16xi32>
    %shift_left3A_164 = arith.constant 5 : i32
    %shift_left3A_165 = vector.broadcast %shift_left3A_164 : i32 to vector<16xi32>
    %shift_left3A_166 = arith.shli %and3A_163, %shift_left3A_165 : vector<16xi32>
    %swap3A_167 = arith.constant 96 : index
    %swap3A_168 = tpu.vector_load %arg8[%swap3A_167] {strides = array<i32>} : memref<128xi32, #tpu.memory_space<vmem>>, vector<16xi32>,
    tpu.vector_store %arg8[%swap3A_167], %shift_left3A_166 {strides = array<i32>} : memref<128xi32, #tpu.memory_space<vmem>>, vector<16xi32>,
    %add3A_169 = arith.constant 5600 : i32
    %add3A_170 = vector.broadcast %add3A_169 : i32 to vector<16xi32>
    %add3A_171 = arith.addi %mul3A_7, %add3A_170 : vector<16xi32>
    %gather3A_172 = tpu.vector_load_idx %arg5[%add3A_171] : memref<6400xi32, #tpu.memory_space<vmem>>[vector<16xi32>], vector<16xi32>,
    %shift_right_logical3A_173 = arith.constant 2 : i32
    %shift_right_logical3A_174 = vector.broadcast %shift_right_logical3A_173 : i32 to vector<16xi32>
    %shift_right_logical3A_175 = arith.shrui %gather3A_172, %shift_right_logical3A_174 : vector<16xi32>
    %swap3A_176 = arith.constant 112 : index
    %swap3A_177 = tpu.vector_load %arg6[%swap3A_176] {strides = array<i32>} : memref<128xi32, #tpu.memory_space<vmem>>, vector<16xi32>,
    tpu.vector_store %arg6[%swap3A_176], %shift_right_logical3A_175 {strides = array<i32>} : memref<128xi32, #tpu.memory_space<vmem>>, vector<16xi32>,
    %and3A_178 = arith.constant 3 : i32
    %and3A_179 = vector.broadcast %and3A_178 : i32 to vector<16xi32>
    %and3A_180 = arith.andi %gather3A_172, %and3A_179 : vector<16xi32>
    %shift_left3A_181 = arith.constant 5 : i32
    %shift_left3A_182 = vector.broadcast %shift_left3A_181 : i32 to vector<16xi32>
    %shift_left3A_183 = arith.shli %and3A_180, %shift_left3A_182 : vector<16xi32>
    %swap3A_184 = arith.constant 112 : index
    %swap3A_185 = tpu.vector_load %arg8[%swap3A_184] {strides = array<i32>} : memref<128xi32, #tpu.memory_space<vmem>>, vector<16xi32>,
    tpu.vector_store %arg8[%swap3A_184], %shift_left3A_183 {strides = array<i32>} : memref<128xi32, #tpu.memory_space<vmem>>, vector<16xi32>,
    %dma_start3A = arith.constant 0 : i32
    %dma_start3A_186 = arith.constant 0 : i32
    %dma_start3A_187 = arith.constant 0 : i32
    %dma_start3A_188 = tpu.memref_slice %arg10[%dma_start3A, %dma_start3A_186, %dma_start3A_187] : memref<2x128x128xf32, #tpu.memory_space<vmem>> -> memref<1x128x128xf32, #tpu.memory_space<vmem>>
    %dma_start3A_189 = tpu.memref_squeeze %dma_start3A_188 : memref<1x128x128xf32, #tpu.memory_space<vmem>> -> memref<128x128xf32, #tpu.memory_space<vmem>>
    %dma_start3A_190 = arith.constant 0 : i32
    %dma_start3A_191 = arith.constant 0 : i32
    %dma_start3A_192 = tpu.memref_slice %arg2[%dma_start3A_190, %dma_start3A_191] : memref<250000x128xf32, #tpu.memory_space<hbm>> -> memref<250000x128xf32, #tpu.memory_space<hbm>>
    tpu.enqueue_indirect_dma source(%dma_start3A_192 : memref<250000x128xf32, #tpu.memory_space<hbm>>) target(%dma_start3A_189 : memref<128x128xf32, #tpu.memory_space<vmem>>) offsets(%arg6 : memref<128xi32, #tpu.memory_space<vmem>>) semaphore(%arg12 : memref<!tpu.dma_semaphore, #tpu.memory_space<semaphore_mem>>)
    %add3A_193 = arith.constant 1 : i32
    %add3A_194 = vector.broadcast %add3A_193 : i32 to vector<16xi32>
    %add3A_195 = arith.addi %mul3A_7, %add3A_194 : vector<16xi32>
    %gather3A_196 = tpu.vector_load_idx %arg5[%add3A_195] : memref<6400xi32, #tpu.memory_space<vmem>>[vector<16xi32>], vector<16xi32>,
    %shift_right_logical3A_197 = arith.constant 2 : i32
    %shift_right_logical3A_198 = vector.broadcast %shift_right_logical3A_197 : i32 to vector<16xi32>
    %shift_right_logical3A_199 = arith.shrui %gather3A_196, %shift_right_logical3A_198 : vector<16xi32>
    %swap3A_200 = arith.constant 0 : index
    %swap3A_201 = tpu.vector_load %arg7[%swap3A_200] {strides = array<i32>} : memref<128xi32, #tpu.memory_space<vmem>>, vector<16xi32>,
    tpu.vector_store %arg7[%swap3A_200], %shift_right_logical3A_199 {strides = array<i32>} : memref<128xi32, #tpu.memory_space<vmem>>, vector<16xi32>,
    %and3A_202 = arith.constant 3 : i32
    %and3A_203 = vector.broadcast %and3A_202 : i32 to vector<16xi32>
    %and3A_204 = arith.andi %gather3A_196, %and3A_203 : vector<16xi32>
    %shift_left3A_205 = arith.constant 5 : i32
    %shift_left3A_206 = vector.broadcast %shift_left3A_205 : i32 to vector<16xi32>
    %shift_left3A_207 = arith.shli %and3A_204, %shift_left3A_206 : vector<16xi32>
    %swap3A_208 = arith.constant 0 : index
    %swap3A_209 = tpu.vector_load %arg9[%swap3A_208] {strides = array<i32>} : memref<128xi32, #tpu.memory_space<vmem>>, vector<16xi32>,
    tpu.vector_store %arg9[%swap3A_208], %shift_left3A_207 {strides = array<i32>} : memref<128xi32, #tpu.memory_space<vmem>>, vector<16xi32>,
    %add3A_210 = arith.constant 801 : i32
    %add3A_211 = vector.broadcast %add3A_210 : i32 to vector<16xi32>
    %add3A_212 = arith.addi %mul3A_7, %add3A_211 : vector<16xi32>
    %gather3A_213 = tpu.vector_load_idx %arg5[%add3A_212] : memref<6400xi32, #tpu.memory_space<vmem>>[vector<16xi32>], vector<16xi32>,
    %shift_right_logical3A_214 = arith.constant 2 : i32
    %shift_right_logical3A_215 = vector.broadcast %shift_right_logical3A_214 : i32 to vector<16xi32>
    %shift_right_logical3A_216 = arith.shrui %gather3A_213, %shift_right_logical3A_215 : vector<16xi32>
    %swap3A_217 = arith.constant 16 : index
    %swap3A_218 = tpu.vector_load %arg7[%swap3A_217] {strides = array<i32>} : memref<128xi32, #tpu.memory_space<vmem>>, vector<16xi32>,
    tpu.vector_store %arg7[%swap3A_217], %shift_right_logical3A_216 {strides = array<i32>} : memref<128xi32, #tpu.memory_space<vmem>>, vector<16xi32>,
    %and3A_219 = arith.constant 3 : i32
    %and3A_220 = vector.broadcast %and3A_219 : i32 to vector<16xi32>
    %and3A_221 = arith.andi %gather3A_213, %and3A_220 : vector<16xi32>
    %shift_left3A_222 = arith.constant 5 : i32
    %shift_left3A_223 = vector.broadcast %shift_left3A_222 : i32 to vector<16xi32>
    %shift_left3A_224 = arith.shli %and3A_221, %shift_left3A_223 : vector<16xi32>
    %swap3A_225 = arith.constant 16 : index
    %swap3A_226 = tpu.vector_load %arg9[%swap3A_225] {strides = array<i32>} : memref<128xi32, #tpu.memory_space<vmem>>, vector<16xi32>,
    tpu.vector_store %arg9[%swap3A_225], %shift_left3A_224 {strides = array<i32>} : memref<128xi32, #tpu.memory_space<vmem>>, vector<16xi32>,
    %add3A_227 = arith.constant 1601 : i32
    %add3A_228 = vector.broadcast %add3A_227 : i32 to vector<16xi32>
    %add3A_229 = arith.addi %mul3A_7, %add3A_228 : vector<16xi32>
    %gather3A_230 = tpu.vector_load_idx %arg5[%add3A_229] : memref<6400xi32, #tpu.memory_space<vmem>>[vector<16xi32>], vector<16xi32>,
    %shift_right_logical3A_231 = arith.constant 2 : i32
    %shift_right_logical3A_232 = vector.broadcast %shift_right_logical3A_231 : i32 to vector<16xi32>
    %shift_right_logical3A_233 = arith.shrui %gather3A_230, %shift_right_logical3A_232 : vector<16xi32>
    %swap3A_234 = arith.constant 32 : index
    %swap3A_235 = tpu.vector_load %arg7[%swap3A_234] {strides = array<i32>} : memref<128xi32, #tpu.memory_space<vmem>>, vector<16xi32>,
    tpu.vector_store %arg7[%swap3A_234], %shift_right_logical3A_233 {strides = array<i32>} : memref<128xi32, #tpu.memory_space<vmem>>, vector<16xi32>,
    %and3A_236 = arith.constant 3 : i32
    %and3A_237 = vector.broadcast %and3A_236 : i32 to vector<16xi32>
    %and3A_238 = arith.andi %gather3A_230, %and3A_237 : vector<16xi32>
    %shift_left3A_239 = arith.constant 5 : i32
    %shift_left3A_240 = vector.broadcast %shift_left3A_239 : i32 to vector<16xi32>
    %shift_left3A_241 = arith.shli %and3A_238, %shift_left3A_240 : vector<16xi32>
    %swap3A_242 = arith.constant 32 : index
    %swap3A_243 = tpu.vector_load %arg9[%swap3A_242] {strides = array<i32>} : memref<128xi32, #tpu.memory_space<vmem>>, vector<16xi32>,
    tpu.vector_store %arg9[%swap3A_242], %shift_left3A_241 {strides = array<i32>} : memref<128xi32, #tpu.memory_space<vmem>>, vector<16xi32>,
    %add3A_244 = arith.constant 2401 : i32
    %add3A_245 = vector.broadcast %add3A_244 : i32 to vector<16xi32>
    %add3A_246 = arith.addi %mul3A_7, %add3A_245 : vector<16xi32>
    %gather3A_247 = tpu.vector_load_idx %arg5[%add3A_246] : memref<6400xi32, #tpu.memory_space<vmem>>[vector<16xi32>], vector<16xi32>,
    %shift_right_logical3A_248 = arith.constant 2 : i32
    %shift_right_logical3A_249 = vector.broadcast %shift_right_logical3A_248 : i32 to vector<16xi32>
    %shift_right_logical3A_250 = arith.shrui %gather3A_247, %shift_right_logical3A_249 : vector<16xi32>
    %swap3A_251 = arith.constant 48 : index
    %swap3A_252 = tpu.vector_load %arg7[%swap3A_251] {strides = array<i32>} : memref<128xi32, #tpu.memory_space<vmem>>, vector<16xi32>,
    tpu.vector_store %arg7[%swap3A_251], %shift_right_logical3A_250 {strides = array<i32>} : memref<128xi32, #tpu.memory_space<vmem>>, vector<16xi32>,
    %and3A_253 = arith.constant 3 : i32
    %and3A_254 = vector.broadcast %and3A_253 : i32 to vector<16xi32>
    %and3A_255 = arith.andi %gather3A_247, %and3A_254 : vector<16xi32>
    %shift_left3A_256 = arith.constant 5 : i32
    %shift_left3A_257 = vector.broadcast %shift_left3A_256 : i32 to vector<16xi32>
    %shift_left3A_258 = arith.shli %and3A_255, %shift_left3A_257 : vector<16xi32>
    %swap3A_259 = arith.constant 48 : index
    %swap3A_260 = tpu.vector_load %arg9[%swap3A_259] {strides = array<i32>} : memref<128xi32, #tpu.memory_space<vmem>>, vector<16xi32>,
    tpu.vector_store %arg9[%swap3A_259], %shift_left3A_258 {strides = array<i32>} : memref<128xi32, #tpu.memory_space<vmem>>, vector<16xi32>,
    %add3A_261 = arith.constant 3201 : i32
    %add3A_262 = vector.broadcast %add3A_261 : i32 to vector<16xi32>
    %add3A_263 = arith.addi %mul3A_7, %add3A_262 : vector<16xi32>
    %gather3A_264 = tpu.vector_load_idx %arg5[%add3A_263] : memref<6400xi32, #tpu.memory_space<vmem>>[vector<16xi32>], vector<16xi32>,
    %shift_right_logical3A_265 = arith.constant 2 : i32
    %shift_right_logical3A_266 = vector.broadcast %shift_right_logical3A_265 : i32 to vector<16xi32>
    %shift_right_logical3A_267 = arith.shrui %gather3A_264, %shift_right_logical3A_266 : vector<16xi32>
    %swap3A_268 = arith.constant 64 : index
    %swap3A_269 = tpu.vector_load %arg7[%swap3A_268] {strides = array<i32>} : memref<128xi32, #tpu.memory_space<vmem>>, vector<16xi32>,
    tpu.vector_store %arg7[%swap3A_268], %shift_right_logical3A_267 {strides = array<i32>} : memref<128xi32, #tpu.memory_space<vmem>>, vector<16xi32>,
    %and3A_270 = arith.constant 3 : i32
    %and3A_271 = vector.broadcast %and3A_270 : i32 to vector<16xi32>
    %and3A_272 = arith.andi %gather3A_264, %and3A_271 : vector<16xi32>
    %shift_left3A_273 = arith.constant 5 : i32
    %shift_left3A_274 = vector.broadcast %shift_left3A_273 : i32 to vector<16xi32>
    %shift_left3A_275 = arith.shli %and3A_272, %shift_left3A_274 : vector<16xi32>
    %swap3A_276 = arith.constant 64 : index
    %swap3A_277 = tpu.vector_load %arg9[%swap3A_276] {strides = array<i32>} : memref<128xi32, #tpu.memory_space<vmem>>, vector<16xi32>,
    tpu.vector_store %arg9[%swap3A_276], %shift_left3A_275 {strides = array<i32>} : memref<128xi32, #tpu.memory_space<vmem>>, vector<16xi32>,
    %add3A_278 = arith.constant 4001 : i32
    %add3A_279 = vector.broadcast %add3A_278 : i32 to vector<16xi32>
    %add3A_280 = arith.addi %mul3A_7, %add3A_279 : vector<16xi32>
    %gather3A_281 = tpu.vector_load_idx %arg5[%add3A_280] : memref<6400xi32, #tpu.memory_space<vmem>>[vector<16xi32>], vector<16xi32>,
    %shift_right_logical3A_282 = arith.constant 2 : i32
    %shift_right_logical3A_283 = vector.broadcast %shift_right_logical3A_282 : i32 to vector<16xi32>
    %shift_right_logical3A_284 = arith.shrui %gather3A_281, %shift_right_logical3A_283 : vector<16xi32>
    %swap3A_285 = arith.constant 80 : index
    %swap3A_286 = tpu.vector_load %arg7[%swap3A_285] {strides = array<i32>} : memref<128xi32, #tpu.memory_space<vmem>>, vector<16xi32>,
    tpu.vector_store %arg7[%swap3A_285], %shift_right_logical3A_284 {strides = array<i32>} : memref<128xi32, #tpu.memory_space<vmem>>, vector<16xi32>,
    %and3A_287 = arith.constant 3 : i32
    %and3A_288 = vector.broadcast %and3A_287 : i32 to vector<16xi32>
    %and3A_289 = arith.andi %gather3A_281, %and3A_288 : vector<16xi32>
    %shift_left3A_290 = arith.constant 5 : i32
    %shift_left3A_291 = vector.broadcast %shift_left3A_290 : i32 to vector<16xi32>
    %shift_left3A_292 = arith.shli %and3A_289, %shift_left3A_291 : vector<16xi32>
    %swap3A_293 = arith.constant 80 : index
    %swap3A_294 = tpu.vector_load %arg9[%swap3A_293] {strides = array<i32>} : memref<128xi32, #tpu.memory_space<vmem>>, vector<16xi32>,
    tpu.vector_store %arg9[%swap3A_293], %shift_left3A_292 {strides = array<i32>} : memref<128xi32, #tpu.memory_space<vmem>>, vector<16xi32>,
    %add3A_295 = arith.constant 4801 : i32
    %add3A_296 = vector.broadcast %add3A_295 : i32 to vector<16xi32>
    %add3A_297 = arith.addi %mul3A_7, %add3A_296 : vector<16xi32>
    %gather3A_298 = tpu.vector_load_idx %arg5[%add3A_297] : memref<6400xi32, #tpu.memory_space<vmem>>[vector<16xi32>], vector<16xi32>,
    %shift_right_logical3A_299 = arith.constant 2 : i32
    %shift_right_logical3A_300 = vector.broadcast %shift_right_logical3A_299 : i32 to vector<16xi32>
    %shift_right_logical3A_301 = arith.shrui %gather3A_298, %shift_right_logical3A_300 : vector<16xi32>
    %swap3A_302 = arith.constant 96 : index
    %swap3A_303 = tpu.vector_load %arg7[%swap3A_302] {strides = array<i32>} : memref<128xi32, #tpu.memory_space<vmem>>, vector<16xi32>,
    tpu.vector_store %arg7[%swap3A_302], %shift_right_logical3A_301 {strides = array<i32>} : memref<128xi32, #tpu.memory_space<vmem>>, vector<16xi32>,
    %and3A_304 = arith.constant 3 : i32
    %and3A_305 = vector.broadcast %and3A_304 : i32 to vector<16xi32>
    %and3A_306 = arith.andi %gather3A_298, %and3A_305 : vector<16xi32>
    %shift_left3A_307 = arith.constant 5 : i32
    %shift_left3A_308 = vector.broadcast %shift_left3A_307 : i32 to vector<16xi32>
    %shift_left3A_309 = arith.shli %and3A_306, %shift_left3A_308 : vector<16xi32>
    %swap3A_310 = arith.constant 96 : index
    %swap3A_311 = tpu.vector_load %arg9[%swap3A_310] {strides = array<i32>} : memref<128xi32, #tpu.memory_space<vmem>>, vector<16xi32>,
    tpu.vector_store %arg9[%swap3A_310], %shift_left3A_309 {strides = array<i32>} : memref<128xi32, #tpu.memory_space<vmem>>, vector<16xi32>,
    %add3A_312 = arith.constant 5601 : i32
    %add3A_313 = vector.broadcast %add3A_312 : i32 to vector<16xi32>
    %add3A_314 = arith.addi %mul3A_7, %add3A_313 : vector<16xi32>
    %gather3A_315 = tpu.vector_load_idx %arg5[%add3A_314] : memref<6400xi32, #tpu.memory_space<vmem>>[vector<16xi32>], vector<16xi32>,
    %shift_right_logical3A_316 = arith.constant 2 : i32
    %shift_right_logical3A_317 = vector.broadcast %shift_right_logical3A_316 : i32 to vector<16xi32>
    %shift_right_logical3A_318 = arith.shrui %gather3A_315, %shift_right_logical3A_317 : vector<16xi32>
    %swap3A_319 = arith.constant 112 : index
    %swap3A_320 = tpu.vector_load %arg7[%swap3A_319] {strides = array<i32>} : memref<128xi32, #tpu.memory_space<vmem>>, vector<16xi32>,
    tpu.vector_store %arg7[%swap3A_319], %shift_right_logical3A_318 {strides = array<i32>} : memref<128xi32, #tpu.memory_space<vmem>>, vector<16xi32>,
    %and3A_321 = arith.constant 3 : i32
    %and3A_322 = vector.broadcast %and3A_321 : i32 to vector<16xi32>
    %and3A_323 = arith.andi %gather3A_315, %and3A_322 : vector<16xi32>
    %shift_left3A_324 = arith.constant 5 : i32
    %shift_left3A_325 = vector.broadcast %shift_left3A_324 : i32 to vector<16xi32>
    %shift_left3A_326 = arith.shli %and3A_323, %shift_left3A_325 : vector<16xi32>
    %swap3A_327 = arith.constant 112 : index
    %swap3A_328 = tpu.vector_load %arg9[%swap3A_327] {strides = array<i32>} : memref<128xi32, #tpu.memory_space<vmem>>, vector<16xi32>,
    tpu.vector_store %arg9[%swap3A_327], %shift_left3A_326 {strides = array<i32>} : memref<128xi32, #tpu.memory_space<vmem>>, vector<16xi32>,
    %dma_start3A_329 = arith.constant 1 : i32
    %dma_start3A_330 = arith.constant 0 : i32
    %dma_start3A_331 = arith.constant 0 : i32
    %dma_start3A_332 = tpu.memref_slice %arg10[%dma_start3A_329, %dma_start3A_330, %dma_start3A_331] : memref<2x128x128xf32, #tpu.memory_space<vmem>> -> memref<1x128x128xf32, #tpu.memory_space<vmem>>
    %dma_start3A_333 = tpu.memref_squeeze %dma_start3A_332 : memref<1x128x128xf32, #tpu.memory_space<vmem>> -> memref<128x128xf32, #tpu.memory_space<vmem>>
    %dma_start3A_334 = arith.constant 0 : i32
    %dma_start3A_335 = arith.constant 0 : i32
    %dma_start3A_336 = tpu.memref_slice %arg2[%dma_start3A_334, %dma_start3A_335] : memref<250000x128xf32, #tpu.memory_space<hbm>> -> memref<250000x128xf32, #tpu.memory_space<hbm>>
    tpu.enqueue_indirect_dma source(%dma_start3A_336 : memref<250000x128xf32, #tpu.memory_space<hbm>>) target(%dma_start3A_333 : memref<128x128xf32, #tpu.memory_space<vmem>>) offsets(%arg7 : memref<128xi32, #tpu.memory_space<vmem>>) semaphore(%arg13 : memref<!tpu.dma_semaphore, #tpu.memory_space<semaphore_mem>>)
    %scan3A = arith.constant 0 : i32
    %scan3A_337 = arith.constant 0 : i32
    %scan3A_338 = arith.constant 25 : i32
    %scan3A_339 = arith.addi %scan3A_337, %scan3A_338 : i32
    %scan3A_340 = arith.constant 1 : i32
    scf.for %scan3A_385 = %scan3A_337 to %scan3A_339 step %scan3A_340  : i32 {
      %mul3A_386 = arith.constant 2 : i32
      %mul3A_387 = arith.muli %mul3A_386, %scan3A_385 : i32
      %add3A_388 = arith.constant 0 : i32
      %add3A_389 = arith.addi %mul3A_387, %add3A_388 : i32
      %dma_wait3A_390 = arith.constant 0 : i32
      %dma_wait3A_391 = arith.constant 0 : i32
      %dma_wait3A_392 = arith.constant 0 : i32
      %dma_wait3A_393 = tpu.memref_slice %arg10[%dma_wait3A_390, %dma_wait3A_391, %dma_wait3A_392] : memref<2x128x128xf32, #tpu.memory_space<vmem>> -> memref<1x128x128xf32, #tpu.memory_space<vmem>>
      %dma_wait3A_394 = tpu.memref_squeeze %dma_wait3A_393 : memref<1x128x128xf32, #tpu.memory_space<vmem>> -> memref<128x128xf32, #tpu.memory_space<vmem>>
      %dma_wait3A_395 = arith.constant 0 : i32
      %dma_wait3A_396 = arith.constant 0 : i32
      %dma_wait3A_397 = tpu.memref_slice %arg2[%dma_wait3A_395, %dma_wait3A_396] : memref<250000x128xf32, #tpu.memory_space<hbm>> -> memref<250000x128xf32, #tpu.memory_space<hbm>>
      tpu.wait_indirect_dma semaphore(%arg12 : memref<!tpu.dma_semaphore, #tpu.memory_space<semaphore_mem>>) src(%dma_wait3A_397 : memref<250000x128xf32, #tpu.memory_space<hbm>>) dst(%dma_wait3A_394 : memref<128x128xf32, #tpu.memory_space<vmem>>)
      %gt3A = arith.constant 0 : i32
      %gt3A_398 = arith.cmpi sgt, %scan3A_385, %gt3A : i32
      %convert_element_type3A = arith.extui %gt3A_398 : i1 to i32
      %cond3A = arith.constant 0 : i32
      %cond3A_399 = arith.cmpi ne, %convert_element_type3A, %cond3A : i32
      scf.if %cond3A_399 {
        %dma_wait3A_526 = arith.constant 0 : i32
        %dma_wait3A_527 = arith.constant 0 : i32
        %dma_wait3A_528 = arith.constant 0 : i32
        %dma_wait3A_529 = arith.constant 0 : i32
        %dma_wait3A_530 = tpu.memref_slice %arg11[%dma_wait3A_526, %dma_wait3A_527, %dma_wait3A_528, %dma_wait3A_529] : memref<2x4x8x128xf32, #tpu.memory_space<vmem>> -> memref<1x4x8x128xf32, #tpu.memory_space<vmem>>
        %dma_wait3A_531 = tpu.memref_squeeze %dma_wait3A_530 : memref<1x4x8x128xf32, #tpu.memory_space<vmem>> -> memref<4x8x128xf32, #tpu.memory_space<vmem>>
        %dma_wait3A_532 = arith.constant 0 : i32
        %dma_wait3A_533 = arith.constant 0 : i32
        %dma_wait3A_534 = arith.constant 0 : i32
        %dma_wait3A_535 = tpu.memref_slice %arg4[%add3A_389, %dma_wait3A_532, %add3A, %dma_wait3A_533, %dma_wait3A_534] : memref<50x4x32x8x128xf32, #tpu.memory_space<hbm>> -> memref<1x4x1x8x128xf32, #tpu.memory_space<hbm>>
        %dma_wait3A_536 = tpu.memref_squeeze %dma_wait3A_535 : memref<1x4x1x8x128xf32, #tpu.memory_space<hbm>> -> memref<4x8x128xf32, #tpu.memory_space<hbm>>
        %dma_wait3A_537 = arith.constant 0 : i32
        %dma_wait3A_538 = arith.constant 0 : i32
        %dma_wait3A_539 = arith.constant 0 : i32
        %dma_wait3A_540 = tpu.memref_slice %arg4[%add3A_389, %dma_wait3A_537, %add3A, %dma_wait3A_538, %dma_wait3A_539] : memref<50x4x32x8x128xf32, #tpu.memory_space<hbm>> -> memref<1x4x1x8x128xf32, #tpu.memory_space<hbm>>
        %dma_wait3A_541 = tpu.memref_squeeze %dma_wait3A_540 : memref<1x4x1x8x128xf32, #tpu.memory_space<hbm>> -> memref<4x8x128xf32, #tpu.memory_space<hbm>>
        %dma_wait3A_542 = arith.constant 0 : i32
        %dma_wait3A_543 = arith.constant 0 : i32
        %dma_wait3A_544 = arith.constant 0 : i32
        %dma_wait3A_545 = tpu.memref_slice %arg11[%dma_wait3A_526, %dma_wait3A_542, %dma_wait3A_543, %dma_wait3A_544] : memref<2x4x8x128xf32, #tpu.memory_space<vmem>> -> memref<1x4x8x128xf32, #tpu.memory_space<vmem>>
        %dma_wait3A_546 = tpu.memref_squeeze %dma_wait3A_545 : memref<1x4x8x128xf32, #tpu.memory_space<vmem>> -> memref<4x8x128xf32, #tpu.memory_space<vmem>>
        tpu.wait_dma2 semaphore(%arg14 : memref<!tpu.dma_semaphore, #tpu.memory_space<semaphore_mem>>) src(%dma_wait3A_546 : memref<4x8x128xf32, #tpu.memory_space<vmem>>) dst(%dma_wait3A_541 : memref<4x8x128xf32, #tpu.memory_space<hbm>>)
      } else {
      }
      %get3A = arith.constant 0 : index
      %get3A_400 = tpu.vector_load %arg8[%get3A] {strides = array<i32>} : memref<128xi32, #tpu.memory_space<vmem>>, vector<16xi32>,
      %get3A_401 = arith.constant 16 : index
      %get3A_402 = tpu.vector_load %arg8[%get3A_401] {strides = array<i32>} : memref<128xi32, #tpu.memory_space<vmem>>, vector<16xi32>,
      %get3A_403 = arith.constant 32 : index
      %get3A_404 = tpu.vector_load %arg8[%get3A_403] {strides = array<i32>} : memref<128xi32, #tpu.memory_space<vmem>>, vector<16xi32>,
      %get3A_405 = arith.constant 48 : index
      %get3A_406 = tpu.vector_load %arg8[%get3A_405] {strides = array<i32>} : memref<128xi32, #tpu.memory_space<vmem>>, vector<16xi32>,
      %get3A_407 = arith.constant 64 : index
      %get3A_408 = tpu.vector_load %arg8[%get3A_407] {strides = array<i32>} : memref<128xi32, #tpu.memory_space<vmem>>, vector<16xi32>,
      %get3A_409 = arith.constant 80 : index
      %get3A_410 = tpu.vector_load %arg8[%get3A_409] {strides = array<i32>} : memref<128xi32, #tpu.memory_space<vmem>>, vector<16xi32>,
      %get3A_411 = arith.constant 96 : index
      %get3A_412 = tpu.vector_load %arg8[%get3A_411] {strides = array<i32>} : memref<128xi32, #tpu.memory_space<vmem>>, vector<16xi32>,
      %get3A_413 = arith.constant 112 : index
      %get3A_414 = tpu.vector_load %arg8[%get3A_413] {strides = array<i32>} : memref<128xi32, #tpu.memory_space<vmem>>, vector<16xi32>,
      %parallel_loop3A = arith.constant 0 : i32
      %parallel_loop3A_415 = arith.constant 8 : i32
      %parallel_loop3A_416 = arith.constant 1 : i32
      scf.for %parallel_loop3A_526 = %parallel_loop3A to %parallel_loop3A_415 step %parallel_loop3A_416  : i32 {
        %parallel_loop3A_527 = arith.constant 0 : i32
        %parallel_loop3A_528 = arith.addi %parallel_loop3A_527, %parallel_loop3A_526 : i32
        %parallel_loop3A_529 = vector.broadcast %parallel_loop3A_528 : i32 to vector<16xi32>
        %parallel_loop3A_530 = arith.addi %get3A_400, %parallel_loop3A_529 : vector<16xi32>
        %parallel_loop3A_531 = arith.constant 0 : i32
        %parallel_loop3A_532 = arith.constant 0 : i32
        %parallel_loop3A_533 = arith.constant 0 : i32
        %parallel_loop3A_534 = tpu.memref_slice %arg10[%parallel_loop3A_531, %parallel_loop3A_532, %parallel_loop3A_533] : memref<2x128x128xf32, #tpu.memory_space<vmem>> -> memref<1x128x128xf32, #tpu.memory_space<vmem>>
        %parallel_loop3A_535 = tpu.memref_squeeze %parallel_loop3A_534 : memref<1x128x128xf32, #tpu.memory_space<vmem>> -> memref<128x128xf32, #tpu.memory_space<vmem>>
        %parallel_loop3A_536 = tpu.vector_load_idx %parallel_loop3A_535[%add3A_12, %parallel_loop3A_530] : memref<128x128xf32, #tpu.memory_space<vmem>>[vector<16xi32>, vector<16xi32>], vector<16xf32>,
        %parallel_loop3A_537 = arith.constant 0 : i32
        %parallel_loop3A_538 = arith.constant 0 : i32
        %parallel_loop3A_539 = arith.index_cast %parallel_loop3A_537 : i32 to index
        %parallel_loop3A_540 = arith.index_cast %parallel_loop3A_538 : i32 to index
        %parallel_loop3A_541 = arith.index_cast %parallel_loop3A_526 : i32 to index
        %parallel_loop3A_542 = arith.constant 0 : index
        %parallel_loop3A_543 = tpu.vector_load %arg11[%parallel_loop3A_539, %parallel_loop3A_540, %parallel_loop3A_541, %parallel_loop3A_542] {strides = array<i32>} : memref<2x4x8x128xf32, #tpu.memory_space<vmem>>, vector<16xf32>,
        tpu.vector_store %arg11[%parallel_loop3A_539, %parallel_loop3A_540, %parallel_loop3A_541, %parallel_loop3A_542], %parallel_loop3A_536 {strides = array<i32>} : memref<2x4x8x128xf32, #tpu.memory_space<vmem>>, vector<16xf32>,
        %parallel_loop3A_544 = vector.broadcast %parallel_loop3A_528 : i32 to vector<16xi32>
        %parallel_loop3A_545 = arith.addi %get3A_402, %parallel_loop3A_544 : vector<16xi32>
        %parallel_loop3A_546 = arith.constant 0 : i32
        %parallel_loop3A_547 = arith.constant 0 : i32
        %parallel_loop3A_548 = arith.constant 0 : i32
        %parallel_loop3A_549 = tpu.memref_slice %arg10[%parallel_loop3A_546, %parallel_loop3A_547, %parallel_loop3A_548] : memref<2x128x128xf32, #tpu.memory_space<vmem>> -> memref<1x128x128xf32, #tpu.memory_space<vmem>>
        %parallel_loop3A_550 = tpu.memref_squeeze %parallel_loop3A_549 : memref<1x128x128xf32, #tpu.memory_space<vmem>> -> memref<128x128xf32, #tpu.memory_space<vmem>>
        %parallel_loop3A_551 = tpu.vector_load_idx %parallel_loop3A_550[%add3A_18, %parallel_loop3A_545] : memref<128x128xf32, #tpu.memory_space<vmem>>[vector<16xi32>, vector<16xi32>], vector<16xf32>,
        %parallel_loop3A_552 = arith.constant 0 : i32
        %parallel_loop3A_553 = arith.constant 0 : i32
        %parallel_loop3A_554 = arith.index_cast %parallel_loop3A_552 : i32 to index
        %parallel_loop3A_555 = arith.index_cast %parallel_loop3A_553 : i32 to index
        %parallel_loop3A_556 = arith.index_cast %parallel_loop3A_526 : i32 to index
        %parallel_loop3A_557 = arith.constant 16 : index
        %parallel_loop3A_558 = tpu.vector_load %arg11[%parallel_loop3A_554, %parallel_loop3A_555, %parallel_loop3A_556, %parallel_loop3A_557] {strides = array<i32>} : memref<2x4x8x128xf32, #tpu.memory_space<vmem>>, vector<16xf32>,
        tpu.vector_store %arg11[%parallel_loop3A_554, %parallel_loop3A_555, %parallel_loop3A_556, %parallel_loop3A_557], %parallel_loop3A_551 {strides = array<i32>} : memref<2x4x8x128xf32, #tpu.memory_space<vmem>>, vector<16xf32>,
        %parallel_loop3A_559 = vector.broadcast %parallel_loop3A_528 : i32 to vector<16xi32>
        %parallel_loop3A_560 = arith.addi %get3A_404, %parallel_loop3A_559 : vector<16xi32>
        %parallel_loop3A_561 = arith.constant 0 : i32
        %parallel_loop3A_562 = arith.constant 0 : i32
        %parallel_loop3A_563 = arith.constant 0 : i32
        %parallel_loop3A_564 = tpu.memref_slice %arg10[%parallel_loop3A_561, %parallel_loop3A_562, %parallel_loop3A_563] : memref<2x128x128xf32, #tpu.memory_space<vmem>> -> memref<1x128x128xf32, #tpu.memory_space<vmem>>
        %parallel_loop3A_565 = tpu.memref_squeeze %parallel_loop3A_564 : memref<1x128x128xf32, #tpu.memory_space<vmem>> -> memref<128x128xf32, #tpu.memory_space<vmem>>
        %parallel_loop3A_566 = tpu.vector_load_idx %parallel_loop3A_565[%add3A_24, %parallel_loop3A_560] : memref<128x128xf32, #tpu.memory_space<vmem>>[vector<16xi32>, vector<16xi32>], vector<16xf32>,
        %parallel_loop3A_567 = arith.constant 0 : i32
        %parallel_loop3A_568 = arith.constant 0 : i32
        %parallel_loop3A_569 = arith.index_cast %parallel_loop3A_567 : i32 to index
        %parallel_loop3A_570 = arith.index_cast %parallel_loop3A_568 : i32 to index
        %parallel_loop3A_571 = arith.index_cast %parallel_loop3A_526 : i32 to index
        %parallel_loop3A_572 = arith.constant 32 : index
        %parallel_loop3A_573 = tpu.vector_load %arg11[%parallel_loop3A_569, %parallel_loop3A_570, %parallel_loop3A_571, %parallel_loop3A_572] {strides = array<i32>} : memref<2x4x8x128xf32, #tpu.memory_space<vmem>>, vector<16xf32>,
        tpu.vector_store %arg11[%parallel_loop3A_569, %parallel_loop3A_570, %parallel_loop3A_571, %parallel_loop3A_572], %parallel_loop3A_566 {strides = array<i32>} : memref<2x4x8x128xf32, #tpu.memory_space<vmem>>, vector<16xf32>,
        %parallel_loop3A_574 = vector.broadcast %parallel_loop3A_528 : i32 to vector<16xi32>
        %parallel_loop3A_575 = arith.addi %get3A_406, %parallel_loop3A_574 : vector<16xi32>
        %parallel_loop3A_576 = arith.constant 0 : i32
        %parallel_loop3A_577 = arith.constant 0 : i32
        %parallel_loop3A_578 = arith.constant 0 : i32
        %parallel_loop3A_579 = tpu.memref_slice %arg10[%parallel_loop3A_576, %parallel_loop3A_577, %parallel_loop3A_578] : memref<2x128x128xf32, #tpu.memory_space<vmem>> -> memref<1x128x128xf32, #tpu.memory_space<vmem>>
        %parallel_loop3A_580 = tpu.memref_squeeze %parallel_loop3A_579 : memref<1x128x128xf32, #tpu.memory_space<vmem>> -> memref<128x128xf32, #tpu.memory_space<vmem>>
        %parallel_loop3A_581 = tpu.vector_load_idx %parallel_loop3A_580[%add3A_30, %parallel_loop3A_575] : memref<128x128xf32, #tpu.memory_space<vmem>>[vector<16xi32>, vector<16xi32>], vector<16xf32>,
        %parallel_loop3A_582 = arith.constant 0 : i32
        %parallel_loop3A_583 = arith.constant 0 : i32
        %parallel_loop3A_584 = arith.index_cast %parallel_loop3A_582 : i32 to index
        %parallel_loop3A_585 = arith.index_cast %parallel_loop3A_583 : i32 to index
        %parallel_loop3A_586 = arith.index_cast %parallel_loop3A_526 : i32 to index
        %parallel_loop3A_587 = arith.constant 48 : index
        %parallel_loop3A_588 = tpu.vector_load %arg11[%parallel_loop3A_584, %parallel_loop3A_585, %parallel_loop3A_586, %parallel_loop3A_587] {strides = array<i32>} : memref<2x4x8x128xf32, #tpu.memory_space<vmem>>, vector<16xf32>,
        tpu.vector_store %arg11[%parallel_loop3A_584, %parallel_loop3A_585, %parallel_loop3A_586, %parallel_loop3A_587], %parallel_loop3A_581 {strides = array<i32>} : memref<2x4x8x128xf32, #tpu.memory_space<vmem>>, vector<16xf32>,
        %parallel_loop3A_589 = vector.broadcast %parallel_loop3A_528 : i32 to vector<16xi32>
        %parallel_loop3A_590 = arith.addi %get3A_408, %parallel_loop3A_589 : vector<16xi32>
        %parallel_loop3A_591 = arith.constant 0 : i32
        %parallel_loop3A_592 = arith.constant 0 : i32
        %parallel_loop3A_593 = arith.constant 0 : i32
        %parallel_loop3A_594 = tpu.memref_slice %arg10[%parallel_loop3A_591, %parallel_loop3A_592, %parallel_loop3A_593] : memref<2x128x128xf32, #tpu.memory_space<vmem>> -> memref<1x128x128xf32, #tpu.memory_space<vmem>>
        %parallel_loop3A_595 = tpu.memref_squeeze %parallel_loop3A_594 : memref<1x128x128xf32, #tpu.memory_space<vmem>> -> memref<128x128xf32, #tpu.memory_space<vmem>>
        %parallel_loop3A_596 = tpu.vector_load_idx %parallel_loop3A_595[%add3A_36, %parallel_loop3A_590] : memref<128x128xf32, #tpu.memory_space<vmem>>[vector<16xi32>, vector<16xi32>], vector<16xf32>,
        %parallel_loop3A_597 = arith.constant 0 : i32
        %parallel_loop3A_598 = arith.constant 0 : i32
        %parallel_loop3A_599 = arith.index_cast %parallel_loop3A_597 : i32 to index
        %parallel_loop3A_600 = arith.index_cast %parallel_loop3A_598 : i32 to index
        %parallel_loop3A_601 = arith.index_cast %parallel_loop3A_526 : i32 to index
        %parallel_loop3A_602 = arith.constant 64 : index
        %parallel_loop3A_603 = tpu.vector_load %arg11[%parallel_loop3A_599, %parallel_loop3A_600, %parallel_loop3A_601, %parallel_loop3A_602] {strides = array<i32>} : memref<2x4x8x128xf32, #tpu.memory_space<vmem>>, vector<16xf32>,
        tpu.vector_store %arg11[%parallel_loop3A_599, %parallel_loop3A_600, %parallel_loop3A_601, %parallel_loop3A_602], %parallel_loop3A_596 {strides = array<i32>} : memref<2x4x8x128xf32, #tpu.memory_space<vmem>>, vector<16xf32>,
        %parallel_loop3A_604 = vector.broadcast %parallel_loop3A_528 : i32 to vector<16xi32>
        %parallel_loop3A_605 = arith.addi %get3A_410, %parallel_loop3A_604 : vector<16xi32>
        %parallel_loop3A_606 = arith.constant 0 : i32
        %parallel_loop3A_607 = arith.constant 0 : i32
        %parallel_loop3A_608 = arith.constant 0 : i32
        %parallel_loop3A_609 = tpu.memref_slice %arg10[%parallel_loop3A_606, %parallel_loop3A_607, %parallel_loop3A_608] : memref<2x128x128xf32, #tpu.memory_space<vmem>> -> memref<1x128x128xf32, #tpu.memory_space<vmem>>
        %parallel_loop3A_610 = tpu.memref_squeeze %parallel_loop3A_609 : memref<1x128x128xf32, #tpu.memory_space<vmem>> -> memref<128x128xf32, #tpu.memory_space<vmem>>
        %parallel_loop3A_611 = tpu.vector_load_idx %parallel_loop3A_610[%add3A_42, %parallel_loop3A_605] : memref<128x128xf32, #tpu.memory_space<vmem>>[vector<16xi32>, vector<16xi32>], vector<16xf32>,
        %parallel_loop3A_612 = arith.constant 0 : i32
        %parallel_loop3A_613 = arith.constant 0 : i32
        %parallel_loop3A_614 = arith.index_cast %parallel_loop3A_612 : i32 to index
        %parallel_loop3A_615 = arith.index_cast %parallel_loop3A_613 : i32 to index
        %parallel_loop3A_616 = arith.index_cast %parallel_loop3A_526 : i32 to index
        %parallel_loop3A_617 = arith.constant 80 : index
        %parallel_loop3A_618 = tpu.vector_load %arg11[%parallel_loop3A_614, %parallel_loop3A_615, %parallel_loop3A_616, %parallel_loop3A_617] {strides = array<i32>} : memref<2x4x8x128xf32, #tpu.memory_space<vmem>>, vector<16xf32>,
        tpu.vector_store %arg11[%parallel_loop3A_614, %parallel_loop3A_615, %parallel_loop3A_616, %parallel_loop3A_617], %parallel_loop3A_611 {strides = array<i32>} : memref<2x4x8x128xf32, #tpu.memory_space<vmem>>, vector<16xf32>,
        %parallel_loop3A_619 = vector.broadcast %parallel_loop3A_528 : i32 to vector<16xi32>
        %parallel_loop3A_620 = arith.addi %get3A_412, %parallel_loop3A_619 : vector<16xi32>
        %parallel_loop3A_621 = arith.constant 0 : i32
        %parallel_loop3A_622 = arith.constant 0 : i32
        %parallel_loop3A_623 = arith.constant 0 : i32
        %parallel_loop3A_624 = tpu.memref_slice %arg10[%parallel_loop3A_621, %parallel_loop3A_622, %parallel_loop3A_623] : memref<2x128x128xf32, #tpu.memory_space<vmem>> -> memref<1x128x128xf32, #tpu.memory_space<vmem>>
        %parallel_loop3A_625 = tpu.memref_squeeze %parallel_loop3A_624 : memref<1x128x128xf32, #tpu.memory_space<vmem>> -> memref<128x128xf32, #tpu.memory_space<vmem>>
        %parallel_loop3A_626 = tpu.vector_load_idx %parallel_loop3A_625[%add3A_48, %parallel_loop3A_620] : memref<128x128xf32, #tpu.memory_space<vmem>>[vector<16xi32>, vector<16xi32>], vector<16xf32>,
        %parallel_loop3A_627 = arith.constant 0 : i32
        %parallel_loop3A_628 = arith.constant 0 : i32
        %parallel_loop3A_629 = arith.index_cast %parallel_loop3A_627 : i32 to index
        %parallel_loop3A_630 = arith.index_cast %parallel_loop3A_628 : i32 to index
        %parallel_loop3A_631 = arith.index_cast %parallel_loop3A_526 : i32 to index
        %parallel_loop3A_632 = arith.constant 96 : index
        %parallel_loop3A_633 = tpu.vector_load %arg11[%parallel_loop3A_629, %parallel_loop3A_630, %parallel_loop3A_631, %parallel_loop3A_632] {strides = array<i32>} : memref<2x4x8x128xf32, #tpu.memory_space<vmem>>, vector<16xf32>,
        tpu.vector_store %arg11[%parallel_loop3A_629, %parallel_loop3A_630, %parallel_loop3A_631, %parallel_loop3A_632], %parallel_loop3A_626 {strides = array<i32>} : memref<2x4x8x128xf32, #tpu.memory_space<vmem>>, vector<16xf32>,
        %parallel_loop3A_634 = vector.broadcast %parallel_loop3A_528 : i32 to vector<16xi32>
        %parallel_loop3A_635 = arith.addi %get3A_414, %parallel_loop3A_634 : vector<16xi32>
        %parallel_loop3A_636 = arith.constant 0 : i32
        %parallel_loop3A_637 = arith.constant 0 : i32
        %parallel_loop3A_638 = arith.constant 0 : i32
        %parallel_loop3A_639 = tpu.memref_slice %arg10[%parallel_loop3A_636, %parallel_loop3A_637, %parallel_loop3A_638] : memref<2x128x128xf32, #tpu.memory_space<vmem>> -> memref<1x128x128xf32, #tpu.memory_space<vmem>>
        %parallel_loop3A_640 = tpu.memref_squeeze %parallel_loop3A_639 : memref<1x128x128xf32, #tpu.memory_space<vmem>> -> memref<128x128xf32, #tpu.memory_space<vmem>>
        %parallel_loop3A_641 = tpu.vector_load_idx %parallel_loop3A_640[%add3A_54, %parallel_loop3A_635] : memref<128x128xf32, #tpu.memory_space<vmem>>[vector<16xi32>, vector<16xi32>], vector<16xf32>,
        %parallel_loop3A_642 = arith.constant 0 : i32
        %parallel_loop3A_643 = arith.constant 0 : i32
        %parallel_loop3A_644 = arith.index_cast %parallel_loop3A_642 : i32 to index
        %parallel_loop3A_645 = arith.index_cast %parallel_loop3A_643 : i32 to index
        %parallel_loop3A_646 = arith.index_cast %parallel_loop3A_526 : i32 to index
        %parallel_loop3A_647 = arith.constant 112 : index
        %parallel_loop3A_648 = tpu.vector_load %arg11[%parallel_loop3A_644, %parallel_loop3A_645, %parallel_loop3A_646, %parallel_loop3A_647] {strides = array<i32>} : memref<2x4x8x128xf32, #tpu.memory_space<vmem>>, vector<16xf32>,
        tpu.vector_store %arg11[%parallel_loop3A_644, %parallel_loop3A_645, %parallel_loop3A_646, %parallel_loop3A_647], %parallel_loop3A_641 {strides = array<i32>} : memref<2x4x8x128xf32, #tpu.memory_space<vmem>>, vector<16xf32>,
      } {sc.loop_unroll_factor = 4 : i64, sc.parallel_access}
      %parallel_loop3A_417 = arith.constant 0 : i32
      %parallel_loop3A_418 = arith.constant 8 : i32
      %parallel_loop3A_419 = arith.constant 1 : i32
      scf.for %parallel_loop3A_526 = %parallel_loop3A_417 to %parallel_loop3A_418 step %parallel_loop3A_419  : i32 {
        %parallel_loop3A_527 = arith.constant 8 : i32
        %parallel_loop3A_528 = arith.addi %parallel_loop3A_527, %parallel_loop3A_526 : i32
        %parallel_loop3A_529 = vector.broadcast %parallel_loop3A_528 : i32 to vector<16xi32>
        %parallel_loop3A_530 = arith.addi %get3A_400, %parallel_loop3A_529 : vector<16xi32>
        %parallel_loop3A_531 = arith.constant 0 : i32
        %parallel_loop3A_532 = arith.constant 0 : i32
        %parallel_loop3A_533 = arith.constant 0 : i32
        %parallel_loop3A_534 = tpu.memref_slice %arg10[%parallel_loop3A_531, %parallel_loop3A_532, %parallel_loop3A_533] : memref<2x128x128xf32, #tpu.memory_space<vmem>> -> memref<1x128x128xf32, #tpu.memory_space<vmem>>
        %parallel_loop3A_535 = tpu.memref_squeeze %parallel_loop3A_534 : memref<1x128x128xf32, #tpu.memory_space<vmem>> -> memref<128x128xf32, #tpu.memory_space<vmem>>
        %parallel_loop3A_536 = tpu.vector_load_idx %parallel_loop3A_535[%add3A_12, %parallel_loop3A_530] : memref<128x128xf32, #tpu.memory_space<vmem>>[vector<16xi32>, vector<16xi32>], vector<16xf32>,
        %parallel_loop3A_537 = arith.constant 0 : i32
        %parallel_loop3A_538 = arith.constant 1 : i32
        %parallel_loop3A_539 = arith.index_cast %parallel_loop3A_537 : i32 to index
        %parallel_loop3A_540 = arith.index_cast %parallel_loop3A_538 : i32 to index
        %parallel_loop3A_541 = arith.index_cast %parallel_loop3A_526 : i32 to index
        %parallel_loop3A_542 = arith.constant 0 : index
        %parallel_loop3A_543 = tpu.vector_load %arg11[%parallel_loop3A_539, %parallel_loop3A_540, %parallel_loop3A_541, %parallel_loop3A_542] {strides = array<i32>} : memref<2x4x8x128xf32, #tpu.memory_space<vmem>>, vector<16xf32>,
        tpu.vector_store %arg11[%parallel_loop3A_539, %parallel_loop3A_540, %parallel_loop3A_541, %parallel_loop3A_542], %parallel_loop3A_536 {strides = array<i32>} : memref<2x4x8x128xf32, #tpu.memory_space<vmem>>, vector<16xf32>,
        %parallel_loop3A_544 = vector.broadcast %parallel_loop3A_528 : i32 to vector<16xi32>
        %parallel_loop3A_545 = arith.addi %get3A_402, %parallel_loop3A_544 : vector<16xi32>
        %parallel_loop3A_546 = arith.constant 0 : i32
        %parallel_loop3A_547 = arith.constant 0 : i32
        %parallel_loop3A_548 = arith.constant 0 : i32
        %parallel_loop3A_549 = tpu.memref_slice %arg10[%parallel_loop3A_546, %parallel_loop3A_547, %parallel_loop3A_548] : memref<2x128x128xf32, #tpu.memory_space<vmem>> -> memref<1x128x128xf32, #tpu.memory_space<vmem>>
        %parallel_loop3A_550 = tpu.memref_squeeze %parallel_loop3A_549 : memref<1x128x128xf32, #tpu.memory_space<vmem>> -> memref<128x128xf32, #tpu.memory_space<vmem>>
        %parallel_loop3A_551 = tpu.vector_load_idx %parallel_loop3A_550[%add3A_18, %parallel_loop3A_545] : memref<128x128xf32, #tpu.memory_space<vmem>>[vector<16xi32>, vector<16xi32>], vector<16xf32>,
        %parallel_loop3A_552 = arith.constant 0 : i32
        %parallel_loop3A_553 = arith.constant 1 : i32
        %parallel_loop3A_554 = arith.index_cast %parallel_loop3A_552 : i32 to index
        %parallel_loop3A_555 = arith.index_cast %parallel_loop3A_553 : i32 to index
        %parallel_loop3A_556 = arith.index_cast %parallel_loop3A_526 : i32 to index
        %parallel_loop3A_557 = arith.constant 16 : index
        %parallel_loop3A_558 = tpu.vector_load %arg11[%parallel_loop3A_554, %parallel_loop3A_555, %parallel_loop3A_556, %parallel_loop3A_557] {strides = array<i32>} : memref<2x4x8x128xf32, #tpu.memory_space<vmem>>, vector<16xf32>,
        tpu.vector_store %arg11[%parallel_loop3A_554, %parallel_loop3A_555, %parallel_loop3A_556, %parallel_loop3A_557], %parallel_loop3A_551 {strides = array<i32>} : memref<2x4x8x128xf32, #tpu.memory_space<vmem>>, vector<16xf32>,
        %parallel_loop3A_559 = vector.broadcast %parallel_loop3A_528 : i32 to vector<16xi32>
        %parallel_loop3A_560 = arith.addi %get3A_404, %parallel_loop3A_559 : vector<16xi32>
        %parallel_loop3A_561 = arith.constant 0 : i32
        %parallel_loop3A_562 = arith.constant 0 : i32
        %parallel_loop3A_563 = arith.constant 0 : i32
        %parallel_loop3A_564 = tpu.memref_slice %arg10[%parallel_loop3A_561, %parallel_loop3A_562, %parallel_loop3A_563] : memref<2x128x128xf32, #tpu.memory_space<vmem>> -> memref<1x128x128xf32, #tpu.memory_space<vmem>>
        %parallel_loop3A_565 = tpu.memref_squeeze %parallel_loop3A_564 : memref<1x128x128xf32, #tpu.memory_space<vmem>> -> memref<128x128xf32, #tpu.memory_space<vmem>>
        %parallel_loop3A_566 = tpu.vector_load_idx %parallel_loop3A_565[%add3A_24, %parallel_loop3A_560] : memref<128x128xf32, #tpu.memory_space<vmem>>[vector<16xi32>, vector<16xi32>], vector<16xf32>,
        %parallel_loop3A_567 = arith.constant 0 : i32
        %parallel_loop3A_568 = arith.constant 1 : i32
        %parallel_loop3A_569 = arith.index_cast %parallel_loop3A_567 : i32 to index
        %parallel_loop3A_570 = arith.index_cast %parallel_loop3A_568 : i32 to index
        %parallel_loop3A_571 = arith.index_cast %parallel_loop3A_526 : i32 to index
        %parallel_loop3A_572 = arith.constant 32 : index
        %parallel_loop3A_573 = tpu.vector_load %arg11[%parallel_loop3A_569, %parallel_loop3A_570, %parallel_loop3A_571, %parallel_loop3A_572] {strides = array<i32>} : memref<2x4x8x128xf32, #tpu.memory_space<vmem>>, vector<16xf32>,
        tpu.vector_store %arg11[%parallel_loop3A_569, %parallel_loop3A_570, %parallel_loop3A_571, %parallel_loop3A_572], %parallel_loop3A_566 {strides = array<i32>} : memref<2x4x8x128xf32, #tpu.memory_space<vmem>>, vector<16xf32>,
        %parallel_loop3A_574 = vector.broadcast %parallel_loop3A_528 : i32 to vector<16xi32>
        %parallel_loop3A_575 = arith.addi %get3A_406, %parallel_loop3A_574 : vector<16xi32>
        %parallel_loop3A_576 = arith.constant 0 : i32
        %parallel_loop3A_577 = arith.constant 0 : i32
        %parallel_loop3A_578 = arith.constant 0 : i32
        %parallel_loop3A_579 = tpu.memref_slice %arg10[%parallel_loop3A_576, %parallel_loop3A_577, %parallel_loop3A_578] : memref<2x128x128xf32, #tpu.memory_space<vmem>> -> memref<1x128x128xf32, #tpu.memory_space<vmem>>
        %parallel_loop3A_580 = tpu.memref_squeeze %parallel_loop3A_579 : memref<1x128x128xf32, #tpu.memory_space<vmem>> -> memref<128x128xf32, #tpu.memory_space<vmem>>
        %parallel_loop3A_581 = tpu.vector_load_idx %parallel_loop3A_580[%add3A_30, %parallel_loop3A_575] : memref<128x128xf32, #tpu.memory_space<vmem>>[vector<16xi32>, vector<16xi32>], vector<16xf32>,
        %parallel_loop3A_582 = arith.constant 0 : i32
        %parallel_loop3A_583 = arith.constant 1 : i32
        %parallel_loop3A_584 = arith.index_cast %parallel_loop3A_582 : i32 to index
        %parallel_loop3A_585 = arith.index_cast %parallel_loop3A_583 : i32 to index
        %parallel_loop3A_586 = arith.index_cast %parallel_loop3A_526 : i32 to index
        %parallel_loop3A_587 = arith.constant 48 : index
        %parallel_loop3A_588 = tpu.vector_load %arg11[%parallel_loop3A_584, %parallel_loop3A_585, %parallel_loop3A_586, %parallel_loop3A_587] {strides = array<i32>} : memref<2x4x8x128xf32, #tpu.memory_space<vmem>>, vector<16xf32>,
        tpu.vector_store %arg11[%parallel_loop3A_584, %parallel_loop3A_585, %parallel_loop3A_586, %parallel_loop3A_587], %parallel_loop3A_581 {strides = array<i32>} : memref<2x4x8x128xf32, #tpu.memory_space<vmem>>, vector<16xf32>,
        %parallel_loop3A_589 = vector.broadcast %parallel_loop3A_528 : i32 to vector<16xi32>
        %parallel_loop3A_590 = arith.addi %get3A_408, %parallel_loop3A_589 : vector<16xi32>
        %parallel_loop3A_591 = arith.constant 0 : i32
        %parallel_loop3A_592 = arith.constant 0 : i32
        %parallel_loop3A_593 = arith.constant 0 : i32
        %parallel_loop3A_594 = tpu.memref_slice %arg10[%parallel_loop3A_591, %parallel_loop3A_592, %parallel_loop3A_593] : memref<2x128x128xf32, #tpu.memory_space<vmem>> -> memref<1x128x128xf32, #tpu.memory_space<vmem>>
        %parallel_loop3A_595 = tpu.memref_squeeze %parallel_loop3A_594 : memref<1x128x128xf32, #tpu.memory_space<vmem>> -> memref<128x128xf32, #tpu.memory_space<vmem>>
        %parallel_loop3A_596 = tpu.vector_load_idx %parallel_loop3A_595[%add3A_36, %parallel_loop3A_590] : memref<128x128xf32, #tpu.memory_space<vmem>>[vector<16xi32>, vector<16xi32>], vector<16xf32>,
        %parallel_loop3A_597 = arith.constant 0 : i32
        %parallel_loop3A_598 = arith.constant 1 : i32
        %parallel_loop3A_599 = arith.index_cast %parallel_loop3A_597 : i32 to index
        %parallel_loop3A_600 = arith.index_cast %parallel_loop3A_598 : i32 to index
        %parallel_loop3A_601 = arith.index_cast %parallel_loop3A_526 : i32 to index
        %parallel_loop3A_602 = arith.constant 64 : index
        %parallel_loop3A_603 = tpu.vector_load %arg11[%parallel_loop3A_599, %parallel_loop3A_600, %parallel_loop3A_601, %parallel_loop3A_602] {strides = array<i32>} : memref<2x4x8x128xf32, #tpu.memory_space<vmem>>, vector<16xf32>,
        tpu.vector_store %arg11[%parallel_loop3A_599, %parallel_loop3A_600, %parallel_loop3A_601, %parallel_loop3A_602], %parallel_loop3A_596 {strides = array<i32>} : memref<2x4x8x128xf32, #tpu.memory_space<vmem>>, vector<16xf32>,
        %parallel_loop3A_604 = vector.broadcast %parallel_loop3A_528 : i32 to vector<16xi32>
        %parallel_loop3A_605 = arith.addi %get3A_410, %parallel_loop3A_604 : vector<16xi32>
        %parallel_loop3A_606 = arith.constant 0 : i32
        %parallel_loop3A_607 = arith.constant 0 : i32
        %parallel_loop3A_608 = arith.constant 0 : i32
        %parallel_loop3A_609 = tpu.memref_slice %arg10[%parallel_loop3A_606, %parallel_loop3A_607, %parallel_loop3A_608] : memref<2x128x128xf32, #tpu.memory_space<vmem>> -> memref<1x128x128xf32, #tpu.memory_space<vmem>>
        %parallel_loop3A_610 = tpu.memref_squeeze %parallel_loop3A_609 : memref<1x128x128xf32, #tpu.memory_space<vmem>> -> memref<128x128xf32, #tpu.memory_space<vmem>>
        %parallel_loop3A_611 = tpu.vector_load_idx %parallel_loop3A_610[%add3A_42, %parallel_loop3A_605] : memref<128x128xf32, #tpu.memory_space<vmem>>[vector<16xi32>, vector<16xi32>], vector<16xf32>,
        %parallel_loop3A_612 = arith.constant 0 : i32
        %parallel_loop3A_613 = arith.constant 1 : i32
        %parallel_loop3A_614 = arith.index_cast %parallel_loop3A_612 : i32 to index
        %parallel_loop3A_615 = arith.index_cast %parallel_loop3A_613 : i32 to index
        %parallel_loop3A_616 = arith.index_cast %parallel_loop3A_526 : i32 to index
        %parallel_loop3A_617 = arith.constant 80 : index
        %parallel_loop3A_618 = tpu.vector_load %arg11[%parallel_loop3A_614, %parallel_loop3A_615, %parallel_loop3A_616, %parallel_loop3A_617] {strides = array<i32>} : memref<2x4x8x128xf32, #tpu.memory_space<vmem>>, vector<16xf32>,
        tpu.vector_store %arg11[%parallel_loop3A_614, %parallel_loop3A_615, %parallel_loop3A_616, %parallel_loop3A_617], %parallel_loop3A_611 {strides = array<i32>} : memref<2x4x8x128xf32, #tpu.memory_space<vmem>>, vector<16xf32>,
        %parallel_loop3A_619 = vector.broadcast %parallel_loop3A_528 : i32 to vector<16xi32>
        %parallel_loop3A_620 = arith.addi %get3A_412, %parallel_loop3A_619 : vector<16xi32>
        %parallel_loop3A_621 = arith.constant 0 : i32
        %parallel_loop3A_622 = arith.constant 0 : i32
        %parallel_loop3A_623 = arith.constant 0 : i32
        %parallel_loop3A_624 = tpu.memref_slice %arg10[%parallel_loop3A_621, %parallel_loop3A_622, %parallel_loop3A_623] : memref<2x128x128xf32, #tpu.memory_space<vmem>> -> memref<1x128x128xf32, #tpu.memory_space<vmem>>
        %parallel_loop3A_625 = tpu.memref_squeeze %parallel_loop3A_624 : memref<1x128x128xf32, #tpu.memory_space<vmem>> -> memref<128x128xf32, #tpu.memory_space<vmem>>
        %parallel_loop3A_626 = tpu.vector_load_idx %parallel_loop3A_625[%add3A_48, %parallel_loop3A_620] : memref<128x128xf32, #tpu.memory_space<vmem>>[vector<16xi32>, vector<16xi32>], vector<16xf32>,
        %parallel_loop3A_627 = arith.constant 0 : i32
        %parallel_loop3A_628 = arith.constant 1 : i32
        %parallel_loop3A_629 = arith.index_cast %parallel_loop3A_627 : i32 to index
        %parallel_loop3A_630 = arith.index_cast %parallel_loop3A_628 : i32 to index
        %parallel_loop3A_631 = arith.index_cast %parallel_loop3A_526 : i32 to index
        %parallel_loop3A_632 = arith.constant 96 : index
        %parallel_loop3A_633 = tpu.vector_load %arg11[%parallel_loop3A_629, %parallel_loop3A_630, %parallel_loop3A_631, %parallel_loop3A_632] {strides = array<i32>} : memref<2x4x8x128xf32, #tpu.memory_space<vmem>>, vector<16xf32>,
        tpu.vector_store %arg11[%parallel_loop3A_629, %parallel_loop3A_630, %parallel_loop3A_631, %parallel_loop3A_632], %parallel_loop3A_626 {strides = array<i32>} : memref<2x4x8x128xf32, #tpu.memory_space<vmem>>, vector<16xf32>,
        %parallel_loop3A_634 = vector.broadcast %parallel_loop3A_528 : i32 to vector<16xi32>
        %parallel_loop3A_635 = arith.addi %get3A_414, %parallel_loop3A_634 : vector<16xi32>
        %parallel_loop3A_636 = arith.constant 0 : i32
        %parallel_loop3A_637 = arith.constant 0 : i32
        %parallel_loop3A_638 = arith.constant 0 : i32
        %parallel_loop3A_639 = tpu.memref_slice %arg10[%parallel_loop3A_636, %parallel_loop3A_637, %parallel_loop3A_638] : memref<2x128x128xf32, #tpu.memory_space<vmem>> -> memref<1x128x128xf32, #tpu.memory_space<vmem>>
        %parallel_loop3A_640 = tpu.memref_squeeze %parallel_loop3A_639 : memref<1x128x128xf32, #tpu.memory_space<vmem>> -> memref<128x128xf32, #tpu.memory_space<vmem>>
        %parallel_loop3A_641 = tpu.vector_load_idx %parallel_loop3A_640[%add3A_54, %parallel_loop3A_635] : memref<128x128xf32, #tpu.memory_space<vmem>>[vector<16xi32>, vector<16xi32>], vector<16xf32>,
        %parallel_loop3A_642 = arith.constant 0 : i32
        %parallel_loop3A_643 = arith.constant 1 : i32
        %parallel_loop3A_644 = arith.index_cast %parallel_loop3A_642 : i32 to index
        %parallel_loop3A_645 = arith.index_cast %parallel_loop3A_643 : i32 to index
        %parallel_loop3A_646 = arith.index_cast %parallel_loop3A_526 : i32 to index
        %parallel_loop3A_647 = arith.constant 112 : index
        %parallel_loop3A_648 = tpu.vector_load %arg11[%parallel_loop3A_644, %parallel_loop3A_645, %parallel_loop3A_646, %parallel_loop3A_647] {strides = array<i32>} : memref<2x4x8x128xf32, #tpu.memory_space<vmem>>, vector<16xf32>,
        tpu.vector_store %arg11[%parallel_loop3A_644, %parallel_loop3A_645, %parallel_loop3A_646, %parallel_loop3A_647], %parallel_loop3A_641 {strides = array<i32>} : memref<2x4x8x128xf32, #tpu.memory_space<vmem>>, vector<16xf32>,
      } {sc.loop_unroll_factor = 4 : i64, sc.parallel_access}
      %parallel_loop3A_420 = arith.constant 0 : i32
      %parallel_loop3A_421 = arith.constant 8 : i32
      %parallel_loop3A_422 = arith.constant 1 : i32
      scf.for %parallel_loop3A_526 = %parallel_loop3A_420 to %parallel_loop3A_421 step %parallel_loop3A_422  : i32 {
        %parallel_loop3A_527 = arith.constant 16 : i32
        %parallel_loop3A_528 = arith.addi %parallel_loop3A_527, %parallel_loop3A_526 : i32
        %parallel_loop3A_529 = vector.broadcast %parallel_loop3A_528 : i32 to vector<16xi32>
        %parallel_loop3A_530 = arith.addi %get3A_400, %parallel_loop3A_529 : vector<16xi32>
        %parallel_loop3A_531 = arith.constant 0 : i32
        %parallel_loop3A_532 = arith.constant 0 : i32
        %parallel_loop3A_533 = arith.constant 0 : i32
        %parallel_loop3A_534 = tpu.memref_slice %arg10[%parallel_loop3A_531, %parallel_loop3A_532, %parallel_loop3A_533] : memref<2x128x128xf32, #tpu.memory_space<vmem>> -> memref<1x128x128xf32, #tpu.memory_space<vmem>>
        %parallel_loop3A_535 = tpu.memref_squeeze %parallel_loop3A_534 : memref<1x128x128xf32, #tpu.memory_space<vmem>> -> memref<128x128xf32, #tpu.memory_space<vmem>>
        %parallel_loop3A_536 = tpu.vector_load_idx %parallel_loop3A_535[%add3A_12, %parallel_loop3A_530] : memref<128x128xf32, #tpu.memory_space<vmem>>[vector<16xi32>, vector<16xi32>], vector<16xf32>,
        %parallel_loop3A_537 = arith.constant 0 : i32
        %parallel_loop3A_538 = arith.constant 2 : i32
        %parallel_loop3A_539 = arith.index_cast %parallel_loop3A_537 : i32 to index
        %parallel_loop3A_540 = arith.index_cast %parallel_loop3A_538 : i32 to index
        %parallel_loop3A_541 = arith.index_cast %parallel_loop3A_526 : i32 to index
        %parallel_loop3A_542 = arith.constant 0 : index
        %parallel_loop3A_543 = tpu.vector_load %arg11[%parallel_loop3A_539, %parallel_loop3A_540, %parallel_loop3A_541, %parallel_loop3A_542] {strides = array<i32>} : memref<2x4x8x128xf32, #tpu.memory_space<vmem>>, vector<16xf32>,
        tpu.vector_store %arg11[%parallel_loop3A_539, %parallel_loop3A_540, %parallel_loop3A_541, %parallel_loop3A_542], %parallel_loop3A_536 {strides = array<i32>} : memref<2x4x8x128xf32, #tpu.memory_space<vmem>>, vector<16xf32>,
        %parallel_loop3A_544 = vector.broadcast %parallel_loop3A_528 : i32 to vector<16xi32>
        %parallel_loop3A_545 = arith.addi %get3A_402, %parallel_loop3A_544 : vector<16xi32>
        %parallel_loop3A_546 = arith.constant 0 : i32
        %parallel_loop3A_547 = arith.constant 0 : i32
        %parallel_loop3A_548 = arith.constant 0 : i32
        %parallel_loop3A_549 = tpu.memref_slice %arg10[%parallel_loop3A_546, %parallel_loop3A_547, %parallel_loop3A_548] : memref<2x128x128xf32, #tpu.memory_space<vmem>> -> memref<1x128x128xf32, #tpu.memory_space<vmem>>
        %parallel_loop3A_550 = tpu.memref_squeeze %parallel_loop3A_549 : memref<1x128x128xf32, #tpu.memory_space<vmem>> -> memref<128x128xf32, #tpu.memory_space<vmem>>
        %parallel_loop3A_551 = tpu.vector_load_idx %parallel_loop3A_550[%add3A_18, %parallel_loop3A_545] : memref<128x128xf32, #tpu.memory_space<vmem>>[vector<16xi32>, vector<16xi32>], vector<16xf32>,
        %parallel_loop3A_552 = arith.constant 0 : i32
        %parallel_loop3A_553 = arith.constant 2 : i32
        %parallel_loop3A_554 = arith.index_cast %parallel_loop3A_552 : i32 to index
        %parallel_loop3A_555 = arith.index_cast %parallel_loop3A_553 : i32 to index
        %parallel_loop3A_556 = arith.index_cast %parallel_loop3A_526 : i32 to index
        %parallel_loop3A_557 = arith.constant 16 : index
        %parallel_loop3A_558 = tpu.vector_load %arg11[%parallel_loop3A_554, %parallel_loop3A_555, %parallel_loop3A_556, %parallel_loop3A_557] {strides = array<i32>} : memref<2x4x8x128xf32, #tpu.memory_space<vmem>>, vector<16xf32>,
        tpu.vector_store %arg11[%parallel_loop3A_554, %parallel_loop3A_555, %parallel_loop3A_556, %parallel_loop3A_557], %parallel_loop3A_551 {strides = array<i32>} : memref<2x4x8x128xf32, #tpu.memory_space<vmem>>, vector<16xf32>,
        %parallel_loop3A_559 = vector.broadcast %parallel_loop3A_528 : i32 to vector<16xi32>
        %parallel_loop3A_560 = arith.addi %get3A_404, %parallel_loop3A_559 : vector<16xi32>
        %parallel_loop3A_561 = arith.constant 0 : i32
        %parallel_loop3A_562 = arith.constant 0 : i32
        %parallel_loop3A_563 = arith.constant 0 : i32
        %parallel_loop3A_564 = tpu.memref_slice %arg10[%parallel_loop3A_561, %parallel_loop3A_562, %parallel_loop3A_563] : memref<2x128x128xf32, #tpu.memory_space<vmem>> -> memref<1x128x128xf32, #tpu.memory_space<vmem>>
        %parallel_loop3A_565 = tpu.memref_squeeze %parallel_loop3A_564 : memref<1x128x128xf32, #tpu.memory_space<vmem>> -> memref<128x128xf32, #tpu.memory_space<vmem>>
        %parallel_loop3A_566 = tpu.vector_load_idx %parallel_loop3A_565[%add3A_24, %parallel_loop3A_560] : memref<128x128xf32, #tpu.memory_space<vmem>>[vector<16xi32>, vector<16xi32>], vector<16xf32>,
        %parallel_loop3A_567 = arith.constant 0 : i32
        %parallel_loop3A_568 = arith.constant 2 : i32
        %parallel_loop3A_569 = arith.index_cast %parallel_loop3A_567 : i32 to index
        %parallel_loop3A_570 = arith.index_cast %parallel_loop3A_568 : i32 to index
        %parallel_loop3A_571 = arith.index_cast %parallel_loop3A_526 : i32 to index
        %parallel_loop3A_572 = arith.constant 32 : index
        %parallel_loop3A_573 = tpu.vector_load %arg11[%parallel_loop3A_569, %parallel_loop3A_570, %parallel_loop3A_571, %parallel_loop3A_572] {strides = array<i32>} : memref<2x4x8x128xf32, #tpu.memory_space<vmem>>, vector<16xf32>,
        tpu.vector_store %arg11[%parallel_loop3A_569, %parallel_loop3A_570, %parallel_loop3A_571, %parallel_loop3A_572], %parallel_loop3A_566 {strides = array<i32>} : memref<2x4x8x128xf32, #tpu.memory_space<vmem>>, vector<16xf32>,
        %parallel_loop3A_574 = vector.broadcast %parallel_loop3A_528 : i32 to vector<16xi32>
        %parallel_loop3A_575 = arith.addi %get3A_406, %parallel_loop3A_574 : vector<16xi32>
        %parallel_loop3A_576 = arith.constant 0 : i32
        %parallel_loop3A_577 = arith.constant 0 : i32
        %parallel_loop3A_578 = arith.constant 0 : i32
        %parallel_loop3A_579 = tpu.memref_slice %arg10[%parallel_loop3A_576, %parallel_loop3A_577, %parallel_loop3A_578] : memref<2x128x128xf32, #tpu.memory_space<vmem>> -> memref<1x128x128xf32, #tpu.memory_space<vmem>>
        %parallel_loop3A_580 = tpu.memref_squeeze %parallel_loop3A_579 : memref<1x128x128xf32, #tpu.memory_space<vmem>> -> memref<128x128xf32, #tpu.memory_space<vmem>>
        %parallel_loop3A_581 = tpu.vector_load_idx %parallel_loop3A_580[%add3A_30, %parallel_loop3A_575] : memref<128x128xf32, #tpu.memory_space<vmem>>[vector<16xi32>, vector<16xi32>], vector<16xf32>,
        %parallel_loop3A_582 = arith.constant 0 : i32
        %parallel_loop3A_583 = arith.constant 2 : i32
        %parallel_loop3A_584 = arith.index_cast %parallel_loop3A_582 : i32 to index
        %parallel_loop3A_585 = arith.index_cast %parallel_loop3A_583 : i32 to index
        %parallel_loop3A_586 = arith.index_cast %parallel_loop3A_526 : i32 to index
        %parallel_loop3A_587 = arith.constant 48 : index
        %parallel_loop3A_588 = tpu.vector_load %arg11[%parallel_loop3A_584, %parallel_loop3A_585, %parallel_loop3A_586, %parallel_loop3A_587] {strides = array<i32>} : memref<2x4x8x128xf32, #tpu.memory_space<vmem>>, vector<16xf32>,
        tpu.vector_store %arg11[%parallel_loop3A_584, %parallel_loop3A_585, %parallel_loop3A_586, %parallel_loop3A_587], %parallel_loop3A_581 {strides = array<i32>} : memref<2x4x8x128xf32, #tpu.memory_space<vmem>>, vector<16xf32>,
        %parallel_loop3A_589 = vector.broadcast %parallel_loop3A_528 : i32 to vector<16xi32>
        %parallel_loop3A_590 = arith.addi %get3A_408, %parallel_loop3A_589 : vector<16xi32>
        %parallel_loop3A_591 = arith.constant 0 : i32
        %parallel_loop3A_592 = arith.constant 0 : i32
        %parallel_loop3A_593 = arith.constant 0 : i32
        %parallel_loop3A_594 = tpu.memref_slice %arg10[%parallel_loop3A_591, %parallel_loop3A_592, %parallel_loop3A_593] : memref<2x128x128xf32, #tpu.memory_space<vmem>> -> memref<1x128x128xf32, #tpu.memory_space<vmem>>
        %parallel_loop3A_595 = tpu.memref_squeeze %parallel_loop3A_594 : memref<1x128x128xf32, #tpu.memory_space<vmem>> -> memref<128x128xf32, #tpu.memory_space<vmem>>
        %parallel_loop3A_596 = tpu.vector_load_idx %parallel_loop3A_595[%add3A_36, %parallel_loop3A_590] : memref<128x128xf32, #tpu.memory_space<vmem>>[vector<16xi32>, vector<16xi32>], vector<16xf32>,
        %parallel_loop3A_597 = arith.constant 0 : i32
        %parallel_loop3A_598 = arith.constant 2 : i32
        %parallel_loop3A_599 = arith.index_cast %parallel_loop3A_597 : i32 to index
        %parallel_loop3A_600 = arith.index_cast %parallel_loop3A_598 : i32 to index
        %parallel_loop3A_601 = arith.index_cast %parallel_loop3A_526 : i32 to index
        %parallel_loop3A_602 = arith.constant 64 : index
        %parallel_loop3A_603 = tpu.vector_load %arg11[%parallel_loop3A_599, %parallel_loop3A_600, %parallel_loop3A_601, %parallel_loop3A_602] {strides = array<i32>} : memref<2x4x8x128xf32, #tpu.memory_space<vmem>>, vector<16xf32>,
        tpu.vector_store %arg11[%parallel_loop3A_599, %parallel_loop3A_600, %parallel_loop3A_601, %parallel_loop3A_602], %parallel_loop3A_596 {strides = array<i32>} : memref<2x4x8x128xf32, #tpu.memory_space<vmem>>, vector<16xf32>,
        %parallel_loop3A_604 = vector.broadcast %parallel_loop3A_528 : i32 to vector<16xi32>
        %parallel_loop3A_605 = arith.addi %get3A_410, %parallel_loop3A_604 : vector<16xi32>
        %parallel_loop3A_606 = arith.constant 0 : i32
        %parallel_loop3A_607 = arith.constant 0 : i32
        %parallel_loop3A_608 = arith.constant 0 : i32
        %parallel_loop3A_609 = tpu.memref_slice %arg10[%parallel_loop3A_606, %parallel_loop3A_607, %parallel_loop3A_608] : memref<2x128x128xf32, #tpu.memory_space<vmem>> -> memref<1x128x128xf32, #tpu.memory_space<vmem>>
        %parallel_loop3A_610 = tpu.memref_squeeze %parallel_loop3A_609 : memref<1x128x128xf32, #tpu.memory_space<vmem>> -> memref<128x128xf32, #tpu.memory_space<vmem>>
        %parallel_loop3A_611 = tpu.vector_load_idx %parallel_loop3A_610[%add3A_42, %parallel_loop3A_605] : memref<128x128xf32, #tpu.memory_space<vmem>>[vector<16xi32>, vector<16xi32>], vector<16xf32>,
        %parallel_loop3A_612 = arith.constant 0 : i32
        %parallel_loop3A_613 = arith.constant 2 : i32
        %parallel_loop3A_614 = arith.index_cast %parallel_loop3A_612 : i32 to index
        %parallel_loop3A_615 = arith.index_cast %parallel_loop3A_613 : i32 to index
        %parallel_loop3A_616 = arith.index_cast %parallel_loop3A_526 : i32 to index
        %parallel_loop3A_617 = arith.constant 80 : index
        %parallel_loop3A_618 = tpu.vector_load %arg11[%parallel_loop3A_614, %parallel_loop3A_615, %parallel_loop3A_616, %parallel_loop3A_617] {strides = array<i32>} : memref<2x4x8x128xf32, #tpu.memory_space<vmem>>, vector<16xf32>,
        tpu.vector_store %arg11[%parallel_loop3A_614, %parallel_loop3A_615, %parallel_loop3A_616, %parallel_loop3A_617], %parallel_loop3A_611 {strides = array<i32>} : memref<2x4x8x128xf32, #tpu.memory_space<vmem>>, vector<16xf32>,
        %parallel_loop3A_619 = vector.broadcast %parallel_loop3A_528 : i32 to vector<16xi32>
        %parallel_loop3A_620 = arith.addi %get3A_412, %parallel_loop3A_619 : vector<16xi32>
        %parallel_loop3A_621 = arith.constant 0 : i32
        %parallel_loop3A_622 = arith.constant 0 : i32
        %parallel_loop3A_623 = arith.constant 0 : i32
        %parallel_loop3A_624 = tpu.memref_slice %arg10[%parallel_loop3A_621, %parallel_loop3A_622, %parallel_loop3A_623] : memref<2x128x128xf32, #tpu.memory_space<vmem>> -> memref<1x128x128xf32, #tpu.memory_space<vmem>>
        %parallel_loop3A_625 = tpu.memref_squeeze %parallel_loop3A_624 : memref<1x128x128xf32, #tpu.memory_space<vmem>> -> memref<128x128xf32, #tpu.memory_space<vmem>>
        %parallel_loop3A_626 = tpu.vector_load_idx %parallel_loop3A_625[%add3A_48, %parallel_loop3A_620] : memref<128x128xf32, #tpu.memory_space<vmem>>[vector<16xi32>, vector<16xi32>], vector<16xf32>,
        %parallel_loop3A_627 = arith.constant 0 : i32
        %parallel_loop3A_628 = arith.constant 2 : i32
        %parallel_loop3A_629 = arith.index_cast %parallel_loop3A_627 : i32 to index
        %parallel_loop3A_630 = arith.index_cast %parallel_loop3A_628 : i32 to index
        %parallel_loop3A_631 = arith.index_cast %parallel_loop3A_526 : i32 to index
        %parallel_loop3A_632 = arith.constant 96 : index
        %parallel_loop3A_633 = tpu.vector_load %arg11[%parallel_loop3A_629, %parallel_loop3A_630, %parallel_loop3A_631, %parallel_loop3A_632] {strides = array<i32>} : memref<2x4x8x128xf32, #tpu.memory_space<vmem>>, vector<16xf32>,
        tpu.vector_store %arg11[%parallel_loop3A_629, %parallel_loop3A_630, %parallel_loop3A_631, %parallel_loop3A_632], %parallel_loop3A_626 {strides = array<i32>} : memref<2x4x8x128xf32, #tpu.memory_space<vmem>>, vector<16xf32>,
        %parallel_loop3A_634 = vector.broadcast %parallel_loop3A_528 : i32 to vector<16xi32>
        %parallel_loop3A_635 = arith.addi %get3A_414, %parallel_loop3A_634 : vector<16xi32>
        %parallel_loop3A_636 = arith.constant 0 : i32
        %parallel_loop3A_637 = arith.constant 0 : i32
        %parallel_loop3A_638 = arith.constant 0 : i32
        %parallel_loop3A_639 = tpu.memref_slice %arg10[%parallel_loop3A_636, %parallel_loop3A_637, %parallel_loop3A_638] : memref<2x128x128xf32, #tpu.memory_space<vmem>> -> memref<1x128x128xf32, #tpu.memory_space<vmem>>
        %parallel_loop3A_640 = tpu.memref_squeeze %parallel_loop3A_639 : memref<1x128x128xf32, #tpu.memory_space<vmem>> -> memref<128x128xf32, #tpu.memory_space<vmem>>
        %parallel_loop3A_641 = tpu.vector_load_idx %parallel_loop3A_640[%add3A_54, %parallel_loop3A_635] : memref<128x128xf32, #tpu.memory_space<vmem>>[vector<16xi32>, vector<16xi32>], vector<16xf32>,
        %parallel_loop3A_642 = arith.constant 0 : i32
        %parallel_loop3A_643 = arith.constant 2 : i32
        %parallel_loop3A_644 = arith.index_cast %parallel_loop3A_642 : i32 to index
        %parallel_loop3A_645 = arith.index_cast %parallel_loop3A_643 : i32 to index
        %parallel_loop3A_646 = arith.index_cast %parallel_loop3A_526 : i32 to index
        %parallel_loop3A_647 = arith.constant 112 : index
        %parallel_loop3A_648 = tpu.vector_load %arg11[%parallel_loop3A_644, %parallel_loop3A_645, %parallel_loop3A_646, %parallel_loop3A_647] {strides = array<i32>} : memref<2x4x8x128xf32, #tpu.memory_space<vmem>>, vector<16xf32>,
        tpu.vector_store %arg11[%parallel_loop3A_644, %parallel_loop3A_645, %parallel_loop3A_646, %parallel_loop3A_647], %parallel_loop3A_641 {strides = array<i32>} : memref<2x4x8x128xf32, #tpu.memory_space<vmem>>, vector<16xf32>,
      } {sc.loop_unroll_factor = 4 : i64, sc.parallel_access}
      %parallel_loop3A_423 = arith.constant 0 : i32
      %parallel_loop3A_424 = arith.constant 8 : i32
      %parallel_loop3A_425 = arith.constant 1 : i32
      scf.for %parallel_loop3A_526 = %parallel_loop3A_423 to %parallel_loop3A_424 step %parallel_loop3A_425  : i32 {
        %parallel_loop3A_527 = arith.constant 24 : i32
        %parallel_loop3A_528 = arith.addi %parallel_loop3A_527, %parallel_loop3A_526 : i32
        %parallel_loop3A_529 = vector.broadcast %parallel_loop3A_528 : i32 to vector<16xi32>
        %parallel_loop3A_530 = arith.addi %get3A_400, %parallel_loop3A_529 : vector<16xi32>
        %parallel_loop3A_531 = arith.constant 0 : i32
        %parallel_loop3A_532 = arith.constant 0 : i32
        %parallel_loop3A_533 = arith.constant 0 : i32
        %parallel_loop3A_534 = tpu.memref_slice %arg10[%parallel_loop3A_531, %parallel_loop3A_532, %parallel_loop3A_533] : memref<2x128x128xf32, #tpu.memory_space<vmem>> -> memref<1x128x128xf32, #tpu.memory_space<vmem>>
        %parallel_loop3A_535 = tpu.memref_squeeze %parallel_loop3A_534 : memref<1x128x128xf32, #tpu.memory_space<vmem>> -> memref<128x128xf32, #tpu.memory_space<vmem>>
        %parallel_loop3A_536 = tpu.vector_load_idx %parallel_loop3A_535[%add3A_12, %parallel_loop3A_530] : memref<128x128xf32, #tpu.memory_space<vmem>>[vector<16xi32>, vector<16xi32>], vector<16xf32>,
        %parallel_loop3A_537 = arith.constant 0 : i32
        %parallel_loop3A_538 = arith.constant 3 : i32
        %parallel_loop3A_539 = arith.index_cast %parallel_loop3A_537 : i32 to index
        %parallel_loop3A_540 = arith.index_cast %parallel_loop3A_538 : i32 to index
        %parallel_loop3A_541 = arith.index_cast %parallel_loop3A_526 : i32 to index
        %parallel_loop3A_542 = arith.constant 0 : index
        %parallel_loop3A_543 = tpu.vector_load %arg11[%parallel_loop3A_539, %parallel_loop3A_540, %parallel_loop3A_541, %parallel_loop3A_542] {strides = array<i32>} : memref<2x4x8x128xf32, #tpu.memory_space<vmem>>, vector<16xf32>,
        tpu.vector_store %arg11[%parallel_loop3A_539, %parallel_loop3A_540, %parallel_loop3A_541, %parallel_loop3A_542], %parallel_loop3A_536 {strides = array<i32>} : memref<2x4x8x128xf32, #tpu.memory_space<vmem>>, vector<16xf32>,
        %parallel_loop3A_544 = vector.broadcast %parallel_loop3A_528 : i32 to vector<16xi32>
        %parallel_loop3A_545 = arith.addi %get3A_402, %parallel_loop3A_544 : vector<16xi32>
        %parallel_loop3A_546 = arith.constant 0 : i32
        %parallel_loop3A_547 = arith.constant 0 : i32
        %parallel_loop3A_548 = arith.constant 0 : i32
        %parallel_loop3A_549 = tpu.memref_slice %arg10[%parallel_loop3A_546, %parallel_loop3A_547, %parallel_loop3A_548] : memref<2x128x128xf32, #tpu.memory_space<vmem>> -> memref<1x128x128xf32, #tpu.memory_space<vmem>>
        %parallel_loop3A_550 = tpu.memref_squeeze %parallel_loop3A_549 : memref<1x128x128xf32, #tpu.memory_space<vmem>> -> memref<128x128xf32, #tpu.memory_space<vmem>>
        %parallel_loop3A_551 = tpu.vector_load_idx %parallel_loop3A_550[%add3A_18, %parallel_loop3A_545] : memref<128x128xf32, #tpu.memory_space<vmem>>[vector<16xi32>, vector<16xi32>], vector<16xf32>,
        %parallel_loop3A_552 = arith.constant 0 : i32
        %parallel_loop3A_553 = arith.constant 3 : i32
        %parallel_loop3A_554 = arith.index_cast %parallel_loop3A_552 : i32 to index
        %parallel_loop3A_555 = arith.index_cast %parallel_loop3A_553 : i32 to index
        %parallel_loop3A_556 = arith.index_cast %parallel_loop3A_526 : i32 to index
        %parallel_loop3A_557 = arith.constant 16 : index
        %parallel_loop3A_558 = tpu.vector_load %arg11[%parallel_loop3A_554, %parallel_loop3A_555, %parallel_loop3A_556, %parallel_loop3A_557] {strides = array<i32>} : memref<2x4x8x128xf32, #tpu.memory_space<vmem>>, vector<16xf32>,
        tpu.vector_store %arg11[%parallel_loop3A_554, %parallel_loop3A_555, %parallel_loop3A_556, %parallel_loop3A_557], %parallel_loop3A_551 {strides = array<i32>} : memref<2x4x8x128xf32, #tpu.memory_space<vmem>>, vector<16xf32>,
        %parallel_loop3A_559 = vector.broadcast %parallel_loop3A_528 : i32 to vector<16xi32>
        %parallel_loop3A_560 = arith.addi %get3A_404, %parallel_loop3A_559 : vector<16xi32>
        %parallel_loop3A_561 = arith.constant 0 : i32
        %parallel_loop3A_562 = arith.constant 0 : i32
        %parallel_loop3A_563 = arith.constant 0 : i32
        %parallel_loop3A_564 = tpu.memref_slice %arg10[%parallel_loop3A_561, %parallel_loop3A_562, %parallel_loop3A_563] : memref<2x128x128xf32, #tpu.memory_space<vmem>> -> memref<1x128x128xf32, #tpu.memory_space<vmem>>
        %parallel_loop3A_565 = tpu.memref_squeeze %parallel_loop3A_564 : memref<1x128x128xf32, #tpu.memory_space<vmem>> -> memref<128x128xf32, #tpu.memory_space<vmem>>
        %parallel_loop3A_566 = tpu.vector_load_idx %parallel_loop3A_565[%add3A_24, %parallel_loop3A_560] : memref<128x128xf32, #tpu.memory_space<vmem>>[vector<16xi32>, vector<16xi32>], vector<16xf32>,
        %parallel_loop3A_567 = arith.constant 0 : i32
        %parallel_loop3A_568 = arith.constant 3 : i32
        %parallel_loop3A_569 = arith.index_cast %parallel_loop3A_567 : i32 to index
        %parallel_loop3A_570 = arith.index_cast %parallel_loop3A_568 : i32 to index
        %parallel_loop3A_571 = arith.index_cast %parallel_loop3A_526 : i32 to index
        %parallel_loop3A_572 = arith.constant 32 : index
        %parallel_loop3A_573 = tpu.vector_load %arg11[%parallel_loop3A_569, %parallel_loop3A_570, %parallel_loop3A_571, %parallel_loop3A_572] {strides = array<i32>} : memref<2x4x8x128xf32, #tpu.memory_space<vmem>>, vector<16xf32>,
        tpu.vector_store %arg11[%parallel_loop3A_569, %parallel_loop3A_570, %parallel_loop3A_571, %parallel_loop3A_572], %parallel_loop3A_566 {strides = array<i32>} : memref<2x4x8x128xf32, #tpu.memory_space<vmem>>, vector<16xf32>,
        %parallel_loop3A_574 = vector.broadcast %parallel_loop3A_528 : i32 to vector<16xi32>
        %parallel_loop3A_575 = arith.addi %get3A_406, %parallel_loop3A_574 : vector<16xi32>
        %parallel_loop3A_576 = arith.constant 0 : i32
        %parallel_loop3A_577 = arith.constant 0 : i32
        %parallel_loop3A_578 = arith.constant 0 : i32
        %parallel_loop3A_579 = tpu.memref_slice %arg10[%parallel_loop3A_576, %parallel_loop3A_577, %parallel_loop3A_578] : memref<2x128x128xf32, #tpu.memory_space<vmem>> -> memref<1x128x128xf32, #tpu.memory_space<vmem>>
        %parallel_loop3A_580 = tpu.memref_squeeze %parallel_loop3A_579 : memref<1x128x128xf32, #tpu.memory_space<vmem>> -> memref<128x128xf32, #tpu.memory_space<vmem>>
        %parallel_loop3A_581 = tpu.vector_load_idx %parallel_loop3A_580[%add3A_30, %parallel_loop3A_575] : memref<128x128xf32, #tpu.memory_space<vmem>>[vector<16xi32>, vector<16xi32>], vector<16xf32>,
        %parallel_loop3A_582 = arith.constant 0 : i32
        %parallel_loop3A_583 = arith.constant 3 : i32
        %parallel_loop3A_584 = arith.index_cast %parallel_loop3A_582 : i32 to index
        %parallel_loop3A_585 = arith.index_cast %parallel_loop3A_583 : i32 to index
        %parallel_loop3A_586 = arith.index_cast %parallel_loop3A_526 : i32 to index
        %parallel_loop3A_587 = arith.constant 48 : index
        %parallel_loop3A_588 = tpu.vector_load %arg11[%parallel_loop3A_584, %parallel_loop3A_585, %parallel_loop3A_586, %parallel_loop3A_587] {strides = array<i32>} : memref<2x4x8x128xf32, #tpu.memory_space<vmem>>, vector<16xf32>,
        tpu.vector_store %arg11[%parallel_loop3A_584, %parallel_loop3A_585, %parallel_loop3A_586, %parallel_loop3A_587], %parallel_loop3A_581 {strides = array<i32>} : memref<2x4x8x128xf32, #tpu.memory_space<vmem>>, vector<16xf32>,
        %parallel_loop3A_589 = vector.broadcast %parallel_loop3A_528 : i32 to vector<16xi32>
        %parallel_loop3A_590 = arith.addi %get3A_408, %parallel_loop3A_589 : vector<16xi32>
        %parallel_loop3A_591 = arith.constant 0 : i32
        %parallel_loop3A_592 = arith.constant 0 : i32
        %parallel_loop3A_593 = arith.constant 0 : i32
        %parallel_loop3A_594 = tpu.memref_slice %arg10[%parallel_loop3A_591, %parallel_loop3A_592, %parallel_loop3A_593] : memref<2x128x128xf32, #tpu.memory_space<vmem>> -> memref<1x128x128xf32, #tpu.memory_space<vmem>>
        %parallel_loop3A_595 = tpu.memref_squeeze %parallel_loop3A_594 : memref<1x128x128xf32, #tpu.memory_space<vmem>> -> memref<128x128xf32, #tpu.memory_space<vmem>>
        %parallel_loop3A_596 = tpu.vector_load_idx %parallel_loop3A_595[%add3A_36, %parallel_loop3A_590] : memref<128x128xf32, #tpu.memory_space<vmem>>[vector<16xi32>, vector<16xi32>], vector<16xf32>,
        %parallel_loop3A_597 = arith.constant 0 : i32
        %parallel_loop3A_598 = arith.constant 3 : i32
        %parallel_loop3A_599 = arith.index_cast %parallel_loop3A_597 : i32 to index
        %parallel_loop3A_600 = arith.index_cast %parallel_loop3A_598 : i32 to index
        %parallel_loop3A_601 = arith.index_cast %parallel_loop3A_526 : i32 to index
        %parallel_loop3A_602 = arith.constant 64 : index
        %parallel_loop3A_603 = tpu.vector_load %arg11[%parallel_loop3A_599, %parallel_loop3A_600, %parallel_loop3A_601, %parallel_loop3A_602] {strides = array<i32>} : memref<2x4x8x128xf32, #tpu.memory_space<vmem>>, vector<16xf32>,
        tpu.vector_store %arg11[%parallel_loop3A_599, %parallel_loop3A_600, %parallel_loop3A_601, %parallel_loop3A_602], %parallel_loop3A_596 {strides = array<i32>} : memref<2x4x8x128xf32, #tpu.memory_space<vmem>>, vector<16xf32>,
        %parallel_loop3A_604 = vector.broadcast %parallel_loop3A_528 : i32 to vector<16xi32>
        %parallel_loop3A_605 = arith.addi %get3A_410, %parallel_loop3A_604 : vector<16xi32>
        %parallel_loop3A_606 = arith.constant 0 : i32
        %parallel_loop3A_607 = arith.constant 0 : i32
        %parallel_loop3A_608 = arith.constant 0 : i32
        %parallel_loop3A_609 = tpu.memref_slice %arg10[%parallel_loop3A_606, %parallel_loop3A_607, %parallel_loop3A_608] : memref<2x128x128xf32, #tpu.memory_space<vmem>> -> memref<1x128x128xf32, #tpu.memory_space<vmem>>
        %parallel_loop3A_610 = tpu.memref_squeeze %parallel_loop3A_609 : memref<1x128x128xf32, #tpu.memory_space<vmem>> -> memref<128x128xf32, #tpu.memory_space<vmem>>
        %parallel_loop3A_611 = tpu.vector_load_idx %parallel_loop3A_610[%add3A_42, %parallel_loop3A_605] : memref<128x128xf32, #tpu.memory_space<vmem>>[vector<16xi32>, vector<16xi32>], vector<16xf32>,
        %parallel_loop3A_612 = arith.constant 0 : i32
        %parallel_loop3A_613 = arith.constant 3 : i32
        %parallel_loop3A_614 = arith.index_cast %parallel_loop3A_612 : i32 to index
        %parallel_loop3A_615 = arith.index_cast %parallel_loop3A_613 : i32 to index
        %parallel_loop3A_616 = arith.index_cast %parallel_loop3A_526 : i32 to index
        %parallel_loop3A_617 = arith.constant 80 : index
        %parallel_loop3A_618 = tpu.vector_load %arg11[%parallel_loop3A_614, %parallel_loop3A_615, %parallel_loop3A_616, %parallel_loop3A_617] {strides = array<i32>} : memref<2x4x8x128xf32, #tpu.memory_space<vmem>>, vector<16xf32>,
        tpu.vector_store %arg11[%parallel_loop3A_614, %parallel_loop3A_615, %parallel_loop3A_616, %parallel_loop3A_617], %parallel_loop3A_611 {strides = array<i32>} : memref<2x4x8x128xf32, #tpu.memory_space<vmem>>, vector<16xf32>,
        %parallel_loop3A_619 = vector.broadcast %parallel_loop3A_528 : i32 to vector<16xi32>
        %parallel_loop3A_620 = arith.addi %get3A_412, %parallel_loop3A_619 : vector<16xi32>
        %parallel_loop3A_621 = arith.constant 0 : i32
        %parallel_loop3A_622 = arith.constant 0 : i32
        %parallel_loop3A_623 = arith.constant 0 : i32
        %parallel_loop3A_624 = tpu.memref_slice %arg10[%parallel_loop3A_621, %parallel_loop3A_622, %parallel_loop3A_623] : memref<2x128x128xf32, #tpu.memory_space<vmem>> -> memref<1x128x128xf32, #tpu.memory_space<vmem>>
        %parallel_loop3A_625 = tpu.memref_squeeze %parallel_loop3A_624 : memref<1x128x128xf32, #tpu.memory_space<vmem>> -> memref<128x128xf32, #tpu.memory_space<vmem>>
        %parallel_loop3A_626 = tpu.vector_load_idx %parallel_loop3A_625[%add3A_48, %parallel_loop3A_620] : memref<128x128xf32, #tpu.memory_space<vmem>>[vector<16xi32>, vector<16xi32>], vector<16xf32>,
        %parallel_loop3A_627 = arith.constant 0 : i32
        %parallel_loop3A_628 = arith.constant 3 : i32
        %parallel_loop3A_629 = arith.index_cast %parallel_loop3A_627 : i32 to index
        %parallel_loop3A_630 = arith.index_cast %parallel_loop3A_628 : i32 to index
        %parallel_loop3A_631 = arith.index_cast %parallel_loop3A_526 : i32 to index
        %parallel_loop3A_632 = arith.constant 96 : index
        %parallel_loop3A_633 = tpu.vector_load %arg11[%parallel_loop3A_629, %parallel_loop3A_630, %parallel_loop3A_631, %parallel_loop3A_632] {strides = array<i32>} : memref<2x4x8x128xf32, #tpu.memory_space<vmem>>, vector<16xf32>,
        tpu.vector_store %arg11[%parallel_loop3A_629, %parallel_loop3A_630, %parallel_loop3A_631, %parallel_loop3A_632], %parallel_loop3A_626 {strides = array<i32>} : memref<2x4x8x128xf32, #tpu.memory_space<vmem>>, vector<16xf32>,
        %parallel_loop3A_634 = vector.broadcast %parallel_loop3A_528 : i32 to vector<16xi32>
        %parallel_loop3A_635 = arith.addi %get3A_414, %parallel_loop3A_634 : vector<16xi32>
        %parallel_loop3A_636 = arith.constant 0 : i32
        %parallel_loop3A_637 = arith.constant 0 : i32
        %parallel_loop3A_638 = arith.constant 0 : i32
        %parallel_loop3A_639 = tpu.memref_slice %arg10[%parallel_loop3A_636, %parallel_loop3A_637, %parallel_loop3A_638] : memref<2x128x128xf32, #tpu.memory_space<vmem>> -> memref<1x128x128xf32, #tpu.memory_space<vmem>>
        %parallel_loop3A_640 = tpu.memref_squeeze %parallel_loop3A_639 : memref<1x128x128xf32, #tpu.memory_space<vmem>> -> memref<128x128xf32, #tpu.memory_space<vmem>>
        %parallel_loop3A_641 = tpu.vector_load_idx %parallel_loop3A_640[%add3A_54, %parallel_loop3A_635] : memref<128x128xf32, #tpu.memory_space<vmem>>[vector<16xi32>, vector<16xi32>], vector<16xf32>,
        %parallel_loop3A_642 = arith.constant 0 : i32
        %parallel_loop3A_643 = arith.constant 3 : i32
        %parallel_loop3A_644 = arith.index_cast %parallel_loop3A_642 : i32 to index
        %parallel_loop3A_645 = arith.index_cast %parallel_loop3A_643 : i32 to index
        %parallel_loop3A_646 = arith.index_cast %parallel_loop3A_526 : i32 to index
        %parallel_loop3A_647 = arith.constant 112 : index
        %parallel_loop3A_648 = tpu.vector_load %arg11[%parallel_loop3A_644, %parallel_loop3A_645, %parallel_loop3A_646, %parallel_loop3A_647] {strides = array<i32>} : memref<2x4x8x128xf32, #tpu.memory_space<vmem>>, vector<16xf32>,
        tpu.vector_store %arg11[%parallel_loop3A_644, %parallel_loop3A_645, %parallel_loop3A_646, %parallel_loop3A_647], %parallel_loop3A_641 {strides = array<i32>} : memref<2x4x8x128xf32, #tpu.memory_space<vmem>>, vector<16xf32>,
      } {sc.loop_unroll_factor = 4 : i64, sc.parallel_access}
      %dma_start3A_426 = arith.constant 0 : i32
      %dma_start3A_427 = arith.constant 0 : i32
      %dma_start3A_428 = arith.constant 0 : i32
      %dma_start3A_429 = arith.constant 0 : i32
      %dma_start3A_430 = tpu.memref_slice %arg11[%dma_start3A_426, %dma_start3A_427, %dma_start3A_428, %dma_start3A_429] : memref<2x4x8x128xf32, #tpu.memory_space<vmem>> -> memref<1x4x8x128xf32, #tpu.memory_space<vmem>>
      %dma_start3A_431 = tpu.memref_squeeze %dma_start3A_430 : memref<1x4x8x128xf32, #tpu.memory_space<vmem>> -> memref<4x8x128xf32, #tpu.memory_space<vmem>>
      %dma_start3A_432 = arith.constant 0 : i32
      %dma_start3A_433 = arith.constant 0 : i32
      %dma_start3A_434 = arith.constant 0 : i32
      %dma_start3A_435 = tpu.memref_slice %arg4[%add3A_389, %dma_start3A_432, %add3A, %dma_start3A_433, %dma_start3A_434] : memref<50x4x32x8x128xf32, #tpu.memory_space<hbm>> -> memref<1x4x1x8x128xf32, #tpu.memory_space<hbm>>
      %dma_start3A_436 = tpu.memref_squeeze %dma_start3A_435 : memref<1x4x1x8x128xf32, #tpu.memory_space<hbm>> -> memref<4x8x128xf32, #tpu.memory_space<hbm>>
      %dma_start3A_437 = arith.constant 0 : i32
      %dma_start3A_438 = arith.constant 0 : i32
      %dma_start3A_439 = arith.constant 0 : i32
      %dma_start3A_440 = tpu.memref_slice %arg4[%add3A_389, %dma_start3A_437, %add3A, %dma_start3A_438, %dma_start3A_439] : memref<50x4x32x8x128xf32, #tpu.memory_space<hbm>> -> memref<1x4x1x8x128xf32, #tpu.memory_space<hbm>>
      %dma_start3A_441 = tpu.memref_squeeze %dma_start3A_440 : memref<1x4x1x8x128xf32, #tpu.memory_space<hbm>> -> memref<4x8x128xf32, #tpu.memory_space<hbm>>
      %dma_start3A_442 = arith.constant 0 : i32
      %dma_start3A_443 = arith.constant 0 : i32
      %dma_start3A_444 = arith.constant 0 : i32
      %dma_start3A_445 = tpu.memref_slice %arg11[%dma_start3A_426, %dma_start3A_442, %dma_start3A_443, %dma_start3A_444] : memref<2x4x8x128xf32, #tpu.memory_space<vmem>> -> memref<1x4x8x128xf32, #tpu.memory_space<vmem>>
      %dma_start3A_446 = tpu.memref_squeeze %dma_start3A_445 : memref<1x4x8x128xf32, #tpu.memory_space<vmem>> -> memref<4x8x128xf32, #tpu.memory_space<vmem>>
      tpu.enqueue_dma source(%dma_start3A_446 : memref<4x8x128xf32, #tpu.memory_space<vmem>>) target(%dma_start3A_441 : memref<4x8x128xf32, #tpu.memory_space<hbm>>) target_semaphore(%arg14 : memref<!tpu.dma_semaphore, #tpu.memory_space<semaphore_mem>>)
      %add3A_447 = arith.constant 2 : i32
      %add3A_448 = arith.addi %add3A_389, %add3A_447 : i32
      %lt3A = arith.constant 50 : i32
      %lt3A_449 = arith.cmpi slt, %add3A_448, %lt3A : i32
      %convert_element_type3A_450 = arith.extui %lt3A_449 : i1 to i32
      %cond3A_451 = arith.constant 0 : i32
      %cond3A_452 = arith.cmpi ne, %convert_element_type3A_450, %cond3A_451 : i32
      scf.if %cond3A_452 {
        %add3A_526 = arith.constant 2 : i32
        %add3A_527 = arith.addi %add3A_389, %add3A_526 : i32
        %add3A_528 = arith.constant 0 : i32
        %add3A_529 = arith.addi %add3A_528, %add3A_527 : i32
        %add3A_530 = vector.broadcast %add3A_529 : i32 to vector<16xi32>
        %add3A_531 = arith.addi %mul3A_7, %add3A_530 : vector<16xi32>
        %gather3A_532 = tpu.vector_load_idx %arg5[%add3A_531] : memref<6400xi32, #tpu.memory_space<vmem>>[vector<16xi32>], vector<16xi32>,
        %shift_right_logical3A_533 = arith.constant 2 : i32
        %shift_right_logical3A_534 = vector.broadcast %shift_right_logical3A_533 : i32 to vector<16xi32>
        %shift_right_logical3A_535 = arith.shrui %gather3A_532, %shift_right_logical3A_534 : vector<16xi32>
        %swap3A_536 = arith.constant 0 : index
        %swap3A_537 = tpu.vector_load %arg6[%swap3A_536] {strides = array<i32>} : memref<128xi32, #tpu.memory_space<vmem>>, vector<16xi32>,
        tpu.vector_store %arg6[%swap3A_536], %shift_right_logical3A_535 {strides = array<i32>} : memref<128xi32, #tpu.memory_space<vmem>>, vector<16xi32>,
        %and3A_538 = arith.constant 3 : i32
        %and3A_539 = vector.broadcast %and3A_538 : i32 to vector<16xi32>
        %and3A_540 = arith.andi %gather3A_532, %and3A_539 : vector<16xi32>
        %shift_left3A_541 = arith.constant 5 : i32
        %shift_left3A_542 = vector.broadcast %shift_left3A_541 : i32 to vector<16xi32>
        %shift_left3A_543 = arith.shli %and3A_540, %shift_left3A_542 : vector<16xi32>
        %swap3A_544 = arith.constant 0 : index
        %swap3A_545 = tpu.vector_load %arg8[%swap3A_544] {strides = array<i32>} : memref<128xi32, #tpu.memory_space<vmem>>, vector<16xi32>,
        tpu.vector_store %arg8[%swap3A_544], %shift_left3A_543 {strides = array<i32>} : memref<128xi32, #tpu.memory_space<vmem>>, vector<16xi32>,
        %add3A_546 = arith.constant 800 : i32
        %add3A_547 = arith.addi %add3A_546, %add3A_527 : i32
        %add3A_548 = vector.broadcast %add3A_547 : i32 to vector<16xi32>
        %add3A_549 = arith.addi %mul3A_7, %add3A_548 : vector<16xi32>
        %gather3A_550 = tpu.vector_load_idx %arg5[%add3A_549] : memref<6400xi32, #tpu.memory_space<vmem>>[vector<16xi32>], vector<16xi32>,
        %shift_right_logical3A_551 = arith.constant 2 : i32
        %shift_right_logical3A_552 = vector.broadcast %shift_right_logical3A_551 : i32 to vector<16xi32>
        %shift_right_logical3A_553 = arith.shrui %gather3A_550, %shift_right_logical3A_552 : vector<16xi32>
        %swap3A_554 = arith.constant 16 : index
        %swap3A_555 = tpu.vector_load %arg6[%swap3A_554] {strides = array<i32>} : memref<128xi32, #tpu.memory_space<vmem>>, vector<16xi32>,
        tpu.vector_store %arg6[%swap3A_554], %shift_right_logical3A_553 {strides = array<i32>} : memref<128xi32, #tpu.memory_space<vmem>>, vector<16xi32>,
        %and3A_556 = arith.constant 3 : i32
        %and3A_557 = vector.broadcast %and3A_556 : i32 to vector<16xi32>
        %and3A_558 = arith.andi %gather3A_550, %and3A_557 : vector<16xi32>
        %shift_left3A_559 = arith.constant 5 : i32
        %shift_left3A_560 = vector.broadcast %shift_left3A_559 : i32 to vector<16xi32>
        %shift_left3A_561 = arith.shli %and3A_558, %shift_left3A_560 : vector<16xi32>
        %swap3A_562 = arith.constant 16 : index
        %swap3A_563 = tpu.vector_load %arg8[%swap3A_562] {strides = array<i32>} : memref<128xi32, #tpu.memory_space<vmem>>, vector<16xi32>,
        tpu.vector_store %arg8[%swap3A_562], %shift_left3A_561 {strides = array<i32>} : memref<128xi32, #tpu.memory_space<vmem>>, vector<16xi32>,
        %add3A_564 = arith.constant 1600 : i32
        %add3A_565 = arith.addi %add3A_564, %add3A_527 : i32
        %add3A_566 = vector.broadcast %add3A_565 : i32 to vector<16xi32>
        %add3A_567 = arith.addi %mul3A_7, %add3A_566 : vector<16xi32>
        %gather3A_568 = tpu.vector_load_idx %arg5[%add3A_567] : memref<6400xi32, #tpu.memory_space<vmem>>[vector<16xi32>], vector<16xi32>,
        %shift_right_logical3A_569 = arith.constant 2 : i32
        %shift_right_logical3A_570 = vector.broadcast %shift_right_logical3A_569 : i32 to vector<16xi32>
        %shift_right_logical3A_571 = arith.shrui %gather3A_568, %shift_right_logical3A_570 : vector<16xi32>
        %swap3A_572 = arith.constant 32 : index
        %swap3A_573 = tpu.vector_load %arg6[%swap3A_572] {strides = array<i32>} : memref<128xi32, #tpu.memory_space<vmem>>, vector<16xi32>,
        tpu.vector_store %arg6[%swap3A_572], %shift_right_logical3A_571 {strides = array<i32>} : memref<128xi32, #tpu.memory_space<vmem>>, vector<16xi32>,
        %and3A_574 = arith.constant 3 : i32
        %and3A_575 = vector.broadcast %and3A_574 : i32 to vector<16xi32>
        %and3A_576 = arith.andi %gather3A_568, %and3A_575 : vector<16xi32>
        %shift_left3A_577 = arith.constant 5 : i32
        %shift_left3A_578 = vector.broadcast %shift_left3A_577 : i32 to vector<16xi32>
        %shift_left3A_579 = arith.shli %and3A_576, %shift_left3A_578 : vector<16xi32>
        %swap3A_580 = arith.constant 32 : index
        %swap3A_581 = tpu.vector_load %arg8[%swap3A_580] {strides = array<i32>} : memref<128xi32, #tpu.memory_space<vmem>>, vector<16xi32>,
        tpu.vector_store %arg8[%swap3A_580], %shift_left3A_579 {strides = array<i32>} : memref<128xi32, #tpu.memory_space<vmem>>, vector<16xi32>,
        %add3A_582 = arith.constant 2400 : i32
        %add3A_583 = arith.addi %add3A_582, %add3A_527 : i32
        %add3A_584 = vector.broadcast %add3A_583 : i32 to vector<16xi32>
        %add3A_585 = arith.addi %mul3A_7, %add3A_584 : vector<16xi32>
        %gather3A_586 = tpu.vector_load_idx %arg5[%add3A_585] : memref<6400xi32, #tpu.memory_space<vmem>>[vector<16xi32>], vector<16xi32>,
        %shift_right_logical3A_587 = arith.constant 2 : i32
        %shift_right_logical3A_588 = vector.broadcast %shift_right_logical3A_587 : i32 to vector<16xi32>
        %shift_right_logical3A_589 = arith.shrui %gather3A_586, %shift_right_logical3A_588 : vector<16xi32>
        %swap3A_590 = arith.constant 48 : index
        %swap3A_591 = tpu.vector_load %arg6[%swap3A_590] {strides = array<i32>} : memref<128xi32, #tpu.memory_space<vmem>>, vector<16xi32>,
        tpu.vector_store %arg6[%swap3A_590], %shift_right_logical3A_589 {strides = array<i32>} : memref<128xi32, #tpu.memory_space<vmem>>, vector<16xi32>,
        %and3A_592 = arith.constant 3 : i32
        %and3A_593 = vector.broadcast %and3A_592 : i32 to vector<16xi32>
        %and3A_594 = arith.andi %gather3A_586, %and3A_593 : vector<16xi32>
        %shift_left3A_595 = arith.constant 5 : i32
        %shift_left3A_596 = vector.broadcast %shift_left3A_595 : i32 to vector<16xi32>
        %shift_left3A_597 = arith.shli %and3A_594, %shift_left3A_596 : vector<16xi32>
        %swap3A_598 = arith.constant 48 : index
        %swap3A_599 = tpu.vector_load %arg8[%swap3A_598] {strides = array<i32>} : memref<128xi32, #tpu.memory_space<vmem>>, vector<16xi32>,
        tpu.vector_store %arg8[%swap3A_598], %shift_left3A_597 {strides = array<i32>} : memref<128xi32, #tpu.memory_space<vmem>>, vector<16xi32>,
        %add3A_600 = arith.constant 3200 : i32
        %add3A_601 = arith.addi %add3A_600, %add3A_527 : i32
        %add3A_602 = vector.broadcast %add3A_601 : i32 to vector<16xi32>
        %add3A_603 = arith.addi %mul3A_7, %add3A_602 : vector<16xi32>
        %gather3A_604 = tpu.vector_load_idx %arg5[%add3A_603] : memref<6400xi32, #tpu.memory_space<vmem>>[vector<16xi32>], vector<16xi32>,
        %shift_right_logical3A_605 = arith.constant 2 : i32
        %shift_right_logical3A_606 = vector.broadcast %shift_right_logical3A_605 : i32 to vector<16xi32>
        %shift_right_logical3A_607 = arith.shrui %gather3A_604, %shift_right_logical3A_606 : vector<16xi32>
        %swap3A_608 = arith.constant 64 : index
        %swap3A_609 = tpu.vector_load %arg6[%swap3A_608] {strides = array<i32>} : memref<128xi32, #tpu.memory_space<vmem>>, vector<16xi32>,
        tpu.vector_store %arg6[%swap3A_608], %shift_right_logical3A_607 {strides = array<i32>} : memref<128xi32, #tpu.memory_space<vmem>>, vector<16xi32>,
        %and3A_610 = arith.constant 3 : i32
        %and3A_611 = vector.broadcast %and3A_610 : i32 to vector<16xi32>
        %and3A_612 = arith.andi %gather3A_604, %and3A_611 : vector<16xi32>
        %shift_left3A_613 = arith.constant 5 : i32
        %shift_left3A_614 = vector.broadcast %shift_left3A_613 : i32 to vector<16xi32>
        %shift_left3A_615 = arith.shli %and3A_612, %shift_left3A_614 : vector<16xi32>
        %swap3A_616 = arith.constant 64 : index
        %swap3A_617 = tpu.vector_load %arg8[%swap3A_616] {strides = array<i32>} : memref<128xi32, #tpu.memory_space<vmem>>, vector<16xi32>,
        tpu.vector_store %arg8[%swap3A_616], %shift_left3A_615 {strides = array<i32>} : memref<128xi32, #tpu.memory_space<vmem>>, vector<16xi32>,
        %add3A_618 = arith.constant 4000 : i32
        %add3A_619 = arith.addi %add3A_618, %add3A_527 : i32
        %add3A_620 = vector.broadcast %add3A_619 : i32 to vector<16xi32>
        %add3A_621 = arith.addi %mul3A_7, %add3A_620 : vector<16xi32>
        %gather3A_622 = tpu.vector_load_idx %arg5[%add3A_621] : memref<6400xi32, #tpu.memory_space<vmem>>[vector<16xi32>], vector<16xi32>,
        %shift_right_logical3A_623 = arith.constant 2 : i32
        %shift_right_logical3A_624 = vector.broadcast %shift_right_logical3A_623 : i32 to vector<16xi32>
        %shift_right_logical3A_625 = arith.shrui %gather3A_622, %shift_right_logical3A_624 : vector<16xi32>
        %swap3A_626 = arith.constant 80 : index
        %swap3A_627 = tpu.vector_load %arg6[%swap3A_626] {strides = array<i32>} : memref<128xi32, #tpu.memory_space<vmem>>, vector<16xi32>,
        tpu.vector_store %arg6[%swap3A_626], %shift_right_logical3A_625 {strides = array<i32>} : memref<128xi32, #tpu.memory_space<vmem>>, vector<16xi32>,
        %and3A_628 = arith.constant 3 : i32
        %and3A_629 = vector.broadcast %and3A_628 : i32 to vector<16xi32>
        %and3A_630 = arith.andi %gather3A_622, %and3A_629 : vector<16xi32>
        %shift_left3A_631 = arith.constant 5 : i32
        %shift_left3A_632 = vector.broadcast %shift_left3A_631 : i32 to vector<16xi32>
        %shift_left3A_633 = arith.shli %and3A_630, %shift_left3A_632 : vector<16xi32>
        %swap3A_634 = arith.constant 80 : index
        %swap3A_635 = tpu.vector_load %arg8[%swap3A_634] {strides = array<i32>} : memref<128xi32, #tpu.memory_space<vmem>>, vector<16xi32>,
        tpu.vector_store %arg8[%swap3A_634], %shift_left3A_633 {strides = array<i32>} : memref<128xi32, #tpu.memory_space<vmem>>, vector<16xi32>,
        %add3A_636 = arith.constant 4800 : i32
        %add3A_637 = arith.addi %add3A_636, %add3A_527 : i32
        %add3A_638 = vector.broadcast %add3A_637 : i32 to vector<16xi32>
        %add3A_639 = arith.addi %mul3A_7, %add3A_638 : vector<16xi32>
        %gather3A_640 = tpu.vector_load_idx %arg5[%add3A_639] : memref<6400xi32, #tpu.memory_space<vmem>>[vector<16xi32>], vector<16xi32>,
        %shift_right_logical3A_641 = arith.constant 2 : i32
        %shift_right_logical3A_642 = vector.broadcast %shift_right_logical3A_641 : i32 to vector<16xi32>
        %shift_right_logical3A_643 = arith.shrui %gather3A_640, %shift_right_logical3A_642 : vector<16xi32>
        %swap3A_644 = arith.constant 96 : index
        %swap3A_645 = tpu.vector_load %arg6[%swap3A_644] {strides = array<i32>} : memref<128xi32, #tpu.memory_space<vmem>>, vector<16xi32>,
        tpu.vector_store %arg6[%swap3A_644], %shift_right_logical3A_643 {strides = array<i32>} : memref<128xi32, #tpu.memory_space<vmem>>, vector<16xi32>,
        %and3A_646 = arith.constant 3 : i32
        %and3A_647 = vector.broadcast %and3A_646 : i32 to vector<16xi32>
        %and3A_648 = arith.andi %gather3A_640, %and3A_647 : vector<16xi32>
        %shift_left3A_649 = arith.constant 5 : i32
        %shift_left3A_650 = vector.broadcast %shift_left3A_649 : i32 to vector<16xi32>
        %shift_left3A_651 = arith.shli %and3A_648, %shift_left3A_650 : vector<16xi32>
        %swap3A_652 = arith.constant 96 : index
        %swap3A_653 = tpu.vector_load %arg8[%swap3A_652] {strides = array<i32>} : memref<128xi32, #tpu.memory_space<vmem>>, vector<16xi32>,
        tpu.vector_store %arg8[%swap3A_652], %shift_left3A_651 {strides = array<i32>} : memref<128xi32, #tpu.memory_space<vmem>>, vector<16xi32>,
        %add3A_654 = arith.constant 5600 : i32
        %add3A_655 = arith.addi %add3A_654, %add3A_527 : i32
        %add3A_656 = vector.broadcast %add3A_655 : i32 to vector<16xi32>
        %add3A_657 = arith.addi %mul3A_7, %add3A_656 : vector<16xi32>
        %gather3A_658 = tpu.vector_load_idx %arg5[%add3A_657] : memref<6400xi32, #tpu.memory_space<vmem>>[vector<16xi32>], vector<16xi32>,
        %shift_right_logical3A_659 = arith.constant 2 : i32
        %shift_right_logical3A_660 = vector.broadcast %shift_right_logical3A_659 : i32 to vector<16xi32>
        %shift_right_logical3A_661 = arith.shrui %gather3A_658, %shift_right_logical3A_660 : vector<16xi32>
        %swap3A_662 = arith.constant 112 : index
        %swap3A_663 = tpu.vector_load %arg6[%swap3A_662] {strides = array<i32>} : memref<128xi32, #tpu.memory_space<vmem>>, vector<16xi32>,
        tpu.vector_store %arg6[%swap3A_662], %shift_right_logical3A_661 {strides = array<i32>} : memref<128xi32, #tpu.memory_space<vmem>>, vector<16xi32>,
        %and3A_664 = arith.constant 3 : i32
        %and3A_665 = vector.broadcast %and3A_664 : i32 to vector<16xi32>
        %and3A_666 = arith.andi %gather3A_658, %and3A_665 : vector<16xi32>
        %shift_left3A_667 = arith.constant 5 : i32
        %shift_left3A_668 = vector.broadcast %shift_left3A_667 : i32 to vector<16xi32>
        %shift_left3A_669 = arith.shli %and3A_666, %shift_left3A_668 : vector<16xi32>
        %swap3A_670 = arith.constant 112 : index
        %swap3A_671 = tpu.vector_load %arg8[%swap3A_670] {strides = array<i32>} : memref<128xi32, #tpu.memory_space<vmem>>, vector<16xi32>,
        tpu.vector_store %arg8[%swap3A_670], %shift_left3A_669 {strides = array<i32>} : memref<128xi32, #tpu.memory_space<vmem>>, vector<16xi32>,
        %dma_start3A_672 = arith.constant 0 : i32
        %dma_start3A_673 = arith.constant 0 : i32
        %dma_start3A_674 = arith.constant 0 : i32
        %dma_start3A_675 = tpu.memref_slice %arg10[%dma_start3A_672, %dma_start3A_673, %dma_start3A_674] : memref<2x128x128xf32, #tpu.memory_space<vmem>> -> memref<1x128x128xf32, #tpu.memory_space<vmem>>
        %dma_start3A_676 = tpu.memref_squeeze %dma_start3A_675 : memref<1x128x128xf32, #tpu.memory_space<vmem>> -> memref<128x128xf32, #tpu.memory_space<vmem>>
        %dma_start3A_677 = arith.constant 0 : i32
        %dma_start3A_678 = arith.constant 0 : i32
        %dma_start3A_679 = tpu.memref_slice %arg2[%dma_start3A_677, %dma_start3A_678] : memref<250000x128xf32, #tpu.memory_space<hbm>> -> memref<250000x128xf32, #tpu.memory_space<hbm>>
        tpu.enqueue_indirect_dma source(%dma_start3A_679 : memref<250000x128xf32, #tpu.memory_space<hbm>>) target(%dma_start3A_676 : memref<128x128xf32, #tpu.memory_space<vmem>>) offsets(%arg6 : memref<128xi32, #tpu.memory_space<vmem>>) semaphore(%arg12 : memref<!tpu.dma_semaphore, #tpu.memory_space<semaphore_mem>>)
      } else {
      }
      %mul3A_453 = arith.constant 2 : i32
      %mul3A_454 = arith.muli %mul3A_453, %scan3A_385 : i32
      %add3A_455 = arith.constant 1 : i32
      %add3A_456 = arith.addi %mul3A_454, %add3A_455 : i32
      %dma_wait3A_457 = arith.constant 1 : i32
      %dma_wait3A_458 = arith.constant 0 : i32
      %dma_wait3A_459 = arith.constant 0 : i32
      %dma_wait3A_460 = tpu.memref_slice %arg10[%dma_wait3A_457, %dma_wait3A_458, %dma_wait3A_459] : memref<2x128x128xf32, #tpu.memory_space<vmem>> -> memref<1x128x128xf32, #tpu.memory_space<vmem>>
      %dma_wait3A_461 = tpu.memref_squeeze %dma_wait3A_460 : memref<1x128x128xf32, #tpu.memory_space<vmem>> -> memref<128x128xf32, #tpu.memory_space<vmem>>
      %dma_wait3A_462 = arith.constant 0 : i32
      %dma_wait3A_463 = arith.constant 0 : i32
      %dma_wait3A_464 = tpu.memref_slice %arg2[%dma_wait3A_462, %dma_wait3A_463] : memref<250000x128xf32, #tpu.memory_space<hbm>> -> memref<250000x128xf32, #tpu.memory_space<hbm>>
      tpu.wait_indirect_dma semaphore(%arg13 : memref<!tpu.dma_semaphore, #tpu.memory_space<semaphore_mem>>) src(%dma_wait3A_464 : memref<250000x128xf32, #tpu.memory_space<hbm>>) dst(%dma_wait3A_461 : memref<128x128xf32, #tpu.memory_space<vmem>>)
      %gt3A_465 = arith.constant 0 : i32
      %gt3A_466 = arith.cmpi sgt, %scan3A_385, %gt3A_465 : i32
      %convert_element_type3A_467 = arith.extui %gt3A_466 : i1 to i32
      %cond3A_468 = arith.constant 0 : i32
      %cond3A_469 = arith.cmpi ne, %convert_element_type3A_467, %cond3A_468 : i32
      scf.if %cond3A_469 {
        %dma_wait3A_526 = arith.constant 1 : i32
        %dma_wait3A_527 = arith.constant 0 : i32
        %dma_wait3A_528 = arith.constant 0 : i32
        %dma_wait3A_529 = arith.constant 0 : i32
        %dma_wait3A_530 = tpu.memref_slice %arg11[%dma_wait3A_526, %dma_wait3A_527, %dma_wait3A_528, %dma_wait3A_529] : memref<2x4x8x128xf32, #tpu.memory_space<vmem>> -> memref<1x4x8x128xf32, #tpu.memory_space<vmem>>
        %dma_wait3A_531 = tpu.memref_squeeze %dma_wait3A_530 : memref<1x4x8x128xf32, #tpu.memory_space<vmem>> -> memref<4x8x128xf32, #tpu.memory_space<vmem>>
        %dma_wait3A_532 = arith.constant 0 : i32
        %dma_wait3A_533 = arith.constant 0 : i32
        %dma_wait3A_534 = arith.constant 0 : i32
        %dma_wait3A_535 = tpu.memref_slice %arg4[%add3A_456, %dma_wait3A_532, %add3A, %dma_wait3A_533, %dma_wait3A_534] : memref<50x4x32x8x128xf32, #tpu.memory_space<hbm>> -> memref<1x4x1x8x128xf32, #tpu.memory_space<hbm>>
        %dma_wait3A_536 = tpu.memref_squeeze %dma_wait3A_535 : memref<1x4x1x8x128xf32, #tpu.memory_space<hbm>> -> memref<4x8x128xf32, #tpu.memory_space<hbm>>
        %dma_wait3A_537 = arith.constant 0 : i32
        %dma_wait3A_538 = arith.constant 0 : i32
        %dma_wait3A_539 = arith.constant 0 : i32
        %dma_wait3A_540 = tpu.memref_slice %arg4[%add3A_456, %dma_wait3A_537, %add3A, %dma_wait3A_538, %dma_wait3A_539] : memref<50x4x32x8x128xf32, #tpu.memory_space<hbm>> -> memref<1x4x1x8x128xf32, #tpu.memory_space<hbm>>
        %dma_wait3A_541 = tpu.memref_squeeze %dma_wait3A_540 : memref<1x4x1x8x128xf32, #tpu.memory_space<hbm>> -> memref<4x8x128xf32, #tpu.memory_space<hbm>>
        %dma_wait3A_542 = arith.constant 0 : i32
        %dma_wait3A_543 = arith.constant 0 : i32
        %dma_wait3A_544 = arith.constant 0 : i32
        %dma_wait3A_545 = tpu.memref_slice %arg11[%dma_wait3A_526, %dma_wait3A_542, %dma_wait3A_543, %dma_wait3A_544] : memref<2x4x8x128xf32, #tpu.memory_space<vmem>> -> memref<1x4x8x128xf32, #tpu.memory_space<vmem>>
        %dma_wait3A_546 = tpu.memref_squeeze %dma_wait3A_545 : memref<1x4x8x128xf32, #tpu.memory_space<vmem>> -> memref<4x8x128xf32, #tpu.memory_space<vmem>>
        tpu.wait_dma2 semaphore(%arg15 : memref<!tpu.dma_semaphore, #tpu.memory_space<semaphore_mem>>) src(%dma_wait3A_546 : memref<4x8x128xf32, #tpu.memory_space<vmem>>) dst(%dma_wait3A_541 : memref<4x8x128xf32, #tpu.memory_space<hbm>>)
      } else {
      }
      %get3A_470 = arith.constant 0 : index
      %get3A_471 = tpu.vector_load %arg9[%get3A_470] {strides = array<i32>} : memref<128xi32, #tpu.memory_space<vmem>>, vector<16xi32>,
      %get3A_472 = arith.constant 16 : index
      %get3A_473 = tpu.vector_load %arg9[%get3A_472] {strides = array<i32>} : memref<128xi32, #tpu.memory_space<vmem>>, vector<16xi32>,
      %get3A_474 = arith.constant 32 : index
      %get3A_475 = tpu.vector_load %arg9[%get3A_474] {strides = array<i32>} : memref<128xi32, #tpu.memory_space<vmem>>, vector<16xi32>,
      %get3A_476 = arith.constant 48 : index
      %get3A_477 = tpu.vector_load %arg9[%get3A_476] {strides = array<i32>} : memref<128xi32, #tpu.memory_space<vmem>>, vector<16xi32>,
      %get3A_478 = arith.constant 64 : index
      %get3A_479 = tpu.vector_load %arg9[%get3A_478] {strides = array<i32>} : memref<128xi32, #tpu.memory_space<vmem>>, vector<16xi32>,
      %get3A_480 = arith.constant 80 : index
      %get3A_481 = tpu.vector_load %arg9[%get3A_480] {strides = array<i32>} : memref<128xi32, #tpu.memory_space<vmem>>, vector<16xi32>,
      %get3A_482 = arith.constant 96 : index
      %get3A_483 = tpu.vector_load %arg9[%get3A_482] {strides = array<i32>} : memref<128xi32, #tpu.memory_space<vmem>>, vector<16xi32>,
      %get3A_484 = arith.constant 112 : index
      %get3A_485 = tpu.vector_load %arg9[%get3A_484] {strides = array<i32>} : memref<128xi32, #tpu.memory_space<vmem>>, vector<16xi32>,
      %parallel_loop3A_486 = arith.constant 0 : i32
      %parallel_loop3A_487 = arith.constant 8 : i32
      %parallel_loop3A_488 = arith.constant 1 : i32
      scf.for %parallel_loop3A_526 = %parallel_loop3A_486 to %parallel_loop3A_487 step %parallel_loop3A_488  : i32 {
        %parallel_loop3A_527 = arith.constant 0 : i32
        %parallel_loop3A_528 = arith.addi %parallel_loop3A_527, %parallel_loop3A_526 : i32
        %parallel_loop3A_529 = vector.broadcast %parallel_loop3A_528 : i32 to vector<16xi32>
        %parallel_loop3A_530 = arith.addi %get3A_471, %parallel_loop3A_529 : vector<16xi32>
        %parallel_loop3A_531 = arith.constant 1 : i32
        %parallel_loop3A_532 = arith.constant 0 : i32
        %parallel_loop3A_533 = arith.constant 0 : i32
        %parallel_loop3A_534 = tpu.memref_slice %arg10[%parallel_loop3A_531, %parallel_loop3A_532, %parallel_loop3A_533] : memref<2x128x128xf32, #tpu.memory_space<vmem>> -> memref<1x128x128xf32, #tpu.memory_space<vmem>>
        %parallel_loop3A_535 = tpu.memref_squeeze %parallel_loop3A_534 : memref<1x128x128xf32, #tpu.memory_space<vmem>> -> memref<128x128xf32, #tpu.memory_space<vmem>>
        %parallel_loop3A_536 = tpu.vector_load_idx %parallel_loop3A_535[%add3A_12, %parallel_loop3A_530] : memref<128x128xf32, #tpu.memory_space<vmem>>[vector<16xi32>, vector<16xi32>], vector<16xf32>,
        %parallel_loop3A_537 = arith.constant 1 : i32
        %parallel_loop3A_538 = arith.constant 0 : i32
        %parallel_loop3A_539 = arith.index_cast %parallel_loop3A_537 : i32 to index
        %parallel_loop3A_540 = arith.index_cast %parallel_loop3A_538 : i32 to index
        %parallel_loop3A_541 = arith.index_cast %parallel_loop3A_526 : i32 to index
        %parallel_loop3A_542 = arith.constant 0 : index
        %parallel_loop3A_543 = tpu.vector_load %arg11[%parallel_loop3A_539, %parallel_loop3A_540, %parallel_loop3A_541, %parallel_loop3A_542] {strides = array<i32>} : memref<2x4x8x128xf32, #tpu.memory_space<vmem>>, vector<16xf32>,
        tpu.vector_store %arg11[%parallel_loop3A_539, %parallel_loop3A_540, %parallel_loop3A_541, %parallel_loop3A_542], %parallel_loop3A_536 {strides = array<i32>} : memref<2x4x8x128xf32, #tpu.memory_space<vmem>>, vector<16xf32>,
        %parallel_loop3A_544 = vector.broadcast %parallel_loop3A_528 : i32 to vector<16xi32>
        %parallel_loop3A_545 = arith.addi %get3A_473, %parallel_loop3A_544 : vector<16xi32>
        %parallel_loop3A_546 = arith.constant 1 : i32
        %parallel_loop3A_547 = arith.constant 0 : i32
        %parallel_loop3A_548 = arith.constant 0 : i32
        %parallel_loop3A_549 = tpu.memref_slice %arg10[%parallel_loop3A_546, %parallel_loop3A_547, %parallel_loop3A_548] : memref<2x128x128xf32, #tpu.memory_space<vmem>> -> memref<1x128x128xf32, #tpu.memory_space<vmem>>
        %parallel_loop3A_550 = tpu.memref_squeeze %parallel_loop3A_549 : memref<1x128x128xf32, #tpu.memory_space<vmem>> -> memref<128x128xf32, #tpu.memory_space<vmem>>
        %parallel_loop3A_551 = tpu.vector_load_idx %parallel_loop3A_550[%add3A_18, %parallel_loop3A_545] : memref<128x128xf32, #tpu.memory_space<vmem>>[vector<16xi32>, vector<16xi32>], vector<16xf32>,
        %parallel_loop3A_552 = arith.constant 1 : i32
        %parallel_loop3A_553 = arith.constant 0 : i32
        %parallel_loop3A_554 = arith.index_cast %parallel_loop3A_552 : i32 to index
        %parallel_loop3A_555 = arith.index_cast %parallel_loop3A_553 : i32 to index
        %parallel_loop3A_556 = arith.index_cast %parallel_loop3A_526 : i32 to index
        %parallel_loop3A_557 = arith.constant 16 : index
        %parallel_loop3A_558 = tpu.vector_load %arg11[%parallel_loop3A_554, %parallel_loop3A_555, %parallel_loop3A_556, %parallel_loop3A_557] {strides = array<i32>} : memref<2x4x8x128xf32, #tpu.memory_space<vmem>>, vector<16xf32>,
        tpu.vector_store %arg11[%parallel_loop3A_554, %parallel_loop3A_555, %parallel_loop3A_556, %parallel_loop3A_557], %parallel_loop3A_551 {strides = array<i32>} : memref<2x4x8x128xf32, #tpu.memory_space<vmem>>, vector<16xf32>,
        %parallel_loop3A_559 = vector.broadcast %parallel_loop3A_528 : i32 to vector<16xi32>
        %parallel_loop3A_560 = arith.addi %get3A_475, %parallel_loop3A_559 : vector<16xi32>
        %parallel_loop3A_561 = arith.constant 1 : i32
        %parallel_loop3A_562 = arith.constant 0 : i32
        %parallel_loop3A_563 = arith.constant 0 : i32
        %parallel_loop3A_564 = tpu.memref_slice %arg10[%parallel_loop3A_561, %parallel_loop3A_562, %parallel_loop3A_563] : memref<2x128x128xf32, #tpu.memory_space<vmem>> -> memref<1x128x128xf32, #tpu.memory_space<vmem>>
        %parallel_loop3A_565 = tpu.memref_squeeze %parallel_loop3A_564 : memref<1x128x128xf32, #tpu.memory_space<vmem>> -> memref<128x128xf32, #tpu.memory_space<vmem>>
        %parallel_loop3A_566 = tpu.vector_load_idx %parallel_loop3A_565[%add3A_24, %parallel_loop3A_560] : memref<128x128xf32, #tpu.memory_space<vmem>>[vector<16xi32>, vector<16xi32>], vector<16xf32>,
        %parallel_loop3A_567 = arith.constant 1 : i32
        %parallel_loop3A_568 = arith.constant 0 : i32
        %parallel_loop3A_569 = arith.index_cast %parallel_loop3A_567 : i32 to index
        %parallel_loop3A_570 = arith.index_cast %parallel_loop3A_568 : i32 to index
        %parallel_loop3A_571 = arith.index_cast %parallel_loop3A_526 : i32 to index
        %parallel_loop3A_572 = arith.constant 32 : index
        %parallel_loop3A_573 = tpu.vector_load %arg11[%parallel_loop3A_569, %parallel_loop3A_570, %parallel_loop3A_571, %parallel_loop3A_572] {strides = array<i32>} : memref<2x4x8x128xf32, #tpu.memory_space<vmem>>, vector<16xf32>,
        tpu.vector_store %arg11[%parallel_loop3A_569, %parallel_loop3A_570, %parallel_loop3A_571, %parallel_loop3A_572], %parallel_loop3A_566 {strides = array<i32>} : memref<2x4x8x128xf32, #tpu.memory_space<vmem>>, vector<16xf32>,
        %parallel_loop3A_574 = vector.broadcast %parallel_loop3A_528 : i32 to vector<16xi32>
        %parallel_loop3A_575 = arith.addi %get3A_477, %parallel_loop3A_574 : vector<16xi32>
        %parallel_loop3A_576 = arith.constant 1 : i32
        %parallel_loop3A_577 = arith.constant 0 : i32
        %parallel_loop3A_578 = arith.constant 0 : i32
        %parallel_loop3A_579 = tpu.memref_slice %arg10[%parallel_loop3A_576, %parallel_loop3A_577, %parallel_loop3A_578] : memref<2x128x128xf32, #tpu.memory_space<vmem>> -> memref<1x128x128xf32, #tpu.memory_space<vmem>>
        %parallel_loop3A_580 = tpu.memref_squeeze %parallel_loop3A_579 : memref<1x128x128xf32, #tpu.memory_space<vmem>> -> memref<128x128xf32, #tpu.memory_space<vmem>>
        %parallel_loop3A_581 = tpu.vector_load_idx %parallel_loop3A_580[%add3A_30, %parallel_loop3A_575] : memref<128x128xf32, #tpu.memory_space<vmem>>[vector<16xi32>, vector<16xi32>], vector<16xf32>,
        %parallel_loop3A_582 = arith.constant 1 : i32
        %parallel_loop3A_583 = arith.constant 0 : i32
        %parallel_loop3A_584 = arith.index_cast %parallel_loop3A_582 : i32 to index
        %parallel_loop3A_585 = arith.index_cast %parallel_loop3A_583 : i32 to index
        %parallel_loop3A_586 = arith.index_cast %parallel_loop3A_526 : i32 to index
        %parallel_loop3A_587 = arith.constant 48 : index
        %parallel_loop3A_588 = tpu.vector_load %arg11[%parallel_loop3A_584, %parallel_loop3A_585, %parallel_loop3A_586, %parallel_loop3A_587] {strides = array<i32>} : memref<2x4x8x128xf32, #tpu.memory_space<vmem>>, vector<16xf32>,
        tpu.vector_store %arg11[%parallel_loop3A_584, %parallel_loop3A_585, %parallel_loop3A_586, %parallel_loop3A_587], %parallel_loop3A_581 {strides = array<i32>} : memref<2x4x8x128xf32, #tpu.memory_space<vmem>>, vector<16xf32>,
        %parallel_loop3A_589 = vector.broadcast %parallel_loop3A_528 : i32 to vector<16xi32>
        %parallel_loop3A_590 = arith.addi %get3A_479, %parallel_loop3A_589 : vector<16xi32>
        %parallel_loop3A_591 = arith.constant 1 : i32
        %parallel_loop3A_592 = arith.constant 0 : i32
        %parallel_loop3A_593 = arith.constant 0 : i32
        %parallel_loop3A_594 = tpu.memref_slice %arg10[%parallel_loop3A_591, %parallel_loop3A_592, %parallel_loop3A_593] : memref<2x128x128xf32, #tpu.memory_space<vmem>> -> memref<1x128x128xf32, #tpu.memory_space<vmem>>
        %parallel_loop3A_595 = tpu.memref_squeeze %parallel_loop3A_594 : memref<1x128x128xf32, #tpu.memory_space<vmem>> -> memref<128x128xf32, #tpu.memory_space<vmem>>
        %parallel_loop3A_596 = tpu.vector_load_idx %parallel_loop3A_595[%add3A_36, %parallel_loop3A_590] : memref<128x128xf32, #tpu.memory_space<vmem>>[vector<16xi32>, vector<16xi32>], vector<16xf32>,
        %parallel_loop3A_597 = arith.constant 1 : i32
        %parallel_loop3A_598 = arith.constant 0 : i32
        %parallel_loop3A_599 = arith.index_cast %parallel_loop3A_597 : i32 to index
        %parallel_loop3A_600 = arith.index_cast %parallel_loop3A_598 : i32 to index
        %parallel_loop3A_601 = arith.index_cast %parallel_loop3A_526 : i32 to index
        %parallel_loop3A_602 = arith.constant 64 : index
        %parallel_loop3A_603 = tpu.vector_load %arg11[%parallel_loop3A_599, %parallel_loop3A_600, %parallel_loop3A_601, %parallel_loop3A_602] {strides = array<i32>} : memref<2x4x8x128xf32, #tpu.memory_space<vmem>>, vector<16xf32>,
        tpu.vector_store %arg11[%parallel_loop3A_599, %parallel_loop3A_600, %parallel_loop3A_601, %parallel_loop3A_602], %parallel_loop3A_596 {strides = array<i32>} : memref<2x4x8x128xf32, #tpu.memory_space<vmem>>, vector<16xf32>,
        %parallel_loop3A_604 = vector.broadcast %parallel_loop3A_528 : i32 to vector<16xi32>
        %parallel_loop3A_605 = arith.addi %get3A_481, %parallel_loop3A_604 : vector<16xi32>
        %parallel_loop3A_606 = arith.constant 1 : i32
        %parallel_loop3A_607 = arith.constant 0 : i32
        %parallel_loop3A_608 = arith.constant 0 : i32
        %parallel_loop3A_609 = tpu.memref_slice %arg10[%parallel_loop3A_606, %parallel_loop3A_607, %parallel_loop3A_608] : memref<2x128x128xf32, #tpu.memory_space<vmem>> -> memref<1x128x128xf32, #tpu.memory_space<vmem>>
        %parallel_loop3A_610 = tpu.memref_squeeze %parallel_loop3A_609 : memref<1x128x128xf32, #tpu.memory_space<vmem>> -> memref<128x128xf32, #tpu.memory_space<vmem>>
        %parallel_loop3A_611 = tpu.vector_load_idx %parallel_loop3A_610[%add3A_42, %parallel_loop3A_605] : memref<128x128xf32, #tpu.memory_space<vmem>>[vector<16xi32>, vector<16xi32>], vector<16xf32>,
        %parallel_loop3A_612 = arith.constant 1 : i32
        %parallel_loop3A_613 = arith.constant 0 : i32
        %parallel_loop3A_614 = arith.index_cast %parallel_loop3A_612 : i32 to index
        %parallel_loop3A_615 = arith.index_cast %parallel_loop3A_613 : i32 to index
        %parallel_loop3A_616 = arith.index_cast %parallel_loop3A_526 : i32 to index
        %parallel_loop3A_617 = arith.constant 80 : index
        %parallel_loop3A_618 = tpu.vector_load %arg11[%parallel_loop3A_614, %parallel_loop3A_615, %parallel_loop3A_616, %parallel_loop3A_617] {strides = array<i32>} : memref<2x4x8x128xf32, #tpu.memory_space<vmem>>, vector<16xf32>,
        tpu.vector_store %arg11[%parallel_loop3A_614, %parallel_loop3A_615, %parallel_loop3A_616, %parallel_loop3A_617], %parallel_loop3A_611 {strides = array<i32>} : memref<2x4x8x128xf32, #tpu.memory_space<vmem>>, vector<16xf32>,
        %parallel_loop3A_619 = vector.broadcast %parallel_loop3A_528 : i32 to vector<16xi32>
        %parallel_loop3A_620 = arith.addi %get3A_483, %parallel_loop3A_619 : vector<16xi32>
        %parallel_loop3A_621 = arith.constant 1 : i32
        %parallel_loop3A_622 = arith.constant 0 : i32
        %parallel_loop3A_623 = arith.constant 0 : i32
        %parallel_loop3A_624 = tpu.memref_slice %arg10[%parallel_loop3A_621, %parallel_loop3A_622, %parallel_loop3A_623] : memref<2x128x128xf32, #tpu.memory_space<vmem>> -> memref<1x128x128xf32, #tpu.memory_space<vmem>>
        %parallel_loop3A_625 = tpu.memref_squeeze %parallel_loop3A_624 : memref<1x128x128xf32, #tpu.memory_space<vmem>> -> memref<128x128xf32, #tpu.memory_space<vmem>>
        %parallel_loop3A_626 = tpu.vector_load_idx %parallel_loop3A_625[%add3A_48, %parallel_loop3A_620] : memref<128x128xf32, #tpu.memory_space<vmem>>[vector<16xi32>, vector<16xi32>], vector<16xf32>,
        %parallel_loop3A_627 = arith.constant 1 : i32
        %parallel_loop3A_628 = arith.constant 0 : i32
        %parallel_loop3A_629 = arith.index_cast %parallel_loop3A_627 : i32 to index
        %parallel_loop3A_630 = arith.index_cast %parallel_loop3A_628 : i32 to index
        %parallel_loop3A_631 = arith.index_cast %parallel_loop3A_526 : i32 to index
        %parallel_loop3A_632 = arith.constant 96 : index
        %parallel_loop3A_633 = tpu.vector_load %arg11[%parallel_loop3A_629, %parallel_loop3A_630, %parallel_loop3A_631, %parallel_loop3A_632] {strides = array<i32>} : memref<2x4x8x128xf32, #tpu.memory_space<vmem>>, vector<16xf32>,
        tpu.vector_store %arg11[%parallel_loop3A_629, %parallel_loop3A_630, %parallel_loop3A_631, %parallel_loop3A_632], %parallel_loop3A_626 {strides = array<i32>} : memref<2x4x8x128xf32, #tpu.memory_space<vmem>>, vector<16xf32>,
        %parallel_loop3A_634 = vector.broadcast %parallel_loop3A_528 : i32 to vector<16xi32>
        %parallel_loop3A_635 = arith.addi %get3A_485, %parallel_loop3A_634 : vector<16xi32>
        %parallel_loop3A_636 = arith.constant 1 : i32
        %parallel_loop3A_637 = arith.constant 0 : i32
        %parallel_loop3A_638 = arith.constant 0 : i32
        %parallel_loop3A_639 = tpu.memref_slice %arg10[%parallel_loop3A_636, %parallel_loop3A_637, %parallel_loop3A_638] : memref<2x128x128xf32, #tpu.memory_space<vmem>> -> memref<1x128x128xf32, #tpu.memory_space<vmem>>
        %parallel_loop3A_640 = tpu.memref_squeeze %parallel_loop3A_639 : memref<1x128x128xf32, #tpu.memory_space<vmem>> -> memref<128x128xf32, #tpu.memory_space<vmem>>
        %parallel_loop3A_641 = tpu.vector_load_idx %parallel_loop3A_640[%add3A_54, %parallel_loop3A_635] : memref<128x128xf32, #tpu.memory_space<vmem>>[vector<16xi32>, vector<16xi32>], vector<16xf32>,
        %parallel_loop3A_642 = arith.constant 1 : i32
        %parallel_loop3A_643 = arith.constant 0 : i32
        %parallel_loop3A_644 = arith.index_cast %parallel_loop3A_642 : i32 to index
        %parallel_loop3A_645 = arith.index_cast %parallel_loop3A_643 : i32 to index
        %parallel_loop3A_646 = arith.index_cast %parallel_loop3A_526 : i32 to index
        %parallel_loop3A_647 = arith.constant 112 : index
        %parallel_loop3A_648 = tpu.vector_load %arg11[%parallel_loop3A_644, %parallel_loop3A_645, %parallel_loop3A_646, %parallel_loop3A_647] {strides = array<i32>} : memref<2x4x8x128xf32, #tpu.memory_space<vmem>>, vector<16xf32>,
        tpu.vector_store %arg11[%parallel_loop3A_644, %parallel_loop3A_645, %parallel_loop3A_646, %parallel_loop3A_647], %parallel_loop3A_641 {strides = array<i32>} : memref<2x4x8x128xf32, #tpu.memory_space<vmem>>, vector<16xf32>,
      } {sc.loop_unroll_factor = 4 : i64, sc.parallel_access}
      %parallel_loop3A_489 = arith.constant 0 : i32
      %parallel_loop3A_490 = arith.constant 8 : i32
      %parallel_loop3A_491 = arith.constant 1 : i32
      scf.for %parallel_loop3A_526 = %parallel_loop3A_489 to %parallel_loop3A_490 step %parallel_loop3A_491  : i32 {
        %parallel_loop3A_527 = arith.constant 8 : i32
        %parallel_loop3A_528 = arith.addi %parallel_loop3A_527, %parallel_loop3A_526 : i32
        %parallel_loop3A_529 = vector.broadcast %parallel_loop3A_528 : i32 to vector<16xi32>
        %parallel_loop3A_530 = arith.addi %get3A_471, %parallel_loop3A_529 : vector<16xi32>
        %parallel_loop3A_531 = arith.constant 1 : i32
        %parallel_loop3A_532 = arith.constant 0 : i32
        %parallel_loop3A_533 = arith.constant 0 : i32
        %parallel_loop3A_534 = tpu.memref_slice %arg10[%parallel_loop3A_531, %parallel_loop3A_532, %parallel_loop3A_533] : memref<2x128x128xf32, #tpu.memory_space<vmem>> -> memref<1x128x128xf32, #tpu.memory_space<vmem>>
        %parallel_loop3A_535 = tpu.memref_squeeze %parallel_loop3A_534 : memref<1x128x128xf32, #tpu.memory_space<vmem>> -> memref<128x128xf32, #tpu.memory_space<vmem>>
        %parallel_loop3A_536 = tpu.vector_load_idx %parallel_loop3A_535[%add3A_12, %parallel_loop3A_530] : memref<128x128xf32, #tpu.memory_space<vmem>>[vector<16xi32>, vector<16xi32>], vector<16xf32>,
        %parallel_loop3A_537 = arith.constant 1 : i32
        %parallel_loop3A_538 = arith.constant 1 : i32
        %parallel_loop3A_539 = arith.index_cast %parallel_loop3A_537 : i32 to index
        %parallel_loop3A_540 = arith.index_cast %parallel_loop3A_538 : i32 to index
        %parallel_loop3A_541 = arith.index_cast %parallel_loop3A_526 : i32 to index
        %parallel_loop3A_542 = arith.constant 0 : index
        %parallel_loop3A_543 = tpu.vector_load %arg11[%parallel_loop3A_539, %parallel_loop3A_540, %parallel_loop3A_541, %parallel_loop3A_542] {strides = array<i32>} : memref<2x4x8x128xf32, #tpu.memory_space<vmem>>, vector<16xf32>,
        tpu.vector_store %arg11[%parallel_loop3A_539, %parallel_loop3A_540, %parallel_loop3A_541, %parallel_loop3A_542], %parallel_loop3A_536 {strides = array<i32>} : memref<2x4x8x128xf32, #tpu.memory_space<vmem>>, vector<16xf32>,
        %parallel_loop3A_544 = vector.broadcast %parallel_loop3A_528 : i32 to vector<16xi32>
        %parallel_loop3A_545 = arith.addi %get3A_473, %parallel_loop3A_544 : vector<16xi32>
        %parallel_loop3A_546 = arith.constant 1 : i32
        %parallel_loop3A_547 = arith.constant 0 : i32
        %parallel_loop3A_548 = arith.constant 0 : i32
        %parallel_loop3A_549 = tpu.memref_slice %arg10[%parallel_loop3A_546, %parallel_loop3A_547, %parallel_loop3A_548] : memref<2x128x128xf32, #tpu.memory_space<vmem>> -> memref<1x128x128xf32, #tpu.memory_space<vmem>>
        %parallel_loop3A_550 = tpu.memref_squeeze %parallel_loop3A_549 : memref<1x128x128xf32, #tpu.memory_space<vmem>> -> memref<128x128xf32, #tpu.memory_space<vmem>>
        %parallel_loop3A_551 = tpu.vector_load_idx %parallel_loop3A_550[%add3A_18, %parallel_loop3A_545] : memref<128x128xf32, #tpu.memory_space<vmem>>[vector<16xi32>, vector<16xi32>], vector<16xf32>,
        %parallel_loop3A_552 = arith.constant 1 : i32
        %parallel_loop3A_553 = arith.constant 1 : i32
        %parallel_loop3A_554 = arith.index_cast %parallel_loop3A_552 : i32 to index
        %parallel_loop3A_555 = arith.index_cast %parallel_loop3A_553 : i32 to index
        %parallel_loop3A_556 = arith.index_cast %parallel_loop3A_526 : i32 to index
        %parallel_loop3A_557 = arith.constant 16 : index
        %parallel_loop3A_558 = tpu.vector_load %arg11[%parallel_loop3A_554, %parallel_loop3A_555, %parallel_loop3A_556, %parallel_loop3A_557] {strides = array<i32>} : memref<2x4x8x128xf32, #tpu.memory_space<vmem>>, vector<16xf32>,
        tpu.vector_store %arg11[%parallel_loop3A_554, %parallel_loop3A_555, %parallel_loop3A_556, %parallel_loop3A_557], %parallel_loop3A_551 {strides = array<i32>} : memref<2x4x8x128xf32, #tpu.memory_space<vmem>>, vector<16xf32>,
        %parallel_loop3A_559 = vector.broadcast %parallel_loop3A_528 : i32 to vector<16xi32>
        %parallel_loop3A_560 = arith.addi %get3A_475, %parallel_loop3A_559 : vector<16xi32>
        %parallel_loop3A_561 = arith.constant 1 : i32
        %parallel_loop3A_562 = arith.constant 0 : i32
        %parallel_loop3A_563 = arith.constant 0 : i32
        %parallel_loop3A_564 = tpu.memref_slice %arg10[%parallel_loop3A_561, %parallel_loop3A_562, %parallel_loop3A_563] : memref<2x128x128xf32, #tpu.memory_space<vmem>> -> memref<1x128x128xf32, #tpu.memory_space<vmem>>
        %parallel_loop3A_565 = tpu.memref_squeeze %parallel_loop3A_564 : memref<1x128x128xf32, #tpu.memory_space<vmem>> -> memref<128x128xf32, #tpu.memory_space<vmem>>
        %parallel_loop3A_566 = tpu.vector_load_idx %parallel_loop3A_565[%add3A_24, %parallel_loop3A_560] : memref<128x128xf32, #tpu.memory_space<vmem>>[vector<16xi32>, vector<16xi32>], vector<16xf32>,
        %parallel_loop3A_567 = arith.constant 1 : i32
        %parallel_loop3A_568 = arith.constant 1 : i32
        %parallel_loop3A_569 = arith.index_cast %parallel_loop3A_567 : i32 to index
        %parallel_loop3A_570 = arith.index_cast %parallel_loop3A_568 : i32 to index
        %parallel_loop3A_571 = arith.index_cast %parallel_loop3A_526 : i32 to index
        %parallel_loop3A_572 = arith.constant 32 : index
        %parallel_loop3A_573 = tpu.vector_load %arg11[%parallel_loop3A_569, %parallel_loop3A_570, %parallel_loop3A_571, %parallel_loop3A_572] {strides = array<i32>} : memref<2x4x8x128xf32, #tpu.memory_space<vmem>>, vector<16xf32>,
        tpu.vector_store %arg11[%parallel_loop3A_569, %parallel_loop3A_570, %parallel_loop3A_571, %parallel_loop3A_572], %parallel_loop3A_566 {strides = array<i32>} : memref<2x4x8x128xf32, #tpu.memory_space<vmem>>, vector<16xf32>,
        %parallel_loop3A_574 = vector.broadcast %parallel_loop3A_528 : i32 to vector<16xi32>
        %parallel_loop3A_575 = arith.addi %get3A_477, %parallel_loop3A_574 : vector<16xi32>
        %parallel_loop3A_576 = arith.constant 1 : i32
        %parallel_loop3A_577 = arith.constant 0 : i32
        %parallel_loop3A_578 = arith.constant 0 : i32
        %parallel_loop3A_579 = tpu.memref_slice %arg10[%parallel_loop3A_576, %parallel_loop3A_577, %parallel_loop3A_578] : memref<2x128x128xf32, #tpu.memory_space<vmem>> -> memref<1x128x128xf32, #tpu.memory_space<vmem>>
        %parallel_loop3A_580 = tpu.memref_squeeze %parallel_loop3A_579 : memref<1x128x128xf32, #tpu.memory_space<vmem>> -> memref<128x128xf32, #tpu.memory_space<vmem>>
        %parallel_loop3A_581 = tpu.vector_load_idx %parallel_loop3A_580[%add3A_30, %parallel_loop3A_575] : memref<128x128xf32, #tpu.memory_space<vmem>>[vector<16xi32>, vector<16xi32>], vector<16xf32>,
        %parallel_loop3A_582 = arith.constant 1 : i32
        %parallel_loop3A_583 = arith.constant 1 : i32
        %parallel_loop3A_584 = arith.index_cast %parallel_loop3A_582 : i32 to index
        %parallel_loop3A_585 = arith.index_cast %parallel_loop3A_583 : i32 to index
        %parallel_loop3A_586 = arith.index_cast %parallel_loop3A_526 : i32 to index
        %parallel_loop3A_587 = arith.constant 48 : index
        %parallel_loop3A_588 = tpu.vector_load %arg11[%parallel_loop3A_584, %parallel_loop3A_585, %parallel_loop3A_586, %parallel_loop3A_587] {strides = array<i32>} : memref<2x4x8x128xf32, #tpu.memory_space<vmem>>, vector<16xf32>,
        tpu.vector_store %arg11[%parallel_loop3A_584, %parallel_loop3A_585, %parallel_loop3A_586, %parallel_loop3A_587], %parallel_loop3A_581 {strides = array<i32>} : memref<2x4x8x128xf32, #tpu.memory_space<vmem>>, vector<16xf32>,
        %parallel_loop3A_589 = vector.broadcast %parallel_loop3A_528 : i32 to vector<16xi32>
        %parallel_loop3A_590 = arith.addi %get3A_479, %parallel_loop3A_589 : vector<16xi32>
        %parallel_loop3A_591 = arith.constant 1 : i32
        %parallel_loop3A_592 = arith.constant 0 : i32
        %parallel_loop3A_593 = arith.constant 0 : i32
        %parallel_loop3A_594 = tpu.memref_slice %arg10[%parallel_loop3A_591, %parallel_loop3A_592, %parallel_loop3A_593] : memref<2x128x128xf32, #tpu.memory_space<vmem>> -> memref<1x128x128xf32, #tpu.memory_space<vmem>>
        %parallel_loop3A_595 = tpu.memref_squeeze %parallel_loop3A_594 : memref<1x128x128xf32, #tpu.memory_space<vmem>> -> memref<128x128xf32, #tpu.memory_space<vmem>>
        %parallel_loop3A_596 = tpu.vector_load_idx %parallel_loop3A_595[%add3A_36, %parallel_loop3A_590] : memref<128x128xf32, #tpu.memory_space<vmem>>[vector<16xi32>, vector<16xi32>], vector<16xf32>,
        %parallel_loop3A_597 = arith.constant 1 : i32
        %parallel_loop3A_598 = arith.constant 1 : i32
        %parallel_loop3A_599 = arith.index_cast %parallel_loop3A_597 : i32 to index
        %parallel_loop3A_600 = arith.index_cast %parallel_loop3A_598 : i32 to index
        %parallel_loop3A_601 = arith.index_cast %parallel_loop3A_526 : i32 to index
        %parallel_loop3A_602 = arith.constant 64 : index
        %parallel_loop3A_603 = tpu.vector_load %arg11[%parallel_loop3A_599, %parallel_loop3A_600, %parallel_loop3A_601, %parallel_loop3A_602] {strides = array<i32>} : memref<2x4x8x128xf32, #tpu.memory_space<vmem>>, vector<16xf32>,
        tpu.vector_store %arg11[%parallel_loop3A_599, %parallel_loop3A_600, %parallel_loop3A_601, %parallel_loop3A_602], %parallel_loop3A_596 {strides = array<i32>} : memref<2x4x8x128xf32, #tpu.memory_space<vmem>>, vector<16xf32>,
        %parallel_loop3A_604 = vector.broadcast %parallel_loop3A_528 : i32 to vector<16xi32>
        %parallel_loop3A_605 = arith.addi %get3A_481, %parallel_loop3A_604 : vector<16xi32>
        %parallel_loop3A_606 = arith.constant 1 : i32
        %parallel_loop3A_607 = arith.constant 0 : i32
        %parallel_loop3A_608 = arith.constant 0 : i32
        %parallel_loop3A_609 = tpu.memref_slice %arg10[%parallel_loop3A_606, %parallel_loop3A_607, %parallel_loop3A_608] : memref<2x128x128xf32, #tpu.memory_space<vmem>> -> memref<1x128x128xf32, #tpu.memory_space<vmem>>
        %parallel_loop3A_610 = tpu.memref_squeeze %parallel_loop3A_609 : memref<1x128x128xf32, #tpu.memory_space<vmem>> -> memref<128x128xf32, #tpu.memory_space<vmem>>
        %parallel_loop3A_611 = tpu.vector_load_idx %parallel_loop3A_610[%add3A_42, %parallel_loop3A_605] : memref<128x128xf32, #tpu.memory_space<vmem>>[vector<16xi32>, vector<16xi32>], vector<16xf32>,
        %parallel_loop3A_612 = arith.constant 1 : i32
        %parallel_loop3A_613 = arith.constant 1 : i32
        %parallel_loop3A_614 = arith.index_cast %parallel_loop3A_612 : i32 to index
        %parallel_loop3A_615 = arith.index_cast %parallel_loop3A_613 : i32 to index
        %parallel_loop3A_616 = arith.index_cast %parallel_loop3A_526 : i32 to index
        %parallel_loop3A_617 = arith.constant 80 : index
        %parallel_loop3A_618 = tpu.vector_load %arg11[%parallel_loop3A_614, %parallel_loop3A_615, %parallel_loop3A_616, %parallel_loop3A_617] {strides = array<i32>} : memref<2x4x8x128xf32, #tpu.memory_space<vmem>>, vector<16xf32>,
        tpu.vector_store %arg11[%parallel_loop3A_614, %parallel_loop3A_615, %parallel_loop3A_616, %parallel_loop3A_617], %parallel_loop3A_611 {strides = array<i32>} : memref<2x4x8x128xf32, #tpu.memory_space<vmem>>, vector<16xf32>,
        %parallel_loop3A_619 = vector.broadcast %parallel_loop3A_528 : i32 to vector<16xi32>
        %parallel_loop3A_620 = arith.addi %get3A_483, %parallel_loop3A_619 : vector<16xi32>
        %parallel_loop3A_621 = arith.constant 1 : i32
        %parallel_loop3A_622 = arith.constant 0 : i32
        %parallel_loop3A_623 = arith.constant 0 : i32
        %parallel_loop3A_624 = tpu.memref_slice %arg10[%parallel_loop3A_621, %parallel_loop3A_622, %parallel_loop3A_623] : memref<2x128x128xf32, #tpu.memory_space<vmem>> -> memref<1x128x128xf32, #tpu.memory_space<vmem>>
        %parallel_loop3A_625 = tpu.memref_squeeze %parallel_loop3A_624 : memref<1x128x128xf32, #tpu.memory_space<vmem>> -> memref<128x128xf32, #tpu.memory_space<vmem>>
        %parallel_loop3A_626 = tpu.vector_load_idx %parallel_loop3A_625[%add3A_48, %parallel_loop3A_620] : memref<128x128xf32, #tpu.memory_space<vmem>>[vector<16xi32>, vector<16xi32>], vector<16xf32>,
        %parallel_loop3A_627 = arith.constant 1 : i32
        %parallel_loop3A_628 = arith.constant 1 : i32
        %parallel_loop3A_629 = arith.index_cast %parallel_loop3A_627 : i32 to index
        %parallel_loop3A_630 = arith.index_cast %parallel_loop3A_628 : i32 to index
        %parallel_loop3A_631 = arith.index_cast %parallel_loop3A_526 : i32 to index
        %parallel_loop3A_632 = arith.constant 96 : index
        %parallel_loop3A_633 = tpu.vector_load %arg11[%parallel_loop3A_629, %parallel_loop3A_630, %parallel_loop3A_631, %parallel_loop3A_632] {strides = array<i32>} : memref<2x4x8x128xf32, #tpu.memory_space<vmem>>, vector<16xf32>,
        tpu.vector_store %arg11[%parallel_loop3A_629, %parallel_loop3A_630, %parallel_loop3A_631, %parallel_loop3A_632], %parallel_loop3A_626 {strides = array<i32>} : memref<2x4x8x128xf32, #tpu.memory_space<vmem>>, vector<16xf32>,
        %parallel_loop3A_634 = vector.broadcast %parallel_loop3A_528 : i32 to vector<16xi32>
        %parallel_loop3A_635 = arith.addi %get3A_485, %parallel_loop3A_634 : vector<16xi32>
        %parallel_loop3A_636 = arith.constant 1 : i32
        %parallel_loop3A_637 = arith.constant 0 : i32
        %parallel_loop3A_638 = arith.constant 0 : i32
        %parallel_loop3A_639 = tpu.memref_slice %arg10[%parallel_loop3A_636, %parallel_loop3A_637, %parallel_loop3A_638] : memref<2x128x128xf32, #tpu.memory_space<vmem>> -> memref<1x128x128xf32, #tpu.memory_space<vmem>>
        %parallel_loop3A_640 = tpu.memref_squeeze %parallel_loop3A_639 : memref<1x128x128xf32, #tpu.memory_space<vmem>> -> memref<128x128xf32, #tpu.memory_space<vmem>>
        %parallel_loop3A_641 = tpu.vector_load_idx %parallel_loop3A_640[%add3A_54, %parallel_loop3A_635] : memref<128x128xf32, #tpu.memory_space<vmem>>[vector<16xi32>, vector<16xi32>], vector<16xf32>,
        %parallel_loop3A_642 = arith.constant 1 : i32
        %parallel_loop3A_643 = arith.constant 1 : i32
        %parallel_loop3A_644 = arith.index_cast %parallel_loop3A_642 : i32 to index
        %parallel_loop3A_645 = arith.index_cast %parallel_loop3A_643 : i32 to index
        %parallel_loop3A_646 = arith.index_cast %parallel_loop3A_526 : i32 to index
        %parallel_loop3A_647 = arith.constant 112 : index
        %parallel_loop3A_648 = tpu.vector_load %arg11[%parallel_loop3A_644, %parallel_loop3A_645, %parallel_loop3A_646, %parallel_loop3A_647] {strides = array<i32>} : memref<2x4x8x128xf32, #tpu.memory_space<vmem>>, vector<16xf32>,
        tpu.vector_store %arg11[%parallel_loop3A_644, %parallel_loop3A_645, %parallel_loop3A_646, %parallel_loop3A_647], %parallel_loop3A_641 {strides = array<i32>} : memref<2x4x8x128xf32, #tpu.memory_space<vmem>>, vector<16xf32>,
      } {sc.loop_unroll_factor = 4 : i64, sc.parallel_access}
      %parallel_loop3A_492 = arith.constant 0 : i32
      %parallel_loop3A_493 = arith.constant 8 : i32
      %parallel_loop3A_494 = arith.constant 1 : i32
      scf.for %parallel_loop3A_526 = %parallel_loop3A_492 to %parallel_loop3A_493 step %parallel_loop3A_494  : i32 {
        %parallel_loop3A_527 = arith.constant 16 : i32
        %parallel_loop3A_528 = arith.addi %parallel_loop3A_527, %parallel_loop3A_526 : i32
        %parallel_loop3A_529 = vector.broadcast %parallel_loop3A_528 : i32 to vector<16xi32>
        %parallel_loop3A_530 = arith.addi %get3A_471, %parallel_loop3A_529 : vector<16xi32>
        %parallel_loop3A_531 = arith.constant 1 : i32
        %parallel_loop3A_532 = arith.constant 0 : i32
        %parallel_loop3A_533 = arith.constant 0 : i32
        %parallel_loop3A_534 = tpu.memref_slice %arg10[%parallel_loop3A_531, %parallel_loop3A_532, %parallel_loop3A_533] : memref<2x128x128xf32, #tpu.memory_space<vmem>> -> memref<1x128x128xf32, #tpu.memory_space<vmem>>
        %parallel_loop3A_535 = tpu.memref_squeeze %parallel_loop3A_534 : memref<1x128x128xf32, #tpu.memory_space<vmem>> -> memref<128x128xf32, #tpu.memory_space<vmem>>
        %parallel_loop3A_536 = tpu.vector_load_idx %parallel_loop3A_535[%add3A_12, %parallel_loop3A_530] : memref<128x128xf32, #tpu.memory_space<vmem>>[vector<16xi32>, vector<16xi32>], vector<16xf32>,
        %parallel_loop3A_537 = arith.constant 1 : i32
        %parallel_loop3A_538 = arith.constant 2 : i32
        %parallel_loop3A_539 = arith.index_cast %parallel_loop3A_537 : i32 to index
        %parallel_loop3A_540 = arith.index_cast %parallel_loop3A_538 : i32 to index
        %parallel_loop3A_541 = arith.index_cast %parallel_loop3A_526 : i32 to index
        %parallel_loop3A_542 = arith.constant 0 : index
        %parallel_loop3A_543 = tpu.vector_load %arg11[%parallel_loop3A_539, %parallel_loop3A_540, %parallel_loop3A_541, %parallel_loop3A_542] {strides = array<i32>} : memref<2x4x8x128xf32, #tpu.memory_space<vmem>>, vector<16xf32>,
        tpu.vector_store %arg11[%parallel_loop3A_539, %parallel_loop3A_540, %parallel_loop3A_541, %parallel_loop3A_542], %parallel_loop3A_536 {strides = array<i32>} : memref<2x4x8x128xf32, #tpu.memory_space<vmem>>, vector<16xf32>,
        %parallel_loop3A_544 = vector.broadcast %parallel_loop3A_528 : i32 to vector<16xi32>
        %parallel_loop3A_545 = arith.addi %get3A_473, %parallel_loop3A_544 : vector<16xi32>
        %parallel_loop3A_546 = arith.constant 1 : i32
        %parallel_loop3A_547 = arith.constant 0 : i32
        %parallel_loop3A_548 = arith.constant 0 : i32
        %parallel_loop3A_549 = tpu.memref_slice %arg10[%parallel_loop3A_546, %parallel_loop3A_547, %parallel_loop3A_548] : memref<2x128x128xf32, #tpu.memory_space<vmem>> -> memref<1x128x128xf32, #tpu.memory_space<vmem>>
        %parallel_loop3A_550 = tpu.memref_squeeze %parallel_loop3A_549 : memref<1x128x128xf32, #tpu.memory_space<vmem>> -> memref<128x128xf32, #tpu.memory_space<vmem>>
        %parallel_loop3A_551 = tpu.vector_load_idx %parallel_loop3A_550[%add3A_18, %parallel_loop3A_545] : memref<128x128xf32, #tpu.memory_space<vmem>>[vector<16xi32>, vector<16xi32>], vector<16xf32>,
        %parallel_loop3A_552 = arith.constant 1 : i32
        %parallel_loop3A_553 = arith.constant 2 : i32
        %parallel_loop3A_554 = arith.index_cast %parallel_loop3A_552 : i32 to index
        %parallel_loop3A_555 = arith.index_cast %parallel_loop3A_553 : i32 to index
        %parallel_loop3A_556 = arith.index_cast %parallel_loop3A_526 : i32 to index
        %parallel_loop3A_557 = arith.constant 16 : index
        %parallel_loop3A_558 = tpu.vector_load %arg11[%parallel_loop3A_554, %parallel_loop3A_555, %parallel_loop3A_556, %parallel_loop3A_557] {strides = array<i32>} : memref<2x4x8x128xf32, #tpu.memory_space<vmem>>, vector<16xf32>,
        tpu.vector_store %arg11[%parallel_loop3A_554, %parallel_loop3A_555, %parallel_loop3A_556, %parallel_loop3A_557], %parallel_loop3A_551 {strides = array<i32>} : memref<2x4x8x128xf32, #tpu.memory_space<vmem>>, vector<16xf32>,
        %parallel_loop3A_559 = vector.broadcast %parallel_loop3A_528 : i32 to vector<16xi32>
        %parallel_loop3A_560 = arith.addi %get3A_475, %parallel_loop3A_559 : vector<16xi32>
        %parallel_loop3A_561 = arith.constant 1 : i32
        %parallel_loop3A_562 = arith.constant 0 : i32
        %parallel_loop3A_563 = arith.constant 0 : i32
        %parallel_loop3A_564 = tpu.memref_slice %arg10[%parallel_loop3A_561, %parallel_loop3A_562, %parallel_loop3A_563] : memref<2x128x128xf32, #tpu.memory_space<vmem>> -> memref<1x128x128xf32, #tpu.memory_space<vmem>>
        %parallel_loop3A_565 = tpu.memref_squeeze %parallel_loop3A_564 : memref<1x128x128xf32, #tpu.memory_space<vmem>> -> memref<128x128xf32, #tpu.memory_space<vmem>>
        %parallel_loop3A_566 = tpu.vector_load_idx %parallel_loop3A_565[%add3A_24, %parallel_loop3A_560] : memref<128x128xf32, #tpu.memory_space<vmem>>[vector<16xi32>, vector<16xi32>], vector<16xf32>,
        %parallel_loop3A_567 = arith.constant 1 : i32
        %parallel_loop3A_568 = arith.constant 2 : i32
        %parallel_loop3A_569 = arith.index_cast %parallel_loop3A_567 : i32 to index
        %parallel_loop3A_570 = arith.index_cast %parallel_loop3A_568 : i32 to index
        %parallel_loop3A_571 = arith.index_cast %parallel_loop3A_526 : i32 to index
        %parallel_loop3A_572 = arith.constant 32 : index
        %parallel_loop3A_573 = tpu.vector_load %arg11[%parallel_loop3A_569, %parallel_loop3A_570, %parallel_loop3A_571, %parallel_loop3A_572] {strides = array<i32>} : memref<2x4x8x128xf32, #tpu.memory_space<vmem>>, vector<16xf32>,
        tpu.vector_store %arg11[%parallel_loop3A_569, %parallel_loop3A_570, %parallel_loop3A_571, %parallel_loop3A_572], %parallel_loop3A_566 {strides = array<i32>} : memref<2x4x8x128xf32, #tpu.memory_space<vmem>>, vector<16xf32>,
        %parallel_loop3A_574 = vector.broadcast %parallel_loop3A_528 : i32 to vector<16xi32>
        %parallel_loop3A_575 = arith.addi %get3A_477, %parallel_loop3A_574 : vector<16xi32>
        %parallel_loop3A_576 = arith.constant 1 : i32
        %parallel_loop3A_577 = arith.constant 0 : i32
        %parallel_loop3A_578 = arith.constant 0 : i32
        %parallel_loop3A_579 = tpu.memref_slice %arg10[%parallel_loop3A_576, %parallel_loop3A_577, %parallel_loop3A_578] : memref<2x128x128xf32, #tpu.memory_space<vmem>> -> memref<1x128x128xf32, #tpu.memory_space<vmem>>
        %parallel_loop3A_580 = tpu.memref_squeeze %parallel_loop3A_579 : memref<1x128x128xf32, #tpu.memory_space<vmem>> -> memref<128x128xf32, #tpu.memory_space<vmem>>
        %parallel_loop3A_581 = tpu.vector_load_idx %parallel_loop3A_580[%add3A_30, %parallel_loop3A_575] : memref<128x128xf32, #tpu.memory_space<vmem>>[vector<16xi32>, vector<16xi32>], vector<16xf32>,
        %parallel_loop3A_582 = arith.constant 1 : i32
        %parallel_loop3A_583 = arith.constant 2 : i32
        %parallel_loop3A_584 = arith.index_cast %parallel_loop3A_582 : i32 to index
        %parallel_loop3A_585 = arith.index_cast %parallel_loop3A_583 : i32 to index
        %parallel_loop3A_586 = arith.index_cast %parallel_loop3A_526 : i32 to index
        %parallel_loop3A_587 = arith.constant 48 : index
        %parallel_loop3A_588 = tpu.vector_load %arg11[%parallel_loop3A_584, %parallel_loop3A_585, %parallel_loop3A_586, %parallel_loop3A_587] {strides = array<i32>} : memref<2x4x8x128xf32, #tpu.memory_space<vmem>>, vector<16xf32>,
        tpu.vector_store %arg11[%parallel_loop3A_584, %parallel_loop3A_585, %parallel_loop3A_586, %parallel_loop3A_587], %parallel_loop3A_581 {strides = array<i32>} : memref<2x4x8x128xf32, #tpu.memory_space<vmem>>, vector<16xf32>,
        %parallel_loop3A_589 = vector.broadcast %parallel_loop3A_528 : i32 to vector<16xi32>
        %parallel_loop3A_590 = arith.addi %get3A_479, %parallel_loop3A_589 : vector<16xi32>
        %parallel_loop3A_591 = arith.constant 1 : i32
        %parallel_loop3A_592 = arith.constant 0 : i32
        %parallel_loop3A_593 = arith.constant 0 : i32
        %parallel_loop3A_594 = tpu.memref_slice %arg10[%parallel_loop3A_591, %parallel_loop3A_592, %parallel_loop3A_593] : memref<2x128x128xf32, #tpu.memory_space<vmem>> -> memref<1x128x128xf32, #tpu.memory_space<vmem>>
        %parallel_loop3A_595 = tpu.memref_squeeze %parallel_loop3A_594 : memref<1x128x128xf32, #tpu.memory_space<vmem>> -> memref<128x128xf32, #tpu.memory_space<vmem>>
        %parallel_loop3A_596 = tpu.vector_load_idx %parallel_loop3A_595[%add3A_36, %parallel_loop3A_590] : memref<128x128xf32, #tpu.memory_space<vmem>>[vector<16xi32>, vector<16xi32>], vector<16xf32>,
        %parallel_loop3A_597 = arith.constant 1 : i32
        %parallel_loop3A_598 = arith.constant 2 : i32
        %parallel_loop3A_599 = arith.index_cast %parallel_loop3A_597 : i32 to index
        %parallel_loop3A_600 = arith.index_cast %parallel_loop3A_598 : i32 to index
        %parallel_loop3A_601 = arith.index_cast %parallel_loop3A_526 : i32 to index
        %parallel_loop3A_602 = arith.constant 64 : index
        %parallel_loop3A_603 = tpu.vector_load %arg11[%parallel_loop3A_599, %parallel_loop3A_600, %parallel_loop3A_601, %parallel_loop3A_602] {strides = array<i32>} : memref<2x4x8x128xf32, #tpu.memory_space<vmem>>, vector<16xf32>,
        tpu.vector_store %arg11[%parallel_loop3A_599, %parallel_loop3A_600, %parallel_loop3A_601, %parallel_loop3A_602], %parallel_loop3A_596 {strides = array<i32>} : memref<2x4x8x128xf32, #tpu.memory_space<vmem>>, vector<16xf32>,
        %parallel_loop3A_604 = vector.broadcast %parallel_loop3A_528 : i32 to vector<16xi32>
        %parallel_loop3A_605 = arith.addi %get3A_481, %parallel_loop3A_604 : vector<16xi32>
        %parallel_loop3A_606 = arith.constant 1 : i32
        %parallel_loop3A_607 = arith.constant 0 : i32
        %parallel_loop3A_608 = arith.constant 0 : i32
        %parallel_loop3A_609 = tpu.memref_slice %arg10[%parallel_loop3A_606, %parallel_loop3A_607, %parallel_loop3A_608] : memref<2x128x128xf32, #tpu.memory_space<vmem>> -> memref<1x128x128xf32, #tpu.memory_space<vmem>>
        %parallel_loop3A_610 = tpu.memref_squeeze %parallel_loop3A_609 : memref<1x128x128xf32, #tpu.memory_space<vmem>> -> memref<128x128xf32, #tpu.memory_space<vmem>>
        %parallel_loop3A_611 = tpu.vector_load_idx %parallel_loop3A_610[%add3A_42, %parallel_loop3A_605] : memref<128x128xf32, #tpu.memory_space<vmem>>[vector<16xi32>, vector<16xi32>], vector<16xf32>,
        %parallel_loop3A_612 = arith.constant 1 : i32
        %parallel_loop3A_613 = arith.constant 2 : i32
        %parallel_loop3A_614 = arith.index_cast %parallel_loop3A_612 : i32 to index
        %parallel_loop3A_615 = arith.index_cast %parallel_loop3A_613 : i32 to index
        %parallel_loop3A_616 = arith.index_cast %parallel_loop3A_526 : i32 to index
        %parallel_loop3A_617 = arith.constant 80 : index
        %parallel_loop3A_618 = tpu.vector_load %arg11[%parallel_loop3A_614, %parallel_loop3A_615, %parallel_loop3A_616, %parallel_loop3A_617] {strides = array<i32>} : memref<2x4x8x128xf32, #tpu.memory_space<vmem>>, vector<16xf32>,
        tpu.vector_store %arg11[%parallel_loop3A_614, %parallel_loop3A_615, %parallel_loop3A_616, %parallel_loop3A_617], %parallel_loop3A_611 {strides = array<i32>} : memref<2x4x8x128xf32, #tpu.memory_space<vmem>>, vector<16xf32>,
        %parallel_loop3A_619 = vector.broadcast %parallel_loop3A_528 : i32 to vector<16xi32>
        %parallel_loop3A_620 = arith.addi %get3A_483, %parallel_loop3A_619 : vector<16xi32>
        %parallel_loop3A_621 = arith.constant 1 : i32
        %parallel_loop3A_622 = arith.constant 0 : i32
        %parallel_loop3A_623 = arith.constant 0 : i32
        %parallel_loop3A_624 = tpu.memref_slice %arg10[%parallel_loop3A_621, %parallel_loop3A_622, %parallel_loop3A_623] : memref<2x128x128xf32, #tpu.memory_space<vmem>> -> memref<1x128x128xf32, #tpu.memory_space<vmem>>
        %parallel_loop3A_625 = tpu.memref_squeeze %parallel_loop3A_624 : memref<1x128x128xf32, #tpu.memory_space<vmem>> -> memref<128x128xf32, #tpu.memory_space<vmem>>
        %parallel_loop3A_626 = tpu.vector_load_idx %parallel_loop3A_625[%add3A_48, %parallel_loop3A_620] : memref<128x128xf32, #tpu.memory_space<vmem>>[vector<16xi32>, vector<16xi32>], vector<16xf32>,
        %parallel_loop3A_627 = arith.constant 1 : i32
        %parallel_loop3A_628 = arith.constant 2 : i32
        %parallel_loop3A_629 = arith.index_cast %parallel_loop3A_627 : i32 to index
        %parallel_loop3A_630 = arith.index_cast %parallel_loop3A_628 : i32 to index
        %parallel_loop3A_631 = arith.index_cast %parallel_loop3A_526 : i32 to index
        %parallel_loop3A_632 = arith.constant 96 : index
        %parallel_loop3A_633 = tpu.vector_load %arg11[%parallel_loop3A_629, %parallel_loop3A_630, %parallel_loop3A_631, %parallel_loop3A_632] {strides = array<i32>} : memref<2x4x8x128xf32, #tpu.memory_space<vmem>>, vector<16xf32>,
        tpu.vector_store %arg11[%parallel_loop3A_629, %parallel_loop3A_630, %parallel_loop3A_631, %parallel_loop3A_632], %parallel_loop3A_626 {strides = array<i32>} : memref<2x4x8x128xf32, #tpu.memory_space<vmem>>, vector<16xf32>,
        %parallel_loop3A_634 = vector.broadcast %parallel_loop3A_528 : i32 to vector<16xi32>
        %parallel_loop3A_635 = arith.addi %get3A_485, %parallel_loop3A_634 : vector<16xi32>
        %parallel_loop3A_636 = arith.constant 1 : i32
        %parallel_loop3A_637 = arith.constant 0 : i32
        %parallel_loop3A_638 = arith.constant 0 : i32
        %parallel_loop3A_639 = tpu.memref_slice %arg10[%parallel_loop3A_636, %parallel_loop3A_637, %parallel_loop3A_638] : memref<2x128x128xf32, #tpu.memory_space<vmem>> -> memref<1x128x128xf32, #tpu.memory_space<vmem>>
        %parallel_loop3A_640 = tpu.memref_squeeze %parallel_loop3A_639 : memref<1x128x128xf32, #tpu.memory_space<vmem>> -> memref<128x128xf32, #tpu.memory_space<vmem>>
        %parallel_loop3A_641 = tpu.vector_load_idx %parallel_loop3A_640[%add3A_54, %parallel_loop3A_635] : memref<128x128xf32, #tpu.memory_space<vmem>>[vector<16xi32>, vector<16xi32>], vector<16xf32>,
        %parallel_loop3A_642 = arith.constant 1 : i32
        %parallel_loop3A_643 = arith.constant 2 : i32
        %parallel_loop3A_644 = arith.index_cast %parallel_loop3A_642 : i32 to index
        %parallel_loop3A_645 = arith.index_cast %parallel_loop3A_643 : i32 to index
        %parallel_loop3A_646 = arith.index_cast %parallel_loop3A_526 : i32 to index
        %parallel_loop3A_647 = arith.constant 112 : index
        %parallel_loop3A_648 = tpu.vector_load %arg11[%parallel_loop3A_644, %parallel_loop3A_645, %parallel_loop3A_646, %parallel_loop3A_647] {strides = array<i32>} : memref<2x4x8x128xf32, #tpu.memory_space<vmem>>, vector<16xf32>,
        tpu.vector_store %arg11[%parallel_loop3A_644, %parallel_loop3A_645, %parallel_loop3A_646, %parallel_loop3A_647], %parallel_loop3A_641 {strides = array<i32>} : memref<2x4x8x128xf32, #tpu.memory_space<vmem>>, vector<16xf32>,
      } {sc.loop_unroll_factor = 4 : i64, sc.parallel_access}
      %parallel_loop3A_495 = arith.constant 0 : i32
      %parallel_loop3A_496 = arith.constant 8 : i32
      %parallel_loop3A_497 = arith.constant 1 : i32
      scf.for %parallel_loop3A_526 = %parallel_loop3A_495 to %parallel_loop3A_496 step %parallel_loop3A_497  : i32 {
        %parallel_loop3A_527 = arith.constant 24 : i32
        %parallel_loop3A_528 = arith.addi %parallel_loop3A_527, %parallel_loop3A_526 : i32
        %parallel_loop3A_529 = vector.broadcast %parallel_loop3A_528 : i32 to vector<16xi32>
        %parallel_loop3A_530 = arith.addi %get3A_471, %parallel_loop3A_529 : vector<16xi32>
        %parallel_loop3A_531 = arith.constant 1 : i32
        %parallel_loop3A_532 = arith.constant 0 : i32
        %parallel_loop3A_533 = arith.constant 0 : i32
        %parallel_loop3A_534 = tpu.memref_slice %arg10[%parallel_loop3A_531, %parallel_loop3A_532, %parallel_loop3A_533] : memref<2x128x128xf32, #tpu.memory_space<vmem>> -> memref<1x128x128xf32, #tpu.memory_space<vmem>>
        %parallel_loop3A_535 = tpu.memref_squeeze %parallel_loop3A_534 : memref<1x128x128xf32, #tpu.memory_space<vmem>> -> memref<128x128xf32, #tpu.memory_space<vmem>>
        %parallel_loop3A_536 = tpu.vector_load_idx %parallel_loop3A_535[%add3A_12, %parallel_loop3A_530] : memref<128x128xf32, #tpu.memory_space<vmem>>[vector<16xi32>, vector<16xi32>], vector<16xf32>,
        %parallel_loop3A_537 = arith.constant 1 : i32
        %parallel_loop3A_538 = arith.constant 3 : i32
        %parallel_loop3A_539 = arith.index_cast %parallel_loop3A_537 : i32 to index
        %parallel_loop3A_540 = arith.index_cast %parallel_loop3A_538 : i32 to index
        %parallel_loop3A_541 = arith.index_cast %parallel_loop3A_526 : i32 to index
        %parallel_loop3A_542 = arith.constant 0 : index
        %parallel_loop3A_543 = tpu.vector_load %arg11[%parallel_loop3A_539, %parallel_loop3A_540, %parallel_loop3A_541, %parallel_loop3A_542] {strides = array<i32>} : memref<2x4x8x128xf32, #tpu.memory_space<vmem>>, vector<16xf32>,
        tpu.vector_store %arg11[%parallel_loop3A_539, %parallel_loop3A_540, %parallel_loop3A_541, %parallel_loop3A_542], %parallel_loop3A_536 {strides = array<i32>} : memref<2x4x8x128xf32, #tpu.memory_space<vmem>>, vector<16xf32>,
        %parallel_loop3A_544 = vector.broadcast %parallel_loop3A_528 : i32 to vector<16xi32>
        %parallel_loop3A_545 = arith.addi %get3A_473, %parallel_loop3A_544 : vector<16xi32>
        %parallel_loop3A_546 = arith.constant 1 : i32
        %parallel_loop3A_547 = arith.constant 0 : i32
        %parallel_loop3A_548 = arith.constant 0 : i32
        %parallel_loop3A_549 = tpu.memref_slice %arg10[%parallel_loop3A_546, %parallel_loop3A_547, %parallel_loop3A_548] : memref<2x128x128xf32, #tpu.memory_space<vmem>> -> memref<1x128x128xf32, #tpu.memory_space<vmem>>
        %parallel_loop3A_550 = tpu.memref_squeeze %parallel_loop3A_549 : memref<1x128x128xf32, #tpu.memory_space<vmem>> -> memref<128x128xf32, #tpu.memory_space<vmem>>
        %parallel_loop3A_551 = tpu.vector_load_idx %parallel_loop3A_550[%add3A_18, %parallel_loop3A_545] : memref<128x128xf32, #tpu.memory_space<vmem>>[vector<16xi32>, vector<16xi32>], vector<16xf32>,
        %parallel_loop3A_552 = arith.constant 1 : i32
        %parallel_loop3A_553 = arith.constant 3 : i32
        %parallel_loop3A_554 = arith.index_cast %parallel_loop3A_552 : i32 to index
        %parallel_loop3A_555 = arith.index_cast %parallel_loop3A_553 : i32 to index
        %parallel_loop3A_556 = arith.index_cast %parallel_loop3A_526 : i32 to index
        %parallel_loop3A_557 = arith.constant 16 : index
        %parallel_loop3A_558 = tpu.vector_load %arg11[%parallel_loop3A_554, %parallel_loop3A_555, %parallel_loop3A_556, %parallel_loop3A_557] {strides = array<i32>} : memref<2x4x8x128xf32, #tpu.memory_space<vmem>>, vector<16xf32>,
        tpu.vector_store %arg11[%parallel_loop3A_554, %parallel_loop3A_555, %parallel_loop3A_556, %parallel_loop3A_557], %parallel_loop3A_551 {strides = array<i32>} : memref<2x4x8x128xf32, #tpu.memory_space<vmem>>, vector<16xf32>,
        %parallel_loop3A_559 = vector.broadcast %parallel_loop3A_528 : i32 to vector<16xi32>
        %parallel_loop3A_560 = arith.addi %get3A_475, %parallel_loop3A_559 : vector<16xi32>
        %parallel_loop3A_561 = arith.constant 1 : i32
        %parallel_loop3A_562 = arith.constant 0 : i32
        %parallel_loop3A_563 = arith.constant 0 : i32
        %parallel_loop3A_564 = tpu.memref_slice %arg10[%parallel_loop3A_561, %parallel_loop3A_562, %parallel_loop3A_563] : memref<2x128x128xf32, #tpu.memory_space<vmem>> -> memref<1x128x128xf32, #tpu.memory_space<vmem>>
        %parallel_loop3A_565 = tpu.memref_squeeze %parallel_loop3A_564 : memref<1x128x128xf32, #tpu.memory_space<vmem>> -> memref<128x128xf32, #tpu.memory_space<vmem>>
        %parallel_loop3A_566 = tpu.vector_load_idx %parallel_loop3A_565[%add3A_24, %parallel_loop3A_560] : memref<128x128xf32, #tpu.memory_space<vmem>>[vector<16xi32>, vector<16xi32>], vector<16xf32>,
        %parallel_loop3A_567 = arith.constant 1 : i32
        %parallel_loop3A_568 = arith.constant 3 : i32
        %parallel_loop3A_569 = arith.index_cast %parallel_loop3A_567 : i32 to index
        %parallel_loop3A_570 = arith.index_cast %parallel_loop3A_568 : i32 to index
        %parallel_loop3A_571 = arith.index_cast %parallel_loop3A_526 : i32 to index
        %parallel_loop3A_572 = arith.constant 32 : index
        %parallel_loop3A_573 = tpu.vector_load %arg11[%parallel_loop3A_569, %parallel_loop3A_570, %parallel_loop3A_571, %parallel_loop3A_572] {strides = array<i32>} : memref<2x4x8x128xf32, #tpu.memory_space<vmem>>, vector<16xf32>,
        tpu.vector_store %arg11[%parallel_loop3A_569, %parallel_loop3A_570, %parallel_loop3A_571, %parallel_loop3A_572], %parallel_loop3A_566 {strides = array<i32>} : memref<2x4x8x128xf32, #tpu.memory_space<vmem>>, vector<16xf32>,
        %parallel_loop3A_574 = vector.broadcast %parallel_loop3A_528 : i32 to vector<16xi32>
        %parallel_loop3A_575 = arith.addi %get3A_477, %parallel_loop3A_574 : vector<16xi32>
        %parallel_loop3A_576 = arith.constant 1 : i32
        %parallel_loop3A_577 = arith.constant 0 : i32
        %parallel_loop3A_578 = arith.constant 0 : i32
        %parallel_loop3A_579 = tpu.memref_slice %arg10[%parallel_loop3A_576, %parallel_loop3A_577, %parallel_loop3A_578] : memref<2x128x128xf32, #tpu.memory_space<vmem>> -> memref<1x128x128xf32, #tpu.memory_space<vmem>>
        %parallel_loop3A_580 = tpu.memref_squeeze %parallel_loop3A_579 : memref<1x128x128xf32, #tpu.memory_space<vmem>> -> memref<128x128xf32, #tpu.memory_space<vmem>>
        %parallel_loop3A_581 = tpu.vector_load_idx %parallel_loop3A_580[%add3A_30, %parallel_loop3A_575] : memref<128x128xf32, #tpu.memory_space<vmem>>[vector<16xi32>, vector<16xi32>], vector<16xf32>,
        %parallel_loop3A_582 = arith.constant 1 : i32
        %parallel_loop3A_583 = arith.constant 3 : i32
        %parallel_loop3A_584 = arith.index_cast %parallel_loop3A_582 : i32 to index
        %parallel_loop3A_585 = arith.index_cast %parallel_loop3A_583 : i32 to index
        %parallel_loop3A_586 = arith.index_cast %parallel_loop3A_526 : i32 to index
        %parallel_loop3A_587 = arith.constant 48 : index
        %parallel_loop3A_588 = tpu.vector_load %arg11[%parallel_loop3A_584, %parallel_loop3A_585, %parallel_loop3A_586, %parallel_loop3A_587] {strides = array<i32>} : memref<2x4x8x128xf32, #tpu.memory_space<vmem>>, vector<16xf32>,
        tpu.vector_store %arg11[%parallel_loop3A_584, %parallel_loop3A_585, %parallel_loop3A_586, %parallel_loop3A_587], %parallel_loop3A_581 {strides = array<i32>} : memref<2x4x8x128xf32, #tpu.memory_space<vmem>>, vector<16xf32>,
        %parallel_loop3A_589 = vector.broadcast %parallel_loop3A_528 : i32 to vector<16xi32>
        %parallel_loop3A_590 = arith.addi %get3A_479, %parallel_loop3A_589 : vector<16xi32>
        %parallel_loop3A_591 = arith.constant 1 : i32
        %parallel_loop3A_592 = arith.constant 0 : i32
        %parallel_loop3A_593 = arith.constant 0 : i32
        %parallel_loop3A_594 = tpu.memref_slice %arg10[%parallel_loop3A_591, %parallel_loop3A_592, %parallel_loop3A_593] : memref<2x128x128xf32, #tpu.memory_space<vmem>> -> memref<1x128x128xf32, #tpu.memory_space<vmem>>
        %parallel_loop3A_595 = tpu.memref_squeeze %parallel_loop3A_594 : memref<1x128x128xf32, #tpu.memory_space<vmem>> -> memref<128x128xf32, #tpu.memory_space<vmem>>
        %parallel_loop3A_596 = tpu.vector_load_idx %parallel_loop3A_595[%add3A_36, %parallel_loop3A_590] : memref<128x128xf32, #tpu.memory_space<vmem>>[vector<16xi32>, vector<16xi32>], vector<16xf32>,
        %parallel_loop3A_597 = arith.constant 1 : i32
        %parallel_loop3A_598 = arith.constant 3 : i32
        %parallel_loop3A_599 = arith.index_cast %parallel_loop3A_597 : i32 to index
        %parallel_loop3A_600 = arith.index_cast %parallel_loop3A_598 : i32 to index
        %parallel_loop3A_601 = arith.index_cast %parallel_loop3A_526 : i32 to index
        %parallel_loop3A_602 = arith.constant 64 : index
        %parallel_loop3A_603 = tpu.vector_load %arg11[%parallel_loop3A_599, %parallel_loop3A_600, %parallel_loop3A_601, %parallel_loop3A_602] {strides = array<i32>} : memref<2x4x8x128xf32, #tpu.memory_space<vmem>>, vector<16xf32>,
        tpu.vector_store %arg11[%parallel_loop3A_599, %parallel_loop3A_600, %parallel_loop3A_601, %parallel_loop3A_602], %parallel_loop3A_596 {strides = array<i32>} : memref<2x4x8x128xf32, #tpu.memory_space<vmem>>, vector<16xf32>,
        %parallel_loop3A_604 = vector.broadcast %parallel_loop3A_528 : i32 to vector<16xi32>
        %parallel_loop3A_605 = arith.addi %get3A_481, %parallel_loop3A_604 : vector<16xi32>
        %parallel_loop3A_606 = arith.constant 1 : i32
        %parallel_loop3A_607 = arith.constant 0 : i32
        %parallel_loop3A_608 = arith.constant 0 : i32
        %parallel_loop3A_609 = tpu.memref_slice %arg10[%parallel_loop3A_606, %parallel_loop3A_607, %parallel_loop3A_608] : memref<2x128x128xf32, #tpu.memory_space<vmem>> -> memref<1x128x128xf32, #tpu.memory_space<vmem>>
        %parallel_loop3A_610 = tpu.memref_squeeze %parallel_loop3A_609 : memref<1x128x128xf32, #tpu.memory_space<vmem>> -> memref<128x128xf32, #tpu.memory_space<vmem>>
        %parallel_loop3A_611 = tpu.vector_load_idx %parallel_loop3A_610[%add3A_42, %parallel_loop3A_605] : memref<128x128xf32, #tpu.memory_space<vmem>>[vector<16xi32>, vector<16xi32>], vector<16xf32>,
        %parallel_loop3A_612 = arith.constant 1 : i32
        %parallel_loop3A_613 = arith.constant 3 : i32
        %parallel_loop3A_614 = arith.index_cast %parallel_loop3A_612 : i32 to index
        %parallel_loop3A_615 = arith.index_cast %parallel_loop3A_613 : i32 to index
        %parallel_loop3A_616 = arith.index_cast %parallel_loop3A_526 : i32 to index
        %parallel_loop3A_617 = arith.constant 80 : index
        %parallel_loop3A_618 = tpu.vector_load %arg11[%parallel_loop3A_614, %parallel_loop3A_615, %parallel_loop3A_616, %parallel_loop3A_617] {strides = array<i32>} : memref<2x4x8x128xf32, #tpu.memory_space<vmem>>, vector<16xf32>,
        tpu.vector_store %arg11[%parallel_loop3A_614, %parallel_loop3A_615, %parallel_loop3A_616, %parallel_loop3A_617], %parallel_loop3A_611 {strides = array<i32>} : memref<2x4x8x128xf32, #tpu.memory_space<vmem>>, vector<16xf32>,
        %parallel_loop3A_619 = vector.broadcast %parallel_loop3A_528 : i32 to vector<16xi32>
        %parallel_loop3A_620 = arith.addi %get3A_483, %parallel_loop3A_619 : vector<16xi32>
        %parallel_loop3A_621 = arith.constant 1 : i32
        %parallel_loop3A_622 = arith.constant 0 : i32
        %parallel_loop3A_623 = arith.constant 0 : i32
        %parallel_loop3A_624 = tpu.memref_slice %arg10[%parallel_loop3A_621, %parallel_loop3A_622, %parallel_loop3A_623] : memref<2x128x128xf32, #tpu.memory_space<vmem>> -> memref<1x128x128xf32, #tpu.memory_space<vmem>>
        %parallel_loop3A_625 = tpu.memref_squeeze %parallel_loop3A_624 : memref<1x128x128xf32, #tpu.memory_space<vmem>> -> memref<128x128xf32, #tpu.memory_space<vmem>>
        %parallel_loop3A_626 = tpu.vector_load_idx %parallel_loop3A_625[%add3A_48, %parallel_loop3A_620] : memref<128x128xf32, #tpu.memory_space<vmem>>[vector<16xi32>, vector<16xi32>], vector<16xf32>,
        %parallel_loop3A_627 = arith.constant 1 : i32
        %parallel_loop3A_628 = arith.constant 3 : i32
        %parallel_loop3A_629 = arith.index_cast %parallel_loop3A_627 : i32 to index
        %parallel_loop3A_630 = arith.index_cast %parallel_loop3A_628 : i32 to index
        %parallel_loop3A_631 = arith.index_cast %parallel_loop3A_526 : i32 to index
        %parallel_loop3A_632 = arith.constant 96 : index
        %parallel_loop3A_633 = tpu.vector_load %arg11[%parallel_loop3A_629, %parallel_loop3A_630, %parallel_loop3A_631, %parallel_loop3A_632] {strides = array<i32>} : memref<2x4x8x128xf32, #tpu.memory_space<vmem>>, vector<16xf32>,
        tpu.vector_store %arg11[%parallel_loop3A_629, %parallel_loop3A_630, %parallel_loop3A_631, %parallel_loop3A_632], %parallel_loop3A_626 {strides = array<i32>} : memref<2x4x8x128xf32, #tpu.memory_space<vmem>>, vector<16xf32>,
        %parallel_loop3A_634 = vector.broadcast %parallel_loop3A_528 : i32 to vector<16xi32>
        %parallel_loop3A_635 = arith.addi %get3A_485, %parallel_loop3A_634 : vector<16xi32>
        %parallel_loop3A_636 = arith.constant 1 : i32
        %parallel_loop3A_637 = arith.constant 0 : i32
        %parallel_loop3A_638 = arith.constant 0 : i32
        %parallel_loop3A_639 = tpu.memref_slice %arg10[%parallel_loop3A_636, %parallel_loop3A_637, %parallel_loop3A_638] : memref<2x128x128xf32, #tpu.memory_space<vmem>> -> memref<1x128x128xf32, #tpu.memory_space<vmem>>
        %parallel_loop3A_640 = tpu.memref_squeeze %parallel_loop3A_639 : memref<1x128x128xf32, #tpu.memory_space<vmem>> -> memref<128x128xf32, #tpu.memory_space<vmem>>
        %parallel_loop3A_641 = tpu.vector_load_idx %parallel_loop3A_640[%add3A_54, %parallel_loop3A_635] : memref<128x128xf32, #tpu.memory_space<vmem>>[vector<16xi32>, vector<16xi32>], vector<16xf32>,
        %parallel_loop3A_642 = arith.constant 1 : i32
        %parallel_loop3A_643 = arith.constant 3 : i32
        %parallel_loop3A_644 = arith.index_cast %parallel_loop3A_642 : i32 to index
        %parallel_loop3A_645 = arith.index_cast %parallel_loop3A_643 : i32 to index
        %parallel_loop3A_646 = arith.index_cast %parallel_loop3A_526 : i32 to index
        %parallel_loop3A_647 = arith.constant 112 : index
        %parallel_loop3A_648 = tpu.vector_load %arg11[%parallel_loop3A_644, %parallel_loop3A_645, %parallel_loop3A_646, %parallel_loop3A_647] {strides = array<i32>} : memref<2x4x8x128xf32, #tpu.memory_space<vmem>>, vector<16xf32>,
        tpu.vector_store %arg11[%parallel_loop3A_644, %parallel_loop3A_645, %parallel_loop3A_646, %parallel_loop3A_647], %parallel_loop3A_641 {strides = array<i32>} : memref<2x4x8x128xf32, #tpu.memory_space<vmem>>, vector<16xf32>,
      } {sc.loop_unroll_factor = 4 : i64, sc.parallel_access}
      %dma_start3A_498 = arith.constant 1 : i32
      %dma_start3A_499 = arith.constant 0 : i32
      %dma_start3A_500 = arith.constant 0 : i32
      %dma_start3A_501 = arith.constant 0 : i32
      %dma_start3A_502 = tpu.memref_slice %arg11[%dma_start3A_498, %dma_start3A_499, %dma_start3A_500, %dma_start3A_501] : memref<2x4x8x128xf32, #tpu.memory_space<vmem>> -> memref<1x4x8x128xf32, #tpu.memory_space<vmem>>
      %dma_start3A_503 = tpu.memref_squeeze %dma_start3A_502 : memref<1x4x8x128xf32, #tpu.memory_space<vmem>> -> memref<4x8x128xf32, #tpu.memory_space<vmem>>
      %dma_start3A_504 = arith.constant 0 : i32
      %dma_start3A_505 = arith.constant 0 : i32
      %dma_start3A_506 = arith.constant 0 : i32
      %dma_start3A_507 = tpu.memref_slice %arg4[%add3A_456, %dma_start3A_504, %add3A, %dma_start3A_505, %dma_start3A_506] : memref<50x4x32x8x128xf32, #tpu.memory_space<hbm>> -> memref<1x4x1x8x128xf32, #tpu.memory_space<hbm>>
      %dma_start3A_508 = tpu.memref_squeeze %dma_start3A_507 : memref<1x4x1x8x128xf32, #tpu.memory_space<hbm>> -> memref<4x8x128xf32, #tpu.memory_space<hbm>>
      %dma_start3A_509 = arith.constant 0 : i32
      %dma_start3A_510 = arith.constant 0 : i32
      %dma_start3A_511 = arith.constant 0 : i32
      %dma_start3A_512 = tpu.memref_slice %arg4[%add3A_456, %dma_start3A_509, %add3A, %dma_start3A_510, %dma_start3A_511] : memref<50x4x32x8x128xf32, #tpu.memory_space<hbm>> -> memref<1x4x1x8x128xf32, #tpu.memory_space<hbm>>
      %dma_start3A_513 = tpu.memref_squeeze %dma_start3A_512 : memref<1x4x1x8x128xf32, #tpu.memory_space<hbm>> -> memref<4x8x128xf32, #tpu.memory_space<hbm>>
      %dma_start3A_514 = arith.constant 0 : i32
      %dma_start3A_515 = arith.constant 0 : i32
      %dma_start3A_516 = arith.constant 0 : i32
      %dma_start3A_517 = tpu.memref_slice %arg11[%dma_start3A_498, %dma_start3A_514, %dma_start3A_515, %dma_start3A_516] : memref<2x4x8x128xf32, #tpu.memory_space<vmem>> -> memref<1x4x8x128xf32, #tpu.memory_space<vmem>>
      %dma_start3A_518 = tpu.memref_squeeze %dma_start3A_517 : memref<1x4x8x128xf32, #tpu.memory_space<vmem>> -> memref<4x8x128xf32, #tpu.memory_space<vmem>>
      tpu.enqueue_dma source(%dma_start3A_518 : memref<4x8x128xf32, #tpu.memory_space<vmem>>) target(%dma_start3A_513 : memref<4x8x128xf32, #tpu.memory_space<hbm>>) target_semaphore(%arg15 : memref<!tpu.dma_semaphore, #tpu.memory_space<semaphore_mem>>)
      %add3A_519 = arith.constant 2 : i32
      %add3A_520 = arith.addi %add3A_456, %add3A_519 : i32
      %lt3A_521 = arith.constant 50 : i32
      %lt3A_522 = arith.cmpi slt, %add3A_520, %lt3A_521 : i32
      %convert_element_type3A_523 = arith.extui %lt3A_522 : i1 to i32
      %cond3A_524 = arith.constant 0 : i32
      %cond3A_525 = arith.cmpi ne, %convert_element_type3A_523, %cond3A_524 : i32
      scf.if %cond3A_525 {
        %add3A_526 = arith.constant 2 : i32
        %add3A_527 = arith.addi %add3A_456, %add3A_526 : i32
        %add3A_528 = arith.constant 0 : i32
        %add3A_529 = arith.addi %add3A_528, %add3A_527 : i32
        %add3A_530 = vector.broadcast %add3A_529 : i32 to vector<16xi32>
        %add3A_531 = arith.addi %mul3A_7, %add3A_530 : vector<16xi32>
        %gather3A_532 = tpu.vector_load_idx %arg5[%add3A_531] : memref<6400xi32, #tpu.memory_space<vmem>>[vector<16xi32>], vector<16xi32>,
        %shift_right_logical3A_533 = arith.constant 2 : i32
        %shift_right_logical3A_534 = vector.broadcast %shift_right_logical3A_533 : i32 to vector<16xi32>
        %shift_right_logical3A_535 = arith.shrui %gather3A_532, %shift_right_logical3A_534 : vector<16xi32>
        %swap3A_536 = arith.constant 0 : index
        %swap3A_537 = tpu.vector_load %arg7[%swap3A_536] {strides = array<i32>} : memref<128xi32, #tpu.memory_space<vmem>>, vector<16xi32>,
        tpu.vector_store %arg7[%swap3A_536], %shift_right_logical3A_535 {strides = array<i32>} : memref<128xi32, #tpu.memory_space<vmem>>, vector<16xi32>,
        %and3A_538 = arith.constant 3 : i32
        %and3A_539 = vector.broadcast %and3A_538 : i32 to vector<16xi32>
        %and3A_540 = arith.andi %gather3A_532, %and3A_539 : vector<16xi32>
        %shift_left3A_541 = arith.constant 5 : i32
        %shift_left3A_542 = vector.broadcast %shift_left3A_541 : i32 to vector<16xi32>
        %shift_left3A_543 = arith.shli %and3A_540, %shift_left3A_542 : vector<16xi32>
        %swap3A_544 = arith.constant 0 : index
        %swap3A_545 = tpu.vector_load %arg9[%swap3A_544] {strides = array<i32>} : memref<128xi32, #tpu.memory_space<vmem>>, vector<16xi32>,
        tpu.vector_store %arg9[%swap3A_544], %shift_left3A_543 {strides = array<i32>} : memref<128xi32, #tpu.memory_space<vmem>>, vector<16xi32>,
        %add3A_546 = arith.constant 800 : i32
        %add3A_547 = arith.addi %add3A_546, %add3A_527 : i32
        %add3A_548 = vector.broadcast %add3A_547 : i32 to vector<16xi32>
        %add3A_549 = arith.addi %mul3A_7, %add3A_548 : vector<16xi32>
        %gather3A_550 = tpu.vector_load_idx %arg5[%add3A_549] : memref<6400xi32, #tpu.memory_space<vmem>>[vector<16xi32>], vector<16xi32>,
        %shift_right_logical3A_551 = arith.constant 2 : i32
        %shift_right_logical3A_552 = vector.broadcast %shift_right_logical3A_551 : i32 to vector<16xi32>
        %shift_right_logical3A_553 = arith.shrui %gather3A_550, %shift_right_logical3A_552 : vector<16xi32>
        %swap3A_554 = arith.constant 16 : index
        %swap3A_555 = tpu.vector_load %arg7[%swap3A_554] {strides = array<i32>} : memref<128xi32, #tpu.memory_space<vmem>>, vector<16xi32>,
        tpu.vector_store %arg7[%swap3A_554], %shift_right_logical3A_553 {strides = array<i32>} : memref<128xi32, #tpu.memory_space<vmem>>, vector<16xi32>,
        %and3A_556 = arith.constant 3 : i32
        %and3A_557 = vector.broadcast %and3A_556 : i32 to vector<16xi32>
        %and3A_558 = arith.andi %gather3A_550, %and3A_557 : vector<16xi32>
        %shift_left3A_559 = arith.constant 5 : i32
        %shift_left3A_560 = vector.broadcast %shift_left3A_559 : i32 to vector<16xi32>
        %shift_left3A_561 = arith.shli %and3A_558, %shift_left3A_560 : vector<16xi32>
        %swap3A_562 = arith.constant 16 : index
        %swap3A_563 = tpu.vector_load %arg9[%swap3A_562] {strides = array<i32>} : memref<128xi32, #tpu.memory_space<vmem>>, vector<16xi32>,
        tpu.vector_store %arg9[%swap3A_562], %shift_left3A_561 {strides = array<i32>} : memref<128xi32, #tpu.memory_space<vmem>>, vector<16xi32>,
        %add3A_564 = arith.constant 1600 : i32
        %add3A_565 = arith.addi %add3A_564, %add3A_527 : i32
        %add3A_566 = vector.broadcast %add3A_565 : i32 to vector<16xi32>
        %add3A_567 = arith.addi %mul3A_7, %add3A_566 : vector<16xi32>
        %gather3A_568 = tpu.vector_load_idx %arg5[%add3A_567] : memref<6400xi32, #tpu.memory_space<vmem>>[vector<16xi32>], vector<16xi32>,
        %shift_right_logical3A_569 = arith.constant 2 : i32
        %shift_right_logical3A_570 = vector.broadcast %shift_right_logical3A_569 : i32 to vector<16xi32>
        %shift_right_logical3A_571 = arith.shrui %gather3A_568, %shift_right_logical3A_570 : vector<16xi32>
        %swap3A_572 = arith.constant 32 : index
        %swap3A_573 = tpu.vector_load %arg7[%swap3A_572] {strides = array<i32>} : memref<128xi32, #tpu.memory_space<vmem>>, vector<16xi32>,
        tpu.vector_store %arg7[%swap3A_572], %shift_right_logical3A_571 {strides = array<i32>} : memref<128xi32, #tpu.memory_space<vmem>>, vector<16xi32>,
        %and3A_574 = arith.constant 3 : i32
        %and3A_575 = vector.broadcast %and3A_574 : i32 to vector<16xi32>
        %and3A_576 = arith.andi %gather3A_568, %and3A_575 : vector<16xi32>
        %shift_left3A_577 = arith.constant 5 : i32
        %shift_left3A_578 = vector.broadcast %shift_left3A_577 : i32 to vector<16xi32>
        %shift_left3A_579 = arith.shli %and3A_576, %shift_left3A_578 : vector<16xi32>
        %swap3A_580 = arith.constant 32 : index
        %swap3A_581 = tpu.vector_load %arg9[%swap3A_580] {strides = array<i32>} : memref<128xi32, #tpu.memory_space<vmem>>, vector<16xi32>,
        tpu.vector_store %arg9[%swap3A_580], %shift_left3A_579 {strides = array<i32>} : memref<128xi32, #tpu.memory_space<vmem>>, vector<16xi32>,
        %add3A_582 = arith.constant 2400 : i32
        %add3A_583 = arith.addi %add3A_582, %add3A_527 : i32
        %add3A_584 = vector.broadcast %add3A_583 : i32 to vector<16xi32>
        %add3A_585 = arith.addi %mul3A_7, %add3A_584 : vector<16xi32>
        %gather3A_586 = tpu.vector_load_idx %arg5[%add3A_585] : memref<6400xi32, #tpu.memory_space<vmem>>[vector<16xi32>], vector<16xi32>,
        %shift_right_logical3A_587 = arith.constant 2 : i32
        %shift_right_logical3A_588 = vector.broadcast %shift_right_logical3A_587 : i32 to vector<16xi32>
        %shift_right_logical3A_589 = arith.shrui %gather3A_586, %shift_right_logical3A_588 : vector<16xi32>
        %swap3A_590 = arith.constant 48 : index
        %swap3A_591 = tpu.vector_load %arg7[%swap3A_590] {strides = array<i32>} : memref<128xi32, #tpu.memory_space<vmem>>, vector<16xi32>,
        tpu.vector_store %arg7[%swap3A_590], %shift_right_logical3A_589 {strides = array<i32>} : memref<128xi32, #tpu.memory_space<vmem>>, vector<16xi32>,
        %and3A_592 = arith.constant 3 : i32
        %and3A_593 = vector.broadcast %and3A_592 : i32 to vector<16xi32>
        %and3A_594 = arith.andi %gather3A_586, %and3A_593 : vector<16xi32>
        %shift_left3A_595 = arith.constant 5 : i32
        %shift_left3A_596 = vector.broadcast %shift_left3A_595 : i32 to vector<16xi32>
        %shift_left3A_597 = arith.shli %and3A_594, %shift_left3A_596 : vector<16xi32>
        %swap3A_598 = arith.constant 48 : index
        %swap3A_599 = tpu.vector_load %arg9[%swap3A_598] {strides = array<i32>} : memref<128xi32, #tpu.memory_space<vmem>>, vector<16xi32>,
        tpu.vector_store %arg9[%swap3A_598], %shift_left3A_597 {strides = array<i32>} : memref<128xi32, #tpu.memory_space<vmem>>, vector<16xi32>,
        %add3A_600 = arith.constant 3200 : i32
        %add3A_601 = arith.addi %add3A_600, %add3A_527 : i32
        %add3A_602 = vector.broadcast %add3A_601 : i32 to vector<16xi32>
        %add3A_603 = arith.addi %mul3A_7, %add3A_602 : vector<16xi32>
        %gather3A_604 = tpu.vector_load_idx %arg5[%add3A_603] : memref<6400xi32, #tpu.memory_space<vmem>>[vector<16xi32>], vector<16xi32>,
        %shift_right_logical3A_605 = arith.constant 2 : i32
        %shift_right_logical3A_606 = vector.broadcast %shift_right_logical3A_605 : i32 to vector<16xi32>
        %shift_right_logical3A_607 = arith.shrui %gather3A_604, %shift_right_logical3A_606 : vector<16xi32>
        %swap3A_608 = arith.constant 64 : index
        %swap3A_609 = tpu.vector_load %arg7[%swap3A_608] {strides = array<i32>} : memref<128xi32, #tpu.memory_space<vmem>>, vector<16xi32>,
        tpu.vector_store %arg7[%swap3A_608], %shift_right_logical3A_607 {strides = array<i32>} : memref<128xi32, #tpu.memory_space<vmem>>, vector<16xi32>,
        %and3A_610 = arith.constant 3 : i32
        %and3A_611 = vector.broadcast %and3A_610 : i32 to vector<16xi32>
        %and3A_612 = arith.andi %gather3A_604, %and3A_611 : vector<16xi32>
        %shift_left3A_613 = arith.constant 5 : i32
        %shift_left3A_614 = vector.broadcast %shift_left3A_613 : i32 to vector<16xi32>
        %shift_left3A_615 = arith.shli %and3A_612, %shift_left3A_614 : vector<16xi32>
        %swap3A_616 = arith.constant 64 : index
        %swap3A_617 = tpu.vector_load %arg9[%swap3A_616] {strides = array<i32>} : memref<128xi32, #tpu.memory_space<vmem>>, vector<16xi32>,
        tpu.vector_store %arg9[%swap3A_616], %shift_left3A_615 {strides = array<i32>} : memref<128xi32, #tpu.memory_space<vmem>>, vector<16xi32>,
        %add3A_618 = arith.constant 4000 : i32
        %add3A_619 = arith.addi %add3A_618, %add3A_527 : i32
        %add3A_620 = vector.broadcast %add3A_619 : i32 to vector<16xi32>
        %add3A_621 = arith.addi %mul3A_7, %add3A_620 : vector<16xi32>
        %gather3A_622 = tpu.vector_load_idx %arg5[%add3A_621] : memref<6400xi32, #tpu.memory_space<vmem>>[vector<16xi32>], vector<16xi32>,
        %shift_right_logical3A_623 = arith.constant 2 : i32
        %shift_right_logical3A_624 = vector.broadcast %shift_right_logical3A_623 : i32 to vector<16xi32>
        %shift_right_logical3A_625 = arith.shrui %gather3A_622, %shift_right_logical3A_624 : vector<16xi32>
        %swap3A_626 = arith.constant 80 : index
        %swap3A_627 = tpu.vector_load %arg7[%swap3A_626] {strides = array<i32>} : memref<128xi32, #tpu.memory_space<vmem>>, vector<16xi32>,
        tpu.vector_store %arg7[%swap3A_626], %shift_right_logical3A_625 {strides = array<i32>} : memref<128xi32, #tpu.memory_space<vmem>>, vector<16xi32>,
        %and3A_628 = arith.constant 3 : i32
        %and3A_629 = vector.broadcast %and3A_628 : i32 to vector<16xi32>
        %and3A_630 = arith.andi %gather3A_622, %and3A_629 : vector<16xi32>
        %shift_left3A_631 = arith.constant 5 : i32
        %shift_left3A_632 = vector.broadcast %shift_left3A_631 : i32 to vector<16xi32>
        %shift_left3A_633 = arith.shli %and3A_630, %shift_left3A_632 : vector<16xi32>
        %swap3A_634 = arith.constant 80 : index
        %swap3A_635 = tpu.vector_load %arg9[%swap3A_634] {strides = array<i32>} : memref<128xi32, #tpu.memory_space<vmem>>, vector<16xi32>,
        tpu.vector_store %arg9[%swap3A_634], %shift_left3A_633 {strides = array<i32>} : memref<128xi32, #tpu.memory_space<vmem>>, vector<16xi32>,
        %add3A_636 = arith.constant 4800 : i32
        %add3A_637 = arith.addi %add3A_636, %add3A_527 : i32
        %add3A_638 = vector.broadcast %add3A_637 : i32 to vector<16xi32>
        %add3A_639 = arith.addi %mul3A_7, %add3A_638 : vector<16xi32>
        %gather3A_640 = tpu.vector_load_idx %arg5[%add3A_639] : memref<6400xi32, #tpu.memory_space<vmem>>[vector<16xi32>], vector<16xi32>,
        %shift_right_logical3A_641 = arith.constant 2 : i32
        %shift_right_logical3A_642 = vector.broadcast %shift_right_logical3A_641 : i32 to vector<16xi32>
        %shift_right_logical3A_643 = arith.shrui %gather3A_640, %shift_right_logical3A_642 : vector<16xi32>
        %swap3A_644 = arith.constant 96 : index
        %swap3A_645 = tpu.vector_load %arg7[%swap3A_644] {strides = array<i32>} : memref<128xi32, #tpu.memory_space<vmem>>, vector<16xi32>,
        tpu.vector_store %arg7[%swap3A_644], %shift_right_logical3A_643 {strides = array<i32>} : memref<128xi32, #tpu.memory_space<vmem>>, vector<16xi32>,
        %and3A_646 = arith.constant 3 : i32
        %and3A_647 = vector.broadcast %and3A_646 : i32 to vector<16xi32>
        %and3A_648 = arith.andi %gather3A_640, %and3A_647 : vector<16xi32>
        %shift_left3A_649 = arith.constant 5 : i32
        %shift_left3A_650 = vector.broadcast %shift_left3A_649 : i32 to vector<16xi32>
        %shift_left3A_651 = arith.shli %and3A_648, %shift_left3A_650 : vector<16xi32>
        %swap3A_652 = arith.constant 96 : index
        %swap3A_653 = tpu.vector_load %arg9[%swap3A_652] {strides = array<i32>} : memref<128xi32, #tpu.memory_space<vmem>>, vector<16xi32>,
        tpu.vector_store %arg9[%swap3A_652], %shift_left3A_651 {strides = array<i32>} : memref<128xi32, #tpu.memory_space<vmem>>, vector<16xi32>,
        %add3A_654 = arith.constant 5600 : i32
        %add3A_655 = arith.addi %add3A_654, %add3A_527 : i32
        %add3A_656 = vector.broadcast %add3A_655 : i32 to vector<16xi32>
        %add3A_657 = arith.addi %mul3A_7, %add3A_656 : vector<16xi32>
        %gather3A_658 = tpu.vector_load_idx %arg5[%add3A_657] : memref<6400xi32, #tpu.memory_space<vmem>>[vector<16xi32>], vector<16xi32>,
        %shift_right_logical3A_659 = arith.constant 2 : i32
        %shift_right_logical3A_660 = vector.broadcast %shift_right_logical3A_659 : i32 to vector<16xi32>
        %shift_right_logical3A_661 = arith.shrui %gather3A_658, %shift_right_logical3A_660 : vector<16xi32>
        %swap3A_662 = arith.constant 112 : index
        %swap3A_663 = tpu.vector_load %arg7[%swap3A_662] {strides = array<i32>} : memref<128xi32, #tpu.memory_space<vmem>>, vector<16xi32>,
        tpu.vector_store %arg7[%swap3A_662], %shift_right_logical3A_661 {strides = array<i32>} : memref<128xi32, #tpu.memory_space<vmem>>, vector<16xi32>,
        %and3A_664 = arith.constant 3 : i32
        %and3A_665 = vector.broadcast %and3A_664 : i32 to vector<16xi32>
        %and3A_666 = arith.andi %gather3A_658, %and3A_665 : vector<16xi32>
        %shift_left3A_667 = arith.constant 5 : i32
        %shift_left3A_668 = vector.broadcast %shift_left3A_667 : i32 to vector<16xi32>
        %shift_left3A_669 = arith.shli %and3A_666, %shift_left3A_668 : vector<16xi32>
        %swap3A_670 = arith.constant 112 : index
        %swap3A_671 = tpu.vector_load %arg9[%swap3A_670] {strides = array<i32>} : memref<128xi32, #tpu.memory_space<vmem>>, vector<16xi32>,
        tpu.vector_store %arg9[%swap3A_670], %shift_left3A_669 {strides = array<i32>} : memref<128xi32, #tpu.memory_space<vmem>>, vector<16xi32>,
        %dma_start3A_672 = arith.constant 1 : i32
        %dma_start3A_673 = arith.constant 0 : i32
        %dma_start3A_674 = arith.constant 0 : i32
        %dma_start3A_675 = tpu.memref_slice %arg10[%dma_start3A_672, %dma_start3A_673, %dma_start3A_674] : memref<2x128x128xf32, #tpu.memory_space<vmem>> -> memref<1x128x128xf32, #tpu.memory_space<vmem>>
        %dma_start3A_676 = tpu.memref_squeeze %dma_start3A_675 : memref<1x128x128xf32, #tpu.memory_space<vmem>> -> memref<128x128xf32, #tpu.memory_space<vmem>>
        %dma_start3A_677 = arith.constant 0 : i32
        %dma_start3A_678 = arith.constant 0 : i32
        %dma_start3A_679 = tpu.memref_slice %arg2[%dma_start3A_677, %dma_start3A_678] : memref<250000x128xf32, #tpu.memory_space<hbm>> -> memref<250000x128xf32, #tpu.memory_space<hbm>>
        tpu.enqueue_indirect_dma source(%dma_start3A_679 : memref<250000x128xf32, #tpu.memory_space<hbm>>) target(%dma_start3A_676 : memref<128x128xf32, #tpu.memory_space<vmem>>) offsets(%arg7 : memref<128xi32, #tpu.memory_space<vmem>>) semaphore(%arg13 : memref<!tpu.dma_semaphore, #tpu.memory_space<semaphore_mem>>)
      } else {
      }
    }
    %scan3A_341 = arith.constant 25 : i32
    %dma_wait3A = arith.constant 0 : i32
    %dma_wait3A_342 = arith.constant 0 : i32
    %dma_wait3A_343 = arith.constant 0 : i32
    %dma_wait3A_344 = arith.constant 0 : i32
    %dma_wait3A_345 = arith.constant 0 : i32
    %dma_wait3A_346 = tpu.memref_slice %arg11[%dma_wait3A, %dma_wait3A_343, %dma_wait3A_344, %dma_wait3A_345] : memref<2x4x8x128xf32, #tpu.memory_space<vmem>> -> memref<1x4x8x128xf32, #tpu.memory_space<vmem>>
    %dma_wait3A_347 = tpu.memref_squeeze %dma_wait3A_346 : memref<1x4x8x128xf32, #tpu.memory_space<vmem>> -> memref<4x8x128xf32, #tpu.memory_space<vmem>>
    %dma_wait3A_348 = arith.constant 0 : i32
    %dma_wait3A_349 = arith.constant 0 : i32
    %dma_wait3A_350 = arith.constant 0 : i32
    %dma_wait3A_351 = tpu.memref_slice %arg4[%dma_wait3A_342, %dma_wait3A_348, %add3A, %dma_wait3A_349, %dma_wait3A_350] : memref<50x4x32x8x128xf32, #tpu.memory_space<hbm>> -> memref<1x4x1x8x128xf32, #tpu.memory_space<hbm>>
    %dma_wait3A_352 = tpu.memref_squeeze %dma_wait3A_351 : memref<1x4x1x8x128xf32, #tpu.memory_space<hbm>> -> memref<4x8x128xf32, #tpu.memory_space<hbm>>
    %dma_wait3A_353 = arith.constant 0 : i32
    %dma_wait3A_354 = arith.constant 0 : i32
    %dma_wait3A_355 = arith.constant 0 : i32
    %dma_wait3A_356 = tpu.memref_slice %arg4[%dma_wait3A_342, %dma_wait3A_353, %add3A, %dma_wait3A_354, %dma_wait3A_355] : memref<50x4x32x8x128xf32, #tpu.memory_space<hbm>> -> memref<1x4x1x8x128xf32, #tpu.memory_space<hbm>>
    %dma_wait3A_357 = tpu.memref_squeeze %dma_wait3A_356 : memref<1x4x1x8x128xf32, #tpu.memory_space<hbm>> -> memref<4x8x128xf32, #tpu.memory_space<hbm>>
    %dma_wait3A_358 = arith.constant 0 : i32
    %dma_wait3A_359 = arith.constant 0 : i32
    %dma_wait3A_360 = arith.constant 0 : i32
    %dma_wait3A_361 = tpu.memref_slice %arg11[%dma_wait3A, %dma_wait3A_358, %dma_wait3A_359, %dma_wait3A_360] : memref<2x4x8x128xf32, #tpu.memory_space<vmem>> -> memref<1x4x8x128xf32, #tpu.memory_space<vmem>>
    %dma_wait3A_362 = tpu.memref_squeeze %dma_wait3A_361 : memref<1x4x8x128xf32, #tpu.memory_space<vmem>> -> memref<4x8x128xf32, #tpu.memory_space<vmem>>
    tpu.wait_dma2 semaphore(%arg14 : memref<!tpu.dma_semaphore, #tpu.memory_space<semaphore_mem>>) src(%dma_wait3A_362 : memref<4x8x128xf32, #tpu.memory_space<vmem>>) dst(%dma_wait3A_357 : memref<4x8x128xf32, #tpu.memory_space<hbm>>)
    %dma_wait3A_363 = arith.constant 1 : i32
    %dma_wait3A_364 = arith.constant 0 : i32
    %dma_wait3A_365 = arith.constant 0 : i32
    %dma_wait3A_366 = arith.constant 0 : i32
    %dma_wait3A_367 = arith.constant 0 : i32
    %dma_wait3A_368 = tpu.memref_slice %arg11[%dma_wait3A_363, %dma_wait3A_365, %dma_wait3A_366, %dma_wait3A_367] : memref<2x4x8x128xf32, #tpu.memory_space<vmem>> -> memref<1x4x8x128xf32, #tpu.memory_space<vmem>>
    %dma_wait3A_369 = tpu.memref_squeeze %dma_wait3A_368 : memref<1x4x8x128xf32, #tpu.memory_space<vmem>> -> memref<4x8x128xf32, #tpu.memory_space<vmem>>
    %dma_wait3A_370 = arith.constant 0 : i32
    %dma_wait3A_371 = arith.constant 0 : i32
    %dma_wait3A_372 = arith.constant 0 : i32
    %dma_wait3A_373 = tpu.memref_slice %arg4[%dma_wait3A_364, %dma_wait3A_370, %add3A, %dma_wait3A_371, %dma_wait3A_372] : memref<50x4x32x8x128xf32, #tpu.memory_space<hbm>> -> memref<1x4x1x8x128xf32, #tpu.memory_space<hbm>>
    %dma_wait3A_374 = tpu.memref_squeeze %dma_wait3A_373 : memref<1x4x1x8x128xf32, #tpu.memory_space<hbm>> -> memref<4x8x128xf32, #tpu.memory_space<hbm>>
    %dma_wait3A_375 = arith.constant 0 : i32
    %dma_wait3A_376 = arith.constant 0 : i32
    %dma_wait3A_377 = arith.constant 0 : i32
    %dma_wait3A_378 = tpu.memref_slice %arg4[%dma_wait3A_364, %dma_wait3A_375, %add3A, %dma_wait3A_376, %dma_wait3A_377] : memref<50x4x32x8x128xf32, #tpu.memory_space<hbm>> -> memref<1x4x1x8x128xf32, #tpu.memory_space<hbm>>
    %dma_wait3A_379 = tpu.memref_squeeze %dma_wait3A_378 : memref<1x4x1x8x128xf32, #tpu.memory_space<hbm>> -> memref<4x8x128xf32, #tpu.memory_space<hbm>>
    %dma_wait3A_380 = arith.constant 0 : i32
    %dma_wait3A_381 = arith.constant 0 : i32
    %dma_wait3A_382 = arith.constant 0 : i32
    %dma_wait3A_383 = tpu.memref_slice %arg11[%dma_wait3A_363, %dma_wait3A_380, %dma_wait3A_381, %dma_wait3A_382] : memref<2x4x8x128xf32, #tpu.memory_space<vmem>> -> memref<1x4x8x128xf32, #tpu.memory_space<vmem>>
    %dma_wait3A_384 = tpu.memref_squeeze %dma_wait3A_383 : memref<1x4x8x128xf32, #tpu.memory_space<vmem>> -> memref<4x8x128xf32, #tpu.memory_space<vmem>>
    tpu.wait_dma2 semaphore(%arg15 : memref<!tpu.dma_semaphore, #tpu.memory_space<semaphore_mem>>) src(%dma_wait3A_384 : memref<4x8x128xf32, #tpu.memory_space<vmem>>) dst(%dma_wait3A_379 : memref<4x8x128xf32, #tpu.memory_space<hbm>>)
    return
  }
}

#map = affine_map<(d0, d1) -> (0, 0)>
module attributes {stable_mosaic.version = 14 : i64} {
  func.func @transpose_kernel(%arg0: i32, %arg1: i32, %arg2: memref<32x1000000xf32, #tpu.memory_space<hbm>>, %arg3: memref<250000x128xf32, #tpu.memory_space<hbm>>, %arg4: memref<2x32x128xf32, #tpu.memory_space<vmem>>, %arg5: memref<2x32x128xf32, #tpu.memory_space<vmem>>, %arg6: memref<32x64xf32, #tpu.memory_space<vmem>>, %arg7: memref<16x128xf32, #tpu.memory_space<vmem>>, %arg8: memref<!tpu.dma_semaphore, #tpu.memory_space<semaphore_mem>>, %arg9: memref<!tpu.dma_semaphore, #tpu.memory_space<semaphore_mem>>, %arg10: memref<!tpu.dma_semaphore, #tpu.memory_space<semaphore_mem>>, %arg11: memref<!tpu.dma_semaphore, #tpu.memory_space<semaphore_mem>>) attributes {dimension_semantics = [#tpu.dimension_semantics<core_parallel>, #tpu.dimension_semantics<subcore_parallel>], iteration_bounds = array<i64: 2, 16>, scalar_prefetch = 0 : i64, scratch_operands = 8 : i64, tpu.core_type = #tpu.core_type<sc_vector_subcore>, window_params = [{transform_indices = #map}, {transform_indices = #map}]} {
    %mul3A = arith.constant 2 : i32
    %mul3A_0 = arith.muli %arg1, %mul3A : i32
    %add3A = arith.addi %mul3A_0, %arg0 : i32
    %iota3A = tpu.iota {dimensions = array<i32: 0>} : vector<16xi32>
    %add3A_1 = arith.constant 16 : i32
    %add3A_2 = vector.broadcast %add3A_1 : i32 to vector<16xi32>
    %add3A_3 = arith.addi %add3A_2, %iota3A : vector<16xi32>
    %add3A_4 = arith.constant 0 : i32
    %add3A_5 = arith.addi %add3A_4, %add3A : i32
    %mul3A_6 = arith.constant 128 : i32
    %mul3A_7 = arith.muli %add3A_5, %mul3A_6 : i32
    %dma_start3A = arith.constant 0 : i32
    %dma_start3A_8 = arith.constant 0 : i32
    %dma_start3A_9 = arith.constant 0 : i32
    %dma_start3A_10 = tpu.memref_slice %arg4[%dma_start3A, %dma_start3A_8, %dma_start3A_9] : memref<2x32x128xf32, #tpu.memory_space<vmem>> -> memref<1x32x128xf32, #tpu.memory_space<vmem>>
    %dma_start3A_11 = tpu.memref_squeeze %dma_start3A_10 : memref<1x32x128xf32, #tpu.memory_space<vmem>> -> memref<32x128xf32, #tpu.memory_space<vmem>>
    %dma_start3A_12 = arith.constant 0 : i32
    %dma_start3A_13 = tpu.memref_slice %arg2[%dma_start3A_12, %mul3A_7] : memref<32x1000000xf32, #tpu.memory_space<hbm>> -> memref<32x128xf32, #tpu.memory_space<hbm>>
    %dma_start3A_14 = arith.constant 0 : i32
    %dma_start3A_15 = arith.constant 0 : i32
    %dma_start3A_16 = tpu.memref_slice %arg4[%dma_start3A, %dma_start3A_14, %dma_start3A_15] : memref<2x32x128xf32, #tpu.memory_space<vmem>> -> memref<1x32x128xf32, #tpu.memory_space<vmem>>
    %dma_start3A_17 = tpu.memref_squeeze %dma_start3A_16 : memref<1x32x128xf32, #tpu.memory_space<vmem>> -> memref<32x128xf32, #tpu.memory_space<vmem>>
    %dma_start3A_18 = arith.constant 0 : i32
    %dma_start3A_19 = tpu.memref_slice %arg2[%dma_start3A_18, %mul3A_7] : memref<32x1000000xf32, #tpu.memory_space<hbm>> -> memref<32x128xf32, #tpu.memory_space<hbm>>
    tpu.enqueue_dma source(%dma_start3A_19 : memref<32x128xf32, #tpu.memory_space<hbm>>) target(%dma_start3A_17 : memref<32x128xf32, #tpu.memory_space<vmem>>) target_semaphore(%arg8 : memref<!tpu.dma_semaphore, #tpu.memory_space<semaphore_mem>>)
    %add3A_20 = arith.constant 32 : i32
    %add3A_21 = arith.addi %add3A_20, %add3A : i32
    %mul3A_22 = arith.constant 128 : i32
    %mul3A_23 = arith.muli %add3A_21, %mul3A_22 : i32
    %dma_start3A_24 = arith.constant 1 : i32
    %dma_start3A_25 = arith.constant 0 : i32
    %dma_start3A_26 = arith.constant 0 : i32
    %dma_start3A_27 = tpu.memref_slice %arg4[%dma_start3A_24, %dma_start3A_25, %dma_start3A_26] : memref<2x32x128xf32, #tpu.memory_space<vmem>> -> memref<1x32x128xf32, #tpu.memory_space<vmem>>
    %dma_start3A_28 = tpu.memref_squeeze %dma_start3A_27 : memref<1x32x128xf32, #tpu.memory_space<vmem>> -> memref<32x128xf32, #tpu.memory_space<vmem>>
    %dma_start3A_29 = arith.constant 0 : i32
    %dma_start3A_30 = tpu.memref_slice %arg2[%dma_start3A_29, %mul3A_23] : memref<32x1000000xf32, #tpu.memory_space<hbm>> -> memref<32x128xf32, #tpu.memory_space<hbm>>
    %dma_start3A_31 = arith.constant 0 : i32
    %dma_start3A_32 = arith.constant 0 : i32
    %dma_start3A_33 = tpu.memref_slice %arg4[%dma_start3A_24, %dma_start3A_31, %dma_start3A_32] : memref<2x32x128xf32, #tpu.memory_space<vmem>> -> memref<1x32x128xf32, #tpu.memory_space<vmem>>
    %dma_start3A_34 = tpu.memref_squeeze %dma_start3A_33 : memref<1x32x128xf32, #tpu.memory_space<vmem>> -> memref<32x128xf32, #tpu.memory_space<vmem>>
    %dma_start3A_35 = arith.constant 0 : i32
    %dma_start3A_36 = tpu.memref_slice %arg2[%dma_start3A_35, %mul3A_23] : memref<32x1000000xf32, #tpu.memory_space<hbm>> -> memref<32x128xf32, #tpu.memory_space<hbm>>
    tpu.enqueue_dma source(%dma_start3A_36 : memref<32x128xf32, #tpu.memory_space<hbm>>) target(%dma_start3A_34 : memref<32x128xf32, #tpu.memory_space<vmem>>) target_semaphore(%arg9 : memref<!tpu.dma_semaphore, #tpu.memory_space<semaphore_mem>>)
    %scan3A = arith.constant 0 : i32
    %scan3A_37 = arith.constant 0 : i32
    %scan3A_38 = arith.constant 122 : i32
    %scan3A_39 = arith.addi %scan3A_37, %scan3A_38 : i32
    %scan3A_40 = arith.constant 1 : i32
    scf.for %scan3A_77 = %scan3A_37 to %scan3A_39 step %scan3A_40  : i32 {
      %mul3A_78 = arith.constant 2 : i32
      %mul3A_79 = arith.muli %mul3A_78, %scan3A_77 : i32
      %add3A_80 = arith.constant 0 : i32
      %add3A_81 = arith.addi %mul3A_79, %add3A_80 : i32
      %mul3A_82 = arith.constant 32 : i32
      %mul3A_83 = arith.muli %add3A_81, %mul3A_82 : i32
      %add3A_84 = arith.addi %mul3A_83, %add3A : i32
      %mul3A_85 = arith.constant 128 : i32
      %mul3A_86 = arith.muli %add3A_84, %mul3A_85 : i32
      %dma_wait3A_87 = arith.constant 0 : i32
      %dma_wait3A_88 = arith.constant 0 : i32
      %dma_wait3A_89 = arith.constant 0 : i32
      %dma_wait3A_90 = tpu.memref_slice %arg4[%dma_wait3A_87, %dma_wait3A_88, %dma_wait3A_89] : memref<2x32x128xf32, #tpu.memory_space<vmem>> -> memref<1x32x128xf32, #tpu.memory_space<vmem>>
      %dma_wait3A_91 = tpu.memref_squeeze %dma_wait3A_90 : memref<1x32x128xf32, #tpu.memory_space<vmem>> -> memref<32x128xf32, #tpu.memory_space<vmem>>
      %dma_wait3A_92 = arith.constant 0 : i32
      %dma_wait3A_93 = tpu.memref_slice %arg2[%dma_wait3A_92, %mul3A_86] : memref<32x1000000xf32, #tpu.memory_space<hbm>> -> memref<32x128xf32, #tpu.memory_space<hbm>>
      %dma_wait3A_94 = arith.constant 0 : i32
      %dma_wait3A_95 = arith.constant 0 : i32
      %dma_wait3A_96 = tpu.memref_slice %arg4[%dma_wait3A_87, %dma_wait3A_94, %dma_wait3A_95] : memref<2x32x128xf32, #tpu.memory_space<vmem>> -> memref<1x32x128xf32, #tpu.memory_space<vmem>>
      %dma_wait3A_97 = tpu.memref_squeeze %dma_wait3A_96 : memref<1x32x128xf32, #tpu.memory_space<vmem>> -> memref<32x128xf32, #tpu.memory_space<vmem>>
      %dma_wait3A_98 = arith.constant 0 : i32
      %dma_wait3A_99 = tpu.memref_slice %arg2[%dma_wait3A_98, %mul3A_86] : memref<32x1000000xf32, #tpu.memory_space<hbm>> -> memref<32x128xf32, #tpu.memory_space<hbm>>
      tpu.wait_dma2 semaphore(%arg8 : memref<!tpu.dma_semaphore, #tpu.memory_space<semaphore_mem>>) src(%dma_wait3A_99 : memref<32x128xf32, #tpu.memory_space<hbm>>) dst(%dma_wait3A_97 : memref<32x128xf32, #tpu.memory_space<vmem>>)
      %gt3A = arith.constant 0 : i32
      %gt3A_100 = arith.cmpi sgt, %scan3A_77, %gt3A : i32
      %convert_element_type3A_101 = arith.extui %gt3A_100 : i1 to i32
      %cond3A_102 = arith.constant 0 : i32
      %cond3A_103 = arith.cmpi ne, %convert_element_type3A_101, %cond3A_102 : i32
      scf.if %cond3A_103 {
        %mul3A_190 = arith.constant 32 : i32
        %mul3A_191 = arith.muli %add3A_84, %mul3A_190 : i32
        %dma_wait3A_192 = arith.constant 0 : i32
        %dma_wait3A_193 = arith.constant 0 : i32
        %dma_wait3A_194 = arith.constant 0 : i32
        %dma_wait3A_195 = tpu.memref_slice %arg5[%dma_wait3A_192, %dma_wait3A_193, %dma_wait3A_194] : memref<2x32x128xf32, #tpu.memory_space<vmem>> -> memref<1x32x128xf32, #tpu.memory_space<vmem>>
        %dma_wait3A_196 = tpu.memref_squeeze %dma_wait3A_195 : memref<1x32x128xf32, #tpu.memory_space<vmem>> -> memref<32x128xf32, #tpu.memory_space<vmem>>
        %dma_wait3A_197 = arith.constant 0 : i32
        %dma_wait3A_198 = tpu.memref_slice %arg3[%mul3A_191, %dma_wait3A_197] : memref<250000x128xf32, #tpu.memory_space<hbm>> -> memref<32x128xf32, #tpu.memory_space<hbm>>
        %dma_wait3A_199 = arith.constant 0 : i32
        %dma_wait3A_200 = tpu.memref_slice %arg3[%mul3A_191, %dma_wait3A_199] : memref<250000x128xf32, #tpu.memory_space<hbm>> -> memref<32x128xf32, #tpu.memory_space<hbm>>
        %dma_wait3A_201 = arith.constant 0 : i32
        %dma_wait3A_202 = arith.constant 0 : i32
        %dma_wait3A_203 = tpu.memref_slice %arg5[%dma_wait3A_192, %dma_wait3A_201, %dma_wait3A_202] : memref<2x32x128xf32, #tpu.memory_space<vmem>> -> memref<1x32x128xf32, #tpu.memory_space<vmem>>
        %dma_wait3A_204 = tpu.memref_squeeze %dma_wait3A_203 : memref<1x32x128xf32, #tpu.memory_space<vmem>> -> memref<32x128xf32, #tpu.memory_space<vmem>>
        tpu.wait_dma2 semaphore(%arg10 : memref<!tpu.dma_semaphore, #tpu.memory_space<semaphore_mem>>) src(%dma_wait3A_204 : memref<32x128xf32, #tpu.memory_space<vmem>>) dst(%dma_wait3A_200 : memref<32x128xf32, #tpu.memory_space<hbm>>)
      } else {
      }
      %parallel_loop3A = arith.constant 0 : i32
      %parallel_loop3A_104 = arith.constant 32 : i32
      %parallel_loop3A_105 = arith.constant 1 : i32
      scf.for %parallel_loop3A_190 = %parallel_loop3A to %parallel_loop3A_104 step %parallel_loop3A_105  : i32 {
        %parallel_loop3A_191 = arith.constant 0 : i32
        %parallel_loop3A_192 = vector.broadcast %parallel_loop3A_191 : i32 to vector<16xi32>
        %parallel_loop3A_193 = arith.constant 4 : i32
        %parallel_loop3A_194 = arith.muli %parallel_loop3A_193, %parallel_loop3A_190 : i32
        %parallel_loop3A_195 = arith.constant 0 : i32
        %parallel_loop3A_196 = arith.addi %parallel_loop3A_194, %parallel_loop3A_195 : i32
        %parallel_loop3A_197 = vector.broadcast %parallel_loop3A_196 : i32 to vector<16xi32>
        %parallel_loop3A_198 = arith.addi %parallel_loop3A_192, %parallel_loop3A_197 : vector<16xi32>
        %parallel_loop3A_199 = arith.constant 0 : i32
        %parallel_loop3A_200 = arith.constant 0 : i32
        %parallel_loop3A_201 = arith.constant 0 : i32
        %parallel_loop3A_202 = tpu.memref_slice %arg4[%parallel_loop3A_199, %parallel_loop3A_200, %parallel_loop3A_201] : memref<2x32x128xf32, #tpu.memory_space<vmem>> -> memref<1x32x128xf32, #tpu.memory_space<vmem>>
        %parallel_loop3A_203 = tpu.memref_squeeze %parallel_loop3A_202 : memref<1x32x128xf32, #tpu.memory_space<vmem>> -> memref<32x128xf32, #tpu.memory_space<vmem>>
        %parallel_loop3A_204 = tpu.vector_load_idx %parallel_loop3A_203[%iota3A, %parallel_loop3A_198] : memref<32x128xf32, #tpu.memory_space<vmem>>[vector<16xi32>, vector<16xi32>], vector<16xf32>,
        %parallel_loop3A_205 = arith.constant 0 : i32
        %parallel_loop3A_206 = arith.index_cast %parallel_loop3A_205 : i32 to index
        %parallel_loop3A_207 = arith.index_cast %parallel_loop3A_190 : i32 to index
        %parallel_loop3A_208 = arith.constant 0 : index
        %parallel_loop3A_209 = tpu.vector_load %arg5[%parallel_loop3A_206, %parallel_loop3A_207, %parallel_loop3A_208] {strides = array<i32>} : memref<2x32x128xf32, #tpu.memory_space<vmem>>, vector<16xf32>,
        tpu.vector_store %arg5[%parallel_loop3A_206, %parallel_loop3A_207, %parallel_loop3A_208], %parallel_loop3A_204 {strides = array<i32>} : memref<2x32x128xf32, #tpu.memory_space<vmem>>, vector<16xf32>,
        %parallel_loop3A_210 = arith.constant 0 : i32
        %parallel_loop3A_211 = vector.broadcast %parallel_loop3A_210 : i32 to vector<16xi32>
        %parallel_loop3A_212 = arith.constant 4 : i32
        %parallel_loop3A_213 = arith.muli %parallel_loop3A_212, %parallel_loop3A_190 : i32
        %parallel_loop3A_214 = arith.constant 0 : i32
        %parallel_loop3A_215 = arith.addi %parallel_loop3A_213, %parallel_loop3A_214 : i32
        %parallel_loop3A_216 = vector.broadcast %parallel_loop3A_215 : i32 to vector<16xi32>
        %parallel_loop3A_217 = arith.addi %parallel_loop3A_211, %parallel_loop3A_216 : vector<16xi32>
        %parallel_loop3A_218 = arith.constant 0 : i32
        %parallel_loop3A_219 = arith.constant 0 : i32
        %parallel_loop3A_220 = arith.constant 0 : i32
        %parallel_loop3A_221 = tpu.memref_slice %arg4[%parallel_loop3A_218, %parallel_loop3A_219, %parallel_loop3A_220] : memref<2x32x128xf32, #tpu.memory_space<vmem>> -> memref<1x32x128xf32, #tpu.memory_space<vmem>>
        %parallel_loop3A_222 = tpu.memref_squeeze %parallel_loop3A_221 : memref<1x32x128xf32, #tpu.memory_space<vmem>> -> memref<32x128xf32, #tpu.memory_space<vmem>>
        %parallel_loop3A_223 = tpu.vector_load_idx %parallel_loop3A_222[%add3A_3, %parallel_loop3A_217] : memref<32x128xf32, #tpu.memory_space<vmem>>[vector<16xi32>, vector<16xi32>], vector<16xf32>,
        %parallel_loop3A_224 = arith.constant 0 : i32
        %parallel_loop3A_225 = arith.index_cast %parallel_loop3A_224 : i32 to index
        %parallel_loop3A_226 = arith.index_cast %parallel_loop3A_190 : i32 to index
        %parallel_loop3A_227 = arith.constant 16 : index
        %parallel_loop3A_228 = tpu.vector_load %arg5[%parallel_loop3A_225, %parallel_loop3A_226, %parallel_loop3A_227] {strides = array<i32>} : memref<2x32x128xf32, #tpu.memory_space<vmem>>, vector<16xf32>,
        tpu.vector_store %arg5[%parallel_loop3A_225, %parallel_loop3A_226, %parallel_loop3A_227], %parallel_loop3A_223 {strides = array<i32>} : memref<2x32x128xf32, #tpu.memory_space<vmem>>, vector<16xf32>,
        %parallel_loop3A_229 = arith.constant 0 : i32
        %parallel_loop3A_230 = vector.broadcast %parallel_loop3A_229 : i32 to vector<16xi32>
        %parallel_loop3A_231 = arith.constant 4 : i32
        %parallel_loop3A_232 = arith.muli %parallel_loop3A_231, %parallel_loop3A_190 : i32
        %parallel_loop3A_233 = arith.constant 1 : i32
        %parallel_loop3A_234 = arith.addi %parallel_loop3A_232, %parallel_loop3A_233 : i32
        %parallel_loop3A_235 = vector.broadcast %parallel_loop3A_234 : i32 to vector<16xi32>
        %parallel_loop3A_236 = arith.addi %parallel_loop3A_230, %parallel_loop3A_235 : vector<16xi32>
        %parallel_loop3A_237 = arith.constant 0 : i32
        %parallel_loop3A_238 = arith.constant 0 : i32
        %parallel_loop3A_239 = arith.constant 0 : i32
        %parallel_loop3A_240 = tpu.memref_slice %arg4[%parallel_loop3A_237, %parallel_loop3A_238, %parallel_loop3A_239] : memref<2x32x128xf32, #tpu.memory_space<vmem>> -> memref<1x32x128xf32, #tpu.memory_space<vmem>>
        %parallel_loop3A_241 = tpu.memref_squeeze %parallel_loop3A_240 : memref<1x32x128xf32, #tpu.memory_space<vmem>> -> memref<32x128xf32, #tpu.memory_space<vmem>>
        %parallel_loop3A_242 = tpu.vector_load_idx %parallel_loop3A_241[%iota3A, %parallel_loop3A_236] : memref<32x128xf32, #tpu.memory_space<vmem>>[vector<16xi32>, vector<16xi32>], vector<16xf32>,
        %parallel_loop3A_243 = arith.constant 0 : i32
        %parallel_loop3A_244 = arith.index_cast %parallel_loop3A_243 : i32 to index
        %parallel_loop3A_245 = arith.index_cast %parallel_loop3A_190 : i32 to index
        %parallel_loop3A_246 = arith.constant 32 : index
        %parallel_loop3A_247 = tpu.vector_load %arg5[%parallel_loop3A_244, %parallel_loop3A_245, %parallel_loop3A_246] {strides = array<i32>} : memref<2x32x128xf32, #tpu.memory_space<vmem>>, vector<16xf32>,
        tpu.vector_store %arg5[%parallel_loop3A_244, %parallel_loop3A_245, %parallel_loop3A_246], %parallel_loop3A_242 {strides = array<i32>} : memref<2x32x128xf32, #tpu.memory_space<vmem>>, vector<16xf32>,
        %parallel_loop3A_248 = arith.constant 0 : i32
        %parallel_loop3A_249 = vector.broadcast %parallel_loop3A_248 : i32 to vector<16xi32>
        %parallel_loop3A_250 = arith.constant 4 : i32
        %parallel_loop3A_251 = arith.muli %parallel_loop3A_250, %parallel_loop3A_190 : i32
        %parallel_loop3A_252 = arith.constant 1 : i32
        %parallel_loop3A_253 = arith.addi %parallel_loop3A_251, %parallel_loop3A_252 : i32
        %parallel_loop3A_254 = vector.broadcast %parallel_loop3A_253 : i32 to vector<16xi32>
        %parallel_loop3A_255 = arith.addi %parallel_loop3A_249, %parallel_loop3A_254 : vector<16xi32>
        %parallel_loop3A_256 = arith.constant 0 : i32
        %parallel_loop3A_257 = arith.constant 0 : i32
        %parallel_loop3A_258 = arith.constant 0 : i32
        %parallel_loop3A_259 = tpu.memref_slice %arg4[%parallel_loop3A_256, %parallel_loop3A_257, %parallel_loop3A_258] : memref<2x32x128xf32, #tpu.memory_space<vmem>> -> memref<1x32x128xf32, #tpu.memory_space<vmem>>
        %parallel_loop3A_260 = tpu.memref_squeeze %parallel_loop3A_259 : memref<1x32x128xf32, #tpu.memory_space<vmem>> -> memref<32x128xf32, #tpu.memory_space<vmem>>
        %parallel_loop3A_261 = tpu.vector_load_idx %parallel_loop3A_260[%add3A_3, %parallel_loop3A_255] : memref<32x128xf32, #tpu.memory_space<vmem>>[vector<16xi32>, vector<16xi32>], vector<16xf32>,
        %parallel_loop3A_262 = arith.constant 0 : i32
        %parallel_loop3A_263 = arith.index_cast %parallel_loop3A_262 : i32 to index
        %parallel_loop3A_264 = arith.index_cast %parallel_loop3A_190 : i32 to index
        %parallel_loop3A_265 = arith.constant 48 : index
        %parallel_loop3A_266 = tpu.vector_load %arg5[%parallel_loop3A_263, %parallel_loop3A_264, %parallel_loop3A_265] {strides = array<i32>} : memref<2x32x128xf32, #tpu.memory_space<vmem>>, vector<16xf32>,
        tpu.vector_store %arg5[%parallel_loop3A_263, %parallel_loop3A_264, %parallel_loop3A_265], %parallel_loop3A_261 {strides = array<i32>} : memref<2x32x128xf32, #tpu.memory_space<vmem>>, vector<16xf32>,
        %parallel_loop3A_267 = arith.constant 0 : i32
        %parallel_loop3A_268 = vector.broadcast %parallel_loop3A_267 : i32 to vector<16xi32>
        %parallel_loop3A_269 = arith.constant 4 : i32
        %parallel_loop3A_270 = arith.muli %parallel_loop3A_269, %parallel_loop3A_190 : i32
        %parallel_loop3A_271 = arith.constant 2 : i32
        %parallel_loop3A_272 = arith.addi %parallel_loop3A_270, %parallel_loop3A_271 : i32
        %parallel_loop3A_273 = vector.broadcast %parallel_loop3A_272 : i32 to vector<16xi32>
        %parallel_loop3A_274 = arith.addi %parallel_loop3A_268, %parallel_loop3A_273 : vector<16xi32>
        %parallel_loop3A_275 = arith.constant 0 : i32
        %parallel_loop3A_276 = arith.constant 0 : i32
        %parallel_loop3A_277 = arith.constant 0 : i32
        %parallel_loop3A_278 = tpu.memref_slice %arg4[%parallel_loop3A_275, %parallel_loop3A_276, %parallel_loop3A_277] : memref<2x32x128xf32, #tpu.memory_space<vmem>> -> memref<1x32x128xf32, #tpu.memory_space<vmem>>
        %parallel_loop3A_279 = tpu.memref_squeeze %parallel_loop3A_278 : memref<1x32x128xf32, #tpu.memory_space<vmem>> -> memref<32x128xf32, #tpu.memory_space<vmem>>
        %parallel_loop3A_280 = tpu.vector_load_idx %parallel_loop3A_279[%iota3A, %parallel_loop3A_274] : memref<32x128xf32, #tpu.memory_space<vmem>>[vector<16xi32>, vector<16xi32>], vector<16xf32>,
        %parallel_loop3A_281 = arith.constant 0 : i32
        %parallel_loop3A_282 = arith.index_cast %parallel_loop3A_281 : i32 to index
        %parallel_loop3A_283 = arith.index_cast %parallel_loop3A_190 : i32 to index
        %parallel_loop3A_284 = arith.constant 64 : index
        %parallel_loop3A_285 = tpu.vector_load %arg5[%parallel_loop3A_282, %parallel_loop3A_283, %parallel_loop3A_284] {strides = array<i32>} : memref<2x32x128xf32, #tpu.memory_space<vmem>>, vector<16xf32>,
        tpu.vector_store %arg5[%parallel_loop3A_282, %parallel_loop3A_283, %parallel_loop3A_284], %parallel_loop3A_280 {strides = array<i32>} : memref<2x32x128xf32, #tpu.memory_space<vmem>>, vector<16xf32>,
        %parallel_loop3A_286 = arith.constant 0 : i32
        %parallel_loop3A_287 = vector.broadcast %parallel_loop3A_286 : i32 to vector<16xi32>
        %parallel_loop3A_288 = arith.constant 4 : i32
        %parallel_loop3A_289 = arith.muli %parallel_loop3A_288, %parallel_loop3A_190 : i32
        %parallel_loop3A_290 = arith.constant 2 : i32
        %parallel_loop3A_291 = arith.addi %parallel_loop3A_289, %parallel_loop3A_290 : i32
        %parallel_loop3A_292 = vector.broadcast %parallel_loop3A_291 : i32 to vector<16xi32>
        %parallel_loop3A_293 = arith.addi %parallel_loop3A_287, %parallel_loop3A_292 : vector<16xi32>
        %parallel_loop3A_294 = arith.constant 0 : i32
        %parallel_loop3A_295 = arith.constant 0 : i32
        %parallel_loop3A_296 = arith.constant 0 : i32
        %parallel_loop3A_297 = tpu.memref_slice %arg4[%parallel_loop3A_294, %parallel_loop3A_295, %parallel_loop3A_296] : memref<2x32x128xf32, #tpu.memory_space<vmem>> -> memref<1x32x128xf32, #tpu.memory_space<vmem>>
        %parallel_loop3A_298 = tpu.memref_squeeze %parallel_loop3A_297 : memref<1x32x128xf32, #tpu.memory_space<vmem>> -> memref<32x128xf32, #tpu.memory_space<vmem>>
        %parallel_loop3A_299 = tpu.vector_load_idx %parallel_loop3A_298[%add3A_3, %parallel_loop3A_293] : memref<32x128xf32, #tpu.memory_space<vmem>>[vector<16xi32>, vector<16xi32>], vector<16xf32>,
        %parallel_loop3A_300 = arith.constant 0 : i32
        %parallel_loop3A_301 = arith.index_cast %parallel_loop3A_300 : i32 to index
        %parallel_loop3A_302 = arith.index_cast %parallel_loop3A_190 : i32 to index
        %parallel_loop3A_303 = arith.constant 80 : index
        %parallel_loop3A_304 = tpu.vector_load %arg5[%parallel_loop3A_301, %parallel_loop3A_302, %parallel_loop3A_303] {strides = array<i32>} : memref<2x32x128xf32, #tpu.memory_space<vmem>>, vector<16xf32>,
        tpu.vector_store %arg5[%parallel_loop3A_301, %parallel_loop3A_302, %parallel_loop3A_303], %parallel_loop3A_299 {strides = array<i32>} : memref<2x32x128xf32, #tpu.memory_space<vmem>>, vector<16xf32>,
        %parallel_loop3A_305 = arith.constant 0 : i32
        %parallel_loop3A_306 = vector.broadcast %parallel_loop3A_305 : i32 to vector<16xi32>
        %parallel_loop3A_307 = arith.constant 4 : i32
        %parallel_loop3A_308 = arith.muli %parallel_loop3A_307, %parallel_loop3A_190 : i32
        %parallel_loop3A_309 = arith.constant 3 : i32
        %parallel_loop3A_310 = arith.addi %parallel_loop3A_308, %parallel_loop3A_309 : i32
        %parallel_loop3A_311 = vector.broadcast %parallel_loop3A_310 : i32 to vector<16xi32>
        %parallel_loop3A_312 = arith.addi %parallel_loop3A_306, %parallel_loop3A_311 : vector<16xi32>
        %parallel_loop3A_313 = arith.constant 0 : i32
        %parallel_loop3A_314 = arith.constant 0 : i32
        %parallel_loop3A_315 = arith.constant 0 : i32
        %parallel_loop3A_316 = tpu.memref_slice %arg4[%parallel_loop3A_313, %parallel_loop3A_314, %parallel_loop3A_315] : memref<2x32x128xf32, #tpu.memory_space<vmem>> -> memref<1x32x128xf32, #tpu.memory_space<vmem>>
        %parallel_loop3A_317 = tpu.memref_squeeze %parallel_loop3A_316 : memref<1x32x128xf32, #tpu.memory_space<vmem>> -> memref<32x128xf32, #tpu.memory_space<vmem>>
        %parallel_loop3A_318 = tpu.vector_load_idx %parallel_loop3A_317[%iota3A, %parallel_loop3A_312] : memref<32x128xf32, #tpu.memory_space<vmem>>[vector<16xi32>, vector<16xi32>], vector<16xf32>,
        %parallel_loop3A_319 = arith.constant 0 : i32
        %parallel_loop3A_320 = arith.index_cast %parallel_loop3A_319 : i32 to index
        %parallel_loop3A_321 = arith.index_cast %parallel_loop3A_190 : i32 to index
        %parallel_loop3A_322 = arith.constant 96 : index
        %parallel_loop3A_323 = tpu.vector_load %arg5[%parallel_loop3A_320, %parallel_loop3A_321, %parallel_loop3A_322] {strides = array<i32>} : memref<2x32x128xf32, #tpu.memory_space<vmem>>, vector<16xf32>,
        tpu.vector_store %arg5[%parallel_loop3A_320, %parallel_loop3A_321, %parallel_loop3A_322], %parallel_loop3A_318 {strides = array<i32>} : memref<2x32x128xf32, #tpu.memory_space<vmem>>, vector<16xf32>,
        %parallel_loop3A_324 = arith.constant 0 : i32
        %parallel_loop3A_325 = vector.broadcast %parallel_loop3A_324 : i32 to vector<16xi32>
        %parallel_loop3A_326 = arith.constant 4 : i32
        %parallel_loop3A_327 = arith.muli %parallel_loop3A_326, %parallel_loop3A_190 : i32
        %parallel_loop3A_328 = arith.constant 3 : i32
        %parallel_loop3A_329 = arith.addi %parallel_loop3A_327, %parallel_loop3A_328 : i32
        %parallel_loop3A_330 = vector.broadcast %parallel_loop3A_329 : i32 to vector<16xi32>
        %parallel_loop3A_331 = arith.addi %parallel_loop3A_325, %parallel_loop3A_330 : vector<16xi32>
        %parallel_loop3A_332 = arith.constant 0 : i32
        %parallel_loop3A_333 = arith.constant 0 : i32
        %parallel_loop3A_334 = arith.constant 0 : i32
        %parallel_loop3A_335 = tpu.memref_slice %arg4[%parallel_loop3A_332, %parallel_loop3A_333, %parallel_loop3A_334] : memref<2x32x128xf32, #tpu.memory_space<vmem>> -> memref<1x32x128xf32, #tpu.memory_space<vmem>>
        %parallel_loop3A_336 = tpu.memref_squeeze %parallel_loop3A_335 : memref<1x32x128xf32, #tpu.memory_space<vmem>> -> memref<32x128xf32, #tpu.memory_space<vmem>>
        %parallel_loop3A_337 = tpu.vector_load_idx %parallel_loop3A_336[%add3A_3, %parallel_loop3A_331] : memref<32x128xf32, #tpu.memory_space<vmem>>[vector<16xi32>, vector<16xi32>], vector<16xf32>,
        %parallel_loop3A_338 = arith.constant 0 : i32
        %parallel_loop3A_339 = arith.index_cast %parallel_loop3A_338 : i32 to index
        %parallel_loop3A_340 = arith.index_cast %parallel_loop3A_190 : i32 to index
        %parallel_loop3A_341 = arith.constant 112 : index
        %parallel_loop3A_342 = tpu.vector_load %arg5[%parallel_loop3A_339, %parallel_loop3A_340, %parallel_loop3A_341] {strides = array<i32>} : memref<2x32x128xf32, #tpu.memory_space<vmem>>, vector<16xf32>,
        tpu.vector_store %arg5[%parallel_loop3A_339, %parallel_loop3A_340, %parallel_loop3A_341], %parallel_loop3A_337 {strides = array<i32>} : memref<2x32x128xf32, #tpu.memory_space<vmem>>, vector<16xf32>,
      } {sc.loop_unroll_factor = 4 : i64, sc.parallel_access}
      %mul3A_106 = arith.constant 32 : i32
      %mul3A_107 = arith.muli %add3A_84, %mul3A_106 : i32
      %dma_start3A_108 = arith.constant 0 : i32
      %dma_start3A_109 = arith.constant 0 : i32
      %dma_start3A_110 = arith.constant 0 : i32
      %dma_start3A_111 = tpu.memref_slice %arg5[%dma_start3A_108, %dma_start3A_109, %dma_start3A_110] : memref<2x32x128xf32, #tpu.memory_space<vmem>> -> memref<1x32x128xf32, #tpu.memory_space<vmem>>
      %dma_start3A_112 = tpu.memref_squeeze %dma_start3A_111 : memref<1x32x128xf32, #tpu.memory_space<vmem>> -> memref<32x128xf32, #tpu.memory_space<vmem>>
      %dma_start3A_113 = arith.constant 0 : i32
      %dma_start3A_114 = tpu.memref_slice %arg3[%mul3A_107, %dma_start3A_113] : memref<250000x128xf32, #tpu.memory_space<hbm>> -> memref<32x128xf32, #tpu.memory_space<hbm>>
      %dma_start3A_115 = arith.constant 0 : i32
      %dma_start3A_116 = tpu.memref_slice %arg3[%mul3A_107, %dma_start3A_115] : memref<250000x128xf32, #tpu.memory_space<hbm>> -> memref<32x128xf32, #tpu.memory_space<hbm>>
      %dma_start3A_117 = arith.constant 0 : i32
      %dma_start3A_118 = arith.constant 0 : i32
      %dma_start3A_119 = tpu.memref_slice %arg5[%dma_start3A_108, %dma_start3A_117, %dma_start3A_118] : memref<2x32x128xf32, #tpu.memory_space<vmem>> -> memref<1x32x128xf32, #tpu.memory_space<vmem>>
      %dma_start3A_120 = tpu.memref_squeeze %dma_start3A_119 : memref<1x32x128xf32, #tpu.memory_space<vmem>> -> memref<32x128xf32, #tpu.memory_space<vmem>>
      tpu.enqueue_dma source(%dma_start3A_120 : memref<32x128xf32, #tpu.memory_space<vmem>>) target(%dma_start3A_116 : memref<32x128xf32, #tpu.memory_space<hbm>>) target_semaphore(%arg10 : memref<!tpu.dma_semaphore, #tpu.memory_space<semaphore_mem>>)
      %add3A_121 = arith.constant 2 : i32
      %add3A_122 = arith.addi %add3A_81, %add3A_121 : i32
      %lt3A_123 = arith.constant 244 : i32
      %lt3A_124 = arith.cmpi slt, %add3A_122, %lt3A_123 : i32
      %eq3A_125 = arith.constant 244 : i32
      %eq3A_126 = arith.cmpi eq, %add3A_122, %eq3A_125 : i32
      %lt3A_127 = arith.constant 4 : i32
      %lt3A_128 = arith.cmpi slt, %add3A, %lt3A_127 : i32
      %and3A = arith.andi %eq3A_126, %lt3A_128 : i1
      %or3A = arith.ori %lt3A_124, %and3A : i1
      %convert_element_type3A_129 = arith.extui %or3A : i1 to i32
      %cond3A_130 = arith.constant 0 : i32
      %cond3A_131 = arith.cmpi ne, %convert_element_type3A_129, %cond3A_130 : i32
      scf.if %cond3A_131 {
        %mul3A_190 = arith.constant 32 : i32
        %mul3A_191 = arith.muli %add3A_122, %mul3A_190 : i32
        %add3A_192 = arith.addi %mul3A_191, %add3A : i32
        %mul3A_193 = arith.constant 128 : i32
        %mul3A_194 = arith.muli %add3A_192, %mul3A_193 : i32
        %dma_start3A_195 = arith.constant 0 : i32
        %dma_start3A_196 = arith.constant 0 : i32
        %dma_start3A_197 = arith.constant 0 : i32
        %dma_start3A_198 = tpu.memref_slice %arg4[%dma_start3A_195, %dma_start3A_196, %dma_start3A_197] : memref<2x32x128xf32, #tpu.memory_space<vmem>> -> memref<1x32x128xf32, #tpu.memory_space<vmem>>
        %dma_start3A_199 = tpu.memref_squeeze %dma_start3A_198 : memref<1x32x128xf32, #tpu.memory_space<vmem>> -> memref<32x128xf32, #tpu.memory_space<vmem>>
        %dma_start3A_200 = arith.constant 0 : i32
        %dma_start3A_201 = tpu.memref_slice %arg2[%dma_start3A_200, %mul3A_194] : memref<32x1000000xf32, #tpu.memory_space<hbm>> -> memref<32x128xf32, #tpu.memory_space<hbm>>
        %dma_start3A_202 = arith.constant 0 : i32
        %dma_start3A_203 = arith.constant 0 : i32
        %dma_start3A_204 = tpu.memref_slice %arg4[%dma_start3A_195, %dma_start3A_202, %dma_start3A_203] : memref<2x32x128xf32, #tpu.memory_space<vmem>> -> memref<1x32x128xf32, #tpu.memory_space<vmem>>
        %dma_start3A_205 = tpu.memref_squeeze %dma_start3A_204 : memref<1x32x128xf32, #tpu.memory_space<vmem>> -> memref<32x128xf32, #tpu.memory_space<vmem>>
        %dma_start3A_206 = arith.constant 0 : i32
        %dma_start3A_207 = tpu.memref_slice %arg2[%dma_start3A_206, %mul3A_194] : memref<32x1000000xf32, #tpu.memory_space<hbm>> -> memref<32x128xf32, #tpu.memory_space<hbm>>
        tpu.enqueue_dma source(%dma_start3A_207 : memref<32x128xf32, #tpu.memory_space<hbm>>) target(%dma_start3A_205 : memref<32x128xf32, #tpu.memory_space<vmem>>) target_semaphore(%arg8 : memref<!tpu.dma_semaphore, #tpu.memory_space<semaphore_mem>>)
      } else {
      }
      %mul3A_132 = arith.constant 2 : i32
      %mul3A_133 = arith.muli %mul3A_132, %scan3A_77 : i32
      %add3A_134 = arith.constant 1 : i32
      %add3A_135 = arith.addi %mul3A_133, %add3A_134 : i32
      %mul3A_136 = arith.constant 32 : i32
      %mul3A_137 = arith.muli %add3A_135, %mul3A_136 : i32
      %add3A_138 = arith.addi %mul3A_137, %add3A : i32
      %mul3A_139 = arith.constant 128 : i32
      %mul3A_140 = arith.muli %add3A_138, %mul3A_139 : i32
      %dma_wait3A_141 = arith.constant 1 : i32
      %dma_wait3A_142 = arith.constant 0 : i32
      %dma_wait3A_143 = arith.constant 0 : i32
      %dma_wait3A_144 = tpu.memref_slice %arg4[%dma_wait3A_141, %dma_wait3A_142, %dma_wait3A_143] : memref<2x32x128xf32, #tpu.memory_space<vmem>> -> memref<1x32x128xf32, #tpu.memory_space<vmem>>
      %dma_wait3A_145 = tpu.memref_squeeze %dma_wait3A_144 : memref<1x32x128xf32, #tpu.memory_space<vmem>> -> memref<32x128xf32, #tpu.memory_space<vmem>>
      %dma_wait3A_146 = arith.constant 0 : i32
      %dma_wait3A_147 = tpu.memref_slice %arg2[%dma_wait3A_146, %mul3A_140] : memref<32x1000000xf32, #tpu.memory_space<hbm>> -> memref<32x128xf32, #tpu.memory_space<hbm>>
      %dma_wait3A_148 = arith.constant 0 : i32
      %dma_wait3A_149 = arith.constant 0 : i32
      %dma_wait3A_150 = tpu.memref_slice %arg4[%dma_wait3A_141, %dma_wait3A_148, %dma_wait3A_149] : memref<2x32x128xf32, #tpu.memory_space<vmem>> -> memref<1x32x128xf32, #tpu.memory_space<vmem>>
      %dma_wait3A_151 = tpu.memref_squeeze %dma_wait3A_150 : memref<1x32x128xf32, #tpu.memory_space<vmem>> -> memref<32x128xf32, #tpu.memory_space<vmem>>
      %dma_wait3A_152 = arith.constant 0 : i32
      %dma_wait3A_153 = tpu.memref_slice %arg2[%dma_wait3A_152, %mul3A_140] : memref<32x1000000xf32, #tpu.memory_space<hbm>> -> memref<32x128xf32, #tpu.memory_space<hbm>>
      tpu.wait_dma2 semaphore(%arg9 : memref<!tpu.dma_semaphore, #tpu.memory_space<semaphore_mem>>) src(%dma_wait3A_153 : memref<32x128xf32, #tpu.memory_space<hbm>>) dst(%dma_wait3A_151 : memref<32x128xf32, #tpu.memory_space<vmem>>)
      %gt3A_154 = arith.constant 0 : i32
      %gt3A_155 = arith.cmpi sgt, %scan3A_77, %gt3A_154 : i32
      %convert_element_type3A_156 = arith.extui %gt3A_155 : i1 to i32
      %cond3A_157 = arith.constant 0 : i32
      %cond3A_158 = arith.cmpi ne, %convert_element_type3A_156, %cond3A_157 : i32
      scf.if %cond3A_158 {
        %mul3A_190 = arith.constant 32 : i32
        %mul3A_191 = arith.muli %add3A_138, %mul3A_190 : i32
        %dma_wait3A_192 = arith.constant 1 : i32
        %dma_wait3A_193 = arith.constant 0 : i32
        %dma_wait3A_194 = arith.constant 0 : i32
        %dma_wait3A_195 = tpu.memref_slice %arg5[%dma_wait3A_192, %dma_wait3A_193, %dma_wait3A_194] : memref<2x32x128xf32, #tpu.memory_space<vmem>> -> memref<1x32x128xf32, #tpu.memory_space<vmem>>
        %dma_wait3A_196 = tpu.memref_squeeze %dma_wait3A_195 : memref<1x32x128xf32, #tpu.memory_space<vmem>> -> memref<32x128xf32, #tpu.memory_space<vmem>>
        %dma_wait3A_197 = arith.constant 0 : i32
        %dma_wait3A_198 = tpu.memref_slice %arg3[%mul3A_191, %dma_wait3A_197] : memref<250000x128xf32, #tpu.memory_space<hbm>> -> memref<32x128xf32, #tpu.memory_space<hbm>>
        %dma_wait3A_199 = arith.constant 0 : i32
        %dma_wait3A_200 = tpu.memref_slice %arg3[%mul3A_191, %dma_wait3A_199] : memref<250000x128xf32, #tpu.memory_space<hbm>> -> memref<32x128xf32, #tpu.memory_space<hbm>>
        %dma_wait3A_201 = arith.constant 0 : i32
        %dma_wait3A_202 = arith.constant 0 : i32
        %dma_wait3A_203 = tpu.memref_slice %arg5[%dma_wait3A_192, %dma_wait3A_201, %dma_wait3A_202] : memref<2x32x128xf32, #tpu.memory_space<vmem>> -> memref<1x32x128xf32, #tpu.memory_space<vmem>>
        %dma_wait3A_204 = tpu.memref_squeeze %dma_wait3A_203 : memref<1x32x128xf32, #tpu.memory_space<vmem>> -> memref<32x128xf32, #tpu.memory_space<vmem>>
        tpu.wait_dma2 semaphore(%arg11 : memref<!tpu.dma_semaphore, #tpu.memory_space<semaphore_mem>>) src(%dma_wait3A_204 : memref<32x128xf32, #tpu.memory_space<vmem>>) dst(%dma_wait3A_200 : memref<32x128xf32, #tpu.memory_space<hbm>>)
      } else {
      }
      %parallel_loop3A_159 = arith.constant 0 : i32
      %parallel_loop3A_160 = arith.constant 32 : i32
      %parallel_loop3A_161 = arith.constant 1 : i32
      scf.for %parallel_loop3A_190 = %parallel_loop3A_159 to %parallel_loop3A_160 step %parallel_loop3A_161  : i32 {
        %parallel_loop3A_191 = arith.constant 0 : i32
        %parallel_loop3A_192 = vector.broadcast %parallel_loop3A_191 : i32 to vector<16xi32>
        %parallel_loop3A_193 = arith.constant 4 : i32
        %parallel_loop3A_194 = arith.muli %parallel_loop3A_193, %parallel_loop3A_190 : i32
        %parallel_loop3A_195 = arith.constant 0 : i32
        %parallel_loop3A_196 = arith.addi %parallel_loop3A_194, %parallel_loop3A_195 : i32
        %parallel_loop3A_197 = vector.broadcast %parallel_loop3A_196 : i32 to vector<16xi32>
        %parallel_loop3A_198 = arith.addi %parallel_loop3A_192, %parallel_loop3A_197 : vector<16xi32>
        %parallel_loop3A_199 = arith.constant 1 : i32
        %parallel_loop3A_200 = arith.constant 0 : i32
        %parallel_loop3A_201 = arith.constant 0 : i32
        %parallel_loop3A_202 = tpu.memref_slice %arg4[%parallel_loop3A_199, %parallel_loop3A_200, %parallel_loop3A_201] : memref<2x32x128xf32, #tpu.memory_space<vmem>> -> memref<1x32x128xf32, #tpu.memory_space<vmem>>
        %parallel_loop3A_203 = tpu.memref_squeeze %parallel_loop3A_202 : memref<1x32x128xf32, #tpu.memory_space<vmem>> -> memref<32x128xf32, #tpu.memory_space<vmem>>
        %parallel_loop3A_204 = tpu.vector_load_idx %parallel_loop3A_203[%iota3A, %parallel_loop3A_198] : memref<32x128xf32, #tpu.memory_space<vmem>>[vector<16xi32>, vector<16xi32>], vector<16xf32>,
        %parallel_loop3A_205 = arith.constant 1 : i32
        %parallel_loop3A_206 = arith.index_cast %parallel_loop3A_205 : i32 to index
        %parallel_loop3A_207 = arith.index_cast %parallel_loop3A_190 : i32 to index
        %parallel_loop3A_208 = arith.constant 0 : index
        %parallel_loop3A_209 = tpu.vector_load %arg5[%parallel_loop3A_206, %parallel_loop3A_207, %parallel_loop3A_208] {strides = array<i32>} : memref<2x32x128xf32, #tpu.memory_space<vmem>>, vector<16xf32>,
        tpu.vector_store %arg5[%parallel_loop3A_206, %parallel_loop3A_207, %parallel_loop3A_208], %parallel_loop3A_204 {strides = array<i32>} : memref<2x32x128xf32, #tpu.memory_space<vmem>>, vector<16xf32>,
        %parallel_loop3A_210 = arith.constant 0 : i32
        %parallel_loop3A_211 = vector.broadcast %parallel_loop3A_210 : i32 to vector<16xi32>
        %parallel_loop3A_212 = arith.constant 4 : i32
        %parallel_loop3A_213 = arith.muli %parallel_loop3A_212, %parallel_loop3A_190 : i32
        %parallel_loop3A_214 = arith.constant 0 : i32
        %parallel_loop3A_215 = arith.addi %parallel_loop3A_213, %parallel_loop3A_214 : i32
        %parallel_loop3A_216 = vector.broadcast %parallel_loop3A_215 : i32 to vector<16xi32>
        %parallel_loop3A_217 = arith.addi %parallel_loop3A_211, %parallel_loop3A_216 : vector<16xi32>
        %parallel_loop3A_218 = arith.constant 1 : i32
        %parallel_loop3A_219 = arith.constant 0 : i32
        %parallel_loop3A_220 = arith.constant 0 : i32
        %parallel_loop3A_221 = tpu.memref_slice %arg4[%parallel_loop3A_218, %parallel_loop3A_219, %parallel_loop3A_220] : memref<2x32x128xf32, #tpu.memory_space<vmem>> -> memref<1x32x128xf32, #tpu.memory_space<vmem>>
        %parallel_loop3A_222 = tpu.memref_squeeze %parallel_loop3A_221 : memref<1x32x128xf32, #tpu.memory_space<vmem>> -> memref<32x128xf32, #tpu.memory_space<vmem>>
        %parallel_loop3A_223 = tpu.vector_load_idx %parallel_loop3A_222[%add3A_3, %parallel_loop3A_217] : memref<32x128xf32, #tpu.memory_space<vmem>>[vector<16xi32>, vector<16xi32>], vector<16xf32>,
        %parallel_loop3A_224 = arith.constant 1 : i32
        %parallel_loop3A_225 = arith.index_cast %parallel_loop3A_224 : i32 to index
        %parallel_loop3A_226 = arith.index_cast %parallel_loop3A_190 : i32 to index
        %parallel_loop3A_227 = arith.constant 16 : index
        %parallel_loop3A_228 = tpu.vector_load %arg5[%parallel_loop3A_225, %parallel_loop3A_226, %parallel_loop3A_227] {strides = array<i32>} : memref<2x32x128xf32, #tpu.memory_space<vmem>>, vector<16xf32>,
        tpu.vector_store %arg5[%parallel_loop3A_225, %parallel_loop3A_226, %parallel_loop3A_227], %parallel_loop3A_223 {strides = array<i32>} : memref<2x32x128xf32, #tpu.memory_space<vmem>>, vector<16xf32>,
        %parallel_loop3A_229 = arith.constant 0 : i32
        %parallel_loop3A_230 = vector.broadcast %parallel_loop3A_229 : i32 to vector<16xi32>
        %parallel_loop3A_231 = arith.constant 4 : i32
        %parallel_loop3A_232 = arith.muli %parallel_loop3A_231, %parallel_loop3A_190 : i32
        %parallel_loop3A_233 = arith.constant 1 : i32
        %parallel_loop3A_234 = arith.addi %parallel_loop3A_232, %parallel_loop3A_233 : i32
        %parallel_loop3A_235 = vector.broadcast %parallel_loop3A_234 : i32 to vector<16xi32>
        %parallel_loop3A_236 = arith.addi %parallel_loop3A_230, %parallel_loop3A_235 : vector<16xi32>
        %parallel_loop3A_237 = arith.constant 1 : i32
        %parallel_loop3A_238 = arith.constant 0 : i32
        %parallel_loop3A_239 = arith.constant 0 : i32
        %parallel_loop3A_240 = tpu.memref_slice %arg4[%parallel_loop3A_237, %parallel_loop3A_238, %parallel_loop3A_239] : memref<2x32x128xf32, #tpu.memory_space<vmem>> -> memref<1x32x128xf32, #tpu.memory_space<vmem>>
        %parallel_loop3A_241 = tpu.memref_squeeze %parallel_loop3A_240 : memref<1x32x128xf32, #tpu.memory_space<vmem>> -> memref<32x128xf32, #tpu.memory_space<vmem>>
        %parallel_loop3A_242 = tpu.vector_load_idx %parallel_loop3A_241[%iota3A, %parallel_loop3A_236] : memref<32x128xf32, #tpu.memory_space<vmem>>[vector<16xi32>, vector<16xi32>], vector<16xf32>,
        %parallel_loop3A_243 = arith.constant 1 : i32
        %parallel_loop3A_244 = arith.index_cast %parallel_loop3A_243 : i32 to index
        %parallel_loop3A_245 = arith.index_cast %parallel_loop3A_190 : i32 to index
        %parallel_loop3A_246 = arith.constant 32 : index
        %parallel_loop3A_247 = tpu.vector_load %arg5[%parallel_loop3A_244, %parallel_loop3A_245, %parallel_loop3A_246] {strides = array<i32>} : memref<2x32x128xf32, #tpu.memory_space<vmem>>, vector<16xf32>,
        tpu.vector_store %arg5[%parallel_loop3A_244, %parallel_loop3A_245, %parallel_loop3A_246], %parallel_loop3A_242 {strides = array<i32>} : memref<2x32x128xf32, #tpu.memory_space<vmem>>, vector<16xf32>,
        %parallel_loop3A_248 = arith.constant 0 : i32
        %parallel_loop3A_249 = vector.broadcast %parallel_loop3A_248 : i32 to vector<16xi32>
        %parallel_loop3A_250 = arith.constant 4 : i32
        %parallel_loop3A_251 = arith.muli %parallel_loop3A_250, %parallel_loop3A_190 : i32
        %parallel_loop3A_252 = arith.constant 1 : i32
        %parallel_loop3A_253 = arith.addi %parallel_loop3A_251, %parallel_loop3A_252 : i32
        %parallel_loop3A_254 = vector.broadcast %parallel_loop3A_253 : i32 to vector<16xi32>
        %parallel_loop3A_255 = arith.addi %parallel_loop3A_249, %parallel_loop3A_254 : vector<16xi32>
        %parallel_loop3A_256 = arith.constant 1 : i32
        %parallel_loop3A_257 = arith.constant 0 : i32
        %parallel_loop3A_258 = arith.constant 0 : i32
        %parallel_loop3A_259 = tpu.memref_slice %arg4[%parallel_loop3A_256, %parallel_loop3A_257, %parallel_loop3A_258] : memref<2x32x128xf32, #tpu.memory_space<vmem>> -> memref<1x32x128xf32, #tpu.memory_space<vmem>>
        %parallel_loop3A_260 = tpu.memref_squeeze %parallel_loop3A_259 : memref<1x32x128xf32, #tpu.memory_space<vmem>> -> memref<32x128xf32, #tpu.memory_space<vmem>>
        %parallel_loop3A_261 = tpu.vector_load_idx %parallel_loop3A_260[%add3A_3, %parallel_loop3A_255] : memref<32x128xf32, #tpu.memory_space<vmem>>[vector<16xi32>, vector<16xi32>], vector<16xf32>,
        %parallel_loop3A_262 = arith.constant 1 : i32
        %parallel_loop3A_263 = arith.index_cast %parallel_loop3A_262 : i32 to index
        %parallel_loop3A_264 = arith.index_cast %parallel_loop3A_190 : i32 to index
        %parallel_loop3A_265 = arith.constant 48 : index
        %parallel_loop3A_266 = tpu.vector_load %arg5[%parallel_loop3A_263, %parallel_loop3A_264, %parallel_loop3A_265] {strides = array<i32>} : memref<2x32x128xf32, #tpu.memory_space<vmem>>, vector<16xf32>,
        tpu.vector_store %arg5[%parallel_loop3A_263, %parallel_loop3A_264, %parallel_loop3A_265], %parallel_loop3A_261 {strides = array<i32>} : memref<2x32x128xf32, #tpu.memory_space<vmem>>, vector<16xf32>,
        %parallel_loop3A_267 = arith.constant 0 : i32
        %parallel_loop3A_268 = vector.broadcast %parallel_loop3A_267 : i32 to vector<16xi32>
        %parallel_loop3A_269 = arith.constant 4 : i32
        %parallel_loop3A_270 = arith.muli %parallel_loop3A_269, %parallel_loop3A_190 : i32
        %parallel_loop3A_271 = arith.constant 2 : i32
        %parallel_loop3A_272 = arith.addi %parallel_loop3A_270, %parallel_loop3A_271 : i32
        %parallel_loop3A_273 = vector.broadcast %parallel_loop3A_272 : i32 to vector<16xi32>
        %parallel_loop3A_274 = arith.addi %parallel_loop3A_268, %parallel_loop3A_273 : vector<16xi32>
        %parallel_loop3A_275 = arith.constant 1 : i32
        %parallel_loop3A_276 = arith.constant 0 : i32
        %parallel_loop3A_277 = arith.constant 0 : i32
        %parallel_loop3A_278 = tpu.memref_slice %arg4[%parallel_loop3A_275, %parallel_loop3A_276, %parallel_loop3A_277] : memref<2x32x128xf32, #tpu.memory_space<vmem>> -> memref<1x32x128xf32, #tpu.memory_space<vmem>>
        %parallel_loop3A_279 = tpu.memref_squeeze %parallel_loop3A_278 : memref<1x32x128xf32, #tpu.memory_space<vmem>> -> memref<32x128xf32, #tpu.memory_space<vmem>>
        %parallel_loop3A_280 = tpu.vector_load_idx %parallel_loop3A_279[%iota3A, %parallel_loop3A_274] : memref<32x128xf32, #tpu.memory_space<vmem>>[vector<16xi32>, vector<16xi32>], vector<16xf32>,
        %parallel_loop3A_281 = arith.constant 1 : i32
        %parallel_loop3A_282 = arith.index_cast %parallel_loop3A_281 : i32 to index
        %parallel_loop3A_283 = arith.index_cast %parallel_loop3A_190 : i32 to index
        %parallel_loop3A_284 = arith.constant 64 : index
        %parallel_loop3A_285 = tpu.vector_load %arg5[%parallel_loop3A_282, %parallel_loop3A_283, %parallel_loop3A_284] {strides = array<i32>} : memref<2x32x128xf32, #tpu.memory_space<vmem>>, vector<16xf32>,
        tpu.vector_store %arg5[%parallel_loop3A_282, %parallel_loop3A_283, %parallel_loop3A_284], %parallel_loop3A_280 {strides = array<i32>} : memref<2x32x128xf32, #tpu.memory_space<vmem>>, vector<16xf32>,
        %parallel_loop3A_286 = arith.constant 0 : i32
        %parallel_loop3A_287 = vector.broadcast %parallel_loop3A_286 : i32 to vector<16xi32>
        %parallel_loop3A_288 = arith.constant 4 : i32
        %parallel_loop3A_289 = arith.muli %parallel_loop3A_288, %parallel_loop3A_190 : i32
        %parallel_loop3A_290 = arith.constant 2 : i32
        %parallel_loop3A_291 = arith.addi %parallel_loop3A_289, %parallel_loop3A_290 : i32
        %parallel_loop3A_292 = vector.broadcast %parallel_loop3A_291 : i32 to vector<16xi32>
        %parallel_loop3A_293 = arith.addi %parallel_loop3A_287, %parallel_loop3A_292 : vector<16xi32>
        %parallel_loop3A_294 = arith.constant 1 : i32
        %parallel_loop3A_295 = arith.constant 0 : i32
        %parallel_loop3A_296 = arith.constant 0 : i32
        %parallel_loop3A_297 = tpu.memref_slice %arg4[%parallel_loop3A_294, %parallel_loop3A_295, %parallel_loop3A_296] : memref<2x32x128xf32, #tpu.memory_space<vmem>> -> memref<1x32x128xf32, #tpu.memory_space<vmem>>
        %parallel_loop3A_298 = tpu.memref_squeeze %parallel_loop3A_297 : memref<1x32x128xf32, #tpu.memory_space<vmem>> -> memref<32x128xf32, #tpu.memory_space<vmem>>
        %parallel_loop3A_299 = tpu.vector_load_idx %parallel_loop3A_298[%add3A_3, %parallel_loop3A_293] : memref<32x128xf32, #tpu.memory_space<vmem>>[vector<16xi32>, vector<16xi32>], vector<16xf32>,
        %parallel_loop3A_300 = arith.constant 1 : i32
        %parallel_loop3A_301 = arith.index_cast %parallel_loop3A_300 : i32 to index
        %parallel_loop3A_302 = arith.index_cast %parallel_loop3A_190 : i32 to index
        %parallel_loop3A_303 = arith.constant 80 : index
        %parallel_loop3A_304 = tpu.vector_load %arg5[%parallel_loop3A_301, %parallel_loop3A_302, %parallel_loop3A_303] {strides = array<i32>} : memref<2x32x128xf32, #tpu.memory_space<vmem>>, vector<16xf32>,
        tpu.vector_store %arg5[%parallel_loop3A_301, %parallel_loop3A_302, %parallel_loop3A_303], %parallel_loop3A_299 {strides = array<i32>} : memref<2x32x128xf32, #tpu.memory_space<vmem>>, vector<16xf32>,
        %parallel_loop3A_305 = arith.constant 0 : i32
        %parallel_loop3A_306 = vector.broadcast %parallel_loop3A_305 : i32 to vector<16xi32>
        %parallel_loop3A_307 = arith.constant 4 : i32
        %parallel_loop3A_308 = arith.muli %parallel_loop3A_307, %parallel_loop3A_190 : i32
        %parallel_loop3A_309 = arith.constant 3 : i32
        %parallel_loop3A_310 = arith.addi %parallel_loop3A_308, %parallel_loop3A_309 : i32
        %parallel_loop3A_311 = vector.broadcast %parallel_loop3A_310 : i32 to vector<16xi32>
        %parallel_loop3A_312 = arith.addi %parallel_loop3A_306, %parallel_loop3A_311 : vector<16xi32>
        %parallel_loop3A_313 = arith.constant 1 : i32
        %parallel_loop3A_314 = arith.constant 0 : i32
        %parallel_loop3A_315 = arith.constant 0 : i32
        %parallel_loop3A_316 = tpu.memref_slice %arg4[%parallel_loop3A_313, %parallel_loop3A_314, %parallel_loop3A_315] : memref<2x32x128xf32, #tpu.memory_space<vmem>> -> memref<1x32x128xf32, #tpu.memory_space<vmem>>
        %parallel_loop3A_317 = tpu.memref_squeeze %parallel_loop3A_316 : memref<1x32x128xf32, #tpu.memory_space<vmem>> -> memref<32x128xf32, #tpu.memory_space<vmem>>
        %parallel_loop3A_318 = tpu.vector_load_idx %parallel_loop3A_317[%iota3A, %parallel_loop3A_312] : memref<32x128xf32, #tpu.memory_space<vmem>>[vector<16xi32>, vector<16xi32>], vector<16xf32>,
        %parallel_loop3A_319 = arith.constant 1 : i32
        %parallel_loop3A_320 = arith.index_cast %parallel_loop3A_319 : i32 to index
        %parallel_loop3A_321 = arith.index_cast %parallel_loop3A_190 : i32 to index
        %parallel_loop3A_322 = arith.constant 96 : index
        %parallel_loop3A_323 = tpu.vector_load %arg5[%parallel_loop3A_320, %parallel_loop3A_321, %parallel_loop3A_322] {strides = array<i32>} : memref<2x32x128xf32, #tpu.memory_space<vmem>>, vector<16xf32>,
        tpu.vector_store %arg5[%parallel_loop3A_320, %parallel_loop3A_321, %parallel_loop3A_322], %parallel_loop3A_318 {strides = array<i32>} : memref<2x32x128xf32, #tpu.memory_space<vmem>>, vector<16xf32>,
        %parallel_loop3A_324 = arith.constant 0 : i32
        %parallel_loop3A_325 = vector.broadcast %parallel_loop3A_324 : i32 to vector<16xi32>
        %parallel_loop3A_326 = arith.constant 4 : i32
        %parallel_loop3A_327 = arith.muli %parallel_loop3A_326, %parallel_loop3A_190 : i32
        %parallel_loop3A_328 = arith.constant 3 : i32
        %parallel_loop3A_329 = arith.addi %parallel_loop3A_327, %parallel_loop3A_328 : i32
        %parallel_loop3A_330 = vector.broadcast %parallel_loop3A_329 : i32 to vector<16xi32>
        %parallel_loop3A_331 = arith.addi %parallel_loop3A_325, %parallel_loop3A_330 : vector<16xi32>
        %parallel_loop3A_332 = arith.constant 1 : i32
        %parallel_loop3A_333 = arith.constant 0 : i32
        %parallel_loop3A_334 = arith.constant 0 : i32
        %parallel_loop3A_335 = tpu.memref_slice %arg4[%parallel_loop3A_332, %parallel_loop3A_333, %parallel_loop3A_334] : memref<2x32x128xf32, #tpu.memory_space<vmem>> -> memref<1x32x128xf32, #tpu.memory_space<vmem>>
        %parallel_loop3A_336 = tpu.memref_squeeze %parallel_loop3A_335 : memref<1x32x128xf32, #tpu.memory_space<vmem>> -> memref<32x128xf32, #tpu.memory_space<vmem>>
        %parallel_loop3A_337 = tpu.vector_load_idx %parallel_loop3A_336[%add3A_3, %parallel_loop3A_331] : memref<32x128xf32, #tpu.memory_space<vmem>>[vector<16xi32>, vector<16xi32>], vector<16xf32>,
        %parallel_loop3A_338 = arith.constant 1 : i32
        %parallel_loop3A_339 = arith.index_cast %parallel_loop3A_338 : i32 to index
        %parallel_loop3A_340 = arith.index_cast %parallel_loop3A_190 : i32 to index
        %parallel_loop3A_341 = arith.constant 112 : index
        %parallel_loop3A_342 = tpu.vector_load %arg5[%parallel_loop3A_339, %parallel_loop3A_340, %parallel_loop3A_341] {strides = array<i32>} : memref<2x32x128xf32, #tpu.memory_space<vmem>>, vector<16xf32>,
        tpu.vector_store %arg5[%parallel_loop3A_339, %parallel_loop3A_340, %parallel_loop3A_341], %parallel_loop3A_337 {strides = array<i32>} : memref<2x32x128xf32, #tpu.memory_space<vmem>>, vector<16xf32>,
      } {sc.loop_unroll_factor = 4 : i64, sc.parallel_access}
      %mul3A_162 = arith.constant 32 : i32
      %mul3A_163 = arith.muli %add3A_138, %mul3A_162 : i32
      %dma_start3A_164 = arith.constant 1 : i32
      %dma_start3A_165 = arith.constant 0 : i32
      %dma_start3A_166 = arith.constant 0 : i32
      %dma_start3A_167 = tpu.memref_slice %arg5[%dma_start3A_164, %dma_start3A_165, %dma_start3A_166] : memref<2x32x128xf32, #tpu.memory_space<vmem>> -> memref<1x32x128xf32, #tpu.memory_space<vmem>>
      %dma_start3A_168 = tpu.memref_squeeze %dma_start3A_167 : memref<1x32x128xf32, #tpu.memory_space<vmem>> -> memref<32x128xf32, #tpu.memory_space<vmem>>
      %dma_start3A_169 = arith.constant 0 : i32
      %dma_start3A_170 = tpu.memref_slice %arg3[%mul3A_163, %dma_start3A_169] : memref<250000x128xf32, #tpu.memory_space<hbm>> -> memref<32x128xf32, #tpu.memory_space<hbm>>
      %dma_start3A_171 = arith.constant 0 : i32
      %dma_start3A_172 = tpu.memref_slice %arg3[%mul3A_163, %dma_start3A_171] : memref<250000x128xf32, #tpu.memory_space<hbm>> -> memref<32x128xf32, #tpu.memory_space<hbm>>
      %dma_start3A_173 = arith.constant 0 : i32
      %dma_start3A_174 = arith.constant 0 : i32
      %dma_start3A_175 = tpu.memref_slice %arg5[%dma_start3A_164, %dma_start3A_173, %dma_start3A_174] : memref<2x32x128xf32, #tpu.memory_space<vmem>> -> memref<1x32x128xf32, #tpu.memory_space<vmem>>
      %dma_start3A_176 = tpu.memref_squeeze %dma_start3A_175 : memref<1x32x128xf32, #tpu.memory_space<vmem>> -> memref<32x128xf32, #tpu.memory_space<vmem>>
      tpu.enqueue_dma source(%dma_start3A_176 : memref<32x128xf32, #tpu.memory_space<vmem>>) target(%dma_start3A_172 : memref<32x128xf32, #tpu.memory_space<hbm>>) target_semaphore(%arg11 : memref<!tpu.dma_semaphore, #tpu.memory_space<semaphore_mem>>)
      %add3A_177 = arith.constant 2 : i32
      %add3A_178 = arith.addi %add3A_135, %add3A_177 : i32
      %lt3A_179 = arith.constant 244 : i32
      %lt3A_180 = arith.cmpi slt, %add3A_178, %lt3A_179 : i32
      %eq3A_181 = arith.constant 244 : i32
      %eq3A_182 = arith.cmpi eq, %add3A_178, %eq3A_181 : i32
      %lt3A_183 = arith.constant 4 : i32
      %lt3A_184 = arith.cmpi slt, %add3A, %lt3A_183 : i32
      %and3A_185 = arith.andi %eq3A_182, %lt3A_184 : i1
      %or3A_186 = arith.ori %lt3A_180, %and3A_185 : i1
      %convert_element_type3A_187 = arith.extui %or3A_186 : i1 to i32
      %cond3A_188 = arith.constant 0 : i32
      %cond3A_189 = arith.cmpi ne, %convert_element_type3A_187, %cond3A_188 : i32
      scf.if %cond3A_189 {
        %mul3A_190 = arith.constant 32 : i32
        %mul3A_191 = arith.muli %add3A_178, %mul3A_190 : i32
        %add3A_192 = arith.addi %mul3A_191, %add3A : i32
        %mul3A_193 = arith.constant 128 : i32
        %mul3A_194 = arith.muli %add3A_192, %mul3A_193 : i32
        %dma_start3A_195 = arith.constant 1 : i32
        %dma_start3A_196 = arith.constant 0 : i32
        %dma_start3A_197 = arith.constant 0 : i32
        %dma_start3A_198 = tpu.memref_slice %arg4[%dma_start3A_195, %dma_start3A_196, %dma_start3A_197] : memref<2x32x128xf32, #tpu.memory_space<vmem>> -> memref<1x32x128xf32, #tpu.memory_space<vmem>>
        %dma_start3A_199 = tpu.memref_squeeze %dma_start3A_198 : memref<1x32x128xf32, #tpu.memory_space<vmem>> -> memref<32x128xf32, #tpu.memory_space<vmem>>
        %dma_start3A_200 = arith.constant 0 : i32
        %dma_start3A_201 = tpu.memref_slice %arg2[%dma_start3A_200, %mul3A_194] : memref<32x1000000xf32, #tpu.memory_space<hbm>> -> memref<32x128xf32, #tpu.memory_space<hbm>>
        %dma_start3A_202 = arith.constant 0 : i32
        %dma_start3A_203 = arith.constant 0 : i32
        %dma_start3A_204 = tpu.memref_slice %arg4[%dma_start3A_195, %dma_start3A_202, %dma_start3A_203] : memref<2x32x128xf32, #tpu.memory_space<vmem>> -> memref<1x32x128xf32, #tpu.memory_space<vmem>>
        %dma_start3A_205 = tpu.memref_squeeze %dma_start3A_204 : memref<1x32x128xf32, #tpu.memory_space<vmem>> -> memref<32x128xf32, #tpu.memory_space<vmem>>
        %dma_start3A_206 = arith.constant 0 : i32
        %dma_start3A_207 = tpu.memref_slice %arg2[%dma_start3A_206, %mul3A_194] : memref<32x1000000xf32, #tpu.memory_space<hbm>> -> memref<32x128xf32, #tpu.memory_space<hbm>>
        tpu.enqueue_dma source(%dma_start3A_207 : memref<32x128xf32, #tpu.memory_space<hbm>>) target(%dma_start3A_205 : memref<32x128xf32, #tpu.memory_space<vmem>>) target_semaphore(%arg9 : memref<!tpu.dma_semaphore, #tpu.memory_space<semaphore_mem>>)
      } else {
      }
    }
    %scan3A_41 = arith.constant 122 : i32
    %lt3A = arith.constant 4 : i32
    %lt3A_42 = arith.cmpi slt, %add3A, %lt3A : i32
    %convert_element_type3A = arith.extui %lt3A_42 : i1 to i32
    %cond3A = arith.constant 0 : i32
    %cond3A_43 = arith.cmpi ne, %convert_element_type3A, %cond3A : i32
    scf.if %cond3A_43 {
      %add3A_77 = arith.constant 7808 : i32
      %add3A_78 = arith.addi %add3A_77, %add3A : i32
      %mul3A_79 = arith.constant 128 : i32
      %mul3A_80 = arith.muli %add3A_78, %mul3A_79 : i32
      %dma_wait3A_81 = arith.constant 0 : i32
      %dma_wait3A_82 = arith.constant 0 : i32
      %dma_wait3A_83 = arith.constant 0 : i32
      %dma_wait3A_84 = tpu.memref_slice %arg4[%dma_wait3A_81, %dma_wait3A_82, %dma_wait3A_83] : memref<2x32x128xf32, #tpu.memory_space<vmem>> -> memref<1x32x128xf32, #tpu.memory_space<vmem>>
      %dma_wait3A_85 = tpu.memref_squeeze %dma_wait3A_84 : memref<1x32x128xf32, #tpu.memory_space<vmem>> -> memref<32x128xf32, #tpu.memory_space<vmem>>
      %dma_wait3A_86 = arith.constant 0 : i32
      %dma_wait3A_87 = tpu.memref_slice %arg2[%dma_wait3A_86, %mul3A_80] : memref<32x1000000xf32, #tpu.memory_space<hbm>> -> memref<32x128xf32, #tpu.memory_space<hbm>>
      %dma_wait3A_88 = arith.constant 0 : i32
      %dma_wait3A_89 = arith.constant 0 : i32
      %dma_wait3A_90 = tpu.memref_slice %arg4[%dma_wait3A_81, %dma_wait3A_88, %dma_wait3A_89] : memref<2x32x128xf32, #tpu.memory_space<vmem>> -> memref<1x32x128xf32, #tpu.memory_space<vmem>>
      %dma_wait3A_91 = tpu.memref_squeeze %dma_wait3A_90 : memref<1x32x128xf32, #tpu.memory_space<vmem>> -> memref<32x128xf32, #tpu.memory_space<vmem>>
      %dma_wait3A_92 = arith.constant 0 : i32
      %dma_wait3A_93 = tpu.memref_slice %arg2[%dma_wait3A_92, %mul3A_80] : memref<32x1000000xf32, #tpu.memory_space<hbm>> -> memref<32x128xf32, #tpu.memory_space<hbm>>
      tpu.wait_dma2 semaphore(%arg8 : memref<!tpu.dma_semaphore, #tpu.memory_space<semaphore_mem>>) src(%dma_wait3A_93 : memref<32x128xf32, #tpu.memory_space<hbm>>) dst(%dma_wait3A_91 : memref<32x128xf32, #tpu.memory_space<vmem>>)
      %mul3A_94 = arith.constant 32 : i32
      %mul3A_95 = arith.muli %add3A_78, %mul3A_94 : i32
      %dma_wait3A_96 = arith.constant 0 : i32
      %dma_wait3A_97 = arith.constant 0 : i32
      %dma_wait3A_98 = arith.constant 0 : i32
      %dma_wait3A_99 = tpu.memref_slice %arg5[%dma_wait3A_96, %dma_wait3A_97, %dma_wait3A_98] : memref<2x32x128xf32, #tpu.memory_space<vmem>> -> memref<1x32x128xf32, #tpu.memory_space<vmem>>
      %dma_wait3A_100 = tpu.memref_squeeze %dma_wait3A_99 : memref<1x32x128xf32, #tpu.memory_space<vmem>> -> memref<32x128xf32, #tpu.memory_space<vmem>>
      %dma_wait3A_101 = arith.constant 0 : i32
      %dma_wait3A_102 = tpu.memref_slice %arg3[%mul3A_95, %dma_wait3A_101] : memref<250000x128xf32, #tpu.memory_space<hbm>> -> memref<32x128xf32, #tpu.memory_space<hbm>>
      %dma_wait3A_103 = arith.constant 0 : i32
      %dma_wait3A_104 = tpu.memref_slice %arg3[%mul3A_95, %dma_wait3A_103] : memref<250000x128xf32, #tpu.memory_space<hbm>> -> memref<32x128xf32, #tpu.memory_space<hbm>>
      %dma_wait3A_105 = arith.constant 0 : i32
      %dma_wait3A_106 = arith.constant 0 : i32
      %dma_wait3A_107 = tpu.memref_slice %arg5[%dma_wait3A_96, %dma_wait3A_105, %dma_wait3A_106] : memref<2x32x128xf32, #tpu.memory_space<vmem>> -> memref<1x32x128xf32, #tpu.memory_space<vmem>>
      %dma_wait3A_108 = tpu.memref_squeeze %dma_wait3A_107 : memref<1x32x128xf32, #tpu.memory_space<vmem>> -> memref<32x128xf32, #tpu.memory_space<vmem>>
      tpu.wait_dma2 semaphore(%arg10 : memref<!tpu.dma_semaphore, #tpu.memory_space<semaphore_mem>>) src(%dma_wait3A_108 : memref<32x128xf32, #tpu.memory_space<vmem>>) dst(%dma_wait3A_104 : memref<32x128xf32, #tpu.memory_space<hbm>>)
      %parallel_loop3A = arith.constant 0 : i32
      %parallel_loop3A_109 = arith.constant 32 : i32
      %parallel_loop3A_110 = arith.constant 1 : i32
      scf.for %parallel_loop3A_126 = %parallel_loop3A to %parallel_loop3A_109 step %parallel_loop3A_110  : i32 {
        %parallel_loop3A_127 = arith.constant 0 : i32
        %parallel_loop3A_128 = vector.broadcast %parallel_loop3A_127 : i32 to vector<16xi32>
        %parallel_loop3A_129 = arith.constant 4 : i32
        %parallel_loop3A_130 = arith.muli %parallel_loop3A_129, %parallel_loop3A_126 : i32
        %parallel_loop3A_131 = arith.constant 0 : i32
        %parallel_loop3A_132 = arith.addi %parallel_loop3A_130, %parallel_loop3A_131 : i32
        %parallel_loop3A_133 = vector.broadcast %parallel_loop3A_132 : i32 to vector<16xi32>
        %parallel_loop3A_134 = arith.addi %parallel_loop3A_128, %parallel_loop3A_133 : vector<16xi32>
        %parallel_loop3A_135 = arith.constant 0 : i32
        %parallel_loop3A_136 = arith.constant 0 : i32
        %parallel_loop3A_137 = arith.constant 0 : i32
        %parallel_loop3A_138 = tpu.memref_slice %arg4[%parallel_loop3A_135, %parallel_loop3A_136, %parallel_loop3A_137] : memref<2x32x128xf32, #tpu.memory_space<vmem>> -> memref<1x32x128xf32, #tpu.memory_space<vmem>>
        %parallel_loop3A_139 = tpu.memref_squeeze %parallel_loop3A_138 : memref<1x32x128xf32, #tpu.memory_space<vmem>> -> memref<32x128xf32, #tpu.memory_space<vmem>>
        %parallel_loop3A_140 = tpu.vector_load_idx %parallel_loop3A_139[%iota3A, %parallel_loop3A_134] : memref<32x128xf32, #tpu.memory_space<vmem>>[vector<16xi32>, vector<16xi32>], vector<16xf32>,
        %parallel_loop3A_141 = arith.constant 0 : i32
        %parallel_loop3A_142 = arith.index_cast %parallel_loop3A_141 : i32 to index
        %parallel_loop3A_143 = arith.index_cast %parallel_loop3A_126 : i32 to index
        %parallel_loop3A_144 = arith.constant 0 : index
        %parallel_loop3A_145 = tpu.vector_load %arg5[%parallel_loop3A_142, %parallel_loop3A_143, %parallel_loop3A_144] {strides = array<i32>} : memref<2x32x128xf32, #tpu.memory_space<vmem>>, vector<16xf32>,
        tpu.vector_store %arg5[%parallel_loop3A_142, %parallel_loop3A_143, %parallel_loop3A_144], %parallel_loop3A_140 {strides = array<i32>} : memref<2x32x128xf32, #tpu.memory_space<vmem>>, vector<16xf32>,
        %parallel_loop3A_146 = arith.constant 0 : i32
        %parallel_loop3A_147 = vector.broadcast %parallel_loop3A_146 : i32 to vector<16xi32>
        %parallel_loop3A_148 = arith.constant 4 : i32
        %parallel_loop3A_149 = arith.muli %parallel_loop3A_148, %parallel_loop3A_126 : i32
        %parallel_loop3A_150 = arith.constant 0 : i32
        %parallel_loop3A_151 = arith.addi %parallel_loop3A_149, %parallel_loop3A_150 : i32
        %parallel_loop3A_152 = vector.broadcast %parallel_loop3A_151 : i32 to vector<16xi32>
        %parallel_loop3A_153 = arith.addi %parallel_loop3A_147, %parallel_loop3A_152 : vector<16xi32>
        %parallel_loop3A_154 = arith.constant 0 : i32
        %parallel_loop3A_155 = arith.constant 0 : i32
        %parallel_loop3A_156 = arith.constant 0 : i32
        %parallel_loop3A_157 = tpu.memref_slice %arg4[%parallel_loop3A_154, %parallel_loop3A_155, %parallel_loop3A_156] : memref<2x32x128xf32, #tpu.memory_space<vmem>> -> memref<1x32x128xf32, #tpu.memory_space<vmem>>
        %parallel_loop3A_158 = tpu.memref_squeeze %parallel_loop3A_157 : memref<1x32x128xf32, #tpu.memory_space<vmem>> -> memref<32x128xf32, #tpu.memory_space<vmem>>
        %parallel_loop3A_159 = tpu.vector_load_idx %parallel_loop3A_158[%add3A_3, %parallel_loop3A_153] : memref<32x128xf32, #tpu.memory_space<vmem>>[vector<16xi32>, vector<16xi32>], vector<16xf32>,
        %parallel_loop3A_160 = arith.constant 0 : i32
        %parallel_loop3A_161 = arith.index_cast %parallel_loop3A_160 : i32 to index
        %parallel_loop3A_162 = arith.index_cast %parallel_loop3A_126 : i32 to index
        %parallel_loop3A_163 = arith.constant 16 : index
        %parallel_loop3A_164 = tpu.vector_load %arg5[%parallel_loop3A_161, %parallel_loop3A_162, %parallel_loop3A_163] {strides = array<i32>} : memref<2x32x128xf32, #tpu.memory_space<vmem>>, vector<16xf32>,
        tpu.vector_store %arg5[%parallel_loop3A_161, %parallel_loop3A_162, %parallel_loop3A_163], %parallel_loop3A_159 {strides = array<i32>} : memref<2x32x128xf32, #tpu.memory_space<vmem>>, vector<16xf32>,
        %parallel_loop3A_165 = arith.constant 0 : i32
        %parallel_loop3A_166 = vector.broadcast %parallel_loop3A_165 : i32 to vector<16xi32>
        %parallel_loop3A_167 = arith.constant 4 : i32
        %parallel_loop3A_168 = arith.muli %parallel_loop3A_167, %parallel_loop3A_126 : i32
        %parallel_loop3A_169 = arith.constant 1 : i32
        %parallel_loop3A_170 = arith.addi %parallel_loop3A_168, %parallel_loop3A_169 : i32
        %parallel_loop3A_171 = vector.broadcast %parallel_loop3A_170 : i32 to vector<16xi32>
        %parallel_loop3A_172 = arith.addi %parallel_loop3A_166, %parallel_loop3A_171 : vector<16xi32>
        %parallel_loop3A_173 = arith.constant 0 : i32
        %parallel_loop3A_174 = arith.constant 0 : i32
        %parallel_loop3A_175 = arith.constant 0 : i32
        %parallel_loop3A_176 = tpu.memref_slice %arg4[%parallel_loop3A_173, %parallel_loop3A_174, %parallel_loop3A_175] : memref<2x32x128xf32, #tpu.memory_space<vmem>> -> memref<1x32x128xf32, #tpu.memory_space<vmem>>
        %parallel_loop3A_177 = tpu.memref_squeeze %parallel_loop3A_176 : memref<1x32x128xf32, #tpu.memory_space<vmem>> -> memref<32x128xf32, #tpu.memory_space<vmem>>
        %parallel_loop3A_178 = tpu.vector_load_idx %parallel_loop3A_177[%iota3A, %parallel_loop3A_172] : memref<32x128xf32, #tpu.memory_space<vmem>>[vector<16xi32>, vector<16xi32>], vector<16xf32>,
        %parallel_loop3A_179 = arith.constant 0 : i32
        %parallel_loop3A_180 = arith.index_cast %parallel_loop3A_179 : i32 to index
        %parallel_loop3A_181 = arith.index_cast %parallel_loop3A_126 : i32 to index
        %parallel_loop3A_182 = arith.constant 32 : index
        %parallel_loop3A_183 = tpu.vector_load %arg5[%parallel_loop3A_180, %parallel_loop3A_181, %parallel_loop3A_182] {strides = array<i32>} : memref<2x32x128xf32, #tpu.memory_space<vmem>>, vector<16xf32>,
        tpu.vector_store %arg5[%parallel_loop3A_180, %parallel_loop3A_181, %parallel_loop3A_182], %parallel_loop3A_178 {strides = array<i32>} : memref<2x32x128xf32, #tpu.memory_space<vmem>>, vector<16xf32>,
        %parallel_loop3A_184 = arith.constant 0 : i32
        %parallel_loop3A_185 = vector.broadcast %parallel_loop3A_184 : i32 to vector<16xi32>
        %parallel_loop3A_186 = arith.constant 4 : i32
        %parallel_loop3A_187 = arith.muli %parallel_loop3A_186, %parallel_loop3A_126 : i32
        %parallel_loop3A_188 = arith.constant 1 : i32
        %parallel_loop3A_189 = arith.addi %parallel_loop3A_187, %parallel_loop3A_188 : i32
        %parallel_loop3A_190 = vector.broadcast %parallel_loop3A_189 : i32 to vector<16xi32>
        %parallel_loop3A_191 = arith.addi %parallel_loop3A_185, %parallel_loop3A_190 : vector<16xi32>
        %parallel_loop3A_192 = arith.constant 0 : i32
        %parallel_loop3A_193 = arith.constant 0 : i32
        %parallel_loop3A_194 = arith.constant 0 : i32
        %parallel_loop3A_195 = tpu.memref_slice %arg4[%parallel_loop3A_192, %parallel_loop3A_193, %parallel_loop3A_194] : memref<2x32x128xf32, #tpu.memory_space<vmem>> -> memref<1x32x128xf32, #tpu.memory_space<vmem>>
        %parallel_loop3A_196 = tpu.memref_squeeze %parallel_loop3A_195 : memref<1x32x128xf32, #tpu.memory_space<vmem>> -> memref<32x128xf32, #tpu.memory_space<vmem>>
        %parallel_loop3A_197 = tpu.vector_load_idx %parallel_loop3A_196[%add3A_3, %parallel_loop3A_191] : memref<32x128xf32, #tpu.memory_space<vmem>>[vector<16xi32>, vector<16xi32>], vector<16xf32>,
        %parallel_loop3A_198 = arith.constant 0 : i32
        %parallel_loop3A_199 = arith.index_cast %parallel_loop3A_198 : i32 to index
        %parallel_loop3A_200 = arith.index_cast %parallel_loop3A_126 : i32 to index
        %parallel_loop3A_201 = arith.constant 48 : index
        %parallel_loop3A_202 = tpu.vector_load %arg5[%parallel_loop3A_199, %parallel_loop3A_200, %parallel_loop3A_201] {strides = array<i32>} : memref<2x32x128xf32, #tpu.memory_space<vmem>>, vector<16xf32>,
        tpu.vector_store %arg5[%parallel_loop3A_199, %parallel_loop3A_200, %parallel_loop3A_201], %parallel_loop3A_197 {strides = array<i32>} : memref<2x32x128xf32, #tpu.memory_space<vmem>>, vector<16xf32>,
        %parallel_loop3A_203 = arith.constant 0 : i32
        %parallel_loop3A_204 = vector.broadcast %parallel_loop3A_203 : i32 to vector<16xi32>
        %parallel_loop3A_205 = arith.constant 4 : i32
        %parallel_loop3A_206 = arith.muli %parallel_loop3A_205, %parallel_loop3A_126 : i32
        %parallel_loop3A_207 = arith.constant 2 : i32
        %parallel_loop3A_208 = arith.addi %parallel_loop3A_206, %parallel_loop3A_207 : i32
        %parallel_loop3A_209 = vector.broadcast %parallel_loop3A_208 : i32 to vector<16xi32>
        %parallel_loop3A_210 = arith.addi %parallel_loop3A_204, %parallel_loop3A_209 : vector<16xi32>
        %parallel_loop3A_211 = arith.constant 0 : i32
        %parallel_loop3A_212 = arith.constant 0 : i32
        %parallel_loop3A_213 = arith.constant 0 : i32
        %parallel_loop3A_214 = tpu.memref_slice %arg4[%parallel_loop3A_211, %parallel_loop3A_212, %parallel_loop3A_213] : memref<2x32x128xf32, #tpu.memory_space<vmem>> -> memref<1x32x128xf32, #tpu.memory_space<vmem>>
        %parallel_loop3A_215 = tpu.memref_squeeze %parallel_loop3A_214 : memref<1x32x128xf32, #tpu.memory_space<vmem>> -> memref<32x128xf32, #tpu.memory_space<vmem>>
        %parallel_loop3A_216 = tpu.vector_load_idx %parallel_loop3A_215[%iota3A, %parallel_loop3A_210] : memref<32x128xf32, #tpu.memory_space<vmem>>[vector<16xi32>, vector<16xi32>], vector<16xf32>,
        %parallel_loop3A_217 = arith.constant 0 : i32
        %parallel_loop3A_218 = arith.index_cast %parallel_loop3A_217 : i32 to index
        %parallel_loop3A_219 = arith.index_cast %parallel_loop3A_126 : i32 to index
        %parallel_loop3A_220 = arith.constant 64 : index
        %parallel_loop3A_221 = tpu.vector_load %arg5[%parallel_loop3A_218, %parallel_loop3A_219, %parallel_loop3A_220] {strides = array<i32>} : memref<2x32x128xf32, #tpu.memory_space<vmem>>, vector<16xf32>,
        tpu.vector_store %arg5[%parallel_loop3A_218, %parallel_loop3A_219, %parallel_loop3A_220], %parallel_loop3A_216 {strides = array<i32>} : memref<2x32x128xf32, #tpu.memory_space<vmem>>, vector<16xf32>,
        %parallel_loop3A_222 = arith.constant 0 : i32
        %parallel_loop3A_223 = vector.broadcast %parallel_loop3A_222 : i32 to vector<16xi32>
        %parallel_loop3A_224 = arith.constant 4 : i32
        %parallel_loop3A_225 = arith.muli %parallel_loop3A_224, %parallel_loop3A_126 : i32
        %parallel_loop3A_226 = arith.constant 2 : i32
        %parallel_loop3A_227 = arith.addi %parallel_loop3A_225, %parallel_loop3A_226 : i32
        %parallel_loop3A_228 = vector.broadcast %parallel_loop3A_227 : i32 to vector<16xi32>
        %parallel_loop3A_229 = arith.addi %parallel_loop3A_223, %parallel_loop3A_228 : vector<16xi32>
        %parallel_loop3A_230 = arith.constant 0 : i32
        %parallel_loop3A_231 = arith.constant 0 : i32
        %parallel_loop3A_232 = arith.constant 0 : i32
        %parallel_loop3A_233 = tpu.memref_slice %arg4[%parallel_loop3A_230, %parallel_loop3A_231, %parallel_loop3A_232] : memref<2x32x128xf32, #tpu.memory_space<vmem>> -> memref<1x32x128xf32, #tpu.memory_space<vmem>>
        %parallel_loop3A_234 = tpu.memref_squeeze %parallel_loop3A_233 : memref<1x32x128xf32, #tpu.memory_space<vmem>> -> memref<32x128xf32, #tpu.memory_space<vmem>>
        %parallel_loop3A_235 = tpu.vector_load_idx %parallel_loop3A_234[%add3A_3, %parallel_loop3A_229] : memref<32x128xf32, #tpu.memory_space<vmem>>[vector<16xi32>, vector<16xi32>], vector<16xf32>,
        %parallel_loop3A_236 = arith.constant 0 : i32
        %parallel_loop3A_237 = arith.index_cast %parallel_loop3A_236 : i32 to index
        %parallel_loop3A_238 = arith.index_cast %parallel_loop3A_126 : i32 to index
        %parallel_loop3A_239 = arith.constant 80 : index
        %parallel_loop3A_240 = tpu.vector_load %arg5[%parallel_loop3A_237, %parallel_loop3A_238, %parallel_loop3A_239] {strides = array<i32>} : memref<2x32x128xf32, #tpu.memory_space<vmem>>, vector<16xf32>,
        tpu.vector_store %arg5[%parallel_loop3A_237, %parallel_loop3A_238, %parallel_loop3A_239], %parallel_loop3A_235 {strides = array<i32>} : memref<2x32x128xf32, #tpu.memory_space<vmem>>, vector<16xf32>,
        %parallel_loop3A_241 = arith.constant 0 : i32
        %parallel_loop3A_242 = vector.broadcast %parallel_loop3A_241 : i32 to vector<16xi32>
        %parallel_loop3A_243 = arith.constant 4 : i32
        %parallel_loop3A_244 = arith.muli %parallel_loop3A_243, %parallel_loop3A_126 : i32
        %parallel_loop3A_245 = arith.constant 3 : i32
        %parallel_loop3A_246 = arith.addi %parallel_loop3A_244, %parallel_loop3A_245 : i32
        %parallel_loop3A_247 = vector.broadcast %parallel_loop3A_246 : i32 to vector<16xi32>
        %parallel_loop3A_248 = arith.addi %parallel_loop3A_242, %parallel_loop3A_247 : vector<16xi32>
        %parallel_loop3A_249 = arith.constant 0 : i32
        %parallel_loop3A_250 = arith.constant 0 : i32
        %parallel_loop3A_251 = arith.constant 0 : i32
        %parallel_loop3A_252 = tpu.memref_slice %arg4[%parallel_loop3A_249, %parallel_loop3A_250, %parallel_loop3A_251] : memref<2x32x128xf32, #tpu.memory_space<vmem>> -> memref<1x32x128xf32, #tpu.memory_space<vmem>>
        %parallel_loop3A_253 = tpu.memref_squeeze %parallel_loop3A_252 : memref<1x32x128xf32, #tpu.memory_space<vmem>> -> memref<32x128xf32, #tpu.memory_space<vmem>>
        %parallel_loop3A_254 = tpu.vector_load_idx %parallel_loop3A_253[%iota3A, %parallel_loop3A_248] : memref<32x128xf32, #tpu.memory_space<vmem>>[vector<16xi32>, vector<16xi32>], vector<16xf32>,
        %parallel_loop3A_255 = arith.constant 0 : i32
        %parallel_loop3A_256 = arith.index_cast %parallel_loop3A_255 : i32 to index
        %parallel_loop3A_257 = arith.index_cast %parallel_loop3A_126 : i32 to index
        %parallel_loop3A_258 = arith.constant 96 : index
        %parallel_loop3A_259 = tpu.vector_load %arg5[%parallel_loop3A_256, %parallel_loop3A_257, %parallel_loop3A_258] {strides = array<i32>} : memref<2x32x128xf32, #tpu.memory_space<vmem>>, vector<16xf32>,
        tpu.vector_store %arg5[%parallel_loop3A_256, %parallel_loop3A_257, %parallel_loop3A_258], %parallel_loop3A_254 {strides = array<i32>} : memref<2x32x128xf32, #tpu.memory_space<vmem>>, vector<16xf32>,
        %parallel_loop3A_260 = arith.constant 0 : i32
        %parallel_loop3A_261 = vector.broadcast %parallel_loop3A_260 : i32 to vector<16xi32>
        %parallel_loop3A_262 = arith.constant 4 : i32
        %parallel_loop3A_263 = arith.muli %parallel_loop3A_262, %parallel_loop3A_126 : i32
        %parallel_loop3A_264 = arith.constant 3 : i32
        %parallel_loop3A_265 = arith.addi %parallel_loop3A_263, %parallel_loop3A_264 : i32
        %parallel_loop3A_266 = vector.broadcast %parallel_loop3A_265 : i32 to vector<16xi32>
        %parallel_loop3A_267 = arith.addi %parallel_loop3A_261, %parallel_loop3A_266 : vector<16xi32>
        %parallel_loop3A_268 = arith.constant 0 : i32
        %parallel_loop3A_269 = arith.constant 0 : i32
        %parallel_loop3A_270 = arith.constant 0 : i32
        %parallel_loop3A_271 = tpu.memref_slice %arg4[%parallel_loop3A_268, %parallel_loop3A_269, %parallel_loop3A_270] : memref<2x32x128xf32, #tpu.memory_space<vmem>> -> memref<1x32x128xf32, #tpu.memory_space<vmem>>
        %parallel_loop3A_272 = tpu.memref_squeeze %parallel_loop3A_271 : memref<1x32x128xf32, #tpu.memory_space<vmem>> -> memref<32x128xf32, #tpu.memory_space<vmem>>
        %parallel_loop3A_273 = tpu.vector_load_idx %parallel_loop3A_272[%add3A_3, %parallel_loop3A_267] : memref<32x128xf32, #tpu.memory_space<vmem>>[vector<16xi32>, vector<16xi32>], vector<16xf32>,
        %parallel_loop3A_274 = arith.constant 0 : i32
        %parallel_loop3A_275 = arith.index_cast %parallel_loop3A_274 : i32 to index
        %parallel_loop3A_276 = arith.index_cast %parallel_loop3A_126 : i32 to index
        %parallel_loop3A_277 = arith.constant 112 : index
        %parallel_loop3A_278 = tpu.vector_load %arg5[%parallel_loop3A_275, %parallel_loop3A_276, %parallel_loop3A_277] {strides = array<i32>} : memref<2x32x128xf32, #tpu.memory_space<vmem>>, vector<16xf32>,
        tpu.vector_store %arg5[%parallel_loop3A_275, %parallel_loop3A_276, %parallel_loop3A_277], %parallel_loop3A_273 {strides = array<i32>} : memref<2x32x128xf32, #tpu.memory_space<vmem>>, vector<16xf32>,
      } {sc.loop_unroll_factor = 4 : i64, sc.parallel_access}
      %mul3A_111 = arith.constant 32 : i32
      %mul3A_112 = arith.muli %add3A_78, %mul3A_111 : i32
      %dma_start3A_113 = arith.constant 0 : i32
      %dma_start3A_114 = arith.constant 0 : i32
      %dma_start3A_115 = arith.constant 0 : i32
      %dma_start3A_116 = tpu.memref_slice %arg5[%dma_start3A_113, %dma_start3A_114, %dma_start3A_115] : memref<2x32x128xf32, #tpu.memory_space<vmem>> -> memref<1x32x128xf32, #tpu.memory_space<vmem>>
      %dma_start3A_117 = tpu.memref_squeeze %dma_start3A_116 : memref<1x32x128xf32, #tpu.memory_space<vmem>> -> memref<32x128xf32, #tpu.memory_space<vmem>>
      %dma_start3A_118 = arith.constant 0 : i32
      %dma_start3A_119 = tpu.memref_slice %arg3[%mul3A_112, %dma_start3A_118] : memref<250000x128xf32, #tpu.memory_space<hbm>> -> memref<32x128xf32, #tpu.memory_space<hbm>>
      %dma_start3A_120 = arith.constant 0 : i32
      %dma_start3A_121 = tpu.memref_slice %arg3[%mul3A_112, %dma_start3A_120] : memref<250000x128xf32, #tpu.memory_space<hbm>> -> memref<32x128xf32, #tpu.memory_space<hbm>>
      %dma_start3A_122 = arith.constant 0 : i32
      %dma_start3A_123 = arith.constant 0 : i32
      %dma_start3A_124 = tpu.memref_slice %arg5[%dma_start3A_113, %dma_start3A_122, %dma_start3A_123] : memref<2x32x128xf32, #tpu.memory_space<vmem>> -> memref<1x32x128xf32, #tpu.memory_space<vmem>>
      %dma_start3A_125 = tpu.memref_squeeze %dma_start3A_124 : memref<1x32x128xf32, #tpu.memory_space<vmem>> -> memref<32x128xf32, #tpu.memory_space<vmem>>
      tpu.enqueue_dma source(%dma_start3A_125 : memref<32x128xf32, #tpu.memory_space<vmem>>) target(%dma_start3A_121 : memref<32x128xf32, #tpu.memory_space<hbm>>) target_semaphore(%arg10 : memref<!tpu.dma_semaphore, #tpu.memory_space<semaphore_mem>>)
    } else {
    }
    %eq3A = arith.constant 4 : i32
    %eq3A_44 = arith.cmpi eq, %add3A, %eq3A : i32
    %convert_element_type3A_45 = arith.extui %eq3A_44 : i1 to i32
    %cond3A_46 = arith.constant 0 : i32
    %cond3A_47 = arith.cmpi ne, %convert_element_type3A_45, %cond3A_46 : i32
    scf.if %cond3A_47 {
      "tpu.region"() ({
        %run_scoped3A = tpu.sem_alloc : memref<!tpu.dma_semaphore, #tpu.memory_space<semaphore_mem>>
        %dma_start3A_79 = arith.constant 0 : i32
        %dma_start3A_80 = arith.constant 999936 : i32
        %dma_start3A_81 = tpu.memref_slice %arg2[%dma_start3A_79, %dma_start3A_80] : memref<32x1000000xf32, #tpu.memory_space<hbm>> -> memref<32x64xf32, #tpu.memory_space<hbm>>
        %dma_start3A_82 = arith.constant 0 : i32
        %dma_start3A_83 = arith.constant 999936 : i32
        %dma_start3A_84 = tpu.memref_slice %arg2[%dma_start3A_82, %dma_start3A_83] : memref<32x1000000xf32, #tpu.memory_space<hbm>> -> memref<32x64xf32, #tpu.memory_space<hbm>>
        tpu.enqueue_dma source(%dma_start3A_84 : memref<32x64xf32, #tpu.memory_space<hbm>>) target(%arg6 : memref<32x64xf32, #tpu.memory_space<vmem>>) target_semaphore(%run_scoped3A : memref<!tpu.dma_semaphore, #tpu.memory_space<semaphore_mem>>)
        %dma_wait3A_85 = arith.constant 0 : i32
        %dma_wait3A_86 = arith.constant 999936 : i32
        %dma_wait3A_87 = tpu.memref_slice %arg2[%dma_wait3A_85, %dma_wait3A_86] : memref<32x1000000xf32, #tpu.memory_space<hbm>> -> memref<32x64xf32, #tpu.memory_space<hbm>>
        %dma_wait3A_88 = arith.constant 0 : i32
        %dma_wait3A_89 = arith.constant 999936 : i32
        %dma_wait3A_90 = tpu.memref_slice %arg2[%dma_wait3A_88, %dma_wait3A_89] : memref<32x1000000xf32, #tpu.memory_space<hbm>> -> memref<32x64xf32, #tpu.memory_space<hbm>>
        tpu.wait_dma2 semaphore(%run_scoped3A : memref<!tpu.dma_semaphore, #tpu.memory_space<semaphore_mem>>) src(%dma_wait3A_90 : memref<32x64xf32, #tpu.memory_space<hbm>>) dst(%arg6 : memref<32x64xf32, #tpu.memory_space<vmem>>)
        tpu.yield
      }) : () -> ()
      %parallel_loop3A = arith.constant 0 : i32
      %parallel_loop3A_77 = arith.constant 16 : i32
      %parallel_loop3A_78 = arith.constant 1 : i32
      scf.for %parallel_loop3A_79 = %parallel_loop3A to %parallel_loop3A_77 step %parallel_loop3A_78  : i32 {
        %parallel_loop3A_80 = arith.constant 0 : i32
        %parallel_loop3A_81 = vector.broadcast %parallel_loop3A_80 : i32 to vector<16xi32>
        %parallel_loop3A_82 = arith.constant 4 : i32
        %parallel_loop3A_83 = arith.muli %parallel_loop3A_82, %parallel_loop3A_79 : i32
        %parallel_loop3A_84 = arith.constant 0 : i32
        %parallel_loop3A_85 = arith.addi %parallel_loop3A_83, %parallel_loop3A_84 : i32
        %parallel_loop3A_86 = vector.broadcast %parallel_loop3A_85 : i32 to vector<16xi32>
        %parallel_loop3A_87 = arith.addi %parallel_loop3A_81, %parallel_loop3A_86 : vector<16xi32>
        %parallel_loop3A_88 = tpu.vector_load_idx %arg6[%iota3A, %parallel_loop3A_87] : memref<32x64xf32, #tpu.memory_space<vmem>>[vector<16xi32>, vector<16xi32>], vector<16xf32>,
        %parallel_loop3A_89 = arith.index_cast %parallel_loop3A_79 : i32 to index
        %parallel_loop3A_90 = arith.constant 0 : index
        %parallel_loop3A_91 = tpu.vector_load %arg7[%parallel_loop3A_89, %parallel_loop3A_90] {strides = array<i32>} : memref<16x128xf32, #tpu.memory_space<vmem>>, vector<16xf32>,
        tpu.vector_store %arg7[%parallel_loop3A_89, %parallel_loop3A_90], %parallel_loop3A_88 {strides = array<i32>} : memref<16x128xf32, #tpu.memory_space<vmem>>, vector<16xf32>,
        %parallel_loop3A_92 = arith.constant 0 : i32
        %parallel_loop3A_93 = vector.broadcast %parallel_loop3A_92 : i32 to vector<16xi32>
        %parallel_loop3A_94 = arith.constant 4 : i32
        %parallel_loop3A_95 = arith.muli %parallel_loop3A_94, %parallel_loop3A_79 : i32
        %parallel_loop3A_96 = arith.constant 0 : i32
        %parallel_loop3A_97 = arith.addi %parallel_loop3A_95, %parallel_loop3A_96 : i32
        %parallel_loop3A_98 = vector.broadcast %parallel_loop3A_97 : i32 to vector<16xi32>
        %parallel_loop3A_99 = arith.addi %parallel_loop3A_93, %parallel_loop3A_98 : vector<16xi32>
        %parallel_loop3A_100 = tpu.vector_load_idx %arg6[%add3A_3, %parallel_loop3A_99] : memref<32x64xf32, #tpu.memory_space<vmem>>[vector<16xi32>, vector<16xi32>], vector<16xf32>,
        %parallel_loop3A_101 = arith.index_cast %parallel_loop3A_79 : i32 to index
        %parallel_loop3A_102 = arith.constant 16 : index
        %parallel_loop3A_103 = tpu.vector_load %arg7[%parallel_loop3A_101, %parallel_loop3A_102] {strides = array<i32>} : memref<16x128xf32, #tpu.memory_space<vmem>>, vector<16xf32>,
        tpu.vector_store %arg7[%parallel_loop3A_101, %parallel_loop3A_102], %parallel_loop3A_100 {strides = array<i32>} : memref<16x128xf32, #tpu.memory_space<vmem>>, vector<16xf32>,
        %parallel_loop3A_104 = arith.constant 0 : i32
        %parallel_loop3A_105 = vector.broadcast %parallel_loop3A_104 : i32 to vector<16xi32>
        %parallel_loop3A_106 = arith.constant 4 : i32
        %parallel_loop3A_107 = arith.muli %parallel_loop3A_106, %parallel_loop3A_79 : i32
        %parallel_loop3A_108 = arith.constant 1 : i32
        %parallel_loop3A_109 = arith.addi %parallel_loop3A_107, %parallel_loop3A_108 : i32
        %parallel_loop3A_110 = vector.broadcast %parallel_loop3A_109 : i32 to vector<16xi32>
        %parallel_loop3A_111 = arith.addi %parallel_loop3A_105, %parallel_loop3A_110 : vector<16xi32>
        %parallel_loop3A_112 = tpu.vector_load_idx %arg6[%iota3A, %parallel_loop3A_111] : memref<32x64xf32, #tpu.memory_space<vmem>>[vector<16xi32>, vector<16xi32>], vector<16xf32>,
        %parallel_loop3A_113 = arith.index_cast %parallel_loop3A_79 : i32 to index
        %parallel_loop3A_114 = arith.constant 32 : index
        %parallel_loop3A_115 = tpu.vector_load %arg7[%parallel_loop3A_113, %parallel_loop3A_114] {strides = array<i32>} : memref<16x128xf32, #tpu.memory_space<vmem>>, vector<16xf32>,
        tpu.vector_store %arg7[%parallel_loop3A_113, %parallel_loop3A_114], %parallel_loop3A_112 {strides = array<i32>} : memref<16x128xf32, #tpu.memory_space<vmem>>, vector<16xf32>,
        %parallel_loop3A_116 = arith.constant 0 : i32
        %parallel_loop3A_117 = vector.broadcast %parallel_loop3A_116 : i32 to vector<16xi32>
        %parallel_loop3A_118 = arith.constant 4 : i32
        %parallel_loop3A_119 = arith.muli %parallel_loop3A_118, %parallel_loop3A_79 : i32
        %parallel_loop3A_120 = arith.constant 1 : i32
        %parallel_loop3A_121 = arith.addi %parallel_loop3A_119, %parallel_loop3A_120 : i32
        %parallel_loop3A_122 = vector.broadcast %parallel_loop3A_121 : i32 to vector<16xi32>
        %parallel_loop3A_123 = arith.addi %parallel_loop3A_117, %parallel_loop3A_122 : vector<16xi32>
        %parallel_loop3A_124 = tpu.vector_load_idx %arg6[%add3A_3, %parallel_loop3A_123] : memref<32x64xf32, #tpu.memory_space<vmem>>[vector<16xi32>, vector<16xi32>], vector<16xf32>,
        %parallel_loop3A_125 = arith.index_cast %parallel_loop3A_79 : i32 to index
        %parallel_loop3A_126 = arith.constant 48 : index
        %parallel_loop3A_127 = tpu.vector_load %arg7[%parallel_loop3A_125, %parallel_loop3A_126] {strides = array<i32>} : memref<16x128xf32, #tpu.memory_space<vmem>>, vector<16xf32>,
        tpu.vector_store %arg7[%parallel_loop3A_125, %parallel_loop3A_126], %parallel_loop3A_124 {strides = array<i32>} : memref<16x128xf32, #tpu.memory_space<vmem>>, vector<16xf32>,
        %parallel_loop3A_128 = arith.constant 0 : i32
        %parallel_loop3A_129 = vector.broadcast %parallel_loop3A_128 : i32 to vector<16xi32>
        %parallel_loop3A_130 = arith.constant 4 : i32
        %parallel_loop3A_131 = arith.muli %parallel_loop3A_130, %parallel_loop3A_79 : i32
        %parallel_loop3A_132 = arith.constant 2 : i32
        %parallel_loop3A_133 = arith.addi %parallel_loop3A_131, %parallel_loop3A_132 : i32
        %parallel_loop3A_134 = vector.broadcast %parallel_loop3A_133 : i32 to vector<16xi32>
        %parallel_loop3A_135 = arith.addi %parallel_loop3A_129, %parallel_loop3A_134 : vector<16xi32>
        %parallel_loop3A_136 = tpu.vector_load_idx %arg6[%iota3A, %parallel_loop3A_135] : memref<32x64xf32, #tpu.memory_space<vmem>>[vector<16xi32>, vector<16xi32>], vector<16xf32>,
        %parallel_loop3A_137 = arith.index_cast %parallel_loop3A_79 : i32 to index
        %parallel_loop3A_138 = arith.constant 64 : index
        %parallel_loop3A_139 = tpu.vector_load %arg7[%parallel_loop3A_137, %parallel_loop3A_138] {strides = array<i32>} : memref<16x128xf32, #tpu.memory_space<vmem>>, vector<16xf32>,
        tpu.vector_store %arg7[%parallel_loop3A_137, %parallel_loop3A_138], %parallel_loop3A_136 {strides = array<i32>} : memref<16x128xf32, #tpu.memory_space<vmem>>, vector<16xf32>,
        %parallel_loop3A_140 = arith.constant 0 : i32
        %parallel_loop3A_141 = vector.broadcast %parallel_loop3A_140 : i32 to vector<16xi32>
        %parallel_loop3A_142 = arith.constant 4 : i32
        %parallel_loop3A_143 = arith.muli %parallel_loop3A_142, %parallel_loop3A_79 : i32
        %parallel_loop3A_144 = arith.constant 2 : i32
        %parallel_loop3A_145 = arith.addi %parallel_loop3A_143, %parallel_loop3A_144 : i32
        %parallel_loop3A_146 = vector.broadcast %parallel_loop3A_145 : i32 to vector<16xi32>
        %parallel_loop3A_147 = arith.addi %parallel_loop3A_141, %parallel_loop3A_146 : vector<16xi32>
        %parallel_loop3A_148 = tpu.vector_load_idx %arg6[%add3A_3, %parallel_loop3A_147] : memref<32x64xf32, #tpu.memory_space<vmem>>[vector<16xi32>, vector<16xi32>], vector<16xf32>,
        %parallel_loop3A_149 = arith.index_cast %parallel_loop3A_79 : i32 to index
        %parallel_loop3A_150 = arith.constant 80 : index
        %parallel_loop3A_151 = tpu.vector_load %arg7[%parallel_loop3A_149, %parallel_loop3A_150] {strides = array<i32>} : memref<16x128xf32, #tpu.memory_space<vmem>>, vector<16xf32>,
        tpu.vector_store %arg7[%parallel_loop3A_149, %parallel_loop3A_150], %parallel_loop3A_148 {strides = array<i32>} : memref<16x128xf32, #tpu.memory_space<vmem>>, vector<16xf32>,
        %parallel_loop3A_152 = arith.constant 0 : i32
        %parallel_loop3A_153 = vector.broadcast %parallel_loop3A_152 : i32 to vector<16xi32>
        %parallel_loop3A_154 = arith.constant 4 : i32
        %parallel_loop3A_155 = arith.muli %parallel_loop3A_154, %parallel_loop3A_79 : i32
        %parallel_loop3A_156 = arith.constant 3 : i32
        %parallel_loop3A_157 = arith.addi %parallel_loop3A_155, %parallel_loop3A_156 : i32
        %parallel_loop3A_158 = vector.broadcast %parallel_loop3A_157 : i32 to vector<16xi32>
        %parallel_loop3A_159 = arith.addi %parallel_loop3A_153, %parallel_loop3A_158 : vector<16xi32>
        %parallel_loop3A_160 = tpu.vector_load_idx %arg6[%iota3A, %parallel_loop3A_159] : memref<32x64xf32, #tpu.memory_space<vmem>>[vector<16xi32>, vector<16xi32>], vector<16xf32>,
        %parallel_loop3A_161 = arith.index_cast %parallel_loop3A_79 : i32 to index
        %parallel_loop3A_162 = arith.constant 96 : index
        %parallel_loop3A_163 = tpu.vector_load %arg7[%parallel_loop3A_161, %parallel_loop3A_162] {strides = array<i32>} : memref<16x128xf32, #tpu.memory_space<vmem>>, vector<16xf32>,
        tpu.vector_store %arg7[%parallel_loop3A_161, %parallel_loop3A_162], %parallel_loop3A_160 {strides = array<i32>} : memref<16x128xf32, #tpu.memory_space<vmem>>, vector<16xf32>,
        %parallel_loop3A_164 = arith.constant 0 : i32
        %parallel_loop3A_165 = vector.broadcast %parallel_loop3A_164 : i32 to vector<16xi32>
        %parallel_loop3A_166 = arith.constant 4 : i32
        %parallel_loop3A_167 = arith.muli %parallel_loop3A_166, %parallel_loop3A_79 : i32
        %parallel_loop3A_168 = arith.constant 3 : i32
        %parallel_loop3A_169 = arith.addi %parallel_loop3A_167, %parallel_loop3A_168 : i32
        %parallel_loop3A_170 = vector.broadcast %parallel_loop3A_169 : i32 to vector<16xi32>
        %parallel_loop3A_171 = arith.addi %parallel_loop3A_165, %parallel_loop3A_170 : vector<16xi32>
        %parallel_loop3A_172 = tpu.vector_load_idx %arg6[%add3A_3, %parallel_loop3A_171] : memref<32x64xf32, #tpu.memory_space<vmem>>[vector<16xi32>, vector<16xi32>], vector<16xf32>,
        %parallel_loop3A_173 = arith.index_cast %parallel_loop3A_79 : i32 to index
        %parallel_loop3A_174 = arith.constant 112 : index
        %parallel_loop3A_175 = tpu.vector_load %arg7[%parallel_loop3A_173, %parallel_loop3A_174] {strides = array<i32>} : memref<16x128xf32, #tpu.memory_space<vmem>>, vector<16xf32>,
        tpu.vector_store %arg7[%parallel_loop3A_173, %parallel_loop3A_174], %parallel_loop3A_172 {strides = array<i32>} : memref<16x128xf32, #tpu.memory_space<vmem>>, vector<16xf32>,
      } {sc.loop_unroll_factor = 4 : i64, sc.parallel_access}
      "tpu.region"() ({
        %run_scoped3A = tpu.sem_alloc : memref<!tpu.dma_semaphore, #tpu.memory_space<semaphore_mem>>
        %dma_start3A_79 = arith.constant 249984 : i32
        %dma_start3A_80 = arith.constant 0 : i32
        %dma_start3A_81 = tpu.memref_slice %arg3[%dma_start3A_79, %dma_start3A_80] : memref<250000x128xf32, #tpu.memory_space<hbm>> -> memref<16x128xf32, #tpu.memory_space<hbm>>
        %dma_start3A_82 = arith.constant 249984 : i32
        %dma_start3A_83 = arith.constant 0 : i32
        %dma_start3A_84 = tpu.memref_slice %arg3[%dma_start3A_82, %dma_start3A_83] : memref<250000x128xf32, #tpu.memory_space<hbm>> -> memref<16x128xf32, #tpu.memory_space<hbm>>
        tpu.enqueue_dma source(%arg7 : memref<16x128xf32, #tpu.memory_space<vmem>>) target(%dma_start3A_84 : memref<16x128xf32, #tpu.memory_space<hbm>>) target_semaphore(%run_scoped3A : memref<!tpu.dma_semaphore, #tpu.memory_space<semaphore_mem>>)
        %dma_wait3A_85 = arith.constant 249984 : i32
        %dma_wait3A_86 = arith.constant 0 : i32
        %dma_wait3A_87 = tpu.memref_slice %arg3[%dma_wait3A_85, %dma_wait3A_86] : memref<250000x128xf32, #tpu.memory_space<hbm>> -> memref<16x128xf32, #tpu.memory_space<hbm>>
        %dma_wait3A_88 = arith.constant 249984 : i32
        %dma_wait3A_89 = arith.constant 0 : i32
        %dma_wait3A_90 = tpu.memref_slice %arg3[%dma_wait3A_88, %dma_wait3A_89] : memref<250000x128xf32, #tpu.memory_space<hbm>> -> memref<16x128xf32, #tpu.memory_space<hbm>>
        tpu.wait_dma2 semaphore(%run_scoped3A : memref<!tpu.dma_semaphore, #tpu.memory_space<semaphore_mem>>) src(%arg7 : memref<16x128xf32, #tpu.memory_space<vmem>>) dst(%dma_wait3A_90 : memref<16x128xf32, #tpu.memory_space<hbm>>)
        tpu.yield
      }) : () -> ()
    } else {
    }
    %dma_wait3A = arith.constant 0 : i32
    %dma_wait3A_48 = arith.constant 0 : i32
    %dma_wait3A_49 = arith.constant 0 : i32
    %dma_wait3A_50 = tpu.memref_slice %arg5[%dma_wait3A, %dma_wait3A_48, %dma_wait3A_49] : memref<2x32x128xf32, #tpu.memory_space<vmem>> -> memref<1x32x128xf32, #tpu.memory_space<vmem>>
    %dma_wait3A_51 = tpu.memref_squeeze %dma_wait3A_50 : memref<1x32x128xf32, #tpu.memory_space<vmem>> -> memref<32x128xf32, #tpu.memory_space<vmem>>
    %dma_wait3A_52 = arith.constant 0 : i32
    %dma_wait3A_53 = arith.constant 0 : i32
    %dma_wait3A_54 = tpu.memref_slice %arg3[%dma_wait3A_52, %dma_wait3A_53] : memref<250000x128xf32, #tpu.memory_space<hbm>> -> memref<32x128xf32, #tpu.memory_space<hbm>>
    %dma_wait3A_55 = arith.constant 0 : i32
    %dma_wait3A_56 = arith.constant 0 : i32
    %dma_wait3A_57 = tpu.memref_slice %arg3[%dma_wait3A_55, %dma_wait3A_56] : memref<250000x128xf32, #tpu.memory_space<hbm>> -> memref<32x128xf32, #tpu.memory_space<hbm>>
    %dma_wait3A_58 = arith.constant 0 : i32
    %dma_wait3A_59 = arith.constant 0 : i32
    %dma_wait3A_60 = tpu.memref_slice %arg5[%dma_wait3A, %dma_wait3A_58, %dma_wait3A_59] : memref<2x32x128xf32, #tpu.memory_space<vmem>> -> memref<1x32x128xf32, #tpu.memory_space<vmem>>
    %dma_wait3A_61 = tpu.memref_squeeze %dma_wait3A_60 : memref<1x32x128xf32, #tpu.memory_space<vmem>> -> memref<32x128xf32, #tpu.memory_space<vmem>>
    tpu.wait_dma2 semaphore(%arg10 : memref<!tpu.dma_semaphore, #tpu.memory_space<semaphore_mem>>) src(%dma_wait3A_61 : memref<32x128xf32, #tpu.memory_space<vmem>>) dst(%dma_wait3A_57 : memref<32x128xf32, #tpu.memory_space<hbm>>)
    %dma_wait3A_62 = arith.constant 1 : i32
    %dma_wait3A_63 = arith.constant 0 : i32
    %dma_wait3A_64 = arith.constant 0 : i32
    %dma_wait3A_65 = tpu.memref_slice %arg5[%dma_wait3A_62, %dma_wait3A_63, %dma_wait3A_64] : memref<2x32x128xf32, #tpu.memory_space<vmem>> -> memref<1x32x128xf32, #tpu.memory_space<vmem>>
    %dma_wait3A_66 = tpu.memref_squeeze %dma_wait3A_65 : memref<1x32x128xf32, #tpu.memory_space<vmem>> -> memref<32x128xf32, #tpu.memory_space<vmem>>
    %dma_wait3A_67 = arith.constant 0 : i32
    %dma_wait3A_68 = arith.constant 0 : i32
    %dma_wait3A_69 = tpu.memref_slice %arg3[%dma_wait3A_67, %dma_wait3A_68] : memref<250000x128xf32, #tpu.memory_space<hbm>> -> memref<32x128xf32, #tpu.memory_space<hbm>>
    %dma_wait3A_70 = arith.constant 0 : i32
    %dma_wait3A_71 = arith.constant 0 : i32
    %dma_wait3A_72 = tpu.memref_slice %arg3[%dma_wait3A_70, %dma_wait3A_71] : memref<250000x128xf32, #tpu.memory_space<hbm>> -> memref<32x128xf32, #tpu.memory_space<hbm>>
    %dma_wait3A_73 = arith.constant 0 : i32
    %dma_wait3A_74 = arith.constant 0 : i32
    %dma_wait3A_75 = tpu.memref_slice %arg5[%dma_wait3A_62, %dma_wait3A_73, %dma_wait3A_74] : memref<2x32x128xf32, #tpu.memory_space<vmem>> -> memref<1x32x128xf32, #tpu.memory_space<vmem>>
    %dma_wait3A_76 = tpu.memref_squeeze %dma_wait3A_75 : memref<1x32x128xf32, #tpu.memory_space<vmem>> -> memref<32x128xf32, #tpu.memory_space<vmem>>
    tpu.wait_dma2 semaphore(%arg11 : memref<!tpu.dma_semaphore, #tpu.memory_space<semaphore_mem>>) src(%dma_wait3A_76 : memref<32x128xf32, #tpu.memory_space<vmem>>) dst(%dma_wait3A_72 : memref<32x128xf32, #tpu.memory_space<hbm>>)
    return
  }
}

</mosaic_0001>

<sc_bundles>
// kernel: kernel.4.cloned.1.call-start
scs
__scs_entry_jumppad:
0x0: {  	(pc) =	sbr.rel $0x88, $3  }
0x1: {  	(tag) =	ssettag $0x0;
	lr =	simm.s32 $0x1  }
0x2: {  	[smem:$0x3F9F] =	sst lr;
	_ =	strace $0xD0000000  }
0x3: {  	_ = 	snop  }
0x4: {  	_ = 	snop  }
0x5: {  	_ = 	snop  }
0x6: {  	_ = 	snop  }
0x7: {  	_ = 	snop  }
__scs_overlays_trampoline_lowered:
0x8: {  	[smem:$0x3FAE] =	sst s0  }
0x9: {  	[smem:$0x3FAF] =	sst s1  }
0xa: {  	[smem:$0x3FB0] =	sst s2  }
0xb: {  	[smem:$0x3FB1] =	sst s3  }
0xc: {  	[smem:$0x3FB2] =	sst s4  }
0xd: {  	[smem:$0x3FB3] =	sst s5  }
0xe: {  	[smem:$0x3FB4] =	sst s6  }
0xf: {  	[smem:$0x3FB5] =	sst s7  }
0x10: {  	[smem:$0x3FB6] =	sst s8  }
0x11: {  	[smem:$0x3FB7] =	sst s9;
	s0 =	simm.s32 @!p0 $0x0  }
0x12: {  	s1 =	sld [smem:$0x3F9D];
	s0 =	simm.s32 @p0 $0x1  }
0x13: {  	[smem:$0x3FB8] =	sst s0;
	s0 =	simm.s32 @!p1 $0x0  }
0x14: {  	s2 =	sld [smem:$0x3F9C];
	s0 =	simm.s32 @p1 $0x1  }
0x15: {  	[smem:$0x3FB9] =	sst s0;
	s0 =	simm.s32 @!p2 $0x0  }
0x16: {  	s3 =	sld [smem:$0x3FDB];
	s0 =	simm.s32 @p2 $0x1  }
0x17: {  	s4 =	simm.s32 $0x1BF5;
	[smem:$0x3FBB] =	sst s0  }
0x18: {  	s0 =	sld [smem:$0x3F9E];
	_ =	swait.ge [sflag:s4], $0x0  }
0x19: {  	s7 =	sld [smem:$0x3F9F]  }
0x1a: {  	s8 =	sadd.s32 $0xFFFFE003, lr  }
0x1b: {  	s9 =	sadd.s32 $0xFFFFFEF7, lr;
	s5 =	simm.s32 $0xFFFFFFFF;
	p2 =	slt.u32 s8, $0xFFFFF086  }
0x1c: {  	p1 =	slt.u32 s9, $0xF7A;
	s5 =	simm.s32 @!p2 $0x0  }
0x1d: {  	s5 =	simm.s32 @p1 $0x1;
	p0 =	seq.s32 s7, s2  }
0x1e: {  	s7 =	smul.u32 @!p0 $0xF7A, s2;
	p2 =	seq.s32 @!p0 s5, $0x0  }
0x1f: {  	s9 =	smul.u32 $0xF7A, s1;
	s8 =	simm.s32 @!p0 $0x1BF5;
	p2 =	por !p2, p0  }
0x20: {  	[sflag:s8] =	ssyncset.s32 @!p0 $0xFFFFF086;
	s6 =	sadd.s32 @!p0 s3, s7;
	s7 =	simm.s32 @!p0 $0x108  }
0x21: {  	s3 =	sadd.s32 s3, s9;
	s6 =	sadd.s32 @!p0 $0x88, s6;
	s7 =	simm.s32 @p2 $0x1082  }
0x22: {  	[simem:s7], [sflag:s8] =	dma.local @!p0 [hbm:s6], $0xF7A  }
0x23: {  	s9 =	sor.u32 $0xD0000000, s2;
	s6 =	simm.s32 $0x108;
	_ =	swait.ge @!p0 [sflag:s8], $0x0  }
0x24: {  	s3 =	sadd.s32 $0x88, s3;
	s6 =	simm.s32 @!p1 $0x1082;
	[sflag:s4] =	ssyncset.s32 $0xFFFFF086  }
0x25: {  	[simem:s6], [sflag:s4] =	dma.local [hbm:s3], $0xF7A  }
0x26: {  	[smem:$0x3F9F] =	sst s1;
	(tag) =	ssettag s2;
	_ =	strace s9  }
0x27: {  	s1 =	sld [smem:$0x3FAF]  }
0x28: {  	s2 =	sld [smem:$0x3FB0]  }
0x29: {  	s4 =	sld [smem:$0x3FB2]  }
0x2a: {  	p0 =	seq.s32 s5, $0x0;
	s5 =	sld [smem:$0x3FB3]  }
0x2b: {  	s6 =	sld [smem:$0x3FB4]  }
0x2c: {  	s7 =	sld [smem:$0x3FB5]  }
0x2d: {  	s3 =	simm.s32 $0x108;
	s8 =	sld [smem:$0x3FB6]  }
0x2e: {  	s3 =	simm.s32 @!p0 $0x1082;
	s9 =	sld [smem:$0x3FB7]  }
0x2f: {  	lr =	sadd.s32 s0, s3;
	s0 =	sld [smem:$0x3FAE]  }
0x30: {  	s3 =	sld [smem:$0x3FB1]  }
0x31: {  	[smem:$0x3FBA] =	sst s10  }
0x32: {  	s10 =	sld [smem:$0x3FB8];
	_ =	sdelay $0x3  }
0x33: {  	p0 =	seq.s32 s10, $0x1;
	s10 =	sld [smem:$0x3FBA];
	_ =	sdelay $0x3  }
0x34: {  	[smem:$0x3FBA] =	sst s10  }
0x35: {  	s10 =	sld [smem:$0x3FB9];
	_ =	sdelay $0x3  }
0x36: {  	p1 =	seq.s32 s10, $0x1;
	s10 =	sld [smem:$0x3FBA];
	_ =	sdelay $0x3  }
0x37: {  	[smem:$0x3FBA] =	sst s10  }
0x38: {  	s10 =	sld [smem:$0x3FBB]  }
0x39: {  	_ = 	snop;
	(pc) =	sbr.ind lr, $3  }
0x3a: {  	_ = 	snop  }
0x3b: {  	_ = 	snop  }
0x3c: {  	p2 =	seq.s32 s10, $0x1;
	s10 =	sld [smem:$0x3FBA]  }
0x3d: {  	_ =	shalt  }
0x3e: {  	_ =	shalt  }
0x3f: {  	_ =	shalt  }
0x40: {  	_ =	shalt  }
0x41: {  	_ =	shalt  }
0x42: {  	_ =	shalt  }
0x43: {  	_ =	shalt  }
0x44: {  	_ =	shalt  }
0x45: {  	_ =	shalt  }
0x46: {  	_ =	shalt  }
0x47: {  	_ =	shalt  }
0x48: {  	_ =	shalt  }
0x49: {  	_ =	shalt  }
0x4a: {  	_ =	shalt  }
0x4b: {  	_ =	shalt  }
0x4c: {  	_ =	shalt  }
0x4d: {  	_ =	shalt  }
0x4e: {  	_ =	shalt  }
0x4f: {  	_ =	shalt  }
0x50: {  	_ =	shalt  }
0x51: {  	_ =	shalt  }
0x52: {  	_ =	shalt  }
0x53: {  	_ =	shalt  }
0x54: {  	_ =	shalt  }
0x55: {  	_ =	shalt  }
0x56: {  	_ =	shalt  }
0x57: {  	_ =	shalt  }
0x58: {  	_ =	shalt  }
0x59: {  	_ =	shalt  }
0x5a: {  	_ =	shalt  }
0x5b: {  	_ =	shalt  }
0x5c: {  	_ =	shalt  }
0x5d: {  	_ =	shalt  }
0x5e: {  	_ =	shalt  }
0x5f: {  	_ =	shalt  }
0x60: {  	_ =	shalt  }
0x61: {  	_ =	shalt  }
0x62: {  	_ =	shalt  }
0x63: {  	_ =	shalt  }
0x64: {  	_ =	shalt  }
0x65: {  	_ =	shalt  }
0x66: {  	_ =	shalt  }
0x67: {  	_ =	shalt  }
0x68: {  	_ =	shalt  }
0x69: {  	_ =	shalt  }
0x6a: {  	_ =	shalt  }
0x6b: {  	_ =	shalt  }
0x6c: {  	_ =	shalt  }
0x6d: {  	_ =	shalt  }
0x6e: {  	_ =	shalt  }
0x6f: {  	_ =	shalt  }
0x70: {  	_ =	shalt  }
0x71: {  	_ =	shalt  }
0x72: {  	_ =	shalt  }
0x73: {  	_ =	shalt  }
0x74: {  	_ =	shalt  }
0x75: {  	_ =	shalt  }
0x76: {  	_ =	shalt  }
0x77: {  	_ =	shalt  }
0x78: {  	_ =	shalt  }
0x79: {  	_ =	shalt  }
0x7a: {  	_ =	shalt  }
0x7b: {  	_ =	shalt  }
0x7c: {  	_ =	shalt  }
0x7d: {  	_ =	shalt  }
0x7e: {  	_ =	shalt  }
0x7f: {  	_ =	shalt  }
0x80: {  	_ =	shalt  }
0x81: {  	_ =	shalt  }
0x82: {  	_ =	shalt  }
0x83: {  	_ =	shalt  }
0x84: {  	_ =	shalt  }
0x85: {  	_ =	shalt  }
0x86: {  	_ =	shalt  }
0x87: {  	_ =	shalt  }
.Lfunc_end0:
.L_simem_size_0:
called_computation_lowered:
.L_overlay_start_0:
0x88: {  	s2 =	sld [smem:$0x3FD9]  }
0x89: {  	s3 =	sld [smem:$0x3FFE];
	_ =	sdelay $0x1  }
0x8a: {  	s1 =	srdreg.scid  }
0x8b: {  	s0 =	sand.u32 $0x1, s1  }
0x8c: {  	s17 =	sshll.u32 s0, $0xA;
	s2 =	sadd.s32 s3, s2  }
0x8d: {  	s2 =	sadd.s32 s2, s17  }
0x8e: {  	[smem:$0x3FC6] =	sst s2  }
0x8f: {  	_ = 	snop  }
0x90: {  	s2 =	sld [smem:$0x3FC9];
	(tm) =	ssettm $0x1  }
0x91: {  	s18 =	sld [smem:$0x3FFB];
	_ =	sdelay $0x3  }
0x92: {  	_ =	strace s18  }
0x93: {  	s3 =	sld [smem:$0x3FFC];
	_ =	sdelay $0x3  }
0x94: {  	_ =	strace s3  }
0x95: {  	s3 =	sld [smem:$0x3FFD];
	_ =	sdelay $0x3  }
0x96: {  	_ =	strace s3  }
0x97: {  	_ =	strace $0x8FFFFFFF  }
0x98: {  	s19 =	sld [smem:$0x3FDB];
	_ =	sdelay $0x1  }
0x99: {  	s4 =	simm.s32 $_scs_section_size  }
0x9a: {  	s5 =	simm.s32 $_size__tile_overlayer_lowered;
	s6 =	simm.s32 $_tile_overlayer_lowered  }
0x9b: {  	s22 =	simm.s32 $0x1BFF;
	s21 =	sshll.u32 s6, $0x1;
	s3 =	sadd.s32 s4, s19  }
0x9c: {  	s7 =	simm.s32 $0x0;
	s20 =	sshll.u32 s5, $0x1;
	s5 =	sadd.s32 s21, s3  }
0x9d: {  	[timem:s7], [sflag:s22] =	dma.local [hbm:s5], s20  }
0x9e: {  	_ =	swait.ge [sflag:s22], s20  }
0x9f: {  	s4 =	ssub.s32 $0x0, s20;
	[sflag:s22] =	ssyncset.done $0x0  }
0xa0: {  	[sflag:s22] =	ssyncadd.s32 s4;
	_ =	sdelay $0x1  }
0xa1: {  	s23 =	simm.s32 $0x1B8B  }
0xa2: {  	_ =	swait.ge [sflag:s23], $0x1  }
0xa3: {  	[sflag:s23] =	ssyncset.done $0x0  }
0xa4: {  	s25 =	simm.s32 $0x1B8E;
	s24 =	sld [smem:$0x3FFE];
	[sflag:s23] =	ssyncadd.s32 $0xFFFFFFFF  }
0xa5: {  	s26 =	simm.s32 $execute0_lowered;
	[smem:$0x3FD2] =	sst s25  }
0xa6: {  	s5 =	sshll.u32 s26, $0x1;
	_ =	strace $0x80000046;
	[dreg:$0x1] =	wrdreg $0xFFFFFFFF  }
0xa7: {  	s28 =	simm.s32 $_size_execute0_lowered;
	s3 =	sadd.s32 s3, s5;
	[dreg:$0x0] =	wrdreg $0x0  }
0xa8: {  	s5 =	sshll.u32 s28, $0x1;
	[dreg:$0x2] =	wrdreg s3  }
0xa9: {  	[dreg:$0x3] =	wrdreg s5  }
0xaa: {  	[dreg:$0x4] =	wrdreg $0xC0  }
0xab: {  	_ =	task [dreg:s7], $0x5FFFF  }
0xac: {  	[dreg:$0x1] =	wrdreg $0xFFFFFFFF  }
0xad: {  	[dreg:$0x0] =	wrdreg $0x60  }
0xae: {  	[dreg:$0x2] =	wrdreg s2  }
0xaf: {  	[dreg:$0x3] =	wrdreg s24  }
0xb0: {  	[dreg:$0x4] =	wrdreg $0x9  }
0xb1: {  	_ =	task.clear_ibuf [dreg:s7], $0x5FFFF;
	_ =	strace $0x90000046  }
0xb2: {  	s29 =	simm.s32 $0x9;
	_ =	strace $0x80000048  }
0xb3: {  	_ =	swait.ge [sflag:s29], $0x1  }
0xb4: {  	[sflag:s29] =	ssyncadd.s32 $0xFFFFFFFF  }
0xb5: {  	_ =	strace $0x90000048  }
0xb6: {  	_ =	sfence  }
0xb7: {  	s30 =	sld [smem:$0x0];
	_ =	sdelay $0x2  }
0xb8: {  	s31 =	sshll.u32 s1, $0xD;
	s1 =	sshrl.u32 s1, $0x2  }
0xb9: {  	s3 =	sand.u32 $0x4000, s31;
	s1 =	sadd.s32 s1, s30  }
0xba: {  	s0 =	sor.u32 s3, s0;
	s1 =	sshll.u32 s1, $0x11  }
0xbb: {  	s0 =	sor.u32 s1, s0  }
0xbc: {  	s0 =	sadd.s32 $0x8F2B, s0  }
0xbd: {  	[sflag:s0] =	ssyncadd.remote.s32 $0x1  }
0xbe: {  	_ =	sfence.sel $0xFFFF  }
0xbf: {  	[dreg:$0x0] =	wrdreg $0xFFFFFFFF;
	(pc) =	sbr.abs _section_cstart, $3  }
0xc0: {  	[dreg:$0x1] =	wrdreg $0xFFFFFFFF  }
0xc1: {  	_ =	task.clear_ibuf [dreg:s7], $0x2FFFF;
	_ =	strace $0x9FFFFFFF  }
0xc2: {  	(tm) =	ssettm $0x7FFFFFFF  }
0xc3: {  	_ =	shalt  }
tec
execute0_lowered:
.L_overlay_start_1:
0x0: {  	(tag) =	ssettag $0x1  }
0x1: {  	s0 =	rddreg [dreg:$0x0]  }
0x2: {  	s1 =	rddreg [dreg:$0x1]  }
0x3: {  	s3 =	srdreg.scid;
	s12 =	stileid.u32;
	s2 =	simm.s32 $0x0  }
0x4: {  	s14 =	simm.s32 $0x400;
	s15 =	simm.s32 $0x7A1400;
	s16 =	simm.s32 $0x1000  }
0x5: {  	s17 =	simm.s32 $0x1;
	s18 =	simm.s32 $0x2000;
	s19 =	simm.s32 $0x2  }
0x6: {  	s20 =	simm.s32 $0x3000;
	s21 =	simm.s32 $0x3;
	s22 =	simm.s32 $0x4000  }
0x7: {  	s25 =	simm.s32 $0x4;
	s26 =	simm.s32 $0x0;
	s3 =	sand.u32 $0x1, s3  }
0x8: {  	s4 =	sshll.u32 s12, $0x1;
	[smem:$0x7FF] =	sst s2;
	s8 =	sadd.s32 $0x4A00, s1  }
0x9: {  	s30 =	sadd.s32 $0x3D1200, s1;
	p0 =	slt.u32 s12, $0x2;
	p1 =	sgt.u32 s12, $0x1  }
0xa: {  	s5 =	sor.u32 s3, s4;
	_ =	strace $0x80000047;
	s6 =	ssub.s32 $0x2, s3  }
0xb: {  	s3 =	sadd.s32 $0xA00, s1;
	s4 =	sshll.u32 s5, $0x7;
	s7 =	sshrl.u32 s6, $0x1  }
0xc: {  	[dreg:$0x7] =	wrdreg s30;
	s4 =	sadd.s32 s0, s4;
	s10 =	ssub.s32 s6, s7  }
.Ltmp0:
0xd: {  	s0 =	sadd.s32 $0xF4200, s0;
	[dreg:$0x3] =	wrdreg s4;
	(pc) =	sbr.rel .LBB2_1-.Ltmp0, $4  }
0xe: {  	v0 =	vlaneseq.u32;
	s6 =	sshll.u32 s5, $0x9;
	s28 =	sadd.s32 $0x1000, s4;
	[dreg:$0x6] =	wrdreg s0  }
0xf: {  	v0 =	vmul.u32 $0x80, v0;
	s11 =	sadd.s32 s6, s3;
	s31 =	smax.u32 s10, $0x1;
	[dreg:$0x4] =	wrdreg s28  }
0x10: {  	p2 =	sne.s32 s5, $0x4;
	s29 =	sadd.s32 $0x3D0000, s11;
	[dreg:$0x8] =	wrdreg s31  }
0x11: {  	v1 =	vor.u32 $0x800, v0;
	s7 =	sadd.s32 $0x2000, s4;
	s9 =	sadd.s32 $0x3000, s4;
	[dreg:$0x5] =	wrdreg s29  }
.LBB2_20:
0x12: {  	_ =	swait.ge [sflag:s21], $0x1000  }
0x13: {  	[sflag:s21] =	ssyncset.done $0x0  }
0x14: {  	[sflag:s21] =	ssyncadd.s32 $0xFFFFF000  }
0x15: {  	_ =	swait.ge [sflag:s25], $0x1000  }
0x16: {  	s26 =	sadd.s32 $0x1, s26;
	s0 =	rddreg [dreg:$0x8]  }
0x17: {  	p3 =	sne.s32 s26, s0  }
.Ltmp1:
0x18: {  	_ = 	snop;
	(pc) =	sbr.rel @!p3 .LBB2_21-.Ltmp1, $3  }
0x19: {  	_ =	sdelay $0x1  }
0x1a: {  	[sflag:s25] =	ssyncset.done $0x0  }
0x1b: {  	[sflag:s25] =	ssyncadd.s32 $0xFFFFF000  }
.LBB2_1:
0x1c: {  	s0 =	rddreg [dreg:$0x3]  }
0x1d: {  	[tilespmem:s2], [sflag:$0x1] =	stream.strided.gather [hbm4b:s0+s14], $0x1000, s15, s14, $0x38;
	[tilespmem:$0x5800] =	vst v63  }
0x1e: {  	s31 =	rddreg [dreg:$0x4];
	s28 =	simm.s32 $0x0  }
0x1f: {  	[tilespmem:s16], [sflag:$0x2] =	stream.strided.gather [hbm4b:s31+s14], $0x1000, s15, s14, $0x38;
	[tilespmem:$0x5800] =	vst v63  }
.LBB2_2:
0x20: {  	s0 =	simm.s32 $0x0;
	s4 =	simm.s32 $0x8  }
0x21: {  	s1 =	simm.s32 $0x4;
	s5 =	simm.s32 $0xC;
	s10 =	simm.s32 $0x1;
	v2 =	vmov s0;
	v3 =	vmov s4  }
0x22: {  	s11 =	simm.s32 $0x5;
	s12 =	simm.s32 $0x9;
	v4 =	vmov s1;
	v5 =	vmov s5;
	v9 =	vmov s10  }
0x23: {  	s23 =	simm.s32 $0x10;
	v11 =	vmov s11;
	v12 =	vmov s12;
	v2 =	vand.u32 $0x70, v2  }
0x24: {  	s24 =	simm.s32 $0x18;
	v17 =	vmov s23;
	v4 =	vand.u32 $0x74, v4;
	v2 =	vbroadcast v2, $0x0  }
0x25: {  	_ =	swait.ge [sflag:s17], $0x1000;
	v18 =	vmov s24;
	v3 =	vand.u32 $0x78, v3;
	v4 =	vbroadcast v4, $0x0  }
0x26: {  	p3 =	seq.s32 s28, $0x0;
	[sflag:s17] =	ssyncset.done $0x0;
	v5 =	vand.u32 $0x7C, v5;
	v3 =	vbroadcast v3, $0x0;
	v6 =	vor.u32 v0, v2  }
0x27: {  	s1 =	simm.s32 @!p3 $0x3;
	s5 =	simm.s32 $0xD;
	[sflag:s17] =	ssyncadd.s32 $0xFFFFF000;
	v9 =	vand.u32 $0x71, v9;
	v5 =	vbroadcast v5, $0x0;
	v7 =	vor.u32 v0, v4  }
0x28: {  	v11 =	vand.u32 $0x75, v11;
	v13 =	vmov s5;
	_ =	swait.ge @!p3 [sflag:s1], $0x1000;
	v8 =	vor.u32 v0, v3  }
0x29: {  	s4 =	simm.s32 $0x14;
	v12 =	vand.u32 $0x79, v12;
	v17 =	vand.u32 $0x70, v17;
	[sflag:s1] =	ssyncset.done @!p3 $0x0;
	v10 =	vor.u32 v0, v5  }
0x2a: {  	v19 =	vmov s4;
	v9 =	vbroadcast v9, $0x0;
	v11 =	vbroadcast v11, $0x0;
	[sflag:s1] =	ssyncadd.s32 @!p3 $0xFFFFF000  }
0x2b: {  	s5 =	simm.s32 $0x1C;
	v13 =	vand.u32 $0x7D, v13;
	v12 =	vbroadcast v12, $0x0;
	v17 =	vbroadcast v17, $0x0;
	v6 =	vld.idx.msk [tilespmem:v6+s2+$0x0], $0xffff  }
0x2c: {  	v19 =	vand.u32 $0x74, v19;
	v21 =	vmov s5;
	v2 =	vor.u32 v1, v2;
	v7 =	vld.idx.msk [tilespmem:v7+s2+$0x0], $0xffff  }
0x2d: {  	v13 =	vbroadcast v13, $0x0;
	v4 =	vor.u32 v1, v4;
	v5 =	vor.u32 v1, v5;
	v8 =	vld.idx.msk [tilespmem:v8+s2+$0x0], $0xffff  }
0x2e: {  	v3 =	vor.u32 v1, v3;
	v14 =	vor.u32 v0, v9;
	v15 =	vor.u32 v0, v11;
	v10 =	vld.idx.msk [tilespmem:v10+s2+$0x0], $0xffff  }
0x2f: {  	s13 =	simm.s32 $0xA;
	s31 =	simm.s32 $0x2100;
	v16 =	vor.u32 v0, v12;
	v12 =	vor.u32 v1, v12;
	v22 =	vor.u32 v1, v11  }
0x30: {  	v11 =	vmov s13;
	v26 =	vor.u32 v1, v17;
	v20 =	vor.u32 v0, v13;
	[tilespmem:s31+$0xFFFFFF00] =	vst v6  }
0x31: {  	v11 =	vand.u32 $0x7A, v11;
	v6 =	vand.u32 $0x78, v18;
	v18 =	vbroadcast v19, $0x0;
	[tilespmem:s31+$0xFFFFFF80] =	vst v7;
	v2 =	vld.idx.msk [tilespmem:v2+s2+$0x0], $0xffff  }
0x32: {  	s10 =	simm.s32 $0x11;
	v19 =	vand.u32 $0x7C, v21;
	v21 =	vbroadcast v11, $0x0;
	v11 =	vor.u32 v0, v17;
	[tilespmem:s31+$0x0] =	vst v8;
	v4 =	vld.idx.msk [tilespmem:v4+s2+$0x0], $0xffff  }
0x33: {  	s24 =	simm.s32 $0x6;
	v13 =	vor.u32 v1, v13;
	v17 =	vmov s10;
	[tilespmem:s31+$0x80] =	vst v10;
	v6 =	vbroadcast v6, $0x0;
	v3 =	vld.idx.msk [tilespmem:v3+s2+$0x0], $0xffff  }
0x34: {  	v19 =	vbroadcast v19, $0x0;
	v17 =	vand.u32 $0x71, v17;
	v31 =	vld.idx.msk [tilespmem:v5+s2+$0x0], $0xffff;
	v5 =	vmov s24  }
0x35: {  	s11 =	simm.s32 $0x15;
	v23 =	vor.u32 v0, v18;
	v25 =	vor.u32 v0, v21;
	v27 =	vor.u32 v1, v18  }
0x36: {  	v18 =	vmov s11;
	v7 =	vor.u32 v0, v6;
	v24 =	vor.u32 v0, v19;
	[tilespmem:s31+$0xFFFFFF10] =	vst v2  }
0x37: {  	s12 =	simm.s32 $0x19;
	s13 =	simm.s32 $0x1D;
	v8 =	vor.u32 v1, v19;
	v29 =	vld.idx.msk [tilespmem:v11+s2+$0x0], $0xffff;
	v2 =	vor.u32 v1, v9;
	v9 =	vbroadcast v17, $0x0;
	[tilespmem:s31+$0xFFFFFF90] =	vst v4  }
0x38: {  	s11 =	simm.s32 $0x24;
	v17 =	vand.u32 $0x75, v18;
	v18 =	vmov s12;
	v4 =	vmov s13;
	[tilespmem:s31+$0x10] =	vst v3;
	v14 =	vld.idx.msk [tilespmem:v14+s2+$0x0], $0xffff  }
0x39: {  	[tilespmem:s31+$0x90] =	vst v31;
	v31 =	vmov s11;
	s13 =	simm.s32 $0x2C;
	v28 =	vbroadcast v17, $0x0;
	v17 =	vor.u32 v1, v6;
	v15 =	vld.idx.msk [tilespmem:v15+s2+$0x0], $0xffff  }
0x3a: {  	v18 =	vand.u32 $0x79, v18;
	v4 =	vand.u32 $0x7D, v4;
	v16 =	vld.idx.msk [tilespmem:v16+s2+$0x0], $0xffff;
	v59 =	vmov s13  }
0x3b: {  	s23 =	simm.s32 $0x2;
	v6 =	vor.u32 v0, v9;
	v11 =	vld.idx.msk [tilespmem:v7+s2+$0x0], $0xffff;
	v7 =	vor.u32 v1, v21;
	v10 =	vbroadcast v18, $0x0  }
0x3c: {  	s30 =	simm.s32 $0x2300;
	v20 =	vld.idx.msk [tilespmem:v20+s2+$0x0], $0xffff;
	v18 =	vmov s23;
	v30 =	vbroadcast v4, $0x0;
	v36 =	vor.u32 v1, v9  }
0x3d: {  	v23 =	vld.idx.msk [tilespmem:v23+s2+$0x0], $0xffff;
	v19 =	vor.u32 v0, v28;
	v4 =	vand.u32 $0x72, v18;
	v18 =	vor.u32 v0, v10;
	[tilespmem:s30+$0xFFFFFF00] =	vst v29  }
0x3e: {  	s5 =	simm.s32 $0x20;
	v3 =	vor.u32 v0, v30;
	v26 =	vld.idx.msk [tilespmem:v26+s2+$0x0], $0xffff;
	[tilespmem:s31+$0xFFFFFF20] =	vst v14;
	v14 =	vbroadcast v4, $0x0;
	v4 =	vand.u32 $0x76, v5  }
0x3f: {  	s4 =	simm.s32 $0x1A;
	s1 =	simm.s32 $0xB;
	v5 =	vor.u32 v1, v28;
	v28 =	vmov s5;
	v32 =	vld.idx.msk [tilespmem:v2+s2+$0x0], $0xffff;
	v29 =	vbroadcast v4, $0x0  }
0x40: {  	[tilespmem:s31+$0xFFFFFFA0] =	vst v15;
	v2 =	vmov s1;
	v4 =	vor.u32 v1, v10;
	v10 =	vld.idx.msk [tilespmem:v24+s2+$0x0], $0xffff;
	v24 =	vmov s4  }
0x41: {  	[tilespmem:s31+$0x20] =	vst v16;
	v22 =	vld.idx.msk [tilespmem:v22+s2+$0x0], $0xffff;
	v28 =	vand.u32 $0x70, v28;
	v33 =	vor.u32 v0, v14;
	v2 =	vand.u32 $0x7B, v2  }
0x42: {  	[tilespmem:s31+$0xA0] =	vst v20;
	v12 =	vld.idx.msk [tilespmem:v12+s2+$0x0], $0xffff;
	v16 =	vbroadcast v28, $0x0;
	v28 =	vand.u32 $0x74, v31;
	v24 =	vand.u32 $0x7A, v24  }
0x43: {  	s10 =	simm.s32 $0x28;
	[tilespmem:s30+$0xFFFFFF80] =	vst v23;
	v13 =	vld.idx.msk [tilespmem:v13+s2+$0x0], $0xffff;
	v14 =	vor.u32 v1, v14;
	v15 =	vor.u32 v0, v29;
	v21 =	vbroadcast v2, $0x0  }
0x44: {  	v27 =	vld.idx.msk [tilespmem:v27+s2+$0x0], $0xffff;
	[tilespmem:s30+$0x0] =	vst v11;
	v2 =	vor.u32 v1, v30;
	v30 =	vmov s10;
	v28 =	vbroadcast v28, $0x0  }
0x45: {  	s23 =	simm.s32 $0x3;
	v17 =	vld.idx.msk [tilespmem:v17+s2+$0x0], $0xffff;
	v24 =	vbroadcast v24, $0x0;
	v23 =	vor.u32 v1, v29;
	[tilespmem:s30+$0xFFFFFF10] =	vst v26;
	v26 =	vand.u32 $0x78, v30  }
0x46: {  	s12 =	simm.s32 $0xE;
	v31 =	vor.u32 v0, v16;
	v38 =	vor.u32 v1, v16;
	v16 =	vmov s23;
	v30 =	vld.idx.msk [tilespmem:v6+s2+$0x0], $0xffff;
	[tilespmem:s31+$0xFFFFFF30] =	vst v32  }
0x47: {  	v26 =	vbroadcast v26, $0x0;
	v6 =	vmov s12;
	v37 =	vor.u32 v0, v28;
	[tilespmem:s31+$0x30] =	vst v12;
	v33 =	vld.idx.msk [tilespmem:v33+s2+$0x0], $0xffff  }
0x48: {  	v34 =	vor.u32 v0, v21;
	v9 =	vor.u32 v1, v28;
	[tilespmem:s31+$0xFFFFFFB0] =	vst v22;
	v6 =	vand.u32 $0x7E, v6;
	v25 =	vld.idx.msk [tilespmem:v25+s2+$0x0], $0xffff  }
0x49: {  	v22 =	vand.u32 $0x7C, v59;
	[tilespmem:s30+$0x80] =	vst v10;
	v60 =	vor.u32 v0, v26;
	v35 =	vld.idx.msk [tilespmem:v15+s2+$0x0], $0xffff;
	v15 =	vbroadcast v6, $0x0  }
0x4a: {  	s4 =	simm.s32 $0x29;
	v16 =	vand.u32 $0x73, v16;
	v21 =	vor.u32 v1, v21;
	v20 =	vbroadcast v22, $0x0;
	v42 =	vld.idx.msk [tilespmem:v8+s2+$0x0], $0xffff  }
0x4b: {  	s1 =	simm.s32 $0x25;
	[tilespmem:s31+$0xB0] =	vst v13;
	v39 =	vbroadcast v16, $0x0;
	v13 =	vmov s4;
	v31 =	vld.idx.msk [tilespmem:v31+s2+$0x0], $0xffff;
	v22 =	vor.u32 v0, v15  }
0x4c: {  	s12 =	simm.s32 $0x12;
	v29 =	vor.u32 v0, v20;
	v10 =	vor.u32 v1, v20;
	v20 =	vmov s1;
	[tilespmem:s30+$0xFFFFFF20] =	vst v30;
	v37 =	vld.idx.msk [tilespmem:v37+s2+$0x0], $0xffff  }
0x4d: {  	s13 =	simm.s32 $0x16;
	[tilespmem:s30+$0xFFFFFF90] =	vst v27;
	v27 =	vmov s12;
	v13 =	vand.u32 $0x79, v13;
	v16 =	vand.u32 $0x75, v20;
	v20 =	vld.idx.msk [tilespmem:v36+s2+$0x0], $0xffff  }
0x4e: {  	s24 =	simm.s32 $0x21;
	v8 =	vmov s13;
	v6 =	vor.u32 v0, v24;
	v62 =	vbroadcast v13, $0x0;
	[tilespmem:s31+$0xFFFFFF40] =	vst v33;
	v12 =	vld.idx.msk [tilespmem:v60+s2+$0x0], $0xffff  }
0x4f: {  	[tilespmem:s30+$0x10] =	vst v17;
	v40 =	vor.u32 v0, v39;
	v28 =	vor.u32 v1, v15;
	v15 =	vmov s24;
	v61 =	vld.idx.msk [tilespmem:v14+s2+$0x0], $0xffff  }
0x50: {  	s10 =	simm.s32 $0x2D;
	v8 =	vand.u32 $0x76, v8;
	v13 =	vor.u32 v0, v62;
	v15 =	vand.u32 $0x71, v15;
	[tilespmem:s31+$0x40] =	vst v25;
	v30 =	vld.idx.msk [tilespmem:v22+s2+$0x0], $0xffff  }
0x51: {  	v17 =	vor.u32 v1, v62;
	v15 =	vbroadcast v15, $0x0;
	v25 =	vmov s10;
	v63 =	vld.idx.msk [tilespmem:v7+s2+$0x0], $0xffff;
	[tilespmem:s31+$0xFFFFFFC0] =	vst v35  }
0x52: {  	s5 =	simm.s32 $0xF;
	v14 =	vor.u32 v1, v26;
	v26 =	vbroadcast v16, $0x0;
	v7 =	vor.u32 v1, v24;
	v41 =	vld.idx.msk [tilespmem:v23+s2+$0x0], $0xffff  }
0x53: {  	s11 =	simm.s32 $0x7;
	s24 =	simm.s32 $0x2500;
	[tilespmem:s30+$0x90] =	vst v42;
	v24 =	vmov s5;
	v25 =	vand.u32 $0x7D, v25;
	v16 =	vor.u32 v0, v15;
	v22 =	vld.idx.msk [tilespmem:v29+s2+$0x0], $0xffff  }
0x54: {  	[tilespmem:s24+$0xFFFFFF00] =	vst v31;
	v24 =	vand.u32 $0x7F, v24;
	v11 =	vor.u32 v0, v26;
	v29 =	vld.idx.msk [tilespmem:v19+s2+$0x0], $0xffff;
	v19 =	vmov s11  }
0x55: {  	v33 =	vld.idx.msk [tilespmem:v18+s2+$0x0], $0xffff;
	v32 =	vbroadcast v24, $0x0;
	v24 =	vor.u32 v1, v26;
	v23 =	vand.u32 $0x77, v19;
	[tilespmem:s31+$0xC0] =	vst v30  }
0x56: {  	s23 =	simm.s32 $0x1B;
	v19 =	vbroadcast v25, $0x0;
	v25 =	vand.u32 $0x72, v27;
	[tilespmem:s30+$0xFFFFFF30] =	vst v20;
	v43 =	vbroadcast v23, $0x0;
	v35 =	vld.idx.msk [tilespmem:v28+s2+$0x0], $0xffff  }
0x57: {  	v31 =	vld.idx.msk [tilespmem:v38+s2+$0x0], $0xffff;
	v20 =	vbroadcast v25, $0x0;
	v23 =	vbroadcast v8, $0x0;
	v8 =	vmov s23;
	[tilespmem:s31+$0x50] =	vst v63  }
0x58: {  	s29 =	sshll.u32 s28, $0xD;
	v36 =	vor.u32 v0, v32;
	[tilespmem:s31+$0xFFFFFF50] =	vst v61;
	v25 =	vor.u32 v0, v19;
	v8 =	vand.u32 $0x7B, v8;
	v34 =	vld.idx.msk [tilespmem:v34+s2+$0x0], $0xffff  }
0x59: {  	s0 =	simm.s32 $0x2500;
	s12 =	simm.s32 $0x3F;
	s1 =	simm.s32 $0x2F;
	v27 =	vor.u32 v0, v20;
	v26 =	vor.u32 v0, v23;
	v38 =	vld.idx.msk [tilespmem:v40+s2+$0x0], $0xffff;
	[tilespmem:s31+$0xFFFFFFD0] =	vst v41;
	v8 =	vbroadcast v8, $0x0  }
0x5a: {  	s10 =	simm.s32 $0x1F;
	s5 =	simm.s32 $0x2A;
	s11 =	simm.s32 $0x8;
	v30 =	vor.u32 v0, v43;
	[tilespmem:s30+$0xFFFFFFA0] =	vst v29;
	v29 =	vor.u32 v1, v39;
	v28 =	vor.u32 v1, v43  }
.LBB2_3:
0x5b: {  	s13 =	sadd.s32 $0xFFFFFFF1, s12;
	s4 =	sadd.s32 $0xFFFFFFF9, s12;
	s11 =	sadd.s32 $0x4, s11;
	v39 =	vmov s5;
	v19 =	vor.u32 v1, v19;
	v40 =	vld.idx.msk [tilespmem:v3+s2+$0x0], $0xffff;
	[tilespmem:s31+$0xD0] =	vst v35;
	v32 =	vor.u32 v1, v32;
	v3 =	vmovc v25  }
0x5c: {  	s5 =	sadd.s32 $0xFFFFFFF5, s12;
	v25 =	vmov s13;
	v35 =	vmov s4;
	p4 =	slt.u32 s11, $0x1C;
	[tilespmem:s24+$0x80] =	vst v22;
	v22 =	vld.idx.msk [tilespmem:v5+s2+$0x0], $0xffff;
	v18 =	vor.u32 v0, v8;
	v5 =	vmovc v24  }
0x5d: {  	v24 =	vand.u32 $0x70, v25;
	v25 =	vmov s5;
	[tilespmem:s24+$0xFFFFFF10] =	vst v31;
	v31 =	vand.u32 $0x7A, v39;
	v36 =	vld.idx.msk [tilespmem:v36+s2+$0x0], $0xffff  }
0x5e: {  	s4 =	sadd.s32 $0xFFFFFFFD, s12;
	v35 =	vand.u32 $0x78, v35;
	v24 =	vbroadcast v24, $0x0;
	v25 =	vand.u32 $0x74, v25;
	v16 =	vld.idx.msk [tilespmem:v16+s2+$0x0], $0xffff;
	[tilespmem:s31+$0x60] =	vst v34  }
0x5f: {  	v34 =	vmov s4;
	v31 =	vbroadcast v31, $0x0;
	v25 =	vbroadcast v25, $0x0;
	[tilespmem:s31+$0xFFFFFF60] =	vst v38;
	v38 =	vld.idx.msk [tilespmem:v21+s2+$0x0], $0xffff  }
0x60: {  	v35 =	vbroadcast v35, $0x0;
	v34 =	vand.u32 $0x7C, v34;
	v39 =	vor.u32 v0, v24;
	[tilespmem:s30+$0x20] =	vst v33;
	v30 =	vld.idx.msk [tilespmem:v30+s2+$0x0], $0xffff  }
0x61: {  	v23 =	vor.u32 v1, v23;
	v33 =	vbroadcast v34, $0x0;
	v21 =	vor.u32 v0, v25;
	[tilespmem:s24+$0xFFFFFF80] =	vst v37;
	v34 =	vld.idx.msk [tilespmem:v4+s2+$0x0], $0xffff  }
0x62: {  	v20 =	vor.u32 v1, v20;
	s4 =	sadd.s32 $0xFFFFFFFF, s10;
	v37 =	vor.u32 v0, v35;
	v4 =	vmov v17;
	v27 =	vld.idx.msk [tilespmem:v27+s2+$0x0], $0xffff;
	[tilespmem:s30+$0xFFFFFFB0] =	vst v22  }
0x63: {  	v17 =	vor.u32 v0, v33;
	v22 =	vmov s4;
	v29 =	vld.idx.msk [tilespmem:v29+s2+$0x0], $0xffff;
	[tilespmem:s31+$0xE0] =	vst v36  }
0x64: {  	[tilespmem:s24+$0xFFFFFF20] =	vst v16;
	v16 =	vand.u32 $0x7E, v22;
	v22 =	vld.idx.msk [tilespmem:v32+s2+$0x0], $0xffff  }
0x65: {  	v26 =	vld.idx.msk [tilespmem:v26+s2+$0x0], $0xffff;
	[tilespmem:s30+$0xA0] =	vst v40;
	v16 =	vbroadcast v16, $0x0  }
0x66: {  	v32 =	vor.u32 v0, v31;
	v36 =	vld.idx.msk [tilespmem:v2+s2+$0x0], $0xffff;
	[tilespmem:s31+$0xFFFFFFE0] =	vst v30;
	v2 =	vmov v19  }
0x67: {  	v24 =	vor.u32 v1, v24;
	[tilespmem:s30+$0x30] =	vst v34;
	v19 =	vor.u32 v0, v16;
	v28 =	vld.idx.msk [tilespmem:v28+s2+$0x0], $0xffff  }
0x68: {  	v25 =	vor.u32 v1, v25;
	s4 =	sadd.s32 $0xFFFFFFF4, s10;
	v30 =	vor.u32 v1, v15;
	[tilespmem:s30+$0xFFFFFF40] =	vst v27;
	v27 =	vld.idx.msk [tilespmem:v6+s2+$0x0], $0xffff;
	v6 =	vmov v32  }
0x69: {  	s5 =	sadd.s32 $0xFFFFFFF2, s12;
	v15 =	vmov s4;
	v34 =	vor.u32 v1, v16;
	v32 =	vld.idx.msk [tilespmem:v39+s2+$0x0], $0xffff;
	[tilespmem:s31+$0x70] =	vst v38  }
0x6a: {  	v33 =	vor.u32 v1, v33;
	s24 =	sadd.s32 $0x200, s24;
	s4 =	sadd.s32 $0xFFFFFFF6, s12;
	v16 =	vmov s5;
	v15 =	vand.u32 $0x73, v15;
	v38 =	vld.idx.msk [tilespmem:v9+s2+$0x0], $0xffff;
	[tilespmem:s31+$0xFFFFFF70] =	vst v29;
	v9 =	vmovc v25  }
0x6b: {  	v16 =	vand.u32 $0x71, v16;
	v25 =	vmov s4;
	v29 =	vld.idx.msk [tilespmem:v37+s2+$0x0], $0xffff;
	v37 =	vbroadcast v15, $0x0;
	[tilespmem:s31+$0xF0] =	vst v22  }
0x6c: {  	s4 =	sadd.s32 $0xFFFFFFFA, s12;
	v15 =	vbroadcast v16, $0x0;
	v16 =	vand.u32 $0x75, v25;
	v25 =	vor.u32 v1, v35;
	v20 =	vld.idx.msk [tilespmem:v20+s2+$0x0], $0xffff;
	[tilespmem:s30+$0xB0] =	vst v36  }
0x6d: {  	v22 =	vmov s4;
	v39 =	vbroadcast v16, $0x0;
	v40 =	vor.u32 v0, v37;
	v35 =	vld.idx.msk [tilespmem:v19+s2+$0x0], $0xffff;
	[tilespmem:s31+$0xFFFFFFF0] =	vst v28;
	s31 =	smov.u32 s30;
	s30 =	smov.u32 s0;
	s0 =	smov.u32 s24  }
0x6e: {  	v16 =	vor.u32 v0, v15;
	v19 =	vand.u32 $0x79, v22;
	v22 =	vor.u32 v1, v31;
	v28 =	vld.idx.msk [tilespmem:v30+s2+$0x0], $0xffff;
	[tilespmem:s31+$0x40] =	vst v27  }
0x6f: {  	v27 =	vor.u32 v0, v39;
	v41 =	vbroadcast v19, $0x0;
	[tilespmem:s24+$0xFFFFFF00] =	vst v32;
	v36 =	vld.idx.msk [tilespmem:v7+s2+$0x0], $0xffff;
	v7 =	vmov v22  }
0x70: {  	v22 =	vld.idx.msk [tilespmem:v17+s2+$0x0], $0xffff;
	[tilespmem:s30+$0x0] =	vst v12  }
0x71: {  	s5 =	sadd.s32 $0xFFFFFFF8, s10;
	s4 =	sadd.s32 $0xFFFFFFFE, s12;
	v19 =	vmov s10;
	s10 =	smov.u32 s1;
	v42 =	vor.u32 v0, v41;
	v12 =	vmovc v29;
	[tilespmem:s30+$0xFFFFFF90] =	vst v38;
	v17 =	vld.idx.msk [tilespmem:v14+s2+$0x0], $0xffff;
	v14 =	vmov v25  }
0x72: {  	s1 =	smov.u32 s12;
	v30 =	vand.u32 $0x7F, v19;
	v25 =	vmov s4;
	s4 =	sadd.s32 $0xFFFFFFF3, s10;
	v29 =	vld.idx.msk [tilespmem:v11+s2+$0x0], $0xffff;
	[tilespmem:s31+$0xFFFFFFC0] =	vst v26;
	v26 =	vmov s5;
	v11 =	vmovc v27  }
0x73: {  	v19 =	vand.u32 $0x7D, v25;
	v25 =	vmov s4;
	[tilespmem:s31+$0xFFFFFF50] =	vst v20;
	v43 =	vld.idx.msk [tilespmem:v23+s2+$0x0], $0xffff;
	v20 =	vand.u32 $0x77, v26  }
0x74: {  	s4 =	sadd.s32 $0xFFFFFFF7, s10;
	v19 =	vbroadcast v19, $0x0;
	v23 =	vand.u32 $0x72, v25;
	v44 =	vld.idx.msk [tilespmem:v10+s2+$0x0], $0xffff;
	v45 =	vbroadcast v20, $0x0;
	[tilespmem:s31+$0xC0] =	vst v35;
	v10 =	vmovc v33  }
0x75: {  	v32 =	vbroadcast v30, $0x0;
	v20 =	vbroadcast v23, $0x0;
	v23 =	vmov s4;
	[tilespmem:s30+$0xFFFFFF30] =	vst v28;
	v35 =	vld.idx.msk [tilespmem:v34+s2+$0x0], $0xffff  }
.Ltmp2:
0x76: {  	v25 =	vor.u32 v0, v19;
	v23 =	vand.u32 $0x76, v23;
	v31 =	vld.idx.msk [tilespmem:v24+s2+$0x0], $0xffff;
	v30 =	vor.u32 v0, v45;
	[tilespmem:s31+$0x50] =	vst v36;
	(pc) =	sbr.rel @p4 .LBB2_3-.Ltmp2, $4  }
0x77: {  	s4 =	sadd.s32 $0xFFFFFFFC, s10;
	v27 =	vor.u32 v0, v20;
	v23 =	vbroadcast v23, $0x0;
	v36 =	vor.u32 v0, v32;
	[tilespmem:s30+$0x10] =	vst v17;
	v34 =	vld.idx.msk [tilespmem:v18+s2+$0x0], $0xffff  }
0x78: {  	v17 =	vor.u32 v1, v41;
	v18 =	vmov s4;
	[tilespmem:s30+$0xFFFFFFA0] =	vst v29;
	v33 =	vld.idx.msk [tilespmem:v13+s2+$0x0], $0xffff;
	v29 =	vor.u32 v1, v37;
	v13 =	vmovc v42  }
0x79: {  	v24 =	vor.u32 v1, v39;
	v26 =	vor.u32 v0, v23;
	v18 =	vand.u32 $0x7B, v18;
	v38 =	vld.idx.msk [tilespmem:v40+s2+$0x0], $0xffff;
	[tilespmem:s31+$0xFFFFFFD0] =	vst v43  }
0x7a: {  	s12 =	sadd.s32 $0x10, s12;
	s5 =	sadd.s32 $0xFFFFFFFB, s1;
	v28 =	vor.u32 v1, v45;
	v37 =	vld.idx.msk [tilespmem:v21+s2+$0x0], $0xffff;
	[tilespmem:s30+$0x90] =	vst v44;
	v21 =	vor.u32 v1, v8;
	v8 =	vbroadcast v18, $0x0  }
0x7b: {  	_ = 	snop  }
0x7c: {  	[tilespmem:s31+$0xD0] =	vst v35  }
0x7d: {  	[tilespmem:s24+$0x80] =	vst v22  }
0x7e: {  	[tilespmem:s24+$0xFFFFFF10] =	vst v31  }
0x7f: {  	v5 =	vld.idx.msk [tilespmem:v5+s2+$0x0], $0xffff;
	[tilespmem:s0+$0x0] =	vst v12  }
0x80: {  	v3 =	vld.idx.msk [tilespmem:v3+s2+$0x0], $0xffff;
	[tilespmem:s31+$0x60] =	vst v34  }
0x81: {  	v45 =	vld.idx.msk [tilespmem:v30+s2+$0x0], $0xffff;
	[tilespmem:s30+$0x20] =	vst v33  }
0x82: {  	v47 =	vld.idx.msk [tilespmem:v27+s2+$0x0], $0xffff;
	[tilespmem:s31+$0xFFFFFF60] =	vst v38  }
0x83: {  	v18 =	vld.idx.msk [tilespmem:v36+s2+$0x0], $0xffff;
	[tilespmem:s24+$0xFFFFFF80] =	vst v37  }
0x84: {  	v16 =	vld.idx.msk [tilespmem:v16+s2+$0x0], $0xffff;
	[tilespmem:s30+$0xFFFFFFB0] =	vst v5  }
0x85: {  	v48 =	vld.idx.msk [tilespmem:v21+s2+$0x0], $0xffff;
	[tilespmem:s30+$0xA0] =	vst v3  }
0x86: {  	v4 =	vld.idx.msk [tilespmem:v4+s2+$0x0], $0xffff;
	[tilespmem:s31+$0xFFFFFFE0] =	vst v45  }
0x87: {  	v53 =	vor.u32 v1, v20;
	v3 =	vld.idx.msk [tilespmem:v29+s2+$0x0], $0xffff;
	[tilespmem:s30+$0xFFFFFF40] =	vst v47  }
0x88: {  	v9 =	vld.idx.msk [tilespmem:v9+s2+$0x0], $0xffff;
	[tilespmem:s31+$0xE0] =	vst v18  }
0x89: {  	v46 =	vor.u32 v1, v32;
	[tilespmem:s24+$0xFFFFFF20] =	vst v16;
	v2 =	vld.idx.msk [tilespmem:v2+s2+$0x0], $0xffff  }
0x8a: {  	s4 =	sadd.s32 $0xFFFFFFFF, s10;
	v52 =	vld.idx.msk [tilespmem:v28+s2+$0x0], $0xffff;
	[tilespmem:s31+$0x70] =	vst v48  }
0x8b: {  	v49 =	vmov s4;
	v56 =	vld.idx.msk [tilespmem:v26+s2+$0x0], $0xffff;
	[tilespmem:s30+$0x30] =	vst v4  }
0x8c: {  	v55 =	vor.u32 v1, v15;
	s13 =	sadd.s32 $0xFFFFFFF4, s10;
	v51 =	vand.u32 $0x7E, v49;
	v57 =	vld.idx.msk [tilespmem:v53+s2+$0x0], $0xffff;
	[tilespmem:s31+$0xFFFFFF70] =	vst v3  }
0x8d: {  	v60 =	vmov s13;
	v4 =	vbroadcast v51, $0x0;
	v3 =	vld.idx.msk [tilespmem:v14+s2+$0x0], $0xffff;
	[tilespmem:s0+$0xFFFFFF90] =	vst v9  }
0x8e: {  	v62 =	vand.u32 $0x73, v60;
	v50 =	vld.idx.msk [tilespmem:v46+s2+$0x0], $0xffff;
	[tilespmem:s30+$0xB0] =	vst v2  }
0x8f: {  	v63 =	vbroadcast v62, $0x0;
	v54 =	vor.u32 v0, v4;
	v2 =	vld.idx.msk [tilespmem:v10+s2+$0x0], $0xffff;
	[tilespmem:s31+$0xFFFFFFF0] =	vst v52  }
0x90: {  	v6 =	vld.idx.msk [tilespmem:v6+s2+$0x0], $0xffff;
	[tilespmem:s30+$0xFFFFFFC0] =	vst v56  }
0x91: {  	s23 =	sadd.s32 $0xFFFFFFF3, s1;
	v30 =	vor.u32 v0, v63;
	v14 =	vld.idx.msk [tilespmem:v55+s2+$0x0], $0xffff;
	[tilespmem:s30+$0xFFFFFF50] =	vst v57  }
0x92: {  	v31 =	vmov s23;
	v11 =	vld.idx.msk [tilespmem:v11+s2+$0x0], $0xffff;
	[tilespmem:s0+$0x10] =	vst v3  }
0x93: {  	v18 =	vand.u32 $0x72, v31;
	[tilespmem:s31+$0xF0] =	vst v50;
	v3 =	vmov s5;
	v61 =	vld.idx.msk [tilespmem:v13+s2+$0x0], $0xffff  }
0x94: {  	v34 =	vbroadcast v18, $0x0;
	s31 =	sadd.s32 $0xFFFFFFF7, s1;
	v58 =	vld.idx.msk [tilespmem:v54+s2+$0x0], $0xffff;
	v3 =	vand.u32 $0x7A, v3;
	[tilespmem:s0+$0x90] =	vst v2  }
0x95: {  	v35 =	vmov s31;
	[tilespmem:s30+$0x40] =	vst v6;
	v2 =	vbroadcast v3, $0x0;
	v3 =	vor.u32 v1, v4;
	v26 =	vld.idx.msk [tilespmem:v25+s2+$0x0], $0xffff  }
0x96: {  	v27 =	vor.u32 v1, v19;
	v16 =	vld.idx.msk [tilespmem:v30+s2+$0x0], $0xffff;
	v18 =	vand.u32 $0x76, v35;
	[tilespmem:s0+$0xFFFFFF30] =	vst v14  }
0x97: {  	s24 =	sadd.s32 $0xFFFFFFFF, s1;
	v37 =	vor.u32 v0, v34;
	v7 =	vld.idx.msk [tilespmem:v7+s2+$0x0], $0xffff;
	v18 =	vbroadcast v18, $0x0;
	[tilespmem:s0+$0xFFFFFFA0] =	vst v11  }
0x98: {  	v59 =	vor.u32 v1, v23;
	v33 =	vmov s24;
	v40 =	vld.idx.msk [tilespmem:v24+s2+$0x0], $0xffff;
	[tilespmem:s0+$0x20] =	vst v61  }
0x99: {  	v9 =	vand.u32 $0x7E, v33;
	v42 =	vor.u32 v0, v18;
	[tilespmem:s30+$0xC0] =	vst v58;
	v17 =	vld.idx.msk [tilespmem:v17+s2+$0x0], $0xffff  }
0x9a: {  	v9 =	vbroadcast v9, $0x0;
	v29 =	vor.u32 v0, v2;
	v3 =	vld.idx.msk [tilespmem:v3+s2+$0x0], $0xffff;
	[tilespmem:s0+$0xA0] =	vst v26  }
0x9b: {  	s11 =	sadd.s32 $0xFFFFFFF8, s10;
	v28 =	vor.u32 v0, v8;
	[tilespmem:s30+$0xFFFFFF60] =	vst v16;
	v38 =	vld.idx.msk [tilespmem:v27+s2+$0x0], $0xffff  }
0x9c: {  	v36 =	vmov s11;
	v41 =	vor.u32 v0, v9;
	v45 =	vld.idx.msk [tilespmem:v37+s2+$0x0], $0xffff;
	[tilespmem:s30+$0x50] =	vst v7  }
0x9d: {  	v39 =	vand.u32 $0x77, v36;
	v47 =	vor.u32 v1, v34;
	v12 =	vld.idx.msk [tilespmem:v59+s2+$0x0], $0xffff;
	[tilespmem:s0+$0xFFFFFFB0] =	vst v40  }
0x9e: {  	v32 =	vmov s10;
	v13 =	vbroadcast v39, $0x0;
	v4 =	vor.u32 v1, v63;
	v49 =	vld.idx.msk [tilespmem:v42+s2+$0x0], $0xffff;
	[tilespmem:s0+$0x30] =	vst v17  }
0x9f: {  	s13 =	sadd.s32 $0xFFFFFFF4, s1;
	v6 =	vand.u32 $0x7F, v32;
	v50 =	vor.u32 v1, v18;
	[tilespmem:s30+$0xD0] =	vst v3;
	v3 =	vld.idx.msk [tilespmem:v29+s2+$0x0], $0xffff  }
0xa0: {  	s23 =	sadd.s32 $0xFFFFFFF8, s1;
	v51 =	vmov s13;
	v6 =	vbroadcast v6, $0x0;
	v44 =	vor.u32 v0, v13;
	v15 =	vld.idx.msk [tilespmem:v28+s2+$0x0], $0xffff;
	[tilespmem:s0+$0xB0] =	vst v38  }
0xa1: {  	v54 =	vmov s23;
	v16 =	vand.u32 $0x73, v51;
	v2 =	vor.u32 v1, v2;
	[tilespmem:s0+$0xFFFFFF40] =	vst v45;
	v48 =	vld.idx.msk [tilespmem:v41+s2+$0x0], $0xffff  }
0xa2: {  	s12 =	sadd.s32 $0xFFFFFFFC, s1;
	v9 =	vor.u32 v1, v9;
	[tilespmem:s30+$0xFFFFFFD0] =	vst v12;
	v53 =	vbroadcast v16, $0x0;
	v16 =	vand.u32 $0x77, v54;
	v11 =	vld.idx.msk [tilespmem:v47+s2+$0x0], $0xffff  }
0xa3: {  	v46 =	vmov s12;
	v43 =	vor.u32 v0, v6;
	v57 =	vbroadcast v16, $0x0;
	v4 =	vld.idx.msk [tilespmem:v4+s2+$0x0], $0xffff;
	[tilespmem:s0+$0xFFFFFFC0] =	vst v49  }
0xa4: {  	v10 =	vand.u32 $0x7B, v46;
	v56 =	vor.u32 v0, v53;
	v58 =	vld.idx.msk [tilespmem:v50+s2+$0x0], $0xffff;
	[tilespmem:s0+$0x40] =	vst v3;
	v3 =	vmov s1  }
0xa5: {  	v10 =	vbroadcast v10, $0x0;
	v16 =	vor.u32 v0, v57;
	[tilespmem:s30+$0x60] =	vst v15;
	v17 =	vld.idx.msk [tilespmem:v44+s2+$0x0], $0xffff;
	v3 =	vand.u32 $0x7F, v3  }
0xa6: {  	v52 =	vor.u32 v1, v8;
	v2 =	vld.idx.msk [tilespmem:v2+s2+$0x0], $0xffff;
	[tilespmem:s0+$0xC0] =	vst v48;
	v3 =	vbroadcast v3, $0x0  }
0xa7: {  	v55 =	vor.u32 v0, v10;
	[tilespmem:s0+$0xFFFFFF50] =	vst v11;
	v9 =	vld.idx.msk [tilespmem:v9+s2+$0x0], $0xffff  }
0xa8: {  	[tilespmem:s30+$0xFFFFFF70] =	vst v4;
	v12 =	vld.idx.msk [tilespmem:v43+s2+$0x0], $0xffff;
	v59 =	vor.u32 v0, v3  }
0xa9: {  	v6 =	vor.u32 v1, v6;
	v7 =	vld.idx.msk [tilespmem:v56+s2+$0x0], $0xffff;
	[tilespmem:s0+$0xFFFFFFD0] =	vst v58  }
0xaa: {  	v5 =	vor.u32 v1, v53;
	[tilespmem:s30+$0xFFFFFFE0] =	vst v17;
	v61 =	vld.idx.msk [tilespmem:v16+s2+$0x0], $0xffff  }
0xab: {  	v62 =	vor.u32 v1, v57;
	v8 =	vld.idx.msk [tilespmem:v52+s2+$0x0], $0xffff;
	[tilespmem:s0+$0x50] =	vst v2  }
0xac: {  	v2 =	vor.u32 v1, v13;
	v60 =	vld.idx.msk [tilespmem:v55+s2+$0x0], $0xffff;
	[tilespmem:s0+$0xD0] =	vst v9  }
0xad: {  	v10 =	vor.u32 v1, v10;
	[tilespmem:s30+$0xE0] =	vst v12;
	v9 =	vld.idx.msk [tilespmem:v59+s2+$0x0], $0xffff  }
0xae: {  	[tilespmem:s0+$0xFFFFFF60] =	vst v7;
	v6 =	vld.idx.msk [tilespmem:v6+s2+$0x0], $0xffff;
	v3 =	vor.u32 v1, v3  }
0xaf: {  	v5 =	vld.idx.msk [tilespmem:v5+s2+$0x0], $0xffff;
	[tilespmem:s0+$0xFFFFFFE0] =	vst v61  }
0xb0: {  	[tilespmem:s30+$0x70] =	vst v8;
	v4 =	vld.idx.msk [tilespmem:v62+s2+$0x0], $0xffff  }
0xb1: {  	v2 =	vld.idx.msk [tilespmem:v2+s2+$0x0], $0xffff;
	[tilespmem:s0+$0x60] =	vst v60  }
0xb2: {  	v63 =	vld.idx.msk [tilespmem:v10+s2+$0x0], $0xffff;
	[tilespmem:s0+$0xE0] =	vst v9  }
0xb3: {  	p4 =	sne.s32 @!p0 s28, $0x79;
	[tilespmem:s30+$0xF0] =	vst v6;
	v3 =	vld.idx.msk [tilespmem:v3+s2+$0x0], $0xffff  }
0xb4: {  	p4 =	por p0, p4;
	[tilespmem:s0+$0xFFFFFF70] =	vst v5  }
.Ltmp3:
0xb5: {  	[tilespmem:s0+$0xFFFFFFF0] =	vst v4;
	(pc) =	sbr.rel @p4 .LBB2_6-.Ltmp3, $4  }
0xb6: {  	s24 =	sshll.u32 s28, $0xF;
	[tilespmem:s30+$0xFFFFFFF0] =	vst v2  }
0xb7: {  	s30 =	sor.u32 s6, s24;
	[tilespmem:s0+$0x70] =	vst v63  }
0xb8: {  	s31 =	sadd.s32 s3, s30;
	[tilespmem:s0+$0xF0] =	vst v3  }
0xb9: {  	[hbm4b:s31+s2] =	stream.linear.scatter [tilespmem:s18], [sflag:$0x3], $0x1000, $0x38;
	[tilespmem:$0x5800] =	vst v63  }
.Ltmp4:
0xba: {  	(pc) =	sbr.rel .LBB2_7-.Ltmp4, $4  }
0xbb: {  	_ = 	snop  }
0xbc: {  	_ =	swait.ge [sflag:s19], $0x1000  }
0xbd: {  	[sflag:s19] =	ssyncset.done $0x0  }
0xbe: {  	[sflag:s19] =	ssyncadd.s32 $0xFFFFF000  }
.LBB2_6:
.Ltmp5:
0xbf: {  	s0 =	sadd.s32 s29, s7;
	(pc) =	sbr.rel @p3 .LBB2_8-.Ltmp5, $4  }
0xc0: {  	[tilespmem:s2], [sflag:$0x1] =	stream.strided.gather [hbm4b:s0+s14], $0x1000, s15, s14, $0x38;
	[tilespmem:$0x5800] =	vst v63  }
0xc1: {  	_ =	swait.ge [sflag:s19], $0x1000  }
0xc2: {  	[sflag:s19] =	ssyncset.done $0x0  }
0xc3: {  	[sflag:s19] =	ssyncadd.s32 $0xFFFFF000  }
.LBB2_7:
0xc4: {  	_ =	swait.ge [sflag:s25], $0x1000  }
0xc5: {  	[sflag:s25] =	ssyncset.done $0x0  }
0xc6: {  	[sflag:s25] =	ssyncadd.s32 $0xFFFFF000  }
.LBB2_8:
0xc7: {  	s0 =	simm.s32 $0x0;
	s23 =	simm.s32 $0x8  }
0xc8: {  	s1 =	simm.s32 $0x4;
	s24 =	simm.s32 $0xC;
	s4 =	simm.s32 $0x5;
	v2 =	vmov s0;
	v3 =	vmov s23  }
0xc9: {  	s5 =	simm.s32 $0x9;
	s10 =	simm.s32 $0xD;
	s12 =	simm.s32 $0x10;
	v4 =	vmov s1;
	v5 =	vmov s24;
	v11 =	vmov s4  }
0xca: {  	s13 =	simm.s32 $0x14;
	v12 =	vmov s5;
	v13 =	vmov s10;
	v17 =	vmov s12  }
0xcb: {  	v19 =	vmov s13;
	v2 =	vand.u32 $0x70, v2;
	v4 =	vand.u32 $0x74, v4  }
0xcc: {  	s1 =	simm.s32 $0x1;
	v3 =	vand.u32 $0x78, v3;
	v5 =	vand.u32 $0x7C, v5;
	v2 =	vbroadcast v2, $0x0  }
0xcd: {  	v9 =	vmov s1;
	v11 =	vand.u32 $0x75, v11;
	v4 =	vbroadcast v4, $0x0  }
0xce: {  	v12 =	vand.u32 $0x79, v12;
	v3 =	vbroadcast v3, $0x0;
	v6 =	vor.u32 v0, v2  }
0xcf: {  	s4 =	simm.s32 $0x18;
	v13 =	vand.u32 $0x7D, v13;
	v5 =	vbroadcast v5, $0x0;
	v7 =	vor.u32 v0, v4  }
0xd0: {  	v18 =	vmov s4;
	v17 =	vand.u32 $0x70, v17;
	v8 =	vor.u32 v0, v3  }
0xd1: {  	v19 =	vand.u32 $0x74, v19;
	v11 =	vbroadcast v11, $0x0;
	v10 =	vor.u32 v0, v5  }
0xd2: {  	s23 =	simm.s32 $0x1C;
	v9 =	vand.u32 $0x71, v9;
	v12 =	vbroadcast v12, $0x0;
	v13 =	vbroadcast v13, $0x0  }
0xd3: {  	v21 =	vmov s23;
	v17 =	vbroadcast v17, $0x0;
	v9 =	vbroadcast v9, $0x0;
	v6 =	vld.idx.msk [tilespmem:v6+s16+$0x0], $0xffff  }
0xd4: {  	v2 =	vor.u32 v1, v2;
	v4 =	vor.u32 v1, v4;
	v5 =	vor.u32 v1, v5;
	v7 =	vld.idx.msk [tilespmem:v7+s16+$0x0], $0xffff  }
0xd5: {  	v3 =	vor.u32 v1, v3;
	v15 =	vor.u32 v0, v11;
	v16 =	vor.u32 v0, v12;
	v8 =	vld.idx.msk [tilespmem:v8+s16+$0x0], $0xffff  }
0xd6: {  	s11 =	simm.s32 $0xA;
	v20 =	vor.u32 v0, v13;
	v12 =	vor.u32 v1, v12;
	v22 =	vor.u32 v1, v11;
	v10 =	vld.idx.msk [tilespmem:v10+s16+$0x0], $0xffff  }
0xd7: {  	s0 =	simm.s32 $0x31F0;
	v11 =	vmov s11;
	v13 =	vor.u32 v1, v13;
	v27 =	vor.u32 v1, v17  }
0xd8: {  	v11 =	vand.u32 $0x7A, v11;
	[tilespmem:s0+$0xFFFFFE10] =	vst v6;
	v6 =	vand.u32 $0x78, v18;
	v18 =	vbroadcast v19, $0x0  }
0xd9: {  	s24 =	simm.s32 $0x11;
	s4 =	simm.s32 $0x15;
	v19 =	vand.u32 $0x7C, v21;
	v21 =	vbroadcast v11, $0x0;
	v11 =	vor.u32 v0, v17;
	[tilespmem:s0+$0xFFFFFE90] =	vst v7;
	v2 =	vld.idx.msk [tilespmem:v2+s16+$0x0], $0xffff  }
0xda: {  	v14 =	vor.u32 v0, v9;
	v7 =	vmov s24;
	v17 =	vmov s4;
	[tilespmem:s0+$0xFFFFFF10] =	vst v8;
	v4 =	vld.idx.msk [tilespmem:v4+s16+$0x0], $0xffff  }
0xdb: {  	s12 =	simm.s32 $0x6;
	[tilespmem:s0+$0xFFFFFF90] =	vst v10;
	v6 =	vbroadcast v6, $0x0;
	v19 =	vbroadcast v19, $0x0;
	v7 =	vand.u32 $0x71, v7;
	v3 =	vld.idx.msk [tilespmem:v3+s16+$0x0], $0xffff  }
0xdc: {  	s5 =	simm.s32 $0x19;
	v31 =	vld.idx.msk [tilespmem:v5+s16+$0x0], $0xffff;
	v5 =	vmov s12;
	v23 =	vor.u32 v0, v18;
	v26 =	vor.u32 v0, v21  }
0xdd: {  	s12 =	simm.s32 $0x2C;
	v28 =	vor.u32 v1, v18;
	v8 =	vbroadcast v7, $0x0;
	v18 =	vmov s5  }
0xde: {  	v60 =	vmov s12;
	v24 =	vor.u32 v0, v6;
	v18 =	vand.u32 $0x79, v18;
	v29 =	vld.idx.msk [tilespmem:v11+s16+$0x0], $0xffff;
	[tilespmem:s0+$0xFFFFFE20] =	vst v2  }
0xdf: {  	s11 =	simm.s32 $0x2;
	v25 =	vor.u32 v0, v19;
	v7 =	vor.u32 v1, v19;
	v10 =	vbroadcast v18, $0x0;
	[tilespmem:s0+$0xFFFFFEA0] =	vst v4;
	v14 =	vld.idx.msk [tilespmem:v14+s16+$0x0], $0xffff  }
0xe0: {  	s10 =	simm.s32 $0x1D;
	v18 =	vmov s11;
	v2 =	vor.u32 v1, v9;
	v9 =	vand.u32 $0x75, v17;
	[tilespmem:s0+$0xFFFFFF20] =	vst v3;
	v15 =	vld.idx.msk [tilespmem:v15+s16+$0x0], $0xffff  }
0xe1: {  	v17 =	vor.u32 v1, v6;
	v6 =	vor.u32 v0, v8;
	v4 =	vmov s10;
	[tilespmem:s0+$0xFFFFFFA0] =	vst v31;
	v16 =	vld.idx.msk [tilespmem:v16+s16+$0x0], $0xffff  }
0xe2: {  	s10 =	simm.s32 $0x24;
	v8 =	vor.u32 v1, v8;
	v9 =	vbroadcast v9, $0x0;
	v4 =	vand.u32 $0x7D, v4;
	v20 =	vld.idx.msk [tilespmem:v20+s16+$0x0], $0xffff  }
0xe3: {  	s31 =	simm.s32 $0x33F0;
	v31 =	vmov s10;
	v11 =	vld.idx.msk [tilespmem:v24+s16+$0x0], $0xffff;
	v24 =	vor.u32 v1, v21;
	v30 =	vbroadcast v4, $0x0  }
0xe4: {  	v23 =	vld.idx.msk [tilespmem:v23+s16+$0x0], $0xffff;
	v4 =	vand.u32 $0x72, v18;
	v18 =	vor.u32 v0, v10;
	v19 =	vor.u32 v0, v9;
	[tilespmem:s31+$0xFFFFFE10] =	vst v29  }
0xe5: {  	s23 =	simm.s32 $0x1A;
	v3 =	vor.u32 v0, v30;
	v27 =	vld.idx.msk [tilespmem:v27+s16+$0x0], $0xffff;
	[tilespmem:s0+$0xFFFFFE30] =	vst v14;
	v14 =	vbroadcast v4, $0x0;
	v4 =	vand.u32 $0x76, v5  }
0xe6: {  	s13 =	simm.s32 $0xB;
	s24 =	simm.s32 $0x20;
	[tilespmem:s0+$0xFFFFFEB0] =	vst v15;
	v5 =	vor.u32 v1, v9;
	v15 =	vmov s23;
	v32 =	vld.idx.msk [tilespmem:v2+s16+$0x0], $0xffff;
	v29 =	vbroadcast v4, $0x0  }
0xe7: {  	[tilespmem:s0+$0xFFFFFF30] =	vst v16;
	v2 =	vmov s13;
	v4 =	vor.u32 v1, v10;
	v10 =	vld.idx.msk [tilespmem:v25+s16+$0x0], $0xffff;
	v25 =	vmov s24  }
0xe8: {  	[tilespmem:s0+$0xFFFFFFB0] =	vst v20;
	v12 =	vld.idx.msk [tilespmem:v12+s16+$0x0], $0xffff;
	v15 =	vand.u32 $0x7A, v15;
	v33 =	vor.u32 v0, v14;
	v2 =	vand.u32 $0x7B, v2  }
0xe9: {  	[tilespmem:s31+$0xFFFFFE90] =	vst v23;
	v22 =	vld.idx.msk [tilespmem:v22+s16+$0x0], $0xffff;
	v25 =	vand.u32 $0x70, v25;
	v35 =	vbroadcast v15, $0x0;
	v14 =	vor.u32 v1, v14  }
0xea: {  	s5 =	simm.s32 $0x28;
	v13 =	vld.idx.msk [tilespmem:v13+s16+$0x0], $0xffff;
	[tilespmem:s31+$0xFFFFFF10] =	vst v11;
	v9 =	vor.u32 v0, v29;
	v21 =	vbroadcast v2, $0x0;
	v2 =	vor.u32 v1, v30  }
0xeb: {  	v17 =	vld.idx.msk [tilespmem:v17+s16+$0x0], $0xffff;
	v30 =	vmov s5;
	v16 =	vbroadcast v25, $0x0;
	v25 =	vand.u32 $0x74, v31;
	[tilespmem:s31+$0xFFFFFE20] =	vst v27  }
0xec: {  	v23 =	vor.u32 v1, v29;
	v27 =	vand.u32 $0x78, v30;
	v25 =	vbroadcast v25, $0x0;
	v30 =	vld.idx.msk [tilespmem:v6+s16+$0x0], $0xffff;
	[tilespmem:s0+$0xFFFFFE40] =	vst v32  }
0xed: {  	s11 =	simm.s32 $0xE;
	s13 =	simm.s32 $0x3;
	v34 =	vor.u32 v0, v21;
	v31 =	vor.u32 v0, v16;
	v27 =	vbroadcast v27, $0x0;
	[tilespmem:s0+$0xFFFFFF40] =	vst v12;
	v15 =	vld.idx.msk [tilespmem:v33+s16+$0x0], $0xffff  }
0xee: {  	v6 =	vmov s11;
	v38 =	vor.u32 v1, v16;
	v16 =	vmov s13;
	[tilespmem:s31+$0xFFFFFF90] =	vst v10;
	v26 =	vld.idx.msk [tilespmem:v26+s16+$0x0], $0xffff  }
0xef: {  	v21 =	vor.u32 v1, v21;
	[tilespmem:s0+$0xFFFFFEC0] =	vst v22;
	v6 =	vand.u32 $0x7E, v6;
	v22 =	vand.u32 $0x7C, v60;
	v44 =	vld.idx.msk [tilespmem:v7+s16+$0x0], $0xffff  }
0xf0: {  	s4 =	simm.s32 $0x29;
	v36 =	vor.u32 v0, v25;
	v16 =	vand.u32 $0x73, v16;
	[tilespmem:s0+$0xFFFFFFC0] =	vst v13;
	v20 =	vbroadcast v6, $0x0;
	v62 =	vld.idx.msk [tilespmem:v9+s16+$0x0], $0xffff  }
0xf1: {  	v13 =	vmov s4;
	v61 =	vor.u32 v0, v27;
	[tilespmem:s31+$0xFFFFFF20] =	vst v17;
	v9 =	vor.u32 v1, v25;
	v25 =	vld.idx.msk [tilespmem:v28+s16+$0x0], $0xffff  }
0xf2: {  	s24 =	simm.s32 $0x25;
	v22 =	vbroadcast v22, $0x0;
	v39 =	vbroadcast v16, $0x0;
	v33 =	vld.idx.msk [tilespmem:v18+s16+$0x0], $0xffff;
	v29 =	vor.u32 v0, v20  }
0xf3: {  	v13 =	vand.u32 $0x79, v13;
	v28 =	vor.u32 v1, v20;
	v20 =	vmov s24;
	v31 =	vld.idx.msk [tilespmem:v31+s16+$0x0], $0xffff;
	[tilespmem:s31+$0xFFFFFE30] =	vst v30  }
0xf4: {  	v6 =	vor.u32 v0, v35;
	v41 =	vbroadcast v13, $0x0;
	v16 =	vand.u32 $0x75, v20;
	v20 =	vld.idx.msk [tilespmem:v8+s16+$0x0], $0xffff  }
0xf5: {  	s13 =	simm.s32 $0x12;
	v37 =	vor.u32 v0, v22;
	v10 =	vor.u32 v1, v22;
	v40 =	vor.u32 v0, v39;
	v36 =	vld.idx.msk [tilespmem:v36+s16+$0x0], $0xffff  }
0xf6: {  	s23 =	simm.s32 $0x21;
	v13 =	vor.u32 v0, v41;
	v30 =	vmov s13;
	v17 =	vor.u32 v1, v41;
	[tilespmem:s0+$0xFFFFFE50] =	vst v15;
	v12 =	vld.idx.msk [tilespmem:v61+s16+$0x0], $0xffff  }
0xf7: {  	s5 =	simm.s32 $0xF;
	v8 =	vor.u32 v1, v35;
	v15 =	vmov s23;
	[tilespmem:s0+$0xFFFFFF50] =	vst v26;
	v26 =	vbroadcast v16, $0x0;
	v29 =	vld.idx.msk [tilespmem:v29+s16+$0x0], $0xffff  }
0xf8: {  	s11 =	simm.s32 $0x2D;
	s23 =	simm.s32 $0x16;
	v15 =	vand.u32 $0x71, v15;
	v63 =	vld.idx.msk [tilespmem:v14+s16+$0x0], $0xffff;
	v14 =	vor.u32 v1, v27;
	[tilespmem:s31+$0xFFFFFEA0] =	vst v25;
	v25 =	vmov s5  }
0xf9: {  	s12 =	simm.s32 $0x7;
	[tilespmem:s31+$0xFFFFFFA0] =	vst v44;
	v24 =	vld.idx.msk [tilespmem:v24+s16+$0x0], $0xffff;
	v27 =	vmov s11;
	v7 =	vmov s23;
	v15 =	vbroadcast v15, $0x0  }
0xfa: {  	s10 =	simm.s32 $0x35F0;
	[tilespmem:s0+$0xFFFFFED0] =	vst v62;
	v11 =	vor.u32 v0, v26;
	v42 =	vld.idx.msk [tilespmem:v19+s16+$0x0], $0xffff;
	v19 =	vmov s12;
	v25 =	vand.u32 $0x7F, v25  }
0xfb: {  	v27 =	vand.u32 $0x7D, v27;
	v43 =	vld.idx.msk [tilespmem:v23+s16+$0x0], $0xffff;
	v7 =	vand.u32 $0x76, v7;
	[tilespmem:s10+$0xFFFFFE10] =	vst v31;
	v23 =	vand.u32 $0x77, v19  }
0xfc: {  	v22 =	vld.idx.msk [tilespmem:v37+s16+$0x0], $0xffff;
	v19 =	vbroadcast v27, $0x0;
	v27 =	vand.u32 $0x72, v30;
	v32 =	vbroadcast v25, $0x0;
	[tilespmem:s0+$0xFFFFFFD0] =	vst v29  }
0xfd: {  	s24 =	simm.s32 $0x1B;
	v16 =	vor.u32 v0, v15;
	v45 =	vbroadcast v23, $0x0;
	[tilespmem:s31+$0xFFFFFE40] =	vst v20;
	v20 =	vbroadcast v27, $0x0;
	v35 =	vld.idx.msk [tilespmem:v28+s16+$0x0], $0xffff  }
0xfe: {  	v31 =	vld.idx.msk [tilespmem:v38+s16+$0x0], $0xffff;
	v23 =	vbroadcast v7, $0x0;
	v7 =	vmov s24;
	v25 =	vor.u32 v0, v19;
	[tilespmem:s0+$0xFFFFFE60] =	vst v63  }
0xff: {  	v37 =	vor.u32 v0, v32;
	v30 =	vor.u32 v0, v45;
	[tilespmem:s0+$0xFFFFFF60] =	vst v24;
	v27 =	vor.u32 v0, v20  }
0x100: {  	s1 =	simm.s32 $0x35F0;
	s13 =	simm.s32 $0x2A;
	s11 =	simm.s32 $0x1F;
	v7 =	vand.u32 $0x7B, v7;
	v24 =	vor.u32 v1, v26;
	v26 =	vor.u32 v0, v23;
	v34 =	vld.idx.msk [tilespmem:v34+s16+$0x0], $0xffff;
	[tilespmem:s31+$0xFFFFFEB0] =	vst v42  }
0x101: {  	s5 =	simm.s32 $0x3F;
	s12 =	simm.s32 $0x8;
	s24 =	simm.s32 $0x2F;
	v7 =	vbroadcast v7, $0x0;
	v29 =	vor.u32 v1, v39;
	v38 =	vld.idx.msk [tilespmem:v40+s16+$0x0], $0xffff;
	[tilespmem:s0+$0xFFFFFEE0] =	vst v43;
	v28 =	vor.u32 v1, v45  }
.LBB2_9:
0x102: {  	s4 =	sadd.s32 $0xFFFFFFF1, s5;
	s23 =	sadd.s32 $0xFFFFFFF9, s5;
	s12 =	sadd.s32 $0x4, s12;
	v39 =	vmov s13;
	v19 =	vor.u32 v1, v19;
	v40 =	vld.idx.msk [tilespmem:v3+s16+$0x0], $0xffff;
	[tilespmem:s0+$0xFFFFFFE0] =	vst v35;
	v32 =	vor.u32 v1, v32;
	v3 =	vmovc v25  }
0x103: {  	v25 =	vmov s4;
	s4 =	sadd.s32 $0xFFFFFFF5, s5;
	v35 =	vmov s23;
	p3 =	slt.u32 s12, $0x1C;
	[tilespmem:s10+$0xFFFFFF90] =	vst v22;
	v22 =	vld.idx.msk [tilespmem:v5+s16+$0x0], $0xffff;
	v18 =	vor.u32 v0, v7;
	v5 =	vmovc v24  }
0x104: {  	v24 =	vand.u32 $0x70, v25;
	v25 =	vmov s4;
	[tilespmem:s10+$0xFFFFFE20] =	vst v31;
	v31 =	vand.u32 $0x7A, v39;
	v37 =	vld.idx.msk [tilespmem:v37+s16+$0x0], $0xffff  }
0x105: {  	v35 =	vand.u32 $0x78, v35;
	s4 =	sadd.s32 $0xFFFFFFFD, s5;
	v24 =	vbroadcast v24, $0x0;
	v25 =	vand.u32 $0x74, v25;
	v16 =	vld.idx.msk [tilespmem:v16+s16+$0x0], $0xffff;
	[tilespmem:s0+$0xFFFFFF70] =	vst v34  }
0x106: {  	v34 =	vmov s4;
	v31 =	vbroadcast v31, $0x0;
	v25 =	vbroadcast v25, $0x0;
	[tilespmem:s0+$0xFFFFFE70] =	vst v38;
	v38 =	vld.idx.msk [tilespmem:v21+s16+$0x0], $0xffff  }
0x107: {  	v35 =	vbroadcast v35, $0x0;
	v34 =	vand.u32 $0x7C, v34;
	v39 =	vor.u32 v0, v24;
	[tilespmem:s31+$0xFFFFFF30] =	vst v33;
	v30 =	vld.idx.msk [tilespmem:v30+s16+$0x0], $0xffff  }
0x108: {  	v23 =	vor.u32 v1, v23;
	v33 =	vbroadcast v34, $0x0;
	v21 =	vor.u32 v0, v25;
	[tilespmem:s10+$0xFFFFFE90] =	vst v36;
	v34 =	vld.idx.msk [tilespmem:v4+s16+$0x0], $0xffff  }
0x109: {  	v20 =	vor.u32 v1, v20;
	s4 =	sadd.s32 $0xFFFFFFFF, s11;
	v36 =	vor.u32 v0, v35;
	v4 =	vmov v17;
	v27 =	vld.idx.msk [tilespmem:v27+s16+$0x0], $0xffff;
	[tilespmem:s31+$0xFFFFFEC0] =	vst v22  }
0x10a: {  	v17 =	vor.u32 v0, v33;
	v22 =	vmov s4;
	v29 =	vld.idx.msk [tilespmem:v29+s16+$0x0], $0xffff;
	[tilespmem:s0+$0xFFFFFFF0] =	vst v37  }
0x10b: {  	[tilespmem:s10+$0xFFFFFE30] =	vst v16;
	v16 =	vand.u32 $0x7E, v22;
	v22 =	vld.idx.msk [tilespmem:v32+s16+$0x0], $0xffff  }
0x10c: {  	v26 =	vld.idx.msk [tilespmem:v26+s16+$0x0], $0xffff;
	[tilespmem:s31+$0xFFFFFFB0] =	vst v40;
	v16 =	vbroadcast v16, $0x0  }
0x10d: {  	v32 =	vor.u32 v0, v31;
	v37 =	vld.idx.msk [tilespmem:v2+s16+$0x0], $0xffff;
	[tilespmem:s0+$0xFFFFFEF0] =	vst v30;
	v2 =	vmov v19  }
0x10e: {  	v24 =	vor.u32 v1, v24;
	[tilespmem:s31+$0xFFFFFF40] =	vst v34;
	v19 =	vor.u32 v0, v16;
	v28 =	vld.idx.msk [tilespmem:v28+s16+$0x0], $0xffff  }
0x10f: {  	v25 =	vor.u32 v1, v25;
	s4 =	sadd.s32 $0xFFFFFFF4, s11;
	v30 =	vor.u32 v1, v15;
	[tilespmem:s31+$0xFFFFFE50] =	vst v27;
	v27 =	vld.idx.msk [tilespmem:v6+s16+$0x0], $0xffff;
	v6 =	vmov v32  }
0x110: {  	s13 =	sadd.s32 $0xFFFFFFF2, s5;
	v15 =	vmov s4;
	v34 =	vor.u32 v1, v16;
	v32 =	vld.idx.msk [tilespmem:v39+s16+$0x0], $0xffff;
	[tilespmem:s0+$0xFFFFFF80] =	vst v38  }
0x111: {  	v33 =	vor.u32 v1, v33;
	s10 =	sadd.s32 $0x200, s10;
	s4 =	sadd.s32 $0xFFFFFFF6, s5;
	v16 =	vmov s13;
	v15 =	vand.u32 $0x73, v15;
	v38 =	vld.idx.msk [tilespmem:v9+s16+$0x0], $0xffff;
	[tilespmem:s0+$0xFFFFFE80] =	vst v29;
	v9 =	vmovc v25  }
0x112: {  	v16 =	vand.u32 $0x71, v16;
	v25 =	vmov s4;
	v29 =	vld.idx.msk [tilespmem:v36+s16+$0x0], $0xffff;
	v36 =	vbroadcast v15, $0x0;
	[tilespmem:s0+$0x0] =	vst v22  }
0x113: {  	s4 =	sadd.s32 $0xFFFFFFFA, s5;
	v15 =	vbroadcast v16, $0x0;
	v16 =	vand.u32 $0x75, v25;
	v25 =	vor.u32 v1, v35;
	v20 =	vld.idx.msk [tilespmem:v20+s16+$0x0], $0xffff;
	[tilespmem:s31+$0xFFFFFFC0] =	vst v37  }
0x114: {  	v22 =	vmov s4;
	v39 =	vbroadcast v16, $0x0;
	v40 =	vor.u32 v0, v36;
	v35 =	vld.idx.msk [tilespmem:v19+s16+$0x0], $0xffff;
	[tilespmem:s0+$0xFFFFFF00] =	vst v28;
	s0 =	smov.u32 s31;
	s31 =	smov.u32 s1;
	s1 =	smov.u32 s10  }
0x115: {  	v16 =	vor.u32 v0, v15;
	v19 =	vand.u32 $0x79, v22;
	v22 =	vor.u32 v1, v31;
	v28 =	vld.idx.msk [tilespmem:v30+s16+$0x0], $0xffff;
	[tilespmem:s0+$0xFFFFFF50] =	vst v27  }
0x116: {  	v27 =	vor.u32 v0, v39;
	v41 =	vbroadcast v19, $0x0;
	[tilespmem:s10+$0xFFFFFE10] =	vst v32;
	v37 =	vld.idx.msk [tilespmem:v8+s16+$0x0], $0xffff;
	v8 =	vmov v22  }
0x117: {  	v22 =	vld.idx.msk [tilespmem:v17+s16+$0x0], $0xffff;
	[tilespmem:s31+$0xFFFFFF10] =	vst v12  }
0x118: {  	s13 =	sadd.s32 $0xFFFFFFF8, s11;
	s4 =	sadd.s32 $0xFFFFFFFE, s5;
	v19 =	vmov s11;
	s11 =	smov.u32 s24;
	v42 =	vor.u32 v0, v41;
	v12 =	vmovc v29;
	[tilespmem:s31+$0xFFFFFEA0] =	vst v38;
	v17 =	vld.idx.msk [tilespmem:v14+s16+$0x0], $0xffff;
	v14 =	vmov v25  }
0x119: {  	s24 =	smov.u32 s5;
	v30 =	vand.u32 $0x7F, v19;
	v25 =	vmov s4;
	s4 =	sadd.s32 $0xFFFFFFF3, s11;
	v29 =	vld.idx.msk [tilespmem:v11+s16+$0x0], $0xffff;
	[tilespmem:s0+$0xFFFFFED0] =	vst v26;
	v26 =	vmov s13;
	v11 =	vmovc v27  }
0x11a: {  	v19 =	vand.u32 $0x7D, v25;
	v25 =	vmov s4;
	[tilespmem:s0+$0xFFFFFE60] =	vst v20;
	v43 =	vld.idx.msk [tilespmem:v23+s16+$0x0], $0xffff;
	v20 =	vand.u32 $0x77, v26  }
0x11b: {  	s4 =	sadd.s32 $0xFFFFFFF7, s11;
	v19 =	vbroadcast v19, $0x0;
	v23 =	vand.u32 $0x72, v25;
	v44 =	vld.idx.msk [tilespmem:v10+s16+$0x0], $0xffff;
	v45 =	vbroadcast v20, $0x0;
	[tilespmem:s0+$0xFFFFFFD0] =	vst v35;
	v10 =	vmovc v33  }
0x11c: {  	v32 =	vbroadcast v30, $0x0;
	v20 =	vbroadcast v23, $0x0;
	v23 =	vmov s4;
	[tilespmem:s31+$0xFFFFFE40] =	vst v28;
	v35 =	vld.idx.msk [tilespmem:v34+s16+$0x0], $0xffff  }
.Ltmp6:
0x11d: {  	v25 =	vor.u32 v0, v19;
	v23 =	vand.u32 $0x76, v23;
	v31 =	vld.idx.msk [tilespmem:v24+s16+$0x0], $0xffff;
	v30 =	vor.u32 v0, v45;
	[tilespmem:s0+$0xFFFFFF60] =	vst v37;
	(pc) =	sbr.rel @p3 .LBB2_9-.Ltmp6, $4  }
0x11e: {  	s4 =	sadd.s32 $0xFFFFFFFC, s11;
	v27 =	vor.u32 v0, v20;
	v23 =	vbroadcast v23, $0x0;
	v37 =	vor.u32 v0, v32;
	[tilespmem:s31+$0xFFFFFF20] =	vst v17;
	v34 =	vld.idx.msk [tilespmem:v18+s16+$0x0], $0xffff  }
0x11f: {  	v17 =	vor.u32 v1, v41;
	v18 =	vmov s4;
	[tilespmem:s31+$0xFFFFFEB0] =	vst v29;
	v33 =	vld.idx.msk [tilespmem:v13+s16+$0x0], $0xffff;
	v29 =	vor.u32 v1, v36;
	v13 =	vmovc v42  }
0x120: {  	v24 =	vor.u32 v1, v39;
	v26 =	vor.u32 v0, v23;
	v18 =	vand.u32 $0x7B, v18;
	v38 =	vld.idx.msk [tilespmem:v40+s16+$0x0], $0xffff;
	[tilespmem:s0+$0xFFFFFEE0] =	vst v43  }
0x121: {  	s5 =	sadd.s32 $0x10, s5;
	s13 =	sadd.s32 $0xFFFFFFFB, s24;
	v28 =	vor.u32 v1, v45;
	v36 =	vld.idx.msk [tilespmem:v21+s16+$0x0], $0xffff;
	[tilespmem:s31+$0xFFFFFFA0] =	vst v44;
	v21 =	vor.u32 v1, v7;
	v7 =	vbroadcast v18, $0x0  }
0x122: {  	_ = 	snop  }
0x123: {  	[tilespmem:s0+$0xFFFFFFE0] =	vst v35  }
0x124: {  	[tilespmem:s10+$0xFFFFFF90] =	vst v22  }
0x125: {  	[tilespmem:s10+$0xFFFFFE20] =	vst v31  }
0x126: {  	v5 =	vld.idx.msk [tilespmem:v5+s16+$0x0], $0xffff;
	[tilespmem:s1+$0xFFFFFF10] =	vst v12  }
0x127: {  	v3 =	vld.idx.msk [tilespmem:v3+s16+$0x0], $0xffff;
	[tilespmem:s0+$0xFFFFFF70] =	vst v34  }
0x128: {  	v45 =	vld.idx.msk [tilespmem:v30+s16+$0x0], $0xffff;
	[tilespmem:s31+$0xFFFFFF30] =	vst v33  }
0x129: {  	v47 =	vld.idx.msk [tilespmem:v27+s16+$0x0], $0xffff;
	[tilespmem:s0+$0xFFFFFE70] =	vst v38  }
0x12a: {  	v18 =	vld.idx.msk [tilespmem:v37+s16+$0x0], $0xffff;
	[tilespmem:s10+$0xFFFFFE90] =	vst v36  }
0x12b: {  	v16 =	vld.idx.msk [tilespmem:v16+s16+$0x0], $0xffff;
	[tilespmem:s31+$0xFFFFFEC0] =	vst v5  }
0x12c: {  	v48 =	vld.idx.msk [tilespmem:v21+s16+$0x0], $0xffff;
	[tilespmem:s31+$0xFFFFFFB0] =	vst v3  }
0x12d: {  	v4 =	vld.idx.msk [tilespmem:v4+s16+$0x0], $0xffff;
	[tilespmem:s0+$0xFFFFFEF0] =	vst v45  }
0x12e: {  	v53 =	vor.u32 v1, v20;
	v3 =	vld.idx.msk [tilespmem:v29+s16+$0x0], $0xffff;
	[tilespmem:s31+$0xFFFFFE50] =	vst v47  }
0x12f: {  	v9 =	vld.idx.msk [tilespmem:v9+s16+$0x0], $0xffff;
	[tilespmem:s0+$0xFFFFFFF0] =	vst v18  }
0x130: {  	v46 =	vor.u32 v1, v32;
	[tilespmem:s10+$0xFFFFFE30] =	vst v16;
	v2 =	vld.idx.msk [tilespmem:v2+s16+$0x0], $0xffff  }
0x131: {  	s4 =	sadd.s32 $0xFFFFFFFF, s11;
	v52 =	vld.idx.msk [tilespmem:v28+s16+$0x0], $0xffff;
	[tilespmem:s0+$0xFFFFFF80] =	vst v48  }
0x132: {  	v49 =	vmov s4;
	v56 =	vld.idx.msk [tilespmem:v26+s16+$0x0], $0xffff;
	[tilespmem:s31+$0xFFFFFF40] =	vst v4  }
0x133: {  	v55 =	vor.u32 v1, v15;
	s23 =	sadd.s32 $0xFFFFFFF4, s11;
	v51 =	vand.u32 $0x7E, v49;
	v57 =	vld.idx.msk [tilespmem:v53+s16+$0x0], $0xffff;
	[tilespmem:s0+$0xFFFFFE80] =	vst v3  }
0x134: {  	v60 =	vmov s23;
	v4 =	vbroadcast v51, $0x0;
	v3 =	vld.idx.msk [tilespmem:v14+s16+$0x0], $0xffff;
	[tilespmem:s1+$0xFFFFFEA0] =	vst v9  }
0x135: {  	v62 =	vand.u32 $0x73, v60;
	v50 =	vld.idx.msk [tilespmem:v46+s16+$0x0], $0xffff;
	[tilespmem:s31+$0xFFFFFFC0] =	vst v2  }
0x136: {  	v63 =	vbroadcast v62, $0x0;
	v54 =	vor.u32 v0, v4;
	v2 =	vld.idx.msk [tilespmem:v10+s16+$0x0], $0xffff;
	[tilespmem:s0+$0xFFFFFF00] =	vst v52  }
0x137: {  	v6 =	vld.idx.msk [tilespmem:v6+s16+$0x0], $0xffff;
	[tilespmem:s31+$0xFFFFFED0] =	vst v56  }
0x138: {  	s4 =	sadd.s32 $0xFFFFFFF3, s24;
	v30 =	vor.u32 v0, v63;
	v14 =	vld.idx.msk [tilespmem:v55+s16+$0x0], $0xffff;
	[tilespmem:s31+$0xFFFFFE60] =	vst v57  }
0x139: {  	v31 =	vmov s4;
	v11 =	vld.idx.msk [tilespmem:v11+s16+$0x0], $0xffff;
	[tilespmem:s1+$0xFFFFFF20] =	vst v3  }
0x13a: {  	v18 =	vand.u32 $0x72, v31;
	[tilespmem:s0+$0x0] =	vst v50;
	v3 =	vmov s13;
	v61 =	vld.idx.msk [tilespmem:v13+s16+$0x0], $0xffff  }
0x13b: {  	s10 =	sadd.s32 $0xFFFFFFF7, s24;
	v34 =	vbroadcast v18, $0x0;
	v58 =	vld.idx.msk [tilespmem:v54+s16+$0x0], $0xffff;
	v3 =	vand.u32 $0x7A, v3;
	[tilespmem:s1+$0xFFFFFFA0] =	vst v2  }
0x13c: {  	v35 =	vmov s10;
	[tilespmem:s31+$0xFFFFFF50] =	vst v6;
	v2 =	vbroadcast v3, $0x0;
	v3 =	vor.u32 v1, v4;
	v26 =	vld.idx.msk [tilespmem:v25+s16+$0x0], $0xffff  }
0x13d: {  	v27 =	vor.u32 v1, v19;
	v18 =	vand.u32 $0x76, v35;
	v16 =	vld.idx.msk [tilespmem:v30+s16+$0x0], $0xffff;
	[tilespmem:s1+$0xFFFFFE40] =	vst v14  }
0x13e: {  	s5 =	sadd.s32 $0xFFFFFFFF, s24;
	v37 =	vor.u32 v0, v34;
	v18 =	vbroadcast v18, $0x0;
	v8 =	vld.idx.msk [tilespmem:v8+s16+$0x0], $0xffff;
	[tilespmem:s1+$0xFFFFFEB0] =	vst v11  }
0x13f: {  	v59 =	vor.u32 v1, v23;
	v33 =	vmov s5;
	v40 =	vld.idx.msk [tilespmem:v24+s16+$0x0], $0xffff;
	[tilespmem:s1+$0xFFFFFF30] =	vst v61  }
0x140: {  	v9 =	vand.u32 $0x7E, v33;
	v42 =	vor.u32 v0, v18;
	[tilespmem:s31+$0xFFFFFFD0] =	vst v58;
	v17 =	vld.idx.msk [tilespmem:v17+s16+$0x0], $0xffff  }
0x141: {  	v9 =	vbroadcast v9, $0x0;
	v29 =	vor.u32 v0, v2;
	v3 =	vld.idx.msk [tilespmem:v3+s16+$0x0], $0xffff;
	[tilespmem:s1+$0xFFFFFFB0] =	vst v26  }
0x142: {  	v32 =	vmov s11;
	s11 =	sadd.s32 $0xFFFFFFF8, s11;
	v28 =	vor.u32 v0, v7;
	[tilespmem:s31+$0xFFFFFE70] =	vst v16;
	v38 =	vld.idx.msk [tilespmem:v27+s16+$0x0], $0xffff  }
0x143: {  	v36 =	vmov s11;
	v41 =	vor.u32 v0, v9;
	v45 =	vld.idx.msk [tilespmem:v37+s16+$0x0], $0xffff;
	[tilespmem:s31+$0xFFFFFF60] =	vst v8  }
0x144: {  	v39 =	vand.u32 $0x77, v36;
	v47 =	vor.u32 v1, v34;
	v12 =	vld.idx.msk [tilespmem:v59+s16+$0x0], $0xffff;
	[tilespmem:s1+$0xFFFFFEC0] =	vst v40  }
0x145: {  	v13 =	vbroadcast v39, $0x0;
	v4 =	vor.u32 v1, v63;
	v49 =	vld.idx.msk [tilespmem:v42+s16+$0x0], $0xffff;
	[tilespmem:s1+$0xFFFFFF40] =	vst v17  }
0x146: {  	v50 =	vor.u32 v1, v18;
	v6 =	vand.u32 $0x7F, v32;
	s13 =	sadd.s32 $0xFFFFFFF4, s24;
	[tilespmem:s31+$0xFFFFFFE0] =	vst v3;
	v3 =	vld.idx.msk [tilespmem:v29+s16+$0x0], $0xffff  }
0x147: {  	s23 =	sadd.s32 $0xFFFFFFF8, s24;
	v6 =	vbroadcast v6, $0x0;
	v51 =	vmov s13;
	v44 =	vor.u32 v0, v13;
	v15 =	vld.idx.msk [tilespmem:v28+s16+$0x0], $0xffff;
	[tilespmem:s1+$0xFFFFFFC0] =	vst v38  }
0x148: {  	v54 =	vmov s23;
	v16 =	vand.u32 $0x73, v51;
	v2 =	vor.u32 v1, v2;
	[tilespmem:s1+$0xFFFFFE50] =	vst v45;
	v48 =	vld.idx.msk [tilespmem:v41+s16+$0x0], $0xffff  }
0x149: {  	s12 =	sadd.s32 $0xFFFFFFFC, s24;
	v9 =	vor.u32 v1, v9;
	[tilespmem:s31+$0xFFFFFEE0] =	vst v12;
	v53 =	vbroadcast v16, $0x0;
	v16 =	vand.u32 $0x77, v54;
	v11 =	vld.idx.msk [tilespmem:v47+s16+$0x0], $0xffff  }
0x14a: {  	v46 =	vmov s12;
	v43 =	vor.u32 v0, v6;
	v57 =	vbroadcast v16, $0x0;
	v4 =	vld.idx.msk [tilespmem:v4+s16+$0x0], $0xffff;
	[tilespmem:s1+$0xFFFFFED0] =	vst v49  }
0x14b: {  	v10 =	vand.u32 $0x7B, v46;
	v56 =	vor.u32 v0, v53;
	v58 =	vld.idx.msk [tilespmem:v50+s16+$0x0], $0xffff;
	[tilespmem:s1+$0xFFFFFF50] =	vst v3;
	v3 =	vmov s24  }
0x14c: {  	v10 =	vbroadcast v10, $0x0;
	v16 =	vor.u32 v0, v57;
	[tilespmem:s31+$0xFFFFFF70] =	vst v15;
	v17 =	vld.idx.msk [tilespmem:v44+s16+$0x0], $0xffff;
	v3 =	vand.u32 $0x7F, v3  }
0x14d: {  	v52 =	vor.u32 v1, v7;
	v2 =	vld.idx.msk [tilespmem:v2+s16+$0x0], $0xffff;
	[tilespmem:s1+$0xFFFFFFD0] =	vst v48;
	v3 =	vbroadcast v3, $0x0  }
0x14e: {  	v55 =	vor.u32 v0, v10;
	[tilespmem:s1+$0xFFFFFE60] =	vst v11;
	v9 =	vld.idx.msk [tilespmem:v9+s16+$0x0], $0xffff  }
0x14f: {  	[tilespmem:s31+$0xFFFFFE80] =	vst v4;
	v12 =	vld.idx.msk [tilespmem:v43+s16+$0x0], $0xffff;
	v59 =	vor.u32 v0, v3  }
0x150: {  	v6 =	vor.u32 v1, v6;
	v8 =	vld.idx.msk [tilespmem:v56+s16+$0x0], $0xffff;
	[tilespmem:s1+$0xFFFFFEE0] =	vst v58  }
0x151: {  	v5 =	vor.u32 v1, v53;
	[tilespmem:s31+$0xFFFFFEF0] =	vst v17;
	v61 =	vld.idx.msk [tilespmem:v16+s16+$0x0], $0xffff  }
0x152: {  	v62 =	vor.u32 v1, v57;
	v7 =	vld.idx.msk [tilespmem:v52+s16+$0x0], $0xffff;
	[tilespmem:s1+$0xFFFFFF60] =	vst v2  }
0x153: {  	v2 =	vor.u32 v1, v13;
	v60 =	vld.idx.msk [tilespmem:v55+s16+$0x0], $0xffff;
	[tilespmem:s1+$0xFFFFFFE0] =	vst v9  }
0x154: {  	v10 =	vor.u32 v1, v10;
	[tilespmem:s31+$0xFFFFFFF0] =	vst v12;
	v9 =	vld.idx.msk [tilespmem:v59+s16+$0x0], $0xffff  }
0x155: {  	[tilespmem:s1+$0xFFFFFE70] =	vst v8;
	v6 =	vld.idx.msk [tilespmem:v6+s16+$0x0], $0xffff;
	v3 =	vor.u32 v1, v3  }
0x156: {  	v5 =	vld.idx.msk [tilespmem:v5+s16+$0x0], $0xffff;
	[tilespmem:s1+$0xFFFFFEF0] =	vst v61  }
0x157: {  	[tilespmem:s31+$0xFFFFFF80] =	vst v7;
	v4 =	vld.idx.msk [tilespmem:v62+s16+$0x0], $0xffff  }
0x158: {  	v2 =	vld.idx.msk [tilespmem:v2+s16+$0x0], $0xffff;
	[tilespmem:s1+$0xFFFFFF70] =	vst v60  }
0x159: {  	v63 =	vld.idx.msk [tilespmem:v10+s16+$0x0], $0xffff;
	[tilespmem:s1+$0xFFFFFFF0] =	vst v9  }
0x15a: {  	[tilespmem:s31+$0x0] =	vst v6;
	v3 =	vld.idx.msk [tilespmem:v3+s16+$0x0], $0xffff  }
0x15b: {  	p3 =	seq.s32 s28, $0x79;
	[tilespmem:s1+$0xFFFFFE80] =	vst v5  }
.Ltmp7:
0x15c: {  	[tilespmem:s1+$0xFFFFFF00] =	vst v4;
	(pc) =	sbr.rel @p3 .LBB2_12-.Ltmp7, $4  }
0x15d: {  	[tilespmem:s31+$0xFFFFFF00] =	vst v2  }
0x15e: {  	[tilespmem:s1+$0xFFFFFF80] =	vst v63  }
0x15f: {  	s31 =	sadd.s32 s30, s8;
	[tilespmem:s1+$0x0] =	vst v3  }
0x160: {  	[hbm4b:s31+s2] =	stream.linear.scatter [tilespmem:s20], [sflag:$0x4], $0x1000, $0x38;
	[tilespmem:$0x5800] =	vst v63  }
.Ltmp8:
0x161: {  	(pc) =	sbr.rel .LBB2_2-.Ltmp8, $3  }
0x162: {  	_ =	sdelay $0x1  }
0x163: {  	s0 =	sadd.s32 s29, s9;
	s28 =	sadd.s32 $0x1, s28  }
0x164: {  	[tilespmem:s16], [sflag:$0x2] =	stream.strided.gather [hbm4b:s0+s14], $0x1000, s15, s14, $0x38;
	[tilespmem:$0x5800] =	vst v63  }
.LBB2_12:
.Ltmp9:
0x165: {  	(pc) =	sbr.rel @p1 .LBB2_16-.Ltmp9, $1  }
0x166: {  	_ =	sdelay $0x3  }
0x167: {  	s0 =	simm.s32 $0x0;
	s4 =	simm.s32 $0x8  }
0x168: {  	s1 =	simm.s32 $0x4;
	s5 =	simm.s32 $0xC;
	s10 =	simm.s32 $0x1;
	v2 =	vmov s0;
	v3 =	vmov s4  }
0x169: {  	s11 =	simm.s32 $0x5;
	s12 =	simm.s32 $0x9;
	s13 =	simm.s32 $0xD;
	v4 =	vmov s1;
	v5 =	vmov s5;
	v9 =	vmov s10  }
0x16a: {  	s24 =	simm.s32 $0x10;
	s29 =	simm.s32 $0x14;
	v11 =	vmov s11;
	v12 =	vmov s12;
	v13 =	vmov s13  }
0x16b: {  	s30 =	simm.s32 $0x1C;
	v17 =	vmov s24;
	v19 =	vmov s29;
	v2 =	vand.u32 $0x70, v2  }
0x16c: {  	v21 =	vmov s30;
	v4 =	vand.u32 $0x74, v4;
	v2 =	vbroadcast v2, $0x0  }
0x16d: {  	_ =	swait.ge [sflag:s17], $0x1000;
	v3 =	vand.u32 $0x78, v3;
	v5 =	vand.u32 $0x7C, v5;
	v4 =	vbroadcast v4, $0x0  }
0x16e: {  	[sflag:s17] =	ssyncset.done $0x0;
	v9 =	vand.u32 $0x71, v9;
	v3 =	vbroadcast v3, $0x0;
	v6 =	vor.u32 v0, v2  }
0x16f: {  	[sflag:s17] =	ssyncadd.s32 $0xFFFFF000;
	v11 =	vand.u32 $0x75, v11;
	v5 =	vbroadcast v5, $0x0;
	v7 =	vor.u32 v0, v4  }
0x170: {  	s4 =	simm.s32 $0x18;
	v12 =	vand.u32 $0x79, v12;
	v13 =	vand.u32 $0x7D, v13;
	_ =	swait.ge [sflag:s21], $0x1000;
	v8 =	vor.u32 v0, v3  }
0x171: {  	v18 =	vmov s4;
	v9 =	vbroadcast v9, $0x0;
	[sflag:s21] =	ssyncset.done $0x0;
	v10 =	vor.u32 v0, v5  }
0x172: {  	v17 =	vand.u32 $0x70, v17;
	v11 =	vbroadcast v11, $0x0;
	v12 =	vbroadcast v12, $0x0;
	[sflag:s21] =	ssyncadd.s32 $0xFFFFF000  }
0x173: {  	v19 =	vand.u32 $0x74, v19;
	v13 =	vbroadcast v13, $0x0;
	v17 =	vbroadcast v17, $0x0;
	v6 =	vld.idx.msk [tilespmem:v6+s2+$0x0], $0xffff  }
0x174: {  	v2 =	vor.u32 v1, v2;
	v4 =	vor.u32 v1, v4;
	v5 =	vor.u32 v1, v5;
	v7 =	vld.idx.msk [tilespmem:v7+s2+$0x0], $0xffff  }
0x175: {  	v3 =	vor.u32 v1, v3;
	v14 =	vor.u32 v0, v9;
	v15 =	vor.u32 v0, v11;
	v8 =	vld.idx.msk [tilespmem:v8+s2+$0x0], $0xffff  }
0x176: {  	s23 =	simm.s32 $0xA;
	v16 =	vor.u32 v0, v12;
	v20 =	vor.u32 v0, v13;
	v12 =	vor.u32 v1, v12;
	v10 =	vld.idx.msk [tilespmem:v10+s2+$0x0], $0xffff  }
0x177: {  	s0 =	simm.s32 $0x2100;
	v22 =	vor.u32 v1, v11;
	v11 =	vmov s23;
	v13 =	vor.u32 v1, v13  }
0x178: {  	v11 =	vand.u32 $0x7A, v11;
	[tilespmem:s0+$0xFFFFFF00] =	vst v6;
	v6 =	vand.u32 $0x78, v18;
	v18 =	vbroadcast v19, $0x0  }
0x179: {  	s31 =	simm.s32 $0x11;
	s4 =	simm.s32 $0x15;
	v19 =	vand.u32 $0x7C, v21;
	v21 =	vbroadcast v11, $0x0;
	v11 =	vor.u32 v0, v17;
	[tilespmem:s0+$0xFFFFFF80] =	vst v7;
	v2 =	vld.idx.msk [tilespmem:v2+s2+$0x0], $0xffff  }
0x17a: {  	v27 =	vor.u32 v1, v17;
	v7 =	vmov s31;
	v17 =	vmov s4;
	[tilespmem:s0+$0x0] =	vst v8;
	v4 =	vld.idx.msk [tilespmem:v4+s2+$0x0], $0xffff  }
0x17b: {  	s12 =	simm.s32 $0x6;
	[tilespmem:s0+$0x80] =	vst v10;
	s31 =	simm.s32 $0x2C;
	v6 =	vbroadcast v6, $0x0;
	v19 =	vbroadcast v19, $0x0;
	v7 =	vand.u32 $0x71, v7;
	v3 =	vld.idx.msk [tilespmem:v3+s2+$0x0], $0xffff  }
0x17c: {  	s5 =	simm.s32 $0x19;
	v31 =	vld.idx.msk [tilespmem:v5+s2+$0x0], $0xffff;
	v5 =	vmov s12;
	v60 =	vmov s31;
	v23 =	vor.u32 v0, v18  }
0x17d: {  	v26 =	vor.u32 v0, v21;
	v28 =	vor.u32 v1, v18;
	v18 =	vmov s5  }
0x17e: {  	v8 =	vbroadcast v7, $0x0;
	v24 =	vor.u32 v0, v6;
	v18 =	vand.u32 $0x79, v18;
	v29 =	vld.idx.msk [tilespmem:v11+s2+$0x0], $0xffff;
	[tilespmem:s0+$0xFFFFFF10] =	vst v2  }
0x17f: {  	s11 =	simm.s32 $0x2;
	v25 =	vor.u32 v0, v19;
	v7 =	vor.u32 v1, v19;
	v10 =	vbroadcast v18, $0x0;
	[tilespmem:s0+$0xFFFFFF90] =	vst v4;
	v14 =	vld.idx.msk [tilespmem:v14+s2+$0x0], $0xffff  }
0x180: {  	s10 =	simm.s32 $0x1D;
	v18 =	vmov s11;
	v2 =	vor.u32 v1, v9;
	v9 =	vand.u32 $0x75, v17;
	[tilespmem:s0+$0x10] =	vst v3;
	v15 =	vld.idx.msk [tilespmem:v15+s2+$0x0], $0xffff  }
0x181: {  	s29 =	simm.s32 $0x24;
	v17 =	vor.u32 v1, v6;
	v6 =	vor.u32 v0, v8;
	v4 =	vmov s10;
	[tilespmem:s0+$0x90] =	vst v31;
	v16 =	vld.idx.msk [tilespmem:v16+s2+$0x0], $0xffff  }
0x182: {  	v31 =	vmov s29;
	v9 =	vbroadcast v9, $0x0;
	v4 =	vand.u32 $0x7D, v4;
	v20 =	vld.idx.msk [tilespmem:v20+s2+$0x0], $0xffff  }
0x183: {  	s28 =	simm.s32 $0x2300;
	v8 =	vor.u32 v1, v8;
	v11 =	vld.idx.msk [tilespmem:v24+s2+$0x0], $0xffff;
	v24 =	vor.u32 v1, v21;
	v30 =	vbroadcast v4, $0x0  }
0x184: {  	v23 =	vld.idx.msk [tilespmem:v23+s2+$0x0], $0xffff;
	v4 =	vand.u32 $0x72, v18;
	v18 =	vor.u32 v0, v10;
	v19 =	vor.u32 v0, v9;
	[tilespmem:s28+$0xFFFFFF00] =	vst v29  }
0x185: {  	s23 =	simm.s32 $0x1A;
	v3 =	vor.u32 v0, v30;
	v27 =	vld.idx.msk [tilespmem:v27+s2+$0x0], $0xffff;
	[tilespmem:s0+$0xFFFFFF20] =	vst v14;
	v14 =	vbroadcast v4, $0x0;
	v4 =	vand.u32 $0x76, v5  }
0x186: {  	s13 =	simm.s32 $0xB;
	s24 =	simm.s32 $0x20;
	[tilespmem:s0+$0xFFFFFFA0] =	vst v15;
	v5 =	vor.u32 v1, v9;
	v15 =	vmov s23;
	v32 =	vld.idx.msk [tilespmem:v2+s2+$0x0], $0xffff;
	v29 =	vbroadcast v4, $0x0  }
0x187: {  	[tilespmem:s0+$0x20] =	vst v16;
	v2 =	vmov s13;
	v4 =	vor.u32 v1, v10;
	v10 =	vld.idx.msk [tilespmem:v25+s2+$0x0], $0xffff;
	v25 =	vmov s24  }
0x188: {  	[tilespmem:s0+$0xA0] =	vst v20;
	v12 =	vld.idx.msk [tilespmem:v12+s2+$0x0], $0xffff;
	v15 =	vand.u32 $0x7A, v15;
	v33 =	vor.u32 v0, v14;
	v2 =	vand.u32 $0x7B, v2  }
0x189: {  	[tilespmem:s28+$0xFFFFFF80] =	vst v23;
	v22 =	vld.idx.msk [tilespmem:v22+s2+$0x0], $0xffff;
	v25 =	vand.u32 $0x70, v25;
	v35 =	vbroadcast v15, $0x0;
	v14 =	vor.u32 v1, v14  }
0x18a: {  	s5 =	simm.s32 $0x28;
	v13 =	vld.idx.msk [tilespmem:v13+s2+$0x0], $0xffff;
	[tilespmem:s28+$0x0] =	vst v11;
	v9 =	vor.u32 v0, v29;
	v21 =	vbroadcast v2, $0x0;
	v2 =	vor.u32 v1, v30  }
0x18b: {  	v17 =	vld.idx.msk [tilespmem:v17+s2+$0x0], $0xffff;
	v30 =	vmov s5;
	v16 =	vbroadcast v25, $0x0;
	v25 =	vand.u32 $0x74, v31;
	[tilespmem:s28+$0xFFFFFF10] =	vst v27  }
0x18c: {  	v23 =	vor.u32 v1, v29;
	v27 =	vand.u32 $0x78, v30;
	v25 =	vbroadcast v25, $0x0;
	v30 =	vld.idx.msk [tilespmem:v6+s2+$0x0], $0xffff;
	[tilespmem:s0+$0xFFFFFF30] =	vst v32  }
0x18d: {  	s30 =	simm.s32 $0xE;
	s5 =	simm.s32 $0x3;
	v34 =	vor.u32 v0, v21;
	v31 =	vor.u32 v0, v16;
	v27 =	vbroadcast v27, $0x0;
	[tilespmem:s0+$0x30] =	vst v12;
	v15 =	vld.idx.msk [tilespmem:v33+s2+$0x0], $0xffff  }
0x18e: {  	v6 =	vmov s30;
	v38 =	vor.u32 v1, v16;
	v16 =	vmov s5;
	[tilespmem:s28+$0x80] =	vst v10;
	v26 =	vld.idx.msk [tilespmem:v26+s2+$0x0], $0xffff  }
0x18f: {  	v21 =	vor.u32 v1, v21;
	[tilespmem:s0+$0xFFFFFFB0] =	vst v22;
	v6 =	vand.u32 $0x7E, v6;
	v22 =	vand.u32 $0x7C, v60;
	v44 =	vld.idx.msk [tilespmem:v7+s2+$0x0], $0xffff  }
0x190: {  	s12 =	simm.s32 $0x29;
	v36 =	vor.u32 v0, v25;
	v16 =	vand.u32 $0x73, v16;
	[tilespmem:s0+$0xB0] =	vst v13;
	v20 =	vbroadcast v6, $0x0;
	v62 =	vld.idx.msk [tilespmem:v9+s2+$0x0], $0xffff  }
0x191: {  	v13 =	vmov s12;
	v61 =	vor.u32 v0, v27;
	[tilespmem:s28+$0x10] =	vst v17;
	v9 =	vor.u32 v1, v25;
	v25 =	vld.idx.msk [tilespmem:v28+s2+$0x0], $0xffff  }
0x192: {  	s11 =	simm.s32 $0x25;
	v22 =	vbroadcast v22, $0x0;
	v6 =	vor.u32 v0, v35;
	v33 =	vld.idx.msk [tilespmem:v18+s2+$0x0], $0xffff;
	v29 =	vor.u32 v0, v20  }
0x193: {  	v13 =	vand.u32 $0x79, v13;
	v28 =	vor.u32 v1, v20;
	v20 =	vmov s11;
	v31 =	vld.idx.msk [tilespmem:v31+s2+$0x0], $0xffff;
	[tilespmem:s28+$0xFFFFFF20] =	vst v30  }
0x194: {  	s30 =	simm.s32 $0x16;
	v39 =	vbroadcast v16, $0x0;
	v41 =	vbroadcast v13, $0x0;
	v16 =	vand.u32 $0x75, v20;
	v20 =	vld.idx.msk [tilespmem:v8+s2+$0x0], $0xffff  }
0x195: {  	v7 =	vmov s30;
	v37 =	vor.u32 v0, v22;
	v10 =	vor.u32 v1, v22;
	v36 =	vld.idx.msk [tilespmem:v36+s2+$0x0], $0xffff  }
0x196: {  	s10 =	simm.s32 $0x21;
	s29 =	simm.s32 $0x12;
	v7 =	vand.u32 $0x76, v7;
	v40 =	vor.u32 v0, v39;
	v13 =	vor.u32 v0, v41;
	[tilespmem:s0+$0xFFFFFF40] =	vst v15;
	v12 =	vld.idx.msk [tilespmem:v61+s2+$0x0], $0xffff  }
0x197: {  	v30 =	vmov s29;
	v17 =	vor.u32 v1, v41;
	v15 =	vmov s10;
	[tilespmem:s0+$0x40] =	vst v26;
	v29 =	vld.idx.msk [tilespmem:v29+s2+$0x0], $0xffff  }
0x198: {  	s23 =	simm.s32 $0x2D;
	s13 =	simm.s32 $0xF;
	v8 =	vor.u32 v1, v35;
	v26 =	vbroadcast v16, $0x0;
	[tilespmem:s28+$0x90] =	vst v44;
	v15 =	vand.u32 $0x71, v15;
	v63 =	vld.idx.msk [tilespmem:v14+s2+$0x0], $0xffff  }
0x199: {  	s24 =	simm.s32 $0x7;
	v14 =	vor.u32 v1, v27;
	v24 =	vld.idx.msk [tilespmem:v24+s2+$0x0], $0xffff;
	[tilespmem:s28+$0xFFFFFF90] =	vst v25;
	v25 =	vmov s13;
	v27 =	vmov s23  }
0x19a: {  	s10 =	simm.s32 $0x2500;
	[tilespmem:s0+$0xFFFFFFC0] =	vst v62;
	v15 =	vbroadcast v15, $0x0;
	v11 =	vor.u32 v0, v26;
	v42 =	vld.idx.msk [tilespmem:v19+s2+$0x0], $0xffff;
	v19 =	vmov s24  }
0x19b: {  	v25 =	vand.u32 $0x7F, v25;
	v27 =	vand.u32 $0x7D, v27;
	v43 =	vld.idx.msk [tilespmem:v23+s2+$0x0], $0xffff;
	[tilespmem:s10+$0xFFFFFF00] =	vst v31;
	v23 =	vand.u32 $0x77, v19  }
0x19c: {  	v22 =	vld.idx.msk [tilespmem:v37+s2+$0x0], $0xffff;
	v19 =	vbroadcast v27, $0x0;
	v27 =	vand.u32 $0x72, v30;
	v32 =	vbroadcast v25, $0x0;
	[tilespmem:s0+$0xC0] =	vst v29  }
0x19d: {  	s31 =	simm.s32 $0x1B;
	v16 =	vor.u32 v0, v15;
	v45 =	vbroadcast v23, $0x0;
	[tilespmem:s28+$0xFFFFFF30] =	vst v20;
	v20 =	vbroadcast v27, $0x0;
	v35 =	vld.idx.msk [tilespmem:v28+s2+$0x0], $0xffff  }
0x19e: {  	v31 =	vld.idx.msk [tilespmem:v38+s2+$0x0], $0xffff;
	v23 =	vbroadcast v7, $0x0;
	v7 =	vmov s31;
	v25 =	vor.u32 v0, v19;
	[tilespmem:s0+$0xFFFFFF50] =	vst v63  }
0x19f: {  	v37 =	vor.u32 v0, v32;
	v30 =	vor.u32 v0, v45;
	[tilespmem:s0+$0x50] =	vst v24;
	v27 =	vor.u32 v0, v20  }
0x1a0: {  	s1 =	simm.s32 $0x2500;
	s5 =	simm.s32 $0x3F;
	s12 =	simm.s32 $0x8;
	v7 =	vand.u32 $0x7B, v7;
	v24 =	vor.u32 v1, v26;
	v26 =	vor.u32 v0, v23;
	v34 =	vld.idx.msk [tilespmem:v34+s2+$0x0], $0xffff;
	[tilespmem:s28+$0xFFFFFFA0] =	vst v42  }
0x1a1: {  	s11 =	simm.s32 $0x1F;
	s13 =	simm.s32 $0x2A;
	s24 =	simm.s32 $0x2F;
	v7 =	vbroadcast v7, $0x0;
	v29 =	vor.u32 v1, v39;
	v38 =	vld.idx.msk [tilespmem:v40+s2+$0x0], $0xffff;
	[tilespmem:s0+$0xFFFFFFD0] =	vst v43;
	v28 =	vor.u32 v1, v45  }
.LBB2_14:
0x1a2: {  	s4 =	sadd.s32 $0xFFFFFFF1, s5;
	s23 =	sadd.s32 $0xFFFFFFF9, s5;
	s12 =	sadd.s32 $0x4, s12;
	v39 =	vmov s13;
	v19 =	vor.u32 v1, v19;
	v40 =	vld.idx.msk [tilespmem:v3+s2+$0x0], $0xffff;
	[tilespmem:s0+$0xD0] =	vst v35;
	v32 =	vor.u32 v1, v32;
	v3 =	vmovc v25  }
0x1a3: {  	v25 =	vmov s4;
	s4 =	sadd.s32 $0xFFFFFFF5, s5;
	v35 =	vmov s23;
	p3 =	slt.u32 s12, $0x1C;
	[tilespmem:s10+$0x80] =	vst v22;
	v22 =	vld.idx.msk [tilespmem:v5+s2+$0x0], $0xffff;
	v18 =	vor.u32 v0, v7;
	v5 =	vmovc v24  }
0x1a4: {  	v24 =	vand.u32 $0x70, v25;
	v25 =	vmov s4;
	[tilespmem:s10+$0xFFFFFF10] =	vst v31;
	v31 =	vand.u32 $0x7A, v39;
	v37 =	vld.idx.msk [tilespmem:v37+s2+$0x0], $0xffff  }
0x1a5: {  	v35 =	vand.u32 $0x78, v35;
	s4 =	sadd.s32 $0xFFFFFFFD, s5;
	v24 =	vbroadcast v24, $0x0;
	v25 =	vand.u32 $0x74, v25;
	v16 =	vld.idx.msk [tilespmem:v16+s2+$0x0], $0xffff;
	[tilespmem:s0+$0x60] =	vst v34  }
0x1a6: {  	v34 =	vmov s4;
	v31 =	vbroadcast v31, $0x0;
	v25 =	vbroadcast v25, $0x0;
	[tilespmem:s0+$0xFFFFFF60] =	vst v38;
	v38 =	vld.idx.msk [tilespmem:v21+s2+$0x0], $0xffff  }
0x1a7: {  	v35 =	vbroadcast v35, $0x0;
	v34 =	vand.u32 $0x7C, v34;
	v39 =	vor.u32 v0, v24;
	[tilespmem:s28+$0x20] =	vst v33;
	v30 =	vld.idx.msk [tilespmem:v30+s2+$0x0], $0xffff  }
0x1a8: {  	v23 =	vor.u32 v1, v23;
	v33 =	vbroadcast v34, $0x0;
	v21 =	vor.u32 v0, v25;
	[tilespmem:s10+$0xFFFFFF80] =	vst v36;
	v34 =	vld.idx.msk [tilespmem:v4+s2+$0x0], $0xffff  }
0x1a9: {  	v20 =	vor.u32 v1, v20;
	s4 =	sadd.s32 $0xFFFFFFFF, s11;
	v36 =	vor.u32 v0, v35;
	v4 =	vmov v17;
	v27 =	vld.idx.msk [tilespmem:v27+s2+$0x0], $0xffff;
	[tilespmem:s28+$0xFFFFFFB0] =	vst v22  }
0x1aa: {  	v17 =	vor.u32 v0, v33;
	v22 =	vmov s4;
	v29 =	vld.idx.msk [tilespmem:v29+s2+$0x0], $0xffff;
	[tilespmem:s0+$0xE0] =	vst v37  }
0x1ab: {  	[tilespmem:s10+$0xFFFFFF20] =	vst v16;
	v16 =	vand.u32 $0x7E, v22;
	v22 =	vld.idx.msk [tilespmem:v32+s2+$0x0], $0xffff  }
0x1ac: {  	v26 =	vld.idx.msk [tilespmem:v26+s2+$0x0], $0xffff;
	[tilespmem:s28+$0xA0] =	vst v40;
	v16 =	vbroadcast v16, $0x0  }
0x1ad: {  	v32 =	vor.u32 v0, v31;
	v37 =	vld.idx.msk [tilespmem:v2+s2+$0x0], $0xffff;
	[tilespmem:s0+$0xFFFFFFE0] =	vst v30;
	v2 =	vmov v19  }
0x1ae: {  	v24 =	vor.u32 v1, v24;
	[tilespmem:s28+$0x30] =	vst v34;
	v19 =	vor.u32 v0, v16;
	v28 =	vld.idx.msk [tilespmem:v28+s2+$0x0], $0xffff  }
0x1af: {  	v25 =	vor.u32 v1, v25;
	s4 =	sadd.s32 $0xFFFFFFF4, s11;
	v30 =	vor.u32 v1, v15;
	[tilespmem:s28+$0xFFFFFF40] =	vst v27;
	v27 =	vld.idx.msk [tilespmem:v6+s2+$0x0], $0xffff;
	v6 =	vmov v32  }
0x1b0: {  	s13 =	sadd.s32 $0xFFFFFFF2, s5;
	v15 =	vmov s4;
	v34 =	vor.u32 v1, v16;
	v32 =	vld.idx.msk [tilespmem:v39+s2+$0x0], $0xffff;
	[tilespmem:s0+$0x70] =	vst v38  }
0x1b1: {  	v33 =	vor.u32 v1, v33;
	s10 =	sadd.s32 $0x200, s10;
	s4 =	sadd.s32 $0xFFFFFFF6, s5;
	v16 =	vmov s13;
	v15 =	vand.u32 $0x73, v15;
	v38 =	vld.idx.msk [tilespmem:v9+s2+$0x0], $0xffff;
	[tilespmem:s0+$0xFFFFFF70] =	vst v29;
	v9 =	vmovc v25  }
0x1b2: {  	v16 =	vand.u32 $0x71, v16;
	v25 =	vmov s4;
	v29 =	vld.idx.msk [tilespmem:v36+s2+$0x0], $0xffff;
	v36 =	vbroadcast v15, $0x0;
	[tilespmem:s0+$0xF0] =	vst v22  }
0x1b3: {  	s4 =	sadd.s32 $0xFFFFFFFA, s5;
	v15 =	vbroadcast v16, $0x0;
	v16 =	vand.u32 $0x75, v25;
	v25 =	vor.u32 v1, v35;
	v20 =	vld.idx.msk [tilespmem:v20+s2+$0x0], $0xffff;
	[tilespmem:s28+$0xB0] =	vst v37  }
0x1b4: {  	v22 =	vmov s4;
	v39 =	vbroadcast v16, $0x0;
	v40 =	vor.u32 v0, v36;
	v35 =	vld.idx.msk [tilespmem:v19+s2+$0x0], $0xffff;
	[tilespmem:s0+$0xFFFFFFF0] =	vst v28;
	s0 =	smov.u32 s28;
	s28 =	smov.u32 s1;
	s1 =	smov.u32 s10  }
0x1b5: {  	v16 =	vor.u32 v0, v15;
	v19 =	vand.u32 $0x79, v22;
	v22 =	vor.u32 v1, v31;
	v28 =	vld.idx.msk [tilespmem:v30+s2+$0x0], $0xffff;
	[tilespmem:s0+$0x40] =	vst v27  }
0x1b6: {  	v27 =	vor.u32 v0, v39;
	v41 =	vbroadcast v19, $0x0;
	[tilespmem:s10+$0xFFFFFF00] =	vst v32;
	v37 =	vld.idx.msk [tilespmem:v8+s2+$0x0], $0xffff;
	v8 =	vmov v22  }
0x1b7: {  	v22 =	vld.idx.msk [tilespmem:v17+s2+$0x0], $0xffff;
	[tilespmem:s28+$0x0] =	vst v12  }
0x1b8: {  	s13 =	sadd.s32 $0xFFFFFFF8, s11;
	s4 =	sadd.s32 $0xFFFFFFFE, s5;
	v19 =	vmov s11;
	s11 =	smov.u32 s24;
	v42 =	vor.u32 v0, v41;
	v12 =	vmovc v29;
	[tilespmem:s28+$0xFFFFFF90] =	vst v38;
	v17 =	vld.idx.msk [tilespmem:v14+s2+$0x0], $0xffff;
	v14 =	vmov v25  }
0x1b9: {  	s24 =	smov.u32 s5;
	v30 =	vand.u32 $0x7F, v19;
	v25 =	vmov s4;
	s4 =	sadd.s32 $0xFFFFFFF3, s11;
	v29 =	vld.idx.msk [tilespmem:v11+s2+$0x0], $0xffff;
	[tilespmem:s0+$0xFFFFFFC0] =	vst v26;
	v26 =	vmov s13;
	v11 =	vmovc v27  }
0x1ba: {  	v19 =	vand.u32 $0x7D, v25;
	v25 =	vmov s4;
	[tilespmem:s0+$0xFFFFFF50] =	vst v20;
	v43 =	vld.idx.msk [tilespmem:v23+s2+$0x0], $0xffff;
	v20 =	vand.u32 $0x77, v26  }
0x1bb: {  	s4 =	sadd.s32 $0xFFFFFFF7, s11;
	v19 =	vbroadcast v19, $0x0;
	v23 =	vand.u32 $0x72, v25;
	v44 =	vld.idx.msk [tilespmem:v10+s2+$0x0], $0xffff;
	v45 =	vbroadcast v20, $0x0;
	[tilespmem:s0+$0xC0] =	vst v35;
	v10 =	vmovc v33  }
0x1bc: {  	v32 =	vbroadcast v30, $0x0;
	v20 =	vbroadcast v23, $0x0;
	v23 =	vmov s4;
	[tilespmem:s28+$0xFFFFFF30] =	vst v28;
	v35 =	vld.idx.msk [tilespmem:v34+s2+$0x0], $0xffff  }
.Ltmp10:
0x1bd: {  	v25 =	vor.u32 v0, v19;
	v23 =	vand.u32 $0x76, v23;
	v31 =	vld.idx.msk [tilespmem:v24+s2+$0x0], $0xffff;
	v30 =	vor.u32 v0, v45;
	[tilespmem:s0+$0x50] =	vst v37;
	(pc) =	sbr.rel @p3 .LBB2_14-.Ltmp10, $4  }
0x1be: {  	s4 =	sadd.s32 $0xFFFFFFFC, s11;
	v27 =	vor.u32 v0, v20;
	v23 =	vbroadcast v23, $0x0;
	v37 =	vor.u32 v0, v32;
	[tilespmem:s28+$0x10] =	vst v17;
	v34 =	vld.idx.msk [tilespmem:v18+s2+$0x0], $0xffff  }
0x1bf: {  	v17 =	vor.u32 v1, v41;
	v18 =	vmov s4;
	[tilespmem:s28+$0xFFFFFFA0] =	vst v29;
	v33 =	vld.idx.msk [tilespmem:v13+s2+$0x0], $0xffff;
	v29 =	vor.u32 v1, v36;
	v13 =	vmovc v42  }
0x1c0: {  	v24 =	vor.u32 v1, v39;
	v26 =	vor.u32 v0, v23;
	v18 =	vand.u32 $0x7B, v18;
	v38 =	vld.idx.msk [tilespmem:v40+s2+$0x0], $0xffff;
	[tilespmem:s0+$0xFFFFFFD0] =	vst v43  }
0x1c1: {  	s5 =	sadd.s32 $0x10, s5;
	s13 =	sadd.s32 $0xFFFFFFFB, s24;
	v28 =	vor.u32 v1, v45;
	v36 =	vld.idx.msk [tilespmem:v21+s2+$0x0], $0xffff;
	[tilespmem:s28+$0x90] =	vst v44;
	v21 =	vor.u32 v1, v7;
	v7 =	vbroadcast v18, $0x0  }
0x1c2: {  	_ = 	snop  }
0x1c3: {  	[tilespmem:s0+$0xD0] =	vst v35  }
0x1c4: {  	[tilespmem:s10+$0x80] =	vst v22  }
0x1c5: {  	[tilespmem:s10+$0xFFFFFF10] =	vst v31  }
0x1c6: {  	v5 =	vld.idx.msk [tilespmem:v5+s2+$0x0], $0xffff;
	[tilespmem:s1+$0x0] =	vst v12  }
0x1c7: {  	v3 =	vld.idx.msk [tilespmem:v3+s2+$0x0], $0xffff;
	[tilespmem:s0+$0x60] =	vst v34  }
0x1c8: {  	v45 =	vld.idx.msk [tilespmem:v30+s2+$0x0], $0xffff;
	[tilespmem:s28+$0x20] =	vst v33  }
0x1c9: {  	v47 =	vld.idx.msk [tilespmem:v27+s2+$0x0], $0xffff;
	[tilespmem:s0+$0xFFFFFF60] =	vst v38  }
0x1ca: {  	v18 =	vld.idx.msk [tilespmem:v37+s2+$0x0], $0xffff;
	[tilespmem:s10+$0xFFFFFF80] =	vst v36  }
0x1cb: {  	v16 =	vld.idx.msk [tilespmem:v16+s2+$0x0], $0xffff;
	[tilespmem:s28+$0xFFFFFFB0] =	vst v5  }
0x1cc: {  	v48 =	vld.idx.msk [tilespmem:v21+s2+$0x0], $0xffff;
	[tilespmem:s28+$0xA0] =	vst v3  }
0x1cd: {  	v4 =	vld.idx.msk [tilespmem:v4+s2+$0x0], $0xffff;
	[tilespmem:s0+$0xFFFFFFE0] =	vst v45  }
0x1ce: {  	v53 =	vor.u32 v1, v20;
	v3 =	vld.idx.msk [tilespmem:v29+s2+$0x0], $0xffff;
	[tilespmem:s28+$0xFFFFFF40] =	vst v47  }
0x1cf: {  	v9 =	vld.idx.msk [tilespmem:v9+s2+$0x0], $0xffff;
	[tilespmem:s0+$0xE0] =	vst v18  }
0x1d0: {  	v46 =	vor.u32 v1, v32;
	[tilespmem:s10+$0xFFFFFF20] =	vst v16;
	v2 =	vld.idx.msk [tilespmem:v2+s2+$0x0], $0xffff  }
0x1d1: {  	s4 =	sadd.s32 $0xFFFFFFFF, s11;
	v52 =	vld.idx.msk [tilespmem:v28+s2+$0x0], $0xffff;
	[tilespmem:s0+$0x70] =	vst v48  }
0x1d2: {  	v49 =	vmov s4;
	v56 =	vld.idx.msk [tilespmem:v26+s2+$0x0], $0xffff;
	[tilespmem:s28+$0x30] =	vst v4  }
0x1d3: {  	v55 =	vor.u32 v1, v15;
	s4 =	sadd.s32 $0xFFFFFFF4, s11;
	v51 =	vand.u32 $0x7E, v49;
	v57 =	vld.idx.msk [tilespmem:v53+s2+$0x0], $0xffff;
	[tilespmem:s0+$0xFFFFFF70] =	vst v3  }
0x1d4: {  	v60 =	vmov s4;
	v4 =	vbroadcast v51, $0x0;
	v3 =	vld.idx.msk [tilespmem:v14+s2+$0x0], $0xffff;
	[tilespmem:s1+$0xFFFFFF90] =	vst v9  }
0x1d5: {  	v62 =	vand.u32 $0x73, v60;
	v50 =	vld.idx.msk [tilespmem:v46+s2+$0x0], $0xffff;
	[tilespmem:s28+$0xB0] =	vst v2  }
0x1d6: {  	v63 =	vbroadcast v62, $0x0;
	v54 =	vor.u32 v0, v4;
	v2 =	vld.idx.msk [tilespmem:v10+s2+$0x0], $0xffff;
	[tilespmem:s0+$0xFFFFFFF0] =	vst v52  }
0x1d7: {  	v6 =	vld.idx.msk [tilespmem:v6+s2+$0x0], $0xffff;
	[tilespmem:s28+$0xFFFFFFC0] =	vst v56  }
0x1d8: {  	v30 =	vor.u32 v0, v63;
	v14 =	vld.idx.msk [tilespmem:v55+s2+$0x0], $0xffff;
	[tilespmem:s28+$0xFFFFFF50] =	vst v57  }
0x1d9: {  	s5 =	sadd.s32 $0xFFFFFFF3, s24;
	v11 =	vld.idx.msk [tilespmem:v11+s2+$0x0], $0xffff;
	[tilespmem:s1+$0x10] =	vst v3  }
0x1da: {  	s12 =	sadd.s32 $0xFFFFFFF7, s24;
	v31 =	vmov s5;
	[tilespmem:s0+$0xF0] =	vst v50;
	v3 =	vmov s13;
	v61 =	vld.idx.msk [tilespmem:v13+s2+$0x0], $0xffff  }
0x1db: {  	v35 =	vmov s12;
	v18 =	vand.u32 $0x72, v31;
	v58 =	vld.idx.msk [tilespmem:v54+s2+$0x0], $0xffff;
	v3 =	vand.u32 $0x7A, v3;
	[tilespmem:s1+$0x90] =	vst v2  }
0x1dc: {  	v34 =	vbroadcast v18, $0x0;
	[tilespmem:s28+$0x40] =	vst v6;
	v2 =	vbroadcast v3, $0x0;
	v3 =	vor.u32 v1, v4;
	v26 =	vld.idx.msk [tilespmem:v25+s2+$0x0], $0xffff  }
0x1dd: {  	v27 =	vor.u32 v1, v19;
	v18 =	vand.u32 $0x76, v35;
	v16 =	vld.idx.msk [tilespmem:v30+s2+$0x0], $0xffff;
	[tilespmem:s1+$0xFFFFFF30] =	vst v14  }
0x1de: {  	s10 =	sadd.s32 $0xFFFFFFFF, s24;
	v18 =	vbroadcast v18, $0x0;
	v37 =	vor.u32 v0, v34;
	v8 =	vld.idx.msk [tilespmem:v8+s2+$0x0], $0xffff;
	[tilespmem:s1+$0xFFFFFFA0] =	vst v11  }
0x1df: {  	v59 =	vor.u32 v1, v23;
	v33 =	vmov s10;
	v40 =	vld.idx.msk [tilespmem:v24+s2+$0x0], $0xffff;
	[tilespmem:s1+$0x20] =	vst v61  }
0x1e0: {  	v9 =	vand.u32 $0x7E, v33;
	v42 =	vor.u32 v0, v18;
	[tilespmem:s28+$0xC0] =	vst v58;
	v17 =	vld.idx.msk [tilespmem:v17+s2+$0x0], $0xffff  }
0x1e1: {  	v9 =	vbroadcast v9, $0x0;
	v29 =	vor.u32 v0, v2;
	v3 =	vld.idx.msk [tilespmem:v3+s2+$0x0], $0xffff;
	[tilespmem:s1+$0xA0] =	vst v26  }
0x1e2: {  	v28 =	vor.u32 v0, v7;
	s13 =	sadd.s32 $0xFFFFFFF8, s11;
	[tilespmem:s28+$0xFFFFFF60] =	vst v16;
	v38 =	vld.idx.msk [tilespmem:v27+s2+$0x0], $0xffff  }
0x1e3: {  	v41 =	vor.u32 v0, v9;
	v36 =	vmov s13;
	v45 =	vld.idx.msk [tilespmem:v37+s2+$0x0], $0xffff;
	[tilespmem:s28+$0x50] =	vst v8  }
0x1e4: {  	v47 =	vor.u32 v1, v34;
	v12 =	vld.idx.msk [tilespmem:v59+s2+$0x0], $0xffff;
	v39 =	vand.u32 $0x77, v36;
	[tilespmem:s1+$0xFFFFFFB0] =	vst v40  }
0x1e5: {  	v32 =	vmov s11;
	v4 =	vor.u32 v1, v63;
	v13 =	vbroadcast v39, $0x0;
	v49 =	vld.idx.msk [tilespmem:v42+s2+$0x0], $0xffff;
	[tilespmem:s1+$0x30] =	vst v17  }
0x1e6: {  	s29 =	sadd.s32 $0xFFFFFFF4, s24;
	v50 =	vor.u32 v1, v18;
	v6 =	vand.u32 $0x7F, v32;
	[tilespmem:s28+$0xD0] =	vst v3;
	v3 =	vld.idx.msk [tilespmem:v29+s2+$0x0], $0xffff  }
0x1e7: {  	s30 =	sadd.s32 $0xFFFFFFF8, s24;
	v51 =	vmov s29;
	v6 =	vbroadcast v6, $0x0;
	v44 =	vor.u32 v0, v13;
	v15 =	vld.idx.msk [tilespmem:v28+s2+$0x0], $0xffff;
	[tilespmem:s1+$0xB0] =	vst v38  }
0x1e8: {  	v54 =	vmov s30;
	v16 =	vand.u32 $0x73, v51;
	v2 =	vor.u32 v1, v2;
	[tilespmem:s1+$0xFFFFFF40] =	vst v45;
	v48 =	vld.idx.msk [tilespmem:v41+s2+$0x0], $0xffff  }
0x1e9: {  	s23 =	sadd.s32 $0xFFFFFFFC, s24;
	v9 =	vor.u32 v1, v9;
	[tilespmem:s28+$0xFFFFFFD0] =	vst v12;
	v53 =	vbroadcast v16, $0x0;
	v16 =	vand.u32 $0x77, v54;
	v11 =	vld.idx.msk [tilespmem:v47+s2+$0x0], $0xffff  }
0x1ea: {  	v46 =	vmov s23;
	v43 =	vor.u32 v0, v6;
	v57 =	vbroadcast v16, $0x0;
	v4 =	vld.idx.msk [tilespmem:v4+s2+$0x0], $0xffff;
	[tilespmem:s1+$0xFFFFFFC0] =	vst v49  }
0x1eb: {  	v10 =	vand.u32 $0x7B, v46;
	v56 =	vor.u32 v0, v53;
	v58 =	vld.idx.msk [tilespmem:v50+s2+$0x0], $0xffff;
	[tilespmem:s1+$0x40] =	vst v3;
	v3 =	vmov s24  }
0x1ec: {  	v10 =	vbroadcast v10, $0x0;
	v16 =	vor.u32 v0, v57;
	[tilespmem:s28+$0x60] =	vst v15;
	v17 =	vld.idx.msk [tilespmem:v44+s2+$0x0], $0xffff;
	v3 =	vand.u32 $0x7F, v3  }
0x1ed: {  	v52 =	vor.u32 v1, v7;
	v2 =	vld.idx.msk [tilespmem:v2+s2+$0x0], $0xffff;
	[tilespmem:s1+$0xC0] =	vst v48;
	v3 =	vbroadcast v3, $0x0  }
0x1ee: {  	v55 =	vor.u32 v0, v10;
	[tilespmem:s1+$0xFFFFFF50] =	vst v11;
	v9 =	vld.idx.msk [tilespmem:v9+s2+$0x0], $0xffff  }
0x1ef: {  	[tilespmem:s28+$0xFFFFFF70] =	vst v4;
	v12 =	vld.idx.msk [tilespmem:v43+s2+$0x0], $0xffff;
	v59 =	vor.u32 v0, v3  }
0x1f0: {  	v6 =	vor.u32 v1, v6;
	v8 =	vld.idx.msk [tilespmem:v56+s2+$0x0], $0xffff;
	[tilespmem:s1+$0xFFFFFFD0] =	vst v58  }
0x1f1: {  	v5 =	vor.u32 v1, v53;
	[tilespmem:s28+$0xFFFFFFE0] =	vst v17;
	v61 =	vld.idx.msk [tilespmem:v16+s2+$0x0], $0xffff  }
0x1f2: {  	v62 =	vor.u32 v1, v57;
	v7 =	vld.idx.msk [tilespmem:v52+s2+$0x0], $0xffff;
	[tilespmem:s1+$0x50] =	vst v2  }
0x1f3: {  	v2 =	vor.u32 v1, v13;
	v60 =	vld.idx.msk [tilespmem:v55+s2+$0x0], $0xffff;
	[tilespmem:s1+$0xD0] =	vst v9  }
0x1f4: {  	v10 =	vor.u32 v1, v10;
	[tilespmem:s28+$0xE0] =	vst v12;
	v9 =	vld.idx.msk [tilespmem:v59+s2+$0x0], $0xffff  }
0x1f5: {  	[tilespmem:s1+$0xFFFFFF60] =	vst v8;
	v6 =	vld.idx.msk [tilespmem:v6+s2+$0x0], $0xffff;
	v3 =	vor.u32 v1, v3  }
0x1f6: {  	v5 =	vld.idx.msk [tilespmem:v5+s2+$0x0], $0xffff;
	[tilespmem:s1+$0xFFFFFFE0] =	vst v61  }
0x1f7: {  	[tilespmem:s28+$0x70] =	vst v7;
	v4 =	vld.idx.msk [tilespmem:v62+s2+$0x0], $0xffff  }
0x1f8: {  	v2 =	vld.idx.msk [tilespmem:v2+s2+$0x0], $0xffff;
	[tilespmem:s1+$0x60] =	vst v60  }
0x1f9: {  	v63 =	vld.idx.msk [tilespmem:v10+s2+$0x0], $0xffff;
	[tilespmem:s1+$0xE0] =	vst v9  }
0x1fa: {  	[tilespmem:s28+$0xF0] =	vst v6;
	v3 =	vld.idx.msk [tilespmem:v3+s2+$0x0], $0xffff  }
0x1fb: {  	[tilespmem:s1+$0xFFFFFF70] =	vst v5  }
0x1fc: {  	[tilespmem:s1+$0xFFFFFFF0] =	vst v4  }
0x1fd: {  	[tilespmem:s28+$0xFFFFFFF0] =	vst v2  }
0x1fe: {  	[tilespmem:s1+$0x70] =	vst v63  }
0x1ff: {  	[tilespmem:s1+$0xF0] =	vst v3  }
0x200: {  	s31 =	rddreg [dreg:$0x5]  }
0x201: {  	[hbm4b:s31+s2] =	stream.linear.scatter [tilespmem:s18], [sflag:$0x3], $0x1000, $0x38;
	[tilespmem:$0x5800] =	vst v63  }
.LBB2_16:
.Ltmp11:
0x202: {  	(pc) =	sbr.rel @p2 .LBB2_20-.Ltmp11, $1  }
0x203: {  	_ =	sdelay $0x3  }
0x204: {  	s0 =	simm.s32 $0x0;
	s31 =	simm.s32 $0x8  }
0x205: {  	s1 =	simm.s32 $0x4;
	s4 =	simm.s32 $0x1;
	s10 =	simm.s32 $0x5;
	v2 =	vmov s0;
	v3 =	vmov s31  }
0x206: {  	s11 =	simm.s32 $0x9;
	s12 =	simm.s32 $0xD;
	s23 =	simm.s32 $0x10;
	v4 =	vmov s1;
	v9 =	vmov s4;
	v11 =	vmov s10  }
0x207: {  	s24 =	simm.s32 $0x18;
	s29 =	simm.s32 $0x14;
	v12 =	vmov s11;
	v13 =	vmov s12;
	v17 =	vmov s23  }
0x208: {  	s30 =	simm.s32 $0x1C;
	v18 =	vmov s24;
	v19 =	vmov s29;
	v2 =	vand.u32 $0x70, v2  }
0x209: {  	s1 =	simm.s32 $0xC;
	v21 =	vmov s30;
	v4 =	vand.u32 $0x74, v4;
	v2 =	vbroadcast v2, $0x0  }
0x20a: {  	s5 =	rddreg [dreg:$0x6];
	v3 =	vand.u32 $0x78, v3;
	v5 =	vmov s1;
	v4 =	vbroadcast v4, $0x0  }
0x20b: {  	[tilespmem:s22], [sflag:$0x5] =	stream.strided.gather [hbm4b:s5+s14], $0x1000, s15, s14, $0x38;
	v9 =	vand.u32 $0x71, v9;
	v3 =	vbroadcast v3, $0x0;
	v6 =	vor.u32 v0, v2;
	[tilespmem:$0x5800] =	vst v63  }
0x20c: {  	s4 =	simm.s32 $0x5;
	v11 =	vand.u32 $0x75, v11;
	v5 =	vand.u32 $0x7C, v5;
	v7 =	vor.u32 v0, v4  }
0x20d: {  	_ =	swait.ge [sflag:s4], $0x1000;
	v12 =	vand.u32 $0x79, v12;
	v5 =	vbroadcast v5, $0x0;
	v8 =	vor.u32 v0, v3  }
0x20e: {  	v13 =	vand.u32 $0x7D, v13;
	v17 =	vand.u32 $0x70, v17;
	v9 =	vbroadcast v9, $0x0;
	[sflag:s4] =	ssyncset.done $0x0  }
0x20f: {  	v11 =	vbroadcast v11, $0x0;
	v12 =	vbroadcast v12, $0x0;
	[sflag:s4] =	ssyncadd.s32 $0xFFFFF000;
	v10 =	vor.u32 v0, v5  }
0x210: {  	v19 =	vand.u32 $0x74, v19;
	v13 =	vbroadcast v13, $0x0;
	v17 =	vbroadcast v17, $0x0;
	v6 =	vld.idx.msk [tilespmem:v6+s22+$0x0], $0xffff  }
0x211: {  	v2 =	vor.u32 v1, v2;
	v4 =	vor.u32 v1, v4;
	v3 =	vor.u32 v1, v3;
	v7 =	vld.idx.msk [tilespmem:v7+s22+$0x0], $0xffff  }
0x212: {  	v14 =	vor.u32 v0, v9;
	v15 =	vor.u32 v0, v11;
	v16 =	vor.u32 v0, v12;
	v8 =	vld.idx.msk [tilespmem:v8+s22+$0x0], $0xffff  }
0x213: {  	s13 =	simm.s32 $0xA;
	v20 =	vor.u32 v0, v13;
	v12 =	vor.u32 v1, v12;
	v22 =	vor.u32 v1, v11  }
0x214: {  	s0 =	simm.s32 $0x5100;
	v11 =	vmov s13;
	v13 =	vor.u32 v1, v13;
	v5 =	vor.u32 v1, v5;
	v10 =	vld.idx.msk [tilespmem:v10+s22+$0x0], $0xffff  }
0x215: {  	v11 =	vand.u32 $0x7A, v11;
	[tilespmem:s0+$0xFFFFFF00] =	vst v6;
	v6 =	vand.u32 $0x78, v18;
	v18 =	vbroadcast v19, $0x0  }
0x216: {  	s31 =	simm.s32 $0x11;
	s4 =	simm.s32 $0x15;
	v19 =	vand.u32 $0x7C, v21;
	v21 =	vbroadcast v11, $0x0;
	v11 =	vor.u32 v0, v17;
	[tilespmem:s0+$0xFFFFFF80] =	vst v7;
	v2 =	vld.idx.msk [tilespmem:v2+s22+$0x0], $0xffff  }
0x217: {  	v27 =	vor.u32 v1, v17;
	v7 =	vmov s31;
	v17 =	vmov s4;
	[tilespmem:s0+$0x0] =	vst v8;
	v4 =	vld.idx.msk [tilespmem:v4+s22+$0x0], $0xffff  }
0x218: {  	s31 =	simm.s32 $0x2C;
	v6 =	vbroadcast v6, $0x0;
	v19 =	vbroadcast v19, $0x0;
	v7 =	vand.u32 $0x71, v7;
	v3 =	vld.idx.msk [tilespmem:v3+s22+$0x0], $0xffff  }
0x219: {  	s5 =	simm.s32 $0x19;
	[tilespmem:s0+$0x80] =	vst v10;
	v60 =	vmov s31;
	v23 =	vor.u32 v0, v18;
	v26 =	vor.u32 v0, v21  }
0x21a: {  	s12 =	simm.s32 $0x6;
	v28 =	vor.u32 v1, v18;
	v8 =	vbroadcast v7, $0x0;
	v18 =	vmov s5;
	v31 =	vld.idx.msk [tilespmem:v5+s22+$0x0], $0xffff  }
0x21b: {  	v5 =	vmov s12;
	v24 =	vor.u32 v0, v6;
	v18 =	vand.u32 $0x79, v18;
	v29 =	vld.idx.msk [tilespmem:v11+s22+$0x0], $0xffff;
	[tilespmem:s0+$0xFFFFFF10] =	vst v2  }
0x21c: {  	s11 =	simm.s32 $0x2;
	v25 =	vor.u32 v0, v19;
	v7 =	vor.u32 v1, v19;
	v10 =	vbroadcast v18, $0x0;
	[tilespmem:s0+$0xFFFFFF90] =	vst v4;
	v14 =	vld.idx.msk [tilespmem:v14+s22+$0x0], $0xffff  }
0x21d: {  	s10 =	simm.s32 $0x1D;
	v18 =	vmov s11;
	v2 =	vor.u32 v1, v9;
	v9 =	vand.u32 $0x75, v17;
	[tilespmem:s0+$0x10] =	vst v3;
	v15 =	vld.idx.msk [tilespmem:v15+s22+$0x0], $0xffff  }
0x21e: {  	v17 =	vor.u32 v1, v6;
	v6 =	vor.u32 v0, v8;
	v4 =	vmov s10;
	v16 =	vld.idx.msk [tilespmem:v16+s22+$0x0], $0xffff  }
0x21f: {  	s29 =	simm.s32 $0x24;
	v8 =	vor.u32 v1, v8;
	v9 =	vbroadcast v9, $0x0;
	v4 =	vand.u32 $0x7D, v4;
	v23 =	vld.idx.msk [tilespmem:v23+s22+$0x0], $0xffff  }
0x220: {  	s28 =	simm.s32 $0x5300;
	[tilespmem:s0+$0x90] =	vst v31;
	v31 =	vmov s29;
	v11 =	vld.idx.msk [tilespmem:v24+s22+$0x0], $0xffff;
	v24 =	vor.u32 v1, v21;
	v30 =	vbroadcast v4, $0x0  }
0x221: {  	v4 =	vand.u32 $0x72, v18;
	v18 =	vor.u32 v0, v10;
	v20 =	vld.idx.msk [tilespmem:v20+s22+$0x0], $0xffff;
	v19 =	vor.u32 v0, v9;
	[tilespmem:s28+$0xFFFFFF00] =	vst v29  }
0x222: {  	s23 =	simm.s32 $0x1A;
	v3 =	vor.u32 v0, v30;
	v27 =	vld.idx.msk [tilespmem:v27+s22+$0x0], $0xffff;
	[tilespmem:s0+$0xFFFFFF20] =	vst v14;
	v14 =	vbroadcast v4, $0x0;
	v4 =	vand.u32 $0x76, v5  }
0x223: {  	s24 =	simm.s32 $0x20;
	s13 =	simm.s32 $0xB;
	[tilespmem:s0+$0xFFFFFFA0] =	vst v15;
	v5 =	vor.u32 v1, v9;
	v15 =	vmov s23;
	v32 =	vld.idx.msk [tilespmem:v2+s22+$0x0], $0xffff;
	v29 =	vbroadcast v4, $0x0  }
0x224: {  	[tilespmem:s0+$0x20] =	vst v16;
	v2 =	vmov s13;
	v4 =	vor.u32 v1, v10;
	v10 =	vld.idx.msk [tilespmem:v25+s22+$0x0], $0xffff;
	v25 =	vmov s24  }
0x225: {  	[tilespmem:s28+$0xFFFFFF80] =	vst v23;
	v12 =	vld.idx.msk [tilespmem:v12+s22+$0x0], $0xffff;
	v15 =	vand.u32 $0x7A, v15;
	v33 =	vor.u32 v0, v14;
	v2 =	vand.u32 $0x7B, v2  }
0x226: {  	v22 =	vld.idx.msk [tilespmem:v22+s22+$0x0], $0xffff;
	[tilespmem:s0+$0xA0] =	vst v20;
	v25 =	vand.u32 $0x70, v25;
	v35 =	vbroadcast v15, $0x0;
	v14 =	vor.u32 v1, v14  }
0x227: {  	s5 =	simm.s32 $0x28;
	[tilespmem:s28+$0x0] =	vst v11;
	v13 =	vld.idx.msk [tilespmem:v13+s22+$0x0], $0xffff;
	v9 =	vor.u32 v0, v29;
	v21 =	vbroadcast v2, $0x0;
	v2 =	vor.u32 v1, v30  }
0x228: {  	v17 =	vld.idx.msk [tilespmem:v17+s22+$0x0], $0xffff;
	v30 =	vmov s5;
	v16 =	vbroadcast v25, $0x0;
	v25 =	vand.u32 $0x74, v31;
	[tilespmem:s28+$0xFFFFFF10] =	vst v27  }
0x229: {  	v23 =	vor.u32 v1, v29;
	v27 =	vand.u32 $0x78, v30;
	v25 =	vbroadcast v25, $0x0;
	v30 =	vld.idx.msk [tilespmem:v6+s22+$0x0], $0xffff;
	[tilespmem:s0+$0xFFFFFF30] =	vst v32  }
0x22a: {  	s30 =	simm.s32 $0xE;
	s5 =	simm.s32 $0x3;
	v34 =	vor.u32 v0, v21;
	v31 =	vor.u32 v0, v16;
	v27 =	vbroadcast v27, $0x0;
	[tilespmem:s0+$0x30] =	vst v12;
	v15 =	vld.idx.msk [tilespmem:v33+s22+$0x0], $0xffff  }
0x22b: {  	v6 =	vmov s30;
	v38 =	vor.u32 v1, v16;
	v16 =	vmov s5;
	[tilespmem:s28+$0x80] =	vst v10;
	v26 =	vld.idx.msk [tilespmem:v26+s22+$0x0], $0xffff  }
0x22c: {  	v21 =	vor.u32 v1, v21;
	[tilespmem:s0+$0xFFFFFFB0] =	vst v22;
	v6 =	vand.u32 $0x7E, v6;
	v22 =	vand.u32 $0x7C, v60;
	v44 =	vld.idx.msk [tilespmem:v7+s22+$0x0], $0xffff  }
0x22d: {  	v36 =	vor.u32 v0, v25;
	v16 =	vand.u32 $0x73, v16;
	v20 =	vbroadcast v6, $0x0;
	v62 =	vld.idx.msk [tilespmem:v9+s22+$0x0], $0xffff  }
0x22e: {  	v61 =	vor.u32 v0, v27;
	v22 =	vbroadcast v22, $0x0;
	[tilespmem:s28+$0x10] =	vst v17;
	v9 =	vor.u32 v1, v25;
	v25 =	vld.idx.msk [tilespmem:v28+s22+$0x0], $0xffff  }
0x22f: {  	s12 =	simm.s32 $0x29;
	s11 =	simm.s32 $0x25;
	v6 =	vor.u32 v0, v35;
	[tilespmem:s0+$0xB0] =	vst v13;
	v39 =	vbroadcast v16, $0x0;
	v33 =	vld.idx.msk [tilespmem:v18+s22+$0x0], $0xffff;
	v29 =	vor.u32 v0, v20  }
0x230: {  	s30 =	simm.s32 $0x16;
	v13 =	vmov s12;
	v28 =	vor.u32 v1, v20;
	v20 =	vmov s11;
	v31 =	vld.idx.msk [tilespmem:v31+s22+$0x0], $0xffff;
	[tilespmem:s28+$0xFFFFFF20] =	vst v30  }
0x231: {  	v7 =	vmov s30;
	v13 =	vand.u32 $0x79, v13;
	v16 =	vand.u32 $0x75, v20;
	v20 =	vld.idx.msk [tilespmem:v8+s22+$0x0], $0xffff  }
0x232: {  	s29 =	simm.s32 $0x12;
	v7 =	vand.u32 $0x76, v7;
	v37 =	vor.u32 v0, v22;
	v41 =	vbroadcast v13, $0x0;
	v36 =	vld.idx.msk [tilespmem:v36+s22+$0x0], $0xffff  }
0x233: {  	s10 =	simm.s32 $0x21;
	v10 =	vor.u32 v1, v22;
	v40 =	vor.u32 v0, v39;
	v30 =	vmov s29;
	[tilespmem:s0+$0xFFFFFF40] =	vst v15;
	v12 =	vld.idx.msk [tilespmem:v61+s22+$0x0], $0xffff  }
0x234: {  	v8 =	vor.u32 v1, v35;
	v13 =	vor.u32 v0, v41;
	v15 =	vmov s10;
	[tilespmem:s0+$0x40] =	vst v26;
	v29 =	vld.idx.msk [tilespmem:v29+s22+$0x0], $0xffff  }
0x235: {  	s23 =	simm.s32 $0x2D;
	s13 =	simm.s32 $0xF;
	v17 =	vor.u32 v1, v41;
	v26 =	vbroadcast v16, $0x0;
	[tilespmem:s28+$0x90] =	vst v44;
	v15 =	vand.u32 $0x71, v15;
	v63 =	vld.idx.msk [tilespmem:v14+s22+$0x0], $0xffff  }
0x236: {  	s24 =	simm.s32 $0x7;
	v14 =	vor.u32 v1, v27;
	v24 =	vld.idx.msk [tilespmem:v24+s22+$0x0], $0xffff;
	[tilespmem:s28+$0xFFFFFF90] =	vst v25;
	v25 =	vmov s13;
	v27 =	vmov s23  }
0x237: {  	s10 =	simm.s32 $0x5500;
	[tilespmem:s0+$0xFFFFFFC0] =	vst v62;
	v15 =	vbroadcast v15, $0x0;
	v11 =	vor.u32 v0, v26;
	v42 =	vld.idx.msk [tilespmem:v19+s22+$0x0], $0xffff;
	v19 =	vmov s24  }
0x238: {  	v25 =	vand.u32 $0x7F, v25;
	v27 =	vand.u32 $0x7D, v27;
	v43 =	vld.idx.msk [tilespmem:v23+s22+$0x0], $0xffff;
	[tilespmem:s10+$0xFFFFFF00] =	vst v31;
	v23 =	vand.u32 $0x77, v19  }
0x239: {  	v22 =	vld.idx.msk [tilespmem:v37+s22+$0x0], $0xffff;
	v19 =	vbroadcast v27, $0x0;
	v27 =	vand.u32 $0x72, v30;
	v32 =	vbroadcast v25, $0x0;
	[tilespmem:s0+$0xC0] =	vst v29  }
0x23a: {  	s31 =	simm.s32 $0x1B;
	v16 =	vor.u32 v0, v15;
	v45 =	vbroadcast v23, $0x0;
	[tilespmem:s28+$0xFFFFFF30] =	vst v20;
	v20 =	vbroadcast v27, $0x0;
	v35 =	vld.idx.msk [tilespmem:v28+s22+$0x0], $0xffff  }
0x23b: {  	v31 =	vld.idx.msk [tilespmem:v38+s22+$0x0], $0xffff;
	v23 =	vbroadcast v7, $0x0;
	v7 =	vmov s31;
	v25 =	vor.u32 v0, v19;
	[tilespmem:s0+$0xFFFFFF50] =	vst v63  }
0x23c: {  	v37 =	vor.u32 v0, v32;
	v30 =	vor.u32 v0, v45;
	[tilespmem:s0+$0x50] =	vst v24;
	v27 =	vor.u32 v0, v20  }
0x23d: {  	s1 =	simm.s32 $0x5500;
	s5 =	simm.s32 $0x3F;
	s12 =	simm.s32 $0x8;
	v7 =	vand.u32 $0x7B, v7;
	v24 =	vor.u32 v1, v26;
	v26 =	vor.u32 v0, v23;
	v34 =	vld.idx.msk [tilespmem:v34+s22+$0x0], $0xffff;
	[tilespmem:s28+$0xFFFFFFA0] =	vst v42  }
0x23e: {  	s11 =	simm.s32 $0x1F;
	s13 =	simm.s32 $0x2A;
	s24 =	simm.s32 $0x2F;
	v7 =	vbroadcast v7, $0x0;
	v29 =	vor.u32 v1, v39;
	v38 =	vld.idx.msk [tilespmem:v40+s22+$0x0], $0xffff;
	[tilespmem:s0+$0xFFFFFFD0] =	vst v43;
	v28 =	vor.u32 v1, v45  }
.LBB2_18:
0x23f: {  	s4 =	sadd.s32 $0xFFFFFFF1, s5;
	s23 =	sadd.s32 $0xFFFFFFF9, s5;
	s12 =	sadd.s32 $0x4, s12;
	v39 =	vmov s13;
	v19 =	vor.u32 v1, v19;
	v40 =	vld.idx.msk [tilespmem:v3+s22+$0x0], $0xffff;
	[tilespmem:s0+$0xD0] =	vst v35;
	v32 =	vor.u32 v1, v32;
	v3 =	vmovc v25  }
0x240: {  	v25 =	vmov s4;
	s4 =	sadd.s32 $0xFFFFFFF5, s5;
	v35 =	vmov s23;
	p3 =	slt.u32 s12, $0xC;
	[tilespmem:s10+$0x80] =	vst v22;
	v22 =	vld.idx.msk [tilespmem:v5+s22+$0x0], $0xffff;
	v18 =	vor.u32 v0, v7;
	v5 =	vmovc v24  }
0x241: {  	v24 =	vand.u32 $0x70, v25;
	v25 =	vmov s4;
	[tilespmem:s10+$0xFFFFFF10] =	vst v31;
	v31 =	vand.u32 $0x7A, v39;
	v37 =	vld.idx.msk [tilespmem:v37+s22+$0x0], $0xffff  }
0x242: {  	v35 =	vand.u32 $0x78, v35;
	s4 =	sadd.s32 $0xFFFFFFFD, s5;
	v24 =	vbroadcast v24, $0x0;
	v25 =	vand.u32 $0x74, v25;
	v16 =	vld.idx.msk [tilespmem:v16+s22+$0x0], $0xffff;
	[tilespmem:s0+$0x60] =	vst v34  }
0x243: {  	v34 =	vmov s4;
	v31 =	vbroadcast v31, $0x0;
	v25 =	vbroadcast v25, $0x0;
	[tilespmem:s0+$0xFFFFFF60] =	vst v38;
	v38 =	vld.idx.msk [tilespmem:v21+s22+$0x0], $0xffff  }
0x244: {  	v35 =	vbroadcast v35, $0x0;
	v34 =	vand.u32 $0x7C, v34;
	v39 =	vor.u32 v0, v24;
	[tilespmem:s28+$0x20] =	vst v33;
	v30 =	vld.idx.msk [tilespmem:v30+s22+$0x0], $0xffff  }
0x245: {  	v23 =	vor.u32 v1, v23;
	v33 =	vbroadcast v34, $0x0;
	v21 =	vor.u32 v0, v25;
	[tilespmem:s10+$0xFFFFFF80] =	vst v36;
	v34 =	vld.idx.msk [tilespmem:v4+s22+$0x0], $0xffff  }
0x246: {  	v20 =	vor.u32 v1, v20;
	s4 =	sadd.s32 $0xFFFFFFFF, s11;
	v36 =	vor.u32 v0, v35;
	v4 =	vmov v17;
	v27 =	vld.idx.msk [tilespmem:v27+s22+$0x0], $0xffff;
	[tilespmem:s28+$0xFFFFFFB0] =	vst v22  }
0x247: {  	v17 =	vor.u32 v0, v33;
	v22 =	vmov s4;
	v29 =	vld.idx.msk [tilespmem:v29+s22+$0x0], $0xffff;
	[tilespmem:s0+$0xE0] =	vst v37  }
0x248: {  	[tilespmem:s10+$0xFFFFFF20] =	vst v16;
	v16 =	vand.u32 $0x7E, v22;
	v22 =	vld.idx.msk [tilespmem:v32+s22+$0x0], $0xffff  }
0x249: {  	v26 =	vld.idx.msk [tilespmem:v26+s22+$0x0], $0xffff;
	[tilespmem:s28+$0xA0] =	vst v40;
	v16 =	vbroadcast v16, $0x0  }
0x24a: {  	v32 =	vor.u32 v0, v31;
	v37 =	vld.idx.msk [tilespmem:v2+s22+$0x0], $0xffff;
	[tilespmem:s0+$0xFFFFFFE0] =	vst v30;
	v2 =	vmov v19  }
0x24b: {  	v24 =	vor.u32 v1, v24;
	[tilespmem:s28+$0x30] =	vst v34;
	v19 =	vor.u32 v0, v16;
	v28 =	vld.idx.msk [tilespmem:v28+s22+$0x0], $0xffff  }
0x24c: {  	v25 =	vor.u32 v1, v25;
	s4 =	sadd.s32 $0xFFFFFFF4, s11;
	v30 =	vor.u32 v1, v15;
	[tilespmem:s28+$0xFFFFFF40] =	vst v27;
	v27 =	vld.idx.msk [tilespmem:v6+s22+$0x0], $0xffff;
	v6 =	vmov v32  }
0x24d: {  	s13 =	sadd.s32 $0xFFFFFFF2, s5;
	v15 =	vmov s4;
	v34 =	vor.u32 v1, v16;
	v32 =	vld.idx.msk [tilespmem:v39+s22+$0x0], $0xffff;
	[tilespmem:s0+$0x70] =	vst v38  }
0x24e: {  	v33 =	vor.u32 v1, v33;
	s10 =	sadd.s32 $0x200, s10;
	s4 =	sadd.s32 $0xFFFFFFF6, s5;
	v16 =	vmov s13;
	v15 =	vand.u32 $0x73, v15;
	v38 =	vld.idx.msk [tilespmem:v9+s22+$0x0], $0xffff;
	[tilespmem:s0+$0xFFFFFF70] =	vst v29;
	v9 =	vmovc v25  }
0x24f: {  	v16 =	vand.u32 $0x71, v16;
	v25 =	vmov s4;
	v29 =	vld.idx.msk [tilespmem:v36+s22+$0x0], $0xffff;
	v36 =	vbroadcast v15, $0x0;
	[tilespmem:s0+$0xF0] =	vst v22  }
0x250: {  	s4 =	sadd.s32 $0xFFFFFFFA, s5;
	v15 =	vbroadcast v16, $0x0;
	v16 =	vand.u32 $0x75, v25;
	v25 =	vor.u32 v1, v35;
	v20 =	vld.idx.msk [tilespmem:v20+s22+$0x0], $0xffff;
	[tilespmem:s28+$0xB0] =	vst v37  }
0x251: {  	v22 =	vmov s4;
	v39 =	vbroadcast v16, $0x0;
	v40 =	vor.u32 v0, v36;
	v35 =	vld.idx.msk [tilespmem:v19+s22+$0x0], $0xffff;
	[tilespmem:s0+$0xFFFFFFF0] =	vst v28;
	s0 =	smov.u32 s28;
	s28 =	smov.u32 s1;
	s1 =	smov.u32 s10  }
0x252: {  	v16 =	vor.u32 v0, v15;
	v19 =	vand.u32 $0x79, v22;
	v22 =	vor.u32 v1, v31;
	v28 =	vld.idx.msk [tilespmem:v30+s22+$0x0], $0xffff;
	[tilespmem:s0+$0x40] =	vst v27  }
0x253: {  	v27 =	vor.u32 v0, v39;
	v41 =	vbroadcast v19, $0x0;
	[tilespmem:s10+$0xFFFFFF00] =	vst v32;
	v37 =	vld.idx.msk [tilespmem:v8+s22+$0x0], $0xffff;
	v8 =	vmov v22  }
0x254: {  	v22 =	vld.idx.msk [tilespmem:v17+s22+$0x0], $0xffff;
	[tilespmem:s28+$0x0] =	vst v12  }
0x255: {  	s13 =	sadd.s32 $0xFFFFFFF8, s11;
	s4 =	sadd.s32 $0xFFFFFFFE, s5;
	v19 =	vmov s11;
	s11 =	smov.u32 s24;
	v42 =	vor.u32 v0, v41;
	v12 =	vmovc v29;
	[tilespmem:s28+$0xFFFFFF90] =	vst v38;
	v17 =	vld.idx.msk [tilespmem:v14+s22+$0x0], $0xffff;
	v14 =	vmov v25  }
0x256: {  	s24 =	smov.u32 s5;
	v30 =	vand.u32 $0x7F, v19;
	v25 =	vmov s4;
	s4 =	sadd.s32 $0xFFFFFFF3, s11;
	v29 =	vld.idx.msk [tilespmem:v11+s22+$0x0], $0xffff;
	[tilespmem:s0+$0xFFFFFFC0] =	vst v26;
	v26 =	vmov s13;
	v11 =	vmovc v27  }
0x257: {  	v19 =	vand.u32 $0x7D, v25;
	v25 =	vmov s4;
	[tilespmem:s0+$0xFFFFFF50] =	vst v20;
	v43 =	vld.idx.msk [tilespmem:v23+s22+$0x0], $0xffff;
	v20 =	vand.u32 $0x77, v26  }
0x258: {  	s4 =	sadd.s32 $0xFFFFFFF7, s11;
	v19 =	vbroadcast v19, $0x0;
	v23 =	vand.u32 $0x72, v25;
	v44 =	vld.idx.msk [tilespmem:v10+s22+$0x0], $0xffff;
	v45 =	vbroadcast v20, $0x0;
	[tilespmem:s0+$0xC0] =	vst v35;
	v10 =	vmovc v33  }
0x259: {  	v32 =	vbroadcast v30, $0x0;
	v20 =	vbroadcast v23, $0x0;
	v23 =	vmov s4;
	[tilespmem:s28+$0xFFFFFF30] =	vst v28;
	v35 =	vld.idx.msk [tilespmem:v34+s22+$0x0], $0xffff  }
.Ltmp12:
0x25a: {  	v25 =	vor.u32 v0, v19;
	v23 =	vand.u32 $0x76, v23;
	v31 =	vld.idx.msk [tilespmem:v24+s22+$0x0], $0xffff;
	v30 =	vor.u32 v0, v45;
	[tilespmem:s0+$0x50] =	vst v37;
	(pc) =	sbr.rel @p3 .LBB2_18-.Ltmp12, $4  }
0x25b: {  	s4 =	sadd.s32 $0xFFFFFFFC, s11;
	v27 =	vor.u32 v0, v20;
	v23 =	vbroadcast v23, $0x0;
	v37 =	vor.u32 v0, v32;
	[tilespmem:s28+$0x10] =	vst v17;
	v34 =	vld.idx.msk [tilespmem:v18+s22+$0x0], $0xffff  }
0x25c: {  	v17 =	vor.u32 v1, v41;
	v18 =	vmov s4;
	[tilespmem:s28+$0xFFFFFFA0] =	vst v29;
	v33 =	vld.idx.msk [tilespmem:v13+s22+$0x0], $0xffff;
	v29 =	vor.u32 v1, v36;
	v13 =	vmovc v42  }
0x25d: {  	v24 =	vor.u32 v1, v39;
	v26 =	vor.u32 v0, v23;
	v18 =	vand.u32 $0x7B, v18;
	v38 =	vld.idx.msk [tilespmem:v40+s22+$0x0], $0xffff;
	[tilespmem:s0+$0xFFFFFFD0] =	vst v43  }
0x25e: {  	s5 =	sadd.s32 $0x10, s5;
	s13 =	sadd.s32 $0xFFFFFFFB, s24;
	v28 =	vor.u32 v1, v45;
	v36 =	vld.idx.msk [tilespmem:v21+s22+$0x0], $0xffff;
	[tilespmem:s28+$0x90] =	vst v44;
	v21 =	vor.u32 v1, v7;
	v7 =	vbroadcast v18, $0x0  }
0x25f: {  	_ = 	snop  }
0x260: {  	[tilespmem:s0+$0xD0] =	vst v35  }
0x261: {  	[tilespmem:s10+$0x80] =	vst v22  }
0x262: {  	[tilespmem:s10+$0xFFFFFF10] =	vst v31  }
0x263: {  	v5 =	vld.idx.msk [tilespmem:v5+s22+$0x0], $0xffff;
	[tilespmem:s1+$0x0] =	vst v12  }
0x264: {  	v3 =	vld.idx.msk [tilespmem:v3+s22+$0x0], $0xffff;
	[tilespmem:s0+$0x60] =	vst v34  }
0x265: {  	v45 =	vld.idx.msk [tilespmem:v30+s22+$0x0], $0xffff;
	[tilespmem:s28+$0x20] =	vst v33  }
0x266: {  	v47 =	vld.idx.msk [tilespmem:v27+s22+$0x0], $0xffff;
	[tilespmem:s0+$0xFFFFFF60] =	vst v38  }
0x267: {  	v18 =	vld.idx.msk [tilespmem:v37+s22+$0x0], $0xffff;
	[tilespmem:s10+$0xFFFFFF80] =	vst v36  }
0x268: {  	v16 =	vld.idx.msk [tilespmem:v16+s22+$0x0], $0xffff;
	[tilespmem:s28+$0xFFFFFFB0] =	vst v5  }
0x269: {  	v48 =	vld.idx.msk [tilespmem:v21+s22+$0x0], $0xffff;
	[tilespmem:s28+$0xA0] =	vst v3  }
0x26a: {  	v4 =	vld.idx.msk [tilespmem:v4+s22+$0x0], $0xffff;
	[tilespmem:s0+$0xFFFFFFE0] =	vst v45  }
0x26b: {  	v53 =	vor.u32 v1, v20;
	v3 =	vld.idx.msk [tilespmem:v29+s22+$0x0], $0xffff;
	[tilespmem:s28+$0xFFFFFF40] =	vst v47  }
0x26c: {  	v9 =	vld.idx.msk [tilespmem:v9+s22+$0x0], $0xffff;
	[tilespmem:s0+$0xE0] =	vst v18  }
0x26d: {  	v46 =	vor.u32 v1, v32;
	[tilespmem:s10+$0xFFFFFF20] =	vst v16;
	v2 =	vld.idx.msk [tilespmem:v2+s22+$0x0], $0xffff  }
0x26e: {  	s4 =	sadd.s32 $0xFFFFFFFF, s11;
	v52 =	vld.idx.msk [tilespmem:v28+s22+$0x0], $0xffff;
	[tilespmem:s0+$0x70] =	vst v48  }
0x26f: {  	v49 =	vmov s4;
	v56 =	vld.idx.msk [tilespmem:v26+s22+$0x0], $0xffff;
	[tilespmem:s28+$0x30] =	vst v4  }
0x270: {  	v55 =	vor.u32 v1, v15;
	s31 =	sadd.s32 $0xFFFFFFF4, s11;
	v51 =	vand.u32 $0x7E, v49;
	v57 =	vld.idx.msk [tilespmem:v53+s22+$0x0], $0xffff;
	[tilespmem:s0+$0xFFFFFF70] =	vst v3  }
0x271: {  	v60 =	vmov s31;
	v4 =	vbroadcast v51, $0x0;
	v3 =	vld.idx.msk [tilespmem:v14+s22+$0x0], $0xffff;
	[tilespmem:s1+$0xFFFFFF90] =	vst v9  }
0x272: {  	v62 =	vand.u32 $0x73, v60;
	v50 =	vld.idx.msk [tilespmem:v46+s22+$0x0], $0xffff;
	[tilespmem:s28+$0xB0] =	vst v2  }
0x273: {  	v63 =	vbroadcast v62, $0x0;
	v54 =	vor.u32 v0, v4;
	v2 =	vld.idx.msk [tilespmem:v10+s22+$0x0], $0xffff;
	[tilespmem:s0+$0xFFFFFFF0] =	vst v52  }
0x274: {  	v6 =	vld.idx.msk [tilespmem:v6+s22+$0x0], $0xffff;
	[tilespmem:s28+$0xFFFFFFC0] =	vst v56  }
0x275: {  	s4 =	sadd.s32 $0xFFFFFFF3, s24;
	v30 =	vor.u32 v0, v63;
	v14 =	vld.idx.msk [tilespmem:v55+s22+$0x0], $0xffff;
	[tilespmem:s28+$0xFFFFFF50] =	vst v57  }
0x276: {  	v31 =	vmov s4;
	v11 =	vld.idx.msk [tilespmem:v11+s22+$0x0], $0xffff;
	[tilespmem:s1+$0x10] =	vst v3  }
0x277: {  	v18 =	vand.u32 $0x72, v31;
	[tilespmem:s0+$0xF0] =	vst v50;
	v3 =	vmov s13;
	v61 =	vld.idx.msk [tilespmem:v13+s22+$0x0], $0xffff  }
0x278: {  	s10 =	sadd.s32 $0xFFFFFFF7, s24;
	v34 =	vbroadcast v18, $0x0;
	v58 =	vld.idx.msk [tilespmem:v54+s22+$0x0], $0xffff;
	v3 =	vand.u32 $0x7A, v3;
	[tilespmem:s1+$0x90] =	vst v2  }
0x279: {  	v35 =	vmov s10;
	[tilespmem:s28+$0x40] =	vst v6;
	v2 =	vbroadcast v3, $0x0;
	v3 =	vor.u32 v1, v4;
	v26 =	vld.idx.msk [tilespmem:v25+s22+$0x0], $0xffff  }
0x27a: {  	v27 =	vor.u32 v1, v19;
	v18 =	vand.u32 $0x76, v35;
	v16 =	vld.idx.msk [tilespmem:v30+s22+$0x0], $0xffff;
	[tilespmem:s1+$0xFFFFFF30] =	vst v14  }
0x27b: {  	s5 =	sadd.s32 $0xFFFFFFFF, s24;
	v37 =	vor.u32 v0, v34;
	v18 =	vbroadcast v18, $0x0;
	v8 =	vld.idx.msk [tilespmem:v8+s22+$0x0], $0xffff;
	[tilespmem:s1+$0xFFFFFFA0] =	vst v11  }
0x27c: {  	v59 =	vor.u32 v1, v23;
	v33 =	vmov s5;
	v40 =	vld.idx.msk [tilespmem:v24+s22+$0x0], $0xffff;
	[tilespmem:s1+$0x20] =	vst v61  }
0x27d: {  	v9 =	vand.u32 $0x7E, v33;
	v42 =	vor.u32 v0, v18;
	[tilespmem:s28+$0xC0] =	vst v58;
	v17 =	vld.idx.msk [tilespmem:v17+s22+$0x0], $0xffff  }
0x27e: {  	v9 =	vbroadcast v9, $0x0;
	v29 =	vor.u32 v0, v2;
	v3 =	vld.idx.msk [tilespmem:v3+s22+$0x0], $0xffff;
	[tilespmem:s1+$0xA0] =	vst v26  }
0x27f: {  	v32 =	vmov s11;
	s11 =	sadd.s32 $0xFFFFFFF8, s11;
	v28 =	vor.u32 v0, v7;
	[tilespmem:s28+$0xFFFFFF60] =	vst v16;
	v38 =	vld.idx.msk [tilespmem:v27+s22+$0x0], $0xffff  }
0x280: {  	v36 =	vmov s11;
	v41 =	vor.u32 v0, v9;
	v45 =	vld.idx.msk [tilespmem:v37+s22+$0x0], $0xffff;
	[tilespmem:s28+$0x50] =	vst v8  }
0x281: {  	v39 =	vand.u32 $0x77, v36;
	v47 =	vor.u32 v1, v34;
	v12 =	vld.idx.msk [tilespmem:v59+s22+$0x0], $0xffff;
	[tilespmem:s1+$0xFFFFFFB0] =	vst v40  }
0x282: {  	v13 =	vbroadcast v39, $0x0;
	v4 =	vor.u32 v1, v63;
	v49 =	vld.idx.msk [tilespmem:v42+s22+$0x0], $0xffff;
	[tilespmem:s1+$0x30] =	vst v17  }
0x283: {  	v50 =	vor.u32 v1, v18;
	v6 =	vand.u32 $0x7F, v32;
	s13 =	sadd.s32 $0xFFFFFFF4, s24;
	[tilespmem:s28+$0xD0] =	vst v3;
	v3 =	vld.idx.msk [tilespmem:v29+s22+$0x0], $0xffff  }
0x284: {  	s23 =	sadd.s32 $0xFFFFFFF8, s24;
	v6 =	vbroadcast v6, $0x0;
	v51 =	vmov s13;
	v44 =	vor.u32 v0, v13;
	v15 =	vld.idx.msk [tilespmem:v28+s22+$0x0], $0xffff;
	[tilespmem:s1+$0xB0] =	vst v38  }
0x285: {  	v54 =	vmov s23;
	v16 =	vand.u32 $0x73, v51;
	v2 =	vor.u32 v1, v2;
	[tilespmem:s1+$0xFFFFFF40] =	vst v45;
	v48 =	vld.idx.msk [tilespmem:v41+s22+$0x0], $0xffff  }
0x286: {  	s12 =	sadd.s32 $0xFFFFFFFC, s24;
	v9 =	vor.u32 v1, v9;
	[tilespmem:s28+$0xFFFFFFD0] =	vst v12;
	v53 =	vbroadcast v16, $0x0;
	v16 =	vand.u32 $0x77, v54;
	v11 =	vld.idx.msk [tilespmem:v47+s22+$0x0], $0xffff  }
0x287: {  	v46 =	vmov s12;
	v43 =	vor.u32 v0, v6;
	v57 =	vbroadcast v16, $0x0;
	v4 =	vld.idx.msk [tilespmem:v4+s22+$0x0], $0xffff;
	[tilespmem:s1+$0xFFFFFFC0] =	vst v49  }
0x288: {  	v10 =	vand.u32 $0x7B, v46;
	v56 =	vor.u32 v0, v53;
	v58 =	vld.idx.msk [tilespmem:v50+s22+$0x0], $0xffff;
	[tilespmem:s1+$0x40] =	vst v3;
	v3 =	vmov s24  }
0x289: {  	v10 =	vbroadcast v10, $0x0;
	v16 =	vor.u32 v0, v57;
	[tilespmem:s28+$0x60] =	vst v15;
	v17 =	vld.idx.msk [tilespmem:v44+s22+$0x0], $0xffff;
	v3 =	vand.u32 $0x7F, v3  }
0x28a: {  	v52 =	vor.u32 v1, v7;
	v2 =	vld.idx.msk [tilespmem:v2+s22+$0x0], $0xffff;
	[tilespmem:s1+$0xC0] =	vst v48;
	v3 =	vbroadcast v3, $0x0  }
0x28b: {  	v55 =	vor.u32 v0, v10;
	[tilespmem:s1+$0xFFFFFF50] =	vst v11;
	v9 =	vld.idx.msk [tilespmem:v9+s22+$0x0], $0xffff  }
0x28c: {  	[tilespmem:s28+$0xFFFFFF70] =	vst v4;
	v12 =	vld.idx.msk [tilespmem:v43+s22+$0x0], $0xffff;
	v59 =	vor.u32 v0, v3  }
0x28d: {  	v6 =	vor.u32 v1, v6;
	v8 =	vld.idx.msk [tilespmem:v56+s22+$0x0], $0xffff;
	[tilespmem:s1+$0xFFFFFFD0] =	vst v58  }
0x28e: {  	v5 =	vor.u32 v1, v53;
	[tilespmem:s28+$0xFFFFFFE0] =	vst v17;
	v61 =	vld.idx.msk [tilespmem:v16+s22+$0x0], $0xffff  }
0x28f: {  	v62 =	vor.u32 v1, v57;
	v7 =	vld.idx.msk [tilespmem:v52+s22+$0x0], $0xffff;
	[tilespmem:s1+$0x50] =	vst v2  }
0x290: {  	v2 =	vor.u32 v1, v13;
	v60 =	vld.idx.msk [tilespmem:v55+s22+$0x0], $0xffff;
	[tilespmem:s1+$0xD0] =	vst v9  }
0x291: {  	v10 =	vor.u32 v1, v10;
	[tilespmem:s28+$0xE0] =	vst v12;
	v9 =	vld.idx.msk [tilespmem:v59+s22+$0x0], $0xffff  }
0x292: {  	[tilespmem:s1+$0xFFFFFF60] =	vst v8;
	v6 =	vld.idx.msk [tilespmem:v6+s22+$0x0], $0xffff;
	v3 =	vor.u32 v1, v3  }
0x293: {  	v5 =	vld.idx.msk [tilespmem:v5+s22+$0x0], $0xffff;
	[tilespmem:s1+$0xFFFFFFE0] =	vst v61  }
0x294: {  	[tilespmem:s28+$0x70] =	vst v7;
	v4 =	vld.idx.msk [tilespmem:v62+s22+$0x0], $0xffff  }
0x295: {  	v2 =	vld.idx.msk [tilespmem:v2+s22+$0x0], $0xffff;
	[tilespmem:s1+$0x60] =	vst v60  }
0x296: {  	v63 =	vld.idx.msk [tilespmem:v10+s22+$0x0], $0xffff;
	[tilespmem:s1+$0xE0] =	vst v9  }
0x297: {  	[tilespmem:s28+$0xF0] =	vst v6;
	v3 =	vld.idx.msk [tilespmem:v3+s22+$0x0], $0xffff  }
0x298: {  	[tilespmem:s1+$0xFFFFFF70] =	vst v5  }
0x299: {  	[tilespmem:s1+$0xFFFFFFF0] =	vst v4  }
0x29a: {  	[tilespmem:s28+$0xFFFFFFF0] =	vst v2  }
0x29b: {  	[tilespmem:s1+$0x70] =	vst v63  }
0x29c: {  	s30 =	simm.s32 $0x5000;
	[tilespmem:s1+$0xF0] =	vst v3  }
.Ltmp13:
0x29d: {  	s31 =	simm.s32 $0x5;
	s29 =	rddreg [dreg:$0x7];
	(pc) =	sbr.rel .LBB2_20-.Ltmp13, $4  }
0x29e: {  	[hbm4b:s29+s2] =	stream.linear.scatter [tilespmem:s30], [sflag:$0x5], $0x800, $0x38;
	[tilespmem:$0x5800] =	vst v63  }
0x29f: {  	_ =	swait.ge [sflag:s31], $0x800  }
0x2a0: {  	[sflag:s31] =	ssyncset.done $0x0  }
0x2a1: {  	[sflag:s31] =	ssyncadd.s32 $0xFFFFF800  }
.LBB2_21:
0x2a2: {  	_ =	sfence.sel $0x180000  }
0x2a3: {  	[bflag:$0x0] =	sbarrier.arrive $0xFFFF  }
0x2a4: {  	_ =	strace $0x90000047  }
0x2a5: {  	s0 =	stileid.u32;
	[bflag:$0x2] =	sbarrier.arrive $0xFFFF  }
0x2a6: {  	p0 =	sne.s32 s0, $0x0;
	s0 =	rddreg [dreg:$0x2]  }
0x2a7: {  	s0 =	sadd.s32 @!p0 $0x100000, s0  }
0x2a8: {  	[sflag:s0] =	ssyncadd.tile.s32 @!p0 $0x1;
	_ =	shalt  }
.Lfunc_end2:
_tile_overlayer_lowered:
.L_overlay_start_2:
0x2a9: {  	(tag) =	ssettag $0x2  }
0x2aa: {  	s0 =	rddreg [dreg:$0x0];
	s2 =	stileid.u32  }
0x2ab: {  	s1 =	rddreg [dreg:$0x1];
	p0 =	sne.s32 s2, $0x0  }
0x2ac: {  	s3 =	rddreg [dreg:$0x2];
	[bflag:$0x3] =	sbarrier.arrive $0xFFFF;
	s2 =	simm.s32 @!p0 $0x1C05  }
0x2ad: {  	[timem:s3], [sflag:s2] =	dma.local @!p0 [hbm:s0], s1  }
0x2ae: {  	s0 =	simm.s32 @!p0 $0x5  }
0x2af: {  	_ =	swait.ge @!p0 [sflag:s0], s1  }
0x2b0: {  	s1 =	ssub.s32 @!p0 $0x0, s1;
	[sflag:s0] =	ssyncset.done @!p0 $0x0  }
0x2b1: {  	[sflag:s0] =	ssyncadd.s32 @!p0 s1  }
0x2b2: {  	[bflag:$0x3] =	sbarrier.arrive $0xFFFF  }
0x2b3: {  	_ =	shalt  }

// kernel: kernel.7.cloned.1.call-start
scs
__scs_entry_jumppad:
0x0: {  	(pc) =	sbr.rel $0x88, $3  }
0x1: {  	(tag) =	ssettag $0x0;
	lr =	simm.s32 $0x1  }
0x2: {  	[smem:$0x3F9F] =	sst lr;
	_ =	strace $0xD0000000  }
0x3: {  	_ = 	snop  }
0x4: {  	_ = 	snop  }
0x5: {  	_ = 	snop  }
0x6: {  	_ = 	snop  }
0x7: {  	_ = 	snop  }
__scs_overlays_trampoline_lowered:
0x8: {  	[smem:$0x3FAE] =	sst s0  }
0x9: {  	[smem:$0x3FAF] =	sst s1  }
0xa: {  	[smem:$0x3FB0] =	sst s2  }
0xb: {  	[smem:$0x3FB1] =	sst s3  }
0xc: {  	[smem:$0x3FB2] =	sst s4  }
0xd: {  	[smem:$0x3FB3] =	sst s5  }
0xe: {  	[smem:$0x3FB4] =	sst s6  }
0xf: {  	[smem:$0x3FB5] =	sst s7  }
0x10: {  	[smem:$0x3FB6] =	sst s8  }
0x11: {  	[smem:$0x3FB7] =	sst s9;
	s0 =	simm.s32 @!p0 $0x0  }
0x12: {  	s1 =	sld [smem:$0x3F9D];
	s0 =	simm.s32 @p0 $0x1  }
0x13: {  	[smem:$0x3FB8] =	sst s0;
	s0 =	simm.s32 @!p1 $0x0  }
0x14: {  	s2 =	sld [smem:$0x3F9C];
	s0 =	simm.s32 @p1 $0x1  }
0x15: {  	[smem:$0x3FB9] =	sst s0;
	s0 =	simm.s32 @!p2 $0x0  }
0x16: {  	s3 =	sld [smem:$0x3FDB];
	s0 =	simm.s32 @p2 $0x1  }
0x17: {  	s4 =	simm.s32 $0x1BF5;
	[smem:$0x3FBB] =	sst s0  }
0x18: {  	s0 =	sld [smem:$0x3F9E];
	_ =	swait.ge [sflag:s4], $0x0  }
0x19: {  	s7 =	sld [smem:$0x3F9F]  }
0x1a: {  	s8 =	sadd.s32 $0xFFFFE003, lr  }
0x1b: {  	s9 =	sadd.s32 $0xFFFFFEF7, lr;
	s5 =	simm.s32 $0xFFFFFFFF;
	p2 =	slt.u32 s8, $0xFFFFF086  }
0x1c: {  	p1 =	slt.u32 s9, $0xF7A;
	s5 =	simm.s32 @!p2 $0x0  }
0x1d: {  	s5 =	simm.s32 @p1 $0x1;
	p0 =	seq.s32 s7, s2  }
0x1e: {  	s7 =	smul.u32 @!p0 $0xF7A, s2;
	p2 =	seq.s32 @!p0 s5, $0x0  }
0x1f: {  	s9 =	smul.u32 $0xF7A, s1;
	s8 =	simm.s32 @!p0 $0x1BF5;
	p2 =	por !p2, p0  }
0x20: {  	[sflag:s8] =	ssyncset.s32 @!p0 $0xFFFFF086;
	s6 =	sadd.s32 @!p0 s3, s7;
	s7 =	simm.s32 @!p0 $0x108  }
0x21: {  	s3 =	sadd.s32 s3, s9;
	s6 =	sadd.s32 @!p0 $0x88, s6;
	s7 =	simm.s32 @p2 $0x1082  }
0x22: {  	[simem:s7], [sflag:s8] =	dma.local @!p0 [hbm:s6], $0xF7A  }
0x23: {  	s9 =	sor.u32 $0xD0000000, s2;
	s6 =	simm.s32 $0x108;
	_ =	swait.ge @!p0 [sflag:s8], $0x0  }
0x24: {  	s3 =	sadd.s32 $0x88, s3;
	s6 =	simm.s32 @!p1 $0x1082;
	[sflag:s4] =	ssyncset.s32 $0xFFFFF086  }
0x25: {  	[simem:s6], [sflag:s4] =	dma.local [hbm:s3], $0xF7A  }
0x26: {  	[smem:$0x3F9F] =	sst s1;
	(tag) =	ssettag s2;
	_ =	strace s9  }
0x27: {  	s1 =	sld [smem:$0x3FAF]  }
0x28: {  	s2 =	sld [smem:$0x3FB0]  }
0x29: {  	s4 =	sld [smem:$0x3FB2]  }
0x2a: {  	p0 =	seq.s32 s5, $0x0;
	s5 =	sld [smem:$0x3FB3]  }
0x2b: {  	s6 =	sld [smem:$0x3FB4]  }
0x2c: {  	s7 =	sld [smem:$0x3FB5]  }
0x2d: {  	s3 =	simm.s32 $0x108;
	s8 =	sld [smem:$0x3FB6]  }
0x2e: {  	s3 =	simm.s32 @!p0 $0x1082;
	s9 =	sld [smem:$0x3FB7]  }
0x2f: {  	lr =	sadd.s32 s0, s3;
	s0 =	sld [smem:$0x3FAE]  }
0x30: {  	s3 =	sld [smem:$0x3FB1]  }
0x31: {  	[smem:$0x3FBA] =	sst s10  }
0x32: {  	s10 =	sld [smem:$0x3FB8];
	_ =	sdelay $0x3  }
0x33: {  	p0 =	seq.s32 s10, $0x1;
	s10 =	sld [smem:$0x3FBA];
	_ =	sdelay $0x3  }
0x34: {  	[smem:$0x3FBA] =	sst s10  }
0x35: {  	s10 =	sld [smem:$0x3FB9];
	_ =	sdelay $0x3  }
0x36: {  	p1 =	seq.s32 s10, $0x1;
	s10 =	sld [smem:$0x3FBA];
	_ =	sdelay $0x3  }
0x37: {  	[smem:$0x3FBA] =	sst s10  }
0x38: {  	s10 =	sld [smem:$0x3FBB]  }
0x39: {  	_ = 	snop;
	(pc) =	sbr.ind lr, $3  }
0x3a: {  	_ = 	snop  }
0x3b: {  	_ = 	snop  }
0x3c: {  	p2 =	seq.s32 s10, $0x1;
	s10 =	sld [smem:$0x3FBA]  }
0x3d: {  	_ =	shalt  }
0x3e: {  	_ =	shalt  }
0x3f: {  	_ =	shalt  }
0x40: {  	_ =	shalt  }
0x41: {  	_ =	shalt  }
0x42: {  	_ =	shalt  }
0x43: {  	_ =	shalt  }
0x44: {  	_ =	shalt  }
0x45: {  	_ =	shalt  }
0x46: {  	_ =	shalt  }
0x47: {  	_ =	shalt  }
0x48: {  	_ =	shalt  }
0x49: {  	_ =	shalt  }
0x4a: {  	_ =	shalt  }
0x4b: {  	_ =	shalt  }
0x4c: {  	_ =	shalt  }
0x4d: {  	_ =	shalt  }
0x4e: {  	_ =	shalt  }
0x4f: {  	_ =	shalt  }
0x50: {  	_ =	shalt  }
0x51: {  	_ =	shalt  }
0x52: {  	_ =	shalt  }
0x53: {  	_ =	shalt  }
0x54: {  	_ =	shalt  }
0x55: {  	_ =	shalt  }
0x56: {  	_ =	shalt  }
0x57: {  	_ =	shalt  }
0x58: {  	_ =	shalt  }
0x59: {  	_ =	shalt  }
0x5a: {  	_ =	shalt  }
0x5b: {  	_ =	shalt  }
0x5c: {  	_ =	shalt  }
0x5d: {  	_ =	shalt  }
0x5e: {  	_ =	shalt  }
0x5f: {  	_ =	shalt  }
0x60: {  	_ =	shalt  }
0x61: {  	_ =	shalt  }
0x62: {  	_ =	shalt  }
0x63: {  	_ =	shalt  }
0x64: {  	_ =	shalt  }
0x65: {  	_ =	shalt  }
0x66: {  	_ =	shalt  }
0x67: {  	_ =	shalt  }
0x68: {  	_ =	shalt  }
0x69: {  	_ =	shalt  }
0x6a: {  	_ =	shalt  }
0x6b: {  	_ =	shalt  }
0x6c: {  	_ =	shalt  }
0x6d: {  	_ =	shalt  }
0x6e: {  	_ =	shalt  }
0x6f: {  	_ =	shalt  }
0x70: {  	_ =	shalt  }
0x71: {  	_ =	shalt  }
0x72: {  	_ =	shalt  }
0x73: {  	_ =	shalt  }
0x74: {  	_ =	shalt  }
0x75: {  	_ =	shalt  }
0x76: {  	_ =	shalt  }
0x77: {  	_ =	shalt  }
0x78: {  	_ =	shalt  }
0x79: {  	_ =	shalt  }
0x7a: {  	_ =	shalt  }
0x7b: {  	_ =	shalt  }
0x7c: {  	_ =	shalt  }
0x7d: {  	_ =	shalt  }
0x7e: {  	_ =	shalt  }
0x7f: {  	_ =	shalt  }
0x80: {  	_ =	shalt  }
0x81: {  	_ =	shalt  }
0x82: {  	_ =	shalt  }
0x83: {  	_ =	shalt  }
0x84: {  	_ =	shalt  }
0x85: {  	_ =	shalt  }
0x86: {  	_ =	shalt  }
0x87: {  	_ =	shalt  }
.Lfunc_end0:
.L_simem_size_0:
called_computation.1_lowered:
.L_overlay_start_0:
0x88: {  	s2 =	sld [smem:$0x3FD9]  }
0x89: {  	s3 =	sld [smem:$0x3FFE];
	_ =	sdelay $0x1  }
0x8a: {  	s1 =	srdreg.scid  }
0x8b: {  	s0 =	sand.u32 $0x1, s1  }
0x8c: {  	s17 =	sshll.u32 s0, $0xA;
	s2 =	sadd.s32 s3, s2  }
0x8d: {  	s2 =	sadd.s32 s2, s17  }
0x8e: {  	[smem:$0x3FC6] =	sst s2  }
0x8f: {  	_ = 	snop  }
0x90: {  	s2 =	sld [smem:$0x3FD0];
	(tm) =	ssettm $0x1  }
0x91: {  	s18 =	sld [smem:$0x3FFB];
	_ =	sdelay $0x3  }
0x92: {  	_ =	strace s18  }
0x93: {  	s3 =	sld [smem:$0x3FFC];
	_ =	sdelay $0x3  }
0x94: {  	_ =	strace s3  }
0x95: {  	s3 =	sld [smem:$0x3FFD];
	_ =	sdelay $0x3  }
0x96: {  	_ =	strace s3  }
0x97: {  	_ =	strace $0x8FFFFFFF  }
0x98: {  	s19 =	sld [smem:$0x3FDB];
	_ =	sdelay $0x1  }
0x99: {  	s4 =	simm.s32 $_scs_section_size  }
0x9a: {  	s5 =	simm.s32 $_size__tile_overlayer_lowered;
	s6 =	simm.s32 $_tile_overlayer_lowered  }
0x9b: {  	s22 =	simm.s32 $0x1BFF;
	s21 =	sshll.u32 s6, $0x1;
	s3 =	sadd.s32 s4, s19  }
0x9c: {  	s7 =	simm.s32 $0x0;
	s20 =	sshll.u32 s5, $0x1;
	s5 =	sadd.s32 s21, s3  }
0x9d: {  	[timem:s7], [sflag:s22] =	dma.local [hbm:s5], s20  }
0x9e: {  	_ =	swait.ge [sflag:s22], s20  }
0x9f: {  	s4 =	ssub.s32 $0x0, s20;
	[sflag:s22] =	ssyncset.done $0x0  }
0xa0: {  	[sflag:s22] =	ssyncadd.s32 s4;
	_ =	sdelay $0x1  }
0xa1: {  	s23 =	simm.s32 $0x1B8B  }
0xa2: {  	_ =	swait.ge [sflag:s23], $0x1  }
0xa3: {  	[sflag:s23] =	ssyncset.done $0x0  }
0xa4: {  	s25 =	simm.s32 $0x1B8E;
	s24 =	sld [smem:$0x3FFE];
	[sflag:s23] =	ssyncadd.s32 $0xFFFFFFFF  }
0xa5: {  	s26 =	simm.s32 $execute0_lowered;
	[smem:$0x3FD2] =	sst s25  }
0xa6: {  	s5 =	sshll.u32 s26, $0x1;
	_ =	strace $0x80000049;
	[dreg:$0x1] =	wrdreg $0xFFFFFFFF  }
0xa7: {  	s28 =	simm.s32 $_size_execute0_lowered;
	s3 =	sadd.s32 s3, s5;
	[dreg:$0x0] =	wrdreg $0x0  }
0xa8: {  	s5 =	sshll.u32 s28, $0x1;
	[dreg:$0x2] =	wrdreg s3  }
0xa9: {  	[dreg:$0x3] =	wrdreg s5  }
0xaa: {  	[dreg:$0x4] =	wrdreg $0xC0  }
0xab: {  	_ =	task [dreg:s7], $0x5FFFF  }
0xac: {  	[dreg:$0x1] =	wrdreg $0xFFFFFFFF  }
0xad: {  	[dreg:$0x0] =	wrdreg $0x60  }
0xae: {  	[dreg:$0x2] =	wrdreg s24  }
0xaf: {  	[dreg:$0x3] =	wrdreg s2  }
0xb0: {  	[dreg:$0x4] =	wrdreg $0x9  }
0xb1: {  	_ =	task.clear_ibuf [dreg:s7], $0x5FFFF;
	_ =	strace $0x90000049  }
0xb2: {  	s29 =	simm.s32 $0x9;
	_ =	strace $0x8000004B  }
0xb3: {  	_ =	swait.ge [sflag:s29], $0x1  }
0xb4: {  	[sflag:s29] =	ssyncadd.s32 $0xFFFFFFFF  }
0xb5: {  	_ =	strace $0x9000004B  }
0xb6: {  	_ =	sfence  }
0xb7: {  	s30 =	sld [smem:$0x0];
	_ =	sdelay $0x2  }
0xb8: {  	s31 =	sshll.u32 s1, $0xD;
	s1 =	sshrl.u32 s1, $0x2  }
0xb9: {  	s3 =	sand.u32 $0x4000, s31;
	s1 =	sadd.s32 s1, s30  }
0xba: {  	s0 =	sor.u32 s3, s0;
	s1 =	sshll.u32 s1, $0x11  }
0xbb: {  	s0 =	sor.u32 s1, s0  }
0xbc: {  	s0 =	sadd.s32 $0x8F2B, s0  }
0xbd: {  	[sflag:s0] =	ssyncadd.remote.s32 $0x1  }
0xbe: {  	_ =	sfence.sel $0xFFFF  }
0xbf: {  	[dreg:$0x0] =	wrdreg $0xFFFFFFFF;
	(pc) =	sbr.abs _section_cstart, $3  }
0xc0: {  	[dreg:$0x1] =	wrdreg $0xFFFFFFFF  }
0xc1: {  	_ =	task.clear_ibuf [dreg:s7], $0x2FFFF;
	_ =	strace $0x9FFFFFFF  }
0xc2: {  	(tm) =	ssettm $0x7FFFFFFF  }
0xc3: {  	_ =	shalt  }
tec
execute0_lowered:
.L_overlay_start_1:
0x0: {  	(tag) =	ssettag $0x1  }
0x1: {  	s0 =	srdreg.scid  }
0x2: {  	s2 =	stileid.u32;
	s1 =	rddreg [dreg:$0x0];
	s10 =	simm.s32 $0x80  }
0x3: {  	v11 =	vlaneseq.u32;
	s11 =	simm.s32 $0x1900;
	s12 =	simm.s32 $0x1B00;
	s13 =	simm.s32 $0x1980  }
0x4: {  	s14 =	simm.s32 $0x5B00;
	s15 =	simm.s32 $0x1;
	s16 =	simm.s32 $0x400;
	v0 =	vmul.u32 $0x32, v11  }
0x5: {  	s17 =	simm.s32 $0x8000;
	s18 =	simm.s32 $0x9B00;
	s19 =	simm.s32 $0x2  }
0x6: {  	s20 =	simm.s32 $0x4;
	s0 =	sand.u32 $0x1, s0;
	s3 =	sshll.u32 s2, $0x1;
	v11 =	vmul.u32 $0x80, v11;
	v1 =	vadd.s32 $0x320, v0  }
0x7: {  	s21 =	simm.s32 $0xAB00;
	s22 =	simm.s32 $0x3;
	s5 =	sor.u32 s0, s3;
	v2 =	vadd.s32 $0x640, v0;
	v3 =	vadd.s32 $0x960, v0;
	v4 =	vadd.s32 $0xC80, v0  }
0x8: {  	s2 =	rddreg [dreg:$0x1];
	s0 =	ssub.s32 $0x2, s0;
	s4 =	smul.u32 $0x320, s5;
	v5 =	vadd.s32 $0xFA0, v0;
	v6 =	vadd.s32 $0x12C0, v0;
	v7 =	vadd.s32 $0x15E0, v0  }
.Ltmp0:
0x9: {  	s3 =	simm.s32 $0x0;
	s7 =	sshrl.u32 s0, $0x1;
	v8 =	vor.u32 $0x1, v0;
	v9 =	vadd.s32 $0x321, v0;
	v10 =	vadd.s32 $0x641, v0;
	(pc) =	sbr.rel .LBB2_1-.Ltmp0, $4  }
0xa: {  	s23 =	simm.s32 $0x0;
	[smem:$0x7FF] =	sst s3;
	v12 =	vadd.s32 $0x961, v0;
	v13 =	vadd.s32 $0xC81, v0;
	v14 =	vadd.s32 $0xFA1, v0;
	s0 =	ssub.s32 s0, s7  }
0xb: {  	v15 =	vadd.s32 $0x12C1, v0;
	v16 =	vadd.s32 $0x15E1, v0;
	v17 =	vor.u32 $0x800, v11;
	_ =	strace $0x8000004A;
	s6 =	sadd.s32 s4, s1;
	s0 =	smax.u32 s0, $0x1  }
0xc: {  	v18 =	vor.u32 $0x1000, v11;
	v19 =	vor.u32 $0x1800, v11;
	v20 =	vor.u32 $0x2000, v11;
	s7 =	sadd.s32 $0x4000, s2;
	s31 =	sadd.s32 $0x3D1400, s6;
	[dreg:$0x4] =	wrdreg s0  }
0xd: {  	v21 =	vor.u32 $0x2800, v11;
	v22 =	vor.u32 $0x3000, v11;
	v23 =	vor.u32 $0x3800, v11;
	s4 =	sadd.s32 $0xA00, s1;
	s6 =	sshll.u32 s5, $0x7;
	[dreg:$0x3] =	wrdreg s31  }
.LBB2_20:
0xe: {  	_ =	swait.ge [sflag:s22], $0x1000  }
0xf: {  	[sflag:s22] =	ssyncset.done $0x0  }
0x10: {  	[sflag:s22] =	ssyncadd.s32 $0xFFFFF000  }
0x11: {  	_ =	swait.ge [sflag:s20], $0x1000  }
0x12: {  	s23 =	sadd.s32 $0x1, s23;
	s0 =	rddreg [dreg:$0x4]  }
0x13: {  	p0 =	sne.s32 s23, s0  }
.Ltmp1:
0x14: {  	_ = 	snop;
	(pc) =	sbr.rel @!p0 .LBB2_21-.Ltmp1, $3  }
0x15: {  	_ =	sdelay $0x1  }
0x16: {  	[sflag:s20] =	ssyncset.done $0x0  }
0x17: {  	[sflag:s20] =	ssyncadd.s32 $0xFFFFF000  }
.LBB2_1:
0x18: {  	s0 =	rddreg [dreg:$0x3];
	s31 =	simm.s32 $0x5  }
0x19: {  	[tilespmem:s3], [sflag:$0x5] =	stream.linear.gather [hbm4b:s0+s3], $0x1900, $0x38;
	[tilespmem:$0xBB00] =	vst v63  }
0x1a: {  	_ =	swait.ge [sflag:s31], $0x1900  }
0x1b: {  	[sflag:s31] =	ssyncset.done $0x0  }
0x1c: {  	[sflag:s31] =	ssyncadd.s32 $0xFFFFE700  }
0x1d: {  	v24 =	vld.idx.msk [tilespmem:v0+s3+$0x0], $0xffff;
	_ =	sdelay $0x4  }
0x1e: {  	v25 =	vshrl.u32 v24, $0x2;
	v24 =	vshll.u32 v24, $0x5  }
0x1f: {  	[tilespmem:$0x1900] =	vst v25;
	v24 =	vand.u32 $0x60, v24  }
0x20: {  	[tilespmem:$0x1A00] =	vst v24  }
0x21: {  	v24 =	vld.idx.msk [tilespmem:v1+s3+$0x0], $0xffff;
	_ =	sdelay $0x4  }
0x22: {  	v49 =	vshrl.u32 v24, $0x2;
	v24 =	vshll.u32 v24, $0x5  }
0x23: {  	[tilespmem:$0x1910] =	vst v49;
	v24 =	vand.u32 $0x60, v24  }
0x24: {  	[tilespmem:$0x1A10] =	vst v24  }
0x25: {  	v24 =	vld.idx.msk [tilespmem:v2+s3+$0x0], $0xffff;
	_ =	sdelay $0x4  }
0x26: {  	v50 =	vshrl.u32 v24, $0x2;
	v24 =	vshll.u32 v24, $0x5  }
0x27: {  	[tilespmem:$0x1920] =	vst v50;
	v24 =	vand.u32 $0x60, v24  }
0x28: {  	[tilespmem:$0x1A20] =	vst v24  }
0x29: {  	v24 =	vld.idx.msk [tilespmem:v3+s3+$0x0], $0xffff;
	_ =	sdelay $0x4  }
0x2a: {  	v51 =	vshrl.u32 v24, $0x2;
	v24 =	vshll.u32 v24, $0x5  }
0x2b: {  	[tilespmem:$0x1930] =	vst v51;
	v24 =	vand.u32 $0x60, v24  }
0x2c: {  	[tilespmem:$0x1A30] =	vst v24  }
0x2d: {  	v24 =	vld.idx.msk [tilespmem:v4+s3+$0x0], $0xffff;
	_ =	sdelay $0x4  }
0x2e: {  	v52 =	vshrl.u32 v24, $0x2;
	v24 =	vshll.u32 v24, $0x5  }
0x2f: {  	[tilespmem:$0x1940] =	vst v52;
	v24 =	vand.u32 $0x60, v24  }
0x30: {  	[tilespmem:$0x1A40] =	vst v24  }
0x31: {  	v24 =	vld.idx.msk [tilespmem:v5+s3+$0x0], $0xffff;
	_ =	sdelay $0x4  }
0x32: {  	v53 =	vshrl.u32 v24, $0x2;
	v24 =	vshll.u32 v24, $0x5  }
0x33: {  	[tilespmem:$0x1950] =	vst v53;
	v24 =	vand.u32 $0x60, v24  }
0x34: {  	[tilespmem:$0x1A50] =	vst v24  }
0x35: {  	v24 =	vld.idx.msk [tilespmem:v6+s3+$0x0], $0xffff;
	_ =	sdelay $0x4  }
0x36: {  	v54 =	vshrl.u32 v24, $0x2;
	v24 =	vshll.u32 v24, $0x5  }
0x37: {  	[tilespmem:$0x1960] =	vst v54;
	v24 =	vand.u32 $0x60, v24  }
0x38: {  	[tilespmem:$0x1A60] =	vst v24  }
0x39: {  	v24 =	vld.idx.msk [tilespmem:v7+s3+$0x0], $0xffff;
	_ =	sdelay $0x4  }
0x3a: {  	v55 =	vshrl.u32 v24, $0x2;
	v24 =	vshll.u32 v24, $0x5  }
0x3b: {  	[tilespmem:$0x1970] =	vst v55;
	v24 =	vand.u32 $0x60, v24  }
0x3c: {  	[tilespmem:$0x1A70] =	vst v24  }
0x3d: {  	[tilespmem:s12], [sflag:$0x1] =	stream.indirect.gather [hbm4b:s4+s10], $0x80, s11, s10, $0xb8;
	[tilespmem:$0xBB00] =	vst v63  }
0x3e: {  	v24 =	vld.idx.msk [tilespmem:v8+s3+$0x0], $0xffff;
	_ =	sdelay $0x4  }
0x3f: {  	v56 =	vshrl.u32 v24, $0x2;
	v24 =	vshll.u32 v24, $0x5  }
0x40: {  	[tilespmem:$0x1980] =	vst v56;
	v24 =	vand.u32 $0x60, v24  }
0x41: {  	[tilespmem:$0x1A80] =	vst v24  }
0x42: {  	v24 =	vld.idx.msk [tilespmem:v9+s3+$0x0], $0xffff;
	_ =	sdelay $0x4  }
0x43: {  	v57 =	vshrl.u32 v24, $0x2;
	v24 =	vshll.u32 v24, $0x5  }
0x44: {  	[tilespmem:$0x1990] =	vst v57;
	v24 =	vand.u32 $0x60, v24  }
0x45: {  	[tilespmem:$0x1A90] =	vst v24  }
0x46: {  	v24 =	vld.idx.msk [tilespmem:v10+s3+$0x0], $0xffff;
	_ =	sdelay $0x4  }
0x47: {  	v58 =	vshrl.u32 v24, $0x2;
	v24 =	vshll.u32 v24, $0x5  }
0x48: {  	[tilespmem:$0x19A0] =	vst v58;
	v24 =	vand.u32 $0x60, v24  }
0x49: {  	[tilespmem:$0x1AA0] =	vst v24  }
0x4a: {  	v24 =	vld.idx.msk [tilespmem:v12+s3+$0x0], $0xffff;
	_ =	sdelay $0x4  }
0x4b: {  	v59 =	vshrl.u32 v24, $0x2;
	v24 =	vshll.u32 v24, $0x5  }
0x4c: {  	[tilespmem:$0x19B0] =	vst v59;
	v24 =	vand.u32 $0x60, v24  }
0x4d: {  	[tilespmem:$0x1AB0] =	vst v24  }
0x4e: {  	v24 =	vld.idx.msk [tilespmem:v13+s3+$0x0], $0xffff;
	_ =	sdelay $0x4  }
0x4f: {  	v60 =	vshrl.u32 v24, $0x2;
	v24 =	vshll.u32 v24, $0x5  }
0x50: {  	[tilespmem:$0x19C0] =	vst v60;
	v24 =	vand.u32 $0x60, v24  }
0x51: {  	[tilespmem:$0x1AC0] =	vst v24  }
0x52: {  	v24 =	vld.idx.msk [tilespmem:v14+s3+$0x0], $0xffff;
	_ =	sdelay $0x4  }
0x53: {  	v61 =	vshrl.u32 v24, $0x2;
	v24 =	vshll.u32 v24, $0x5  }
0x54: {  	[tilespmem:$0x19D0] =	vst v61;
	v24 =	vand.u32 $0x60, v24  }
0x55: {  	[tilespmem:$0x1AD0] =	vst v24  }
0x56: {  	v24 =	vld.idx.msk [tilespmem:v15+s3+$0x0], $0xffff;
	_ =	sdelay $0x4  }
0x57: {  	v62 =	vshrl.u32 v24, $0x2;
	v24 =	vshll.u32 v24, $0x5  }
0x58: {  	[tilespmem:$0x19E0] =	vst v62;
	v24 =	vand.u32 $0x60, v24  }
0x59: {  	[tilespmem:$0x1AE0] =	vst v24  }
0x5a: {  	v24 =	vld.idx.msk [tilespmem:v16+s3+$0x0], $0xffff;
	_ =	sdelay $0x4  }
0x5b: {  	v63 =	vshrl.u32 v24, $0x2;
	v24 =	vshll.u32 v24, $0x5  }
0x5c: {  	[tilespmem:$0x19F0] =	vst v63;
	v24 =	vand.u32 $0x60, v24  }
0x5d: {  	s24 =	simm.s32 $0x0;
	[tilespmem:$0x1AF0] =	vst v24  }
0x5e: {  	[tilespmem:s14], [sflag:$0x2] =	stream.indirect.gather [hbm4b:s4+s10], $0x80, s13, s10, $0xb8;
	[tilespmem:$0xBB00] =	vst v63  }
.LBB2_2:
0x5f: {  	_ =	swait.ge [sflag:s15], $0x4000  }
0x60: {  	p0 =	seq.s32 s24, $0x0;
	[sflag:s15] =	ssyncset.done $0x0  }
0x61: {  	s0 =	simm.s32 @!p0 $0x3;
	[sflag:s15] =	ssyncadd.s32 $0xFFFFC000  }
0x62: {  	_ =	swait.ge @!p0 [sflag:s0], $0x1000  }
0x63: {  	[sflag:s0] =	ssyncset.done @!p0 $0x0  }
0x64: {  	[sflag:s0] =	ssyncadd.s32 @!p0 $0xFFFFF000  }
0x65: {  	v24 =	vld [tilespmem:$0x1A00]  }
0x66: {  	v25 =	vld [tilespmem:$0x1A10]  }
0x67: {  	v26 =	vld [tilespmem:$0x1A20]  }
0x68: {  	v27 =	vld [tilespmem:$0x1A30]  }
0x69: {  	v28 =	vld [tilespmem:$0x1A40]  }
0x6a: {  	v29 =	vld [tilespmem:$0x1A50]  }
0x6b: {  	s25 =	sshll.u32 s24, $0x1;
	s26 =	simm.s32 $0x0;
	v30 =	vld [tilespmem:$0x1A60]  }
0x6c: {  	p1 =	por $0x1, $0x1;
	p2 =	por $0x1, $0x1;
	s28 =	simm.s32 $0x0;
	v31 =	vld [tilespmem:$0x1A70]  }
.LBB2_3:
0x6d: {  	v32 =	vadd.s32 s28, v24;
	s31 =	sor.u32 $0x1, s28  }
0x6e: {  	s30 =	sor.u32 $0x2, s28;
	v32 =	vadd.s32 v11, v32;
	v33 =	vadd.s32 s31, v24  }
0x6f: {  	s29 =	sor.u32 $0x3, s28;
	v34 =	vadd.s32 s30, v24;
	v33 =	vadd.s32 v11, v33  }
0x70: {  	v35 =	vadd.s32 s29, v24;
	v34 =	vadd.s32 v11, v34  }
0x71: {  	v35 =	vadd.s32 v11, v35;
	_ =	sdelay $0x1  }
0x72: {  	v36 =	vadd.s32 s28, v25;
	v32 =	vld.idx.msk [tilespmem:v32+s12+$0x0], $0xffff  }
0x73: {  	v36 =	vadd.s32 v17, v36;
	v37 =	vadd.s32 s31, v25;
	v33 =	vld.idx.msk [tilespmem:v33+s12+$0x0], $0xffff  }
0x74: {  	v38 =	vadd.s32 s30, v25;
	v37 =	vadd.s32 v17, v37;
	v34 =	vld.idx.msk [tilespmem:v34+s12+$0x0], $0xffff  }
0x75: {  	s0 =	sshll.u32 s28, $0x7;
	v39 =	vadd.s32 s29, v25;
	v38 =	vadd.s32 v17, v38;
	v35 =	vld.idx.msk [tilespmem:v35+s12+$0x0], $0xffff  }
0x76: {  	s1 =	sand.u32 $0x3FFFFF80, s0;
	s9 =	sshll.u32 s31, $0x7;
	v39 =	vadd.s32 v17, v39  }
0x77: {  	s5 =	sshll.u32 s30, $0x7;
	s0 =	sand.u32 $0x3FFFFF80, s9;
	[tilespmem:s1+$0x9B00] =	vst v32  }
0x78: {  	v53 =	vadd.s32 s28, v26;
	s8 =	sshll.u32 s29, $0x7;
	s5 =	sand.u32 $0x3FFFFF80, s5;
	v32 =	vld.idx.msk [tilespmem:v36+s12+$0x0], $0xffff;
	[tilespmem:s0+$0x9B00] =	vst v33  }
0x79: {  	v54 =	vadd.s32 v18, v53;
	v56 =	vadd.s32 s31, v26;
	s8 =	sand.u32 $0x3FFFFF80, s8;
	[tilespmem:s5+$0x9B00] =	vst v34;
	v55 =	vld.idx.msk [tilespmem:v37+s12+$0x0], $0xffff  }
0x7a: {  	v59 =	vadd.s32 s30, v26;
	v57 =	vadd.s32 v18, v56;
	[tilespmem:s8+$0x9B00] =	vst v35;
	v58 =	vld.idx.msk [tilespmem:v38+s12+$0x0], $0xffff  }
0x7b: {  	v62 =	vadd.s32 s29, v26;
	v60 =	vadd.s32 v18, v59;
	v61 =	vld.idx.msk [tilespmem:v39+s12+$0x0], $0xffff  }
0x7c: {  	v39 =	vadd.s32 v18, v62  }
0x7d: {  	[tilespmem:s1+$0x9B10] =	vst v32  }
0x7e: {  	v63 =	vadd.s32 s28, v27;
	v32 =	vld.idx.msk [tilespmem:v54+s12+$0x0], $0xffff;
	[tilespmem:s0+$0x9B10] =	vst v55  }
0x7f: {  	v40 =	vadd.s32 s31, v27;
	v33 =	vadd.s32 v19, v63;
	[tilespmem:s5+$0x9B10] =	vst v58;
	v34 =	vld.idx.msk [tilespmem:v57+s12+$0x0], $0xffff  }
0x80: {  	v41 =	vadd.s32 s30, v27;
	v36 =	vadd.s32 v19, v40;
	[tilespmem:s8+$0x9B10] =	vst v61;
	v35 =	vld.idx.msk [tilespmem:v60+s12+$0x0], $0xffff  }
0x81: {  	v42 =	vadd.s32 s29, v27;
	v37 =	vadd.s32 v19, v41;
	v38 =	vld.idx.msk [tilespmem:v39+s12+$0x0], $0xffff  }
0x82: {  	v39 =	vadd.s32 v19, v42  }
0x83: {  	[tilespmem:s1+$0x9B20] =	vst v32  }
0x84: {  	v43 =	vadd.s32 s28, v28;
	v32 =	vld.idx.msk [tilespmem:v33+s12+$0x0], $0xffff;
	[tilespmem:s0+$0x9B20] =	vst v34  }
0x85: {  	v44 =	vadd.s32 s31, v28;
	v33 =	vadd.s32 v20, v43;
	[tilespmem:s5+$0x9B20] =	vst v35;
	v34 =	vld.idx.msk [tilespmem:v36+s12+$0x0], $0xffff  }
0x86: {  	v47 =	vadd.s32 s30, v28;
	v45 =	vadd.s32 v20, v44;
	[tilespmem:s8+$0x9B20] =	vst v38;
	v46 =	vld.idx.msk [tilespmem:v37+s12+$0x0], $0xffff  }
0x87: {  	v48 =	vadd.s32 s29, v28;
	v37 =	vadd.s32 v20, v47;
	v38 =	vld.idx.msk [tilespmem:v39+s12+$0x0], $0xffff  }
0x88: {  	v39 =	vadd.s32 v20, v48  }
0x89: {  	[tilespmem:s1+$0x9B30] =	vst v32  }
0x8a: {  	v49 =	vadd.s32 s28, v29;
	v32 =	vld.idx.msk [tilespmem:v33+s12+$0x0], $0xffff;
	[tilespmem:s0+$0x9B30] =	vst v34  }
0x8b: {  	v50 =	vadd.s32 s31, v29;
	v33 =	vadd.s32 v21, v49;
	[tilespmem:s5+$0x9B30] =	vst v46;
	v34 =	vld.idx.msk [tilespmem:v45+s12+$0x0], $0xffff  }
0x8c: {  	v51 =	vadd.s32 s30, v29;
	v35 =	vadd.s32 v21, v50;
	[tilespmem:s8+$0x9B30] =	vst v38;
	v36 =	vld.idx.msk [tilespmem:v37+s12+$0x0], $0xffff  }
0x8d: {  	v52 =	vadd.s32 s29, v29;
	v37 =	vadd.s32 v21, v51;
	v38 =	vld.idx.msk [tilespmem:v39+s12+$0x0], $0xffff  }
0x8e: {  	v39 =	vadd.s32 v21, v52  }
0x8f: {  	[tilespmem:s1+$0x9B40] =	vst v32  }
0x90: {  	v53 =	vadd.s32 s28, v30;
	v32 =	vld.idx.msk [tilespmem:v33+s12+$0x0], $0xffff;
	[tilespmem:s0+$0x9B40] =	vst v34  }
0x91: {  	v54 =	vadd.s32 s31, v30;
	v33 =	vadd.s32 v22, v53;
	[tilespmem:s5+$0x9B40] =	vst v36;
	v34 =	vld.idx.msk [tilespmem:v35+s12+$0x0], $0xffff  }
0x92: {  	v55 =	vadd.s32 s30, v30;
	[tilespmem:s8+$0x9B40] =	vst v38;
	v35 =	vadd.s32 v22, v54;
	v36 =	vld.idx.msk [tilespmem:v37+s12+$0x0], $0xffff  }
0x93: {  	v56 =	vadd.s32 s29, v30;
	v37 =	vadd.s32 v22, v55;
	v38 =	vld.idx.msk [tilespmem:v39+s12+$0x0], $0xffff  }
0x94: {  	v39 =	vadd.s32 v22, v56  }
0x95: {  	[tilespmem:s1+$0x9B50] =	vst v32  }
0x96: {  	v57 =	vadd.s32 s28, v31;
	v33 =	vld.idx.msk [tilespmem:v33+s12+$0x0], $0xffff;
	[tilespmem:s0+$0x9B50] =	vst v34  }
0x97: {  	v58 =	vadd.s32 s31, v31;
	v32 =	vadd.s32 v23, v57;
	[tilespmem:s5+$0x9B50] =	vst v36;
	v35 =	vld.idx.msk [tilespmem:v35+s12+$0x0], $0xffff  }
0x98: {  	v59 =	vadd.s32 s30, v31;
	v34 =	vadd.s32 v23, v58;
	[tilespmem:s8+$0x9B50] =	vst v38;
	v37 =	vld.idx.msk [tilespmem:v37+s12+$0x0], $0xffff  }
0x99: {  	v60 =	vadd.s32 s29, v31;
	v36 =	vadd.s32 v23, v59;
	v39 =	vld.idx.msk [tilespmem:v39+s12+$0x0], $0xffff  }
0x9a: {  	v38 =	vadd.s32 v23, v60  }
0x9b: {  	[tilespmem:s1+$0x9B60] =	vst v33  }
0x9c: {  	[tilespmem:s0+$0x9B60] =	vst v35;
	v32 =	vld.idx.msk [tilespmem:v32+s12+$0x0], $0xffff  }
0x9d: {  	[tilespmem:s5+$0x9B60] =	vst v37;
	v61 =	vld.idx.msk [tilespmem:v34+s12+$0x0], $0xffff  }
0x9e: {  	[tilespmem:s8+$0x9B60] =	vst v39;
	v62 =	vld.idx.msk [tilespmem:v36+s12+$0x0], $0xffff  }
0x9f: {  	p3 =	por p2, p2;
	v63 =	vld.idx.msk [tilespmem:v38+s12+$0x0], $0xffff  }
.Ltmp2:
0xa0: {  	_ = 	snop;
	(pc) =	sbr.rel @p3 .LBB2_3-.Ltmp2, $4  }
0xa1: {  	[tilespmem:s1+$0x9B70] =	vst v32  }
0xa2: {  	[tilespmem:s0+$0x9B70] =	vst v61  }
0xa3: {  	[tilespmem:s5+$0x9B70] =	vst v62  }
0xa4: {  	p2 =	por $0x0, $0x0;
	s28 =	simm.s32 $0x4;
	[tilespmem:s8+$0x9B70] =	vst v63  }
.LBB2_4:
0xa5: {  	s29 =	sor.u32 $0x8, s26  }
0xa6: {  	s5 =	sor.u32 $0x9, s26;
	v32 =	vadd.s32 s29, v24  }
0xa7: {  	s28 =	sor.u32 $0xA, s26;
	v33 =	vadd.s32 s5, v24;
	v32 =	vadd.s32 v11, v32  }
0xa8: {  	s1 =	sor.u32 $0xB, s26;
	v34 =	vadd.s32 s28, v24;
	v33 =	vadd.s32 v11, v33  }
0xa9: {  	v35 =	vadd.s32 s1, v24;
	v34 =	vadd.s32 v11, v34  }
0xaa: {  	v35 =	vadd.s32 v11, v35;
	_ =	sdelay $0x1  }
0xab: {  	v36 =	vadd.s32 s29, v25;
	v32 =	vld.idx.msk [tilespmem:v32+s12+$0x0], $0xffff  }
0xac: {  	v37 =	vadd.s32 s5, v25;
	v36 =	vadd.s32 v17, v36;
	v33 =	vld.idx.msk [tilespmem:v33+s12+$0x0], $0xffff  }
0xad: {  	v38 =	vadd.s32 s28, v25;
	v37 =	vadd.s32 v17, v37;
	v34 =	vld.idx.msk [tilespmem:v34+s12+$0x0], $0xffff  }
0xae: {  	s0 =	sshll.u32 s26, $0x7;
	v39 =	vadd.s32 s1, v25;
	v38 =	vadd.s32 v17, v38;
	v35 =	vld.idx.msk [tilespmem:v35+s12+$0x0], $0xffff  }
0xaf: {  	s0 =	sand.u32 $0x3FFFFF80, s0;
	v39 =	vadd.s32 v17, v39  }
0xb0: {  	[tilespmem:s0+$0x9F00] =	vst v32  }
0xb1: {  	v53 =	vadd.s32 s29, v26;
	[tilespmem:s0+$0x9F80] =	vst v33;
	v32 =	vld.idx.msk [tilespmem:v36+s12+$0x0], $0xffff  }
0xb2: {  	v56 =	vadd.s32 s5, v26;
	v54 =	vadd.s32 v18, v53;
	[tilespmem:s0+$0xA000] =	vst v34;
	v55 =	vld.idx.msk [tilespmem:v37+s12+$0x0], $0xffff  }
0xb3: {  	v59 =	vadd.s32 s28, v26;
	v57 =	vadd.s32 v18, v56;
	[tilespmem:s0+$0xA080] =	vst v35;
	v58 =	vld.idx.msk [tilespmem:v38+s12+$0x0], $0xffff  }
0xb4: {  	v62 =	vadd.s32 s1, v26;
	v60 =	vadd.s32 v18, v59;
	v61 =	vld.idx.msk [tilespmem:v39+s12+$0x0], $0xffff  }
0xb5: {  	v39 =	vadd.s32 v18, v62  }
0xb6: {  	[tilespmem:s0+$0x9F10] =	vst v32  }
0xb7: {  	v63 =	vadd.s32 s29, v27;
	[tilespmem:s0+$0x9F90] =	vst v55;
	v32 =	vld.idx.msk [tilespmem:v54+s12+$0x0], $0xffff  }
0xb8: {  	v40 =	vadd.s32 s5, v27;
	v33 =	vadd.s32 v19, v63;
	[tilespmem:s0+$0xA010] =	vst v58;
	v34 =	vld.idx.msk [tilespmem:v57+s12+$0x0], $0xffff  }
0xb9: {  	v41 =	vadd.s32 s28, v27;
	v36 =	vadd.s32 v19, v40;
	[tilespmem:s0+$0xA090] =	vst v61;
	v35 =	vld.idx.msk [tilespmem:v60+s12+$0x0], $0xffff  }
0xba: {  	v42 =	vadd.s32 s1, v27;
	v37 =	vadd.s32 v19, v41;
	v38 =	vld.idx.msk [tilespmem:v39+s12+$0x0], $0xffff  }
0xbb: {  	v39 =	vadd.s32 v19, v42  }
0xbc: {  	[tilespmem:s0+$0x9F20] =	vst v32  }
0xbd: {  	v43 =	vadd.s32 s29, v28;
	[tilespmem:s0+$0x9FA0] =	vst v34;
	v32 =	vld.idx.msk [tilespmem:v33+s12+$0x0], $0xffff  }
0xbe: {  	v44 =	vadd.s32 s5, v28;
	[tilespmem:s0+$0xA020] =	vst v35;
	v33 =	vadd.s32 v20, v43;
	v34 =	vld.idx.msk [tilespmem:v36+s12+$0x0], $0xffff  }
0xbf: {  	v47 =	vadd.s32 s28, v28;
	v45 =	vadd.s32 v20, v44;
	[tilespmem:s0+$0xA0A0] =	vst v38;
	v46 =	vld.idx.msk [tilespmem:v37+s12+$0x0], $0xffff  }
0xc0: {  	v48 =	vadd.s32 s1, v28;
	v37 =	vadd.s32 v20, v47;
	v38 =	vld.idx.msk [tilespmem:v39+s12+$0x0], $0xffff  }
0xc1: {  	v39 =	vadd.s32 v20, v48  }
0xc2: {  	[tilespmem:s0+$0x9F30] =	vst v32  }
0xc3: {  	v49 =	vadd.s32 s29, v29;
	[tilespmem:s0+$0x9FB0] =	vst v34;
	v32 =	vld.idx.msk [tilespmem:v33+s12+$0x0], $0xffff  }
0xc4: {  	v50 =	vadd.s32 s5, v29;
	[tilespmem:s0+$0xA030] =	vst v46;
	v33 =	vadd.s32 v21, v49;
	v34 =	vld.idx.msk [tilespmem:v45+s12+$0x0], $0xffff  }
0xc5: {  	v51 =	vadd.s32 s28, v29;
	v35 =	vadd.s32 v21, v50;
	[tilespmem:s0+$0xA0B0] =	vst v38;
	v36 =	vld.idx.msk [tilespmem:v37+s12+$0x0], $0xffff  }
0xc6: {  	v52 =	vadd.s32 s1, v29;
	v37 =	vadd.s32 v21, v51;
	v38 =	vld.idx.msk [tilespmem:v39+s12+$0x0], $0xffff  }
0xc7: {  	v39 =	vadd.s32 v21, v52  }
0xc8: {  	[tilespmem:s0+$0x9F40] =	vst v32  }
0xc9: {  	v53 =	vadd.s32 s29, v30;
	[tilespmem:s0+$0x9FC0] =	vst v34;
	v32 =	vld.idx.msk [tilespmem:v33+s12+$0x0], $0xffff  }
0xca: {  	v54 =	vadd.s32 s5, v30;
	[tilespmem:s0+$0xA040] =	vst v36;
	v33 =	vadd.s32 v22, v53;
	v34 =	vld.idx.msk [tilespmem:v35+s12+$0x0], $0xffff  }
0xcb: {  	v55 =	vadd.s32 s28, v30;
	[tilespmem:s0+$0xA0C0] =	vst v38;
	v35 =	vadd.s32 v22, v54;
	v36 =	vld.idx.msk [tilespmem:v37+s12+$0x0], $0xffff  }
0xcc: {  	v56 =	vadd.s32 s1, v30;
	v37 =	vadd.s32 v22, v55;
	v38 =	vld.idx.msk [tilespmem:v39+s12+$0x0], $0xffff  }
0xcd: {  	v39 =	vadd.s32 v22, v56  }
0xce: {  	[tilespmem:s0+$0x9F50] =	vst v32  }
0xcf: {  	v57 =	vadd.s32 s29, v31;
	[tilespmem:s0+$0x9FD0] =	vst v34;
	v33 =	vld.idx.msk [tilespmem:v33+s12+$0x0], $0xffff  }
0xd0: {  	v58 =	vadd.s32 s5, v31;
	v32 =	vadd.s32 v23, v57;
	[tilespmem:s0+$0xA050] =	vst v36;
	v35 =	vld.idx.msk [tilespmem:v35+s12+$0x0], $0xffff  }
0xd1: {  	v59 =	vadd.s32 s28, v31;
	v34 =	vadd.s32 v23, v58;
	[tilespmem:s0+$0xA0D0] =	vst v38;
	v36 =	vld.idx.msk [tilespmem:v37+s12+$0x0], $0xffff  }
0xd2: {  	v60 =	vadd.s32 s1, v31;
	v37 =	vadd.s32 v23, v59;
	v38 =	vld.idx.msk [tilespmem:v39+s12+$0x0], $0xffff  }
0xd3: {  	v39 =	vadd.s32 v23, v60  }
0xd4: {  	[tilespmem:s0+$0x9F60] =	vst v33  }
0xd5: {  	[tilespmem:s0+$0x9FE0] =	vst v35;
	v32 =	vld.idx.msk [tilespmem:v32+s12+$0x0], $0xffff  }
0xd6: {  	[tilespmem:s0+$0xA060] =	vst v36;
	v61 =	vld.idx.msk [tilespmem:v34+s12+$0x0], $0xffff  }
0xd7: {  	[tilespmem:s0+$0xA0E0] =	vst v38;
	v62 =	vld.idx.msk [tilespmem:v37+s12+$0x0], $0xffff  }
0xd8: {  	p3 =	por p1, p1;
	v63 =	vld.idx.msk [tilespmem:v39+s12+$0x0], $0xffff  }
.Ltmp3:
0xd9: {  	_ = 	snop;
	(pc) =	sbr.rel @p3 .LBB2_4-.Ltmp3, $4  }
0xda: {  	[tilespmem:s0+$0x9F70] =	vst v32  }
0xdb: {  	[tilespmem:s0+$0x9FF0] =	vst v61  }
0xdc: {  	p2 =	por $0x1, $0x1;
	[tilespmem:s0+$0xA070] =	vst v62  }
0xdd: {  	s26 =	simm.s32 $0x4;
	p1 =	por $0x0, $0x0;
	s28 =	simm.s32 $0x0;
	[tilespmem:s0+$0xA0F0] =	vst v63  }
0xde: {  	p1 =	por $0x1, $0x1;
	s8 =	simm.s32 $0x0  }
.LBB2_6:
0xdf: {  	s29 =	sor.u32 $0x10, s8  }
0xe0: {  	s5 =	sor.u32 $0x11, s8;
	v32 =	vadd.s32 s29, v24  }
0xe1: {  	s0 =	sor.u32 $0x12, s8;
	v33 =	vadd.s32 s5, v24;
	v32 =	vadd.s32 v11, v32  }
0xe2: {  	s1 =	sor.u32 $0x13, s8;
	v34 =	vadd.s32 s0, v24;
	v33 =	vadd.s32 v11, v33  }
0xe3: {  	v35 =	vadd.s32 s1, v24;
	v34 =	vadd.s32 v11, v34  }
0xe4: {  	v35 =	vadd.s32 v11, v35;
	_ =	sdelay $0x1  }
0xe5: {  	v36 =	vadd.s32 s29, v25;
	v32 =	vld.idx.msk [tilespmem:v32+s12+$0x0], $0xffff  }
0xe6: {  	v37 =	vadd.s32 s5, v25;
	v36 =	vadd.s32 v17, v36;
	v33 =	vld.idx.msk [tilespmem:v33+s12+$0x0], $0xffff  }
0xe7: {  	v38 =	vadd.s32 s0, v25;
	v37 =	vadd.s32 v17, v37;
	v34 =	vld.idx.msk [tilespmem:v34+s12+$0x0], $0xffff  }
0xe8: {  	s31 =	sshll.u32 s8, $0x7;
	v39 =	vadd.s32 s1, v25;
	v38 =	vadd.s32 v17, v38;
	v35 =	vld.idx.msk [tilespmem:v35+s12+$0x0], $0xffff  }
0xe9: {  	s26 =	sand.u32 $0x3FFFFF80, s31;
	v39 =	vadd.s32 v17, v39  }
0xea: {  	[tilespmem:s26+$0xA300] =	vst v32  }
0xeb: {  	v53 =	vadd.s32 s29, v26;
	[tilespmem:s26+$0xA380] =	vst v33;
	v32 =	vld.idx.msk [tilespmem:v36+s12+$0x0], $0xffff  }
0xec: {  	v56 =	vadd.s32 s5, v26;
	v54 =	vadd.s32 v18, v53;
	[tilespmem:s26+$0xA400] =	vst v34;
	v55 =	vld.idx.msk [tilespmem:v37+s12+$0x0], $0xffff  }
0xed: {  	v59 =	vadd.s32 s0, v26;
	v57 =	vadd.s32 v18, v56;
	[tilespmem:s26+$0xA480] =	vst v35;
	v58 =	vld.idx.msk [tilespmem:v38+s12+$0x0], $0xffff  }
0xee: {  	v62 =	vadd.s32 s1, v26;
	v60 =	vadd.s32 v18, v59;
	v61 =	vld.idx.msk [tilespmem:v39+s12+$0x0], $0xffff  }
0xef: {  	v39 =	vadd.s32 v18, v62  }
0xf0: {  	[tilespmem:s26+$0xA310] =	vst v32  }
0xf1: {  	v63 =	vadd.s32 s29, v27;
	[tilespmem:s26+$0xA390] =	vst v55;
	v32 =	vld.idx.msk [tilespmem:v54+s12+$0x0], $0xffff  }
0xf2: {  	v40 =	vadd.s32 s5, v27;
	v33 =	vadd.s32 v19, v63;
	[tilespmem:s26+$0xA410] =	vst v58;
	v34 =	vld.idx.msk [tilespmem:v57+s12+$0x0], $0xffff  }
0xf3: {  	v41 =	vadd.s32 s0, v27;
	v36 =	vadd.s32 v19, v40;
	[tilespmem:s26+$0xA490] =	vst v61;
	v35 =	vld.idx.msk [tilespmem:v60+s12+$0x0], $0xffff  }
0xf4: {  	v42 =	vadd.s32 s1, v27;
	v37 =	vadd.s32 v19, v41;
	v38 =	vld.idx.msk [tilespmem:v39+s12+$0x0], $0xffff  }
0xf5: {  	v39 =	vadd.s32 v19, v42  }
0xf6: {  	[tilespmem:s26+$0xA320] =	vst v32  }
0xf7: {  	v43 =	vadd.s32 s29, v28;
	[tilespmem:s26+$0xA3A0] =	vst v34;
	v32 =	vld.idx.msk [tilespmem:v33+s12+$0x0], $0xffff  }
0xf8: {  	v44 =	vadd.s32 s5, v28;
	[tilespmem:s26+$0xA420] =	vst v35;
	v33 =	vadd.s32 v20, v43;
	v34 =	vld.idx.msk [tilespmem:v36+s12+$0x0], $0xffff  }
0xf9: {  	v47 =	vadd.s32 s0, v28;
	v45 =	vadd.s32 v20, v44;
	[tilespmem:s26+$0xA4A0] =	vst v38;
	v46 =	vld.idx.msk [tilespmem:v37+s12+$0x0], $0xffff  }
0xfa: {  	v48 =	vadd.s32 s1, v28;
	v37 =	vadd.s32 v20, v47;
	v38 =	vld.idx.msk [tilespmem:v39+s12+$0x0], $0xffff  }
0xfb: {  	v39 =	vadd.s32 v20, v48  }
0xfc: {  	[tilespmem:s26+$0xA330] =	vst v32  }
0xfd: {  	v49 =	vadd.s32 s29, v29;
	[tilespmem:s26+$0xA3B0] =	vst v34;
	v32 =	vld.idx.msk [tilespmem:v33+s12+$0x0], $0xffff  }
0xfe: {  	v50 =	vadd.s32 s5, v29;
	[tilespmem:s26+$0xA430] =	vst v46;
	v33 =	vadd.s32 v21, v49;
	v34 =	vld.idx.msk [tilespmem:v45+s12+$0x0], $0xffff  }
0xff: {  	v51 =	vadd.s32 s0, v29;
	v35 =	vadd.s32 v21, v50;
	[tilespmem:s26+$0xA4B0] =	vst v38;
	v36 =	vld.idx.msk [tilespmem:v37+s12+$0x0], $0xffff  }
0x100: {  	v52 =	vadd.s32 s1, v29;
	v37 =	vadd.s32 v21, v51;
	v38 =	vld.idx.msk [tilespmem:v39+s12+$0x0], $0xffff  }
0x101: {  	v39 =	vadd.s32 v21, v52  }
0x102: {  	[tilespmem:s26+$0xA340] =	vst v32  }
0x103: {  	v53 =	vadd.s32 s29, v30;
	[tilespmem:s26+$0xA3C0] =	vst v34;
	v32 =	vld.idx.msk [tilespmem:v33+s12+$0x0], $0xffff  }
0x104: {  	v54 =	vadd.s32 s5, v30;
	[tilespmem:s26+$0xA440] =	vst v36;
	v33 =	vadd.s32 v22, v53;
	v34 =	vld.idx.msk [tilespmem:v35+s12+$0x0], $0xffff  }
0x105: {  	v55 =	vadd.s32 s0, v30;
	[tilespmem:s26+$0xA4C0] =	vst v38;
	v35 =	vadd.s32 v22, v54;
	v36 =	vld.idx.msk [tilespmem:v37+s12+$0x0], $0xffff  }
0x106: {  	v56 =	vadd.s32 s1, v30;
	v37 =	vadd.s32 v22, v55;
	v38 =	vld.idx.msk [tilespmem:v39+s12+$0x0], $0xffff  }
0x107: {  	v39 =	vadd.s32 v22, v56  }
0x108: {  	[tilespmem:s26+$0xA350] =	vst v32  }
0x109: {  	v57 =	vadd.s32 s29, v31;
	[tilespmem:s26+$0xA3D0] =	vst v34;
	v33 =	vld.idx.msk [tilespmem:v33+s12+$0x0], $0xffff  }
0x10a: {  	v58 =	vadd.s32 s5, v31;
	v32 =	vadd.s32 v23, v57;
	[tilespmem:s26+$0xA450] =	vst v36;
	v35 =	vld.idx.msk [tilespmem:v35+s12+$0x0], $0xffff  }
0x10b: {  	v59 =	vadd.s32 s0, v31;
	v34 =	vadd.s32 v23, v58;
	[tilespmem:s26+$0xA4D0] =	vst v38;
	v36 =	vld.idx.msk [tilespmem:v37+s12+$0x0], $0xffff  }
0x10c: {  	v60 =	vadd.s32 s1, v31;
	v37 =	vadd.s32 v23, v59;
	v38 =	vld.idx.msk [tilespmem:v39+s12+$0x0], $0xffff  }
0x10d: {  	v39 =	vadd.s32 v23, v60  }
0x10e: {  	[tilespmem:s26+$0xA360] =	vst v33  }
0x10f: {  	[tilespmem:s26+$0xA3E0] =	vst v35;
	v32 =	vld.idx.msk [tilespmem:v32+s12+$0x0], $0xffff  }
0x110: {  	[tilespmem:s26+$0xA460] =	vst v36;
	v61 =	vld.idx.msk [tilespmem:v34+s12+$0x0], $0xffff  }
0x111: {  	[tilespmem:s26+$0xA4E0] =	vst v38;
	v62 =	vld.idx.msk [tilespmem:v37+s12+$0x0], $0xffff  }
0x112: {  	p3 =	por p1, p1;
	v63 =	vld.idx.msk [tilespmem:v39+s12+$0x0], $0xffff  }
.Ltmp4:
0x113: {  	_ = 	snop;
	(pc) =	sbr.rel @p3 .LBB2_6-.Ltmp4, $4  }
0x114: {  	[tilespmem:s26+$0xA370] =	vst v32  }
0x115: {  	[tilespmem:s26+$0xA3F0] =	vst v61  }
0x116: {  	[tilespmem:s26+$0xA470] =	vst v62  }
0x117: {  	s8 =	simm.s32 $0x4;
	p1 =	por $0x0, $0x0;
	[tilespmem:s26+$0xA4F0] =	vst v63  }
.LBB2_7:
0x118: {  	s29 =	sor.u32 $0x18, s28  }
0x119: {  	s5 =	sor.u32 $0x19, s28;
	v32 =	vadd.s32 s29, v24  }
0x11a: {  	s0 =	sor.u32 $0x1A, s28;
	v33 =	vadd.s32 s5, v24;
	v32 =	vadd.s32 v11, v32  }
0x11b: {  	s1 =	sor.u32 $0x1B, s28;
	v34 =	vadd.s32 s0, v24;
	v33 =	vadd.s32 v11, v33  }
0x11c: {  	v35 =	vadd.s32 s1, v24;
	v34 =	vadd.s32 v11, v34  }
0x11d: {  	v35 =	vadd.s32 v11, v35;
	_ =	sdelay $0x1  }
0x11e: {  	v36 =	vadd.s32 s29, v25;
	v32 =	vld.idx.msk [tilespmem:v32+s12+$0x0], $0xffff  }
0x11f: {  	v37 =	vadd.s32 s5, v25;
	v36 =	vadd.s32 v17, v36;
	v33 =	vld.idx.msk [tilespmem:v33+s12+$0x0], $0xffff  }
0x120: {  	v38 =	vadd.s32 s0, v25;
	v37 =	vadd.s32 v17, v37;
	v34 =	vld.idx.msk [tilespmem:v34+s12+$0x0], $0xffff  }
0x121: {  	s8 =	sshll.u32 s28, $0x7;
	v39 =	vadd.s32 s1, v25;
	v38 =	vadd.s32 v17, v38;
	v35 =	vld.idx.msk [tilespmem:v35+s12+$0x0], $0xffff  }
0x122: {  	s26 =	sand.u32 $0x3FFFFF80, s8;
	v39 =	vadd.s32 v17, v39  }
0x123: {  	[tilespmem:s26+$0xA700] =	vst v32  }
0x124: {  	v53 =	vadd.s32 s29, v26;
	[tilespmem:s26+$0xA780] =	vst v33;
	v32 =	vld.idx.msk [tilespmem:v36+s12+$0x0], $0xffff  }
0x125: {  	v56 =	vadd.s32 s5, v26;
	v54 =	vadd.s32 v18, v53;
	[tilespmem:s26+$0xA800] =	vst v34;
	v55 =	vld.idx.msk [tilespmem:v37+s12+$0x0], $0xffff  }
0x126: {  	v59 =	vadd.s32 s0, v26;
	v57 =	vadd.s32 v18, v56;
	[tilespmem:s26+$0xA880] =	vst v35;
	v58 =	vld.idx.msk [tilespmem:v38+s12+$0x0], $0xffff  }
0x127: {  	v62 =	vadd.s32 s1, v26;
	v60 =	vadd.s32 v18, v59;
	v61 =	vld.idx.msk [tilespmem:v39+s12+$0x0], $0xffff  }
0x128: {  	v39 =	vadd.s32 v18, v62  }
0x129: {  	[tilespmem:s26+$0xA710] =	vst v32  }
0x12a: {  	v63 =	vadd.s32 s29, v27;
	[tilespmem:s26+$0xA790] =	vst v55;
	v32 =	vld.idx.msk [tilespmem:v54+s12+$0x0], $0xffff  }
0x12b: {  	v40 =	vadd.s32 s5, v27;
	v33 =	vadd.s32 v19, v63;
	[tilespmem:s26+$0xA810] =	vst v58;
	v34 =	vld.idx.msk [tilespmem:v57+s12+$0x0], $0xffff  }
0x12c: {  	v41 =	vadd.s32 s0, v27;
	v36 =	vadd.s32 v19, v40;
	[tilespmem:s26+$0xA890] =	vst v61;
	v35 =	vld.idx.msk [tilespmem:v60+s12+$0x0], $0xffff  }
0x12d: {  	v42 =	vadd.s32 s1, v27;
	v37 =	vadd.s32 v19, v41;
	v38 =	vld.idx.msk [tilespmem:v39+s12+$0x0], $0xffff  }
0x12e: {  	v39 =	vadd.s32 v19, v42  }
0x12f: {  	[tilespmem:s26+$0xA720] =	vst v32  }
0x130: {  	v43 =	vadd.s32 s29, v28;
	[tilespmem:s26+$0xA7A0] =	vst v34;
	v32 =	vld.idx.msk [tilespmem:v33+s12+$0x0], $0xffff  }
0x131: {  	v44 =	vadd.s32 s5, v28;
	[tilespmem:s26+$0xA820] =	vst v35;
	v33 =	vadd.s32 v20, v43;
	v34 =	vld.idx.msk [tilespmem:v36+s12+$0x0], $0xffff  }
0x132: {  	v47 =	vadd.s32 s0, v28;
	v45 =	vadd.s32 v20, v44;
	[tilespmem:s26+$0xA8A0] =	vst v38;
	v46 =	vld.idx.msk [tilespmem:v37+s12+$0x0], $0xffff  }
0x133: {  	v48 =	vadd.s32 s1, v28;
	v37 =	vadd.s32 v20, v47;
	v38 =	vld.idx.msk [tilespmem:v39+s12+$0x0], $0xffff  }
0x134: {  	v39 =	vadd.s32 v20, v48  }
0x135: {  	[tilespmem:s26+$0xA730] =	vst v32  }
0x136: {  	v49 =	vadd.s32 s29, v29;
	[tilespmem:s26+$0xA7B0] =	vst v34;
	v32 =	vld.idx.msk [tilespmem:v33+s12+$0x0], $0xffff  }
0x137: {  	v50 =	vadd.s32 s5, v29;
	[tilespmem:s26+$0xA830] =	vst v46;
	v33 =	vadd.s32 v21, v49;
	v34 =	vld.idx.msk [tilespmem:v45+s12+$0x0], $0xffff  }
0x138: {  	v51 =	vadd.s32 s0, v29;
	v35 =	vadd.s32 v21, v50;
	[tilespmem:s26+$0xA8B0] =	vst v38;
	v36 =	vld.idx.msk [tilespmem:v37+s12+$0x0], $0xffff  }
0x139: {  	v52 =	vadd.s32 s1, v29;
	v37 =	vadd.s32 v21, v51;
	v38 =	vld.idx.msk [tilespmem:v39+s12+$0x0], $0xffff  }
0x13a: {  	v39 =	vadd.s32 v21, v52  }
0x13b: {  	[tilespmem:s26+$0xA740] =	vst v32  }
0x13c: {  	v53 =	vadd.s32 s29, v30;
	[tilespmem:s26+$0xA7C0] =	vst v34;
	v32 =	vld.idx.msk [tilespmem:v33+s12+$0x0], $0xffff  }
0x13d: {  	v54 =	vadd.s32 s5, v30;
	[tilespmem:s26+$0xA840] =	vst v36;
	v33 =	vadd.s32 v22, v53;
	v34 =	vld.idx.msk [tilespmem:v35+s12+$0x0], $0xffff  }
0x13e: {  	v55 =	vadd.s32 s0, v30;
	[tilespmem:s26+$0xA8C0] =	vst v38;
	v35 =	vadd.s32 v22, v54;
	v36 =	vld.idx.msk [tilespmem:v37+s12+$0x0], $0xffff  }
0x13f: {  	v56 =	vadd.s32 s1, v30;
	v37 =	vadd.s32 v22, v55;
	v38 =	vld.idx.msk [tilespmem:v39+s12+$0x0], $0xffff  }
0x140: {  	v39 =	vadd.s32 v22, v56  }
0x141: {  	[tilespmem:s26+$0xA750] =	vst v32  }
0x142: {  	v57 =	vadd.s32 s29, v31;
	[tilespmem:s26+$0xA7D0] =	vst v34;
	v33 =	vld.idx.msk [tilespmem:v33+s12+$0x0], $0xffff  }
0x143: {  	v58 =	vadd.s32 s5, v31;
	v32 =	vadd.s32 v23, v57;
	[tilespmem:s26+$0xA850] =	vst v36;
	v35 =	vld.idx.msk [tilespmem:v35+s12+$0x0], $0xffff  }
0x144: {  	v59 =	vadd.s32 s0, v31;
	v34 =	vadd.s32 v23, v58;
	[tilespmem:s26+$0xA8D0] =	vst v38;
	v36 =	vld.idx.msk [tilespmem:v37+s12+$0x0], $0xffff  }
0x145: {  	v60 =	vadd.s32 s1, v31;
	v37 =	vadd.s32 v23, v59;
	v38 =	vld.idx.msk [tilespmem:v39+s12+$0x0], $0xffff  }
0x146: {  	v39 =	vadd.s32 v23, v60  }
0x147: {  	[tilespmem:s26+$0xA760] =	vst v33  }
0x148: {  	[tilespmem:s26+$0xA7E0] =	vst v35;
	v32 =	vld.idx.msk [tilespmem:v32+s12+$0x0], $0xffff  }
0x149: {  	[tilespmem:s26+$0xA860] =	vst v36;
	v61 =	vld.idx.msk [tilespmem:v34+s12+$0x0], $0xffff  }
0x14a: {  	[tilespmem:s26+$0xA8E0] =	vst v38;
	v62 =	vld.idx.msk [tilespmem:v37+s12+$0x0], $0xffff  }
0x14b: {  	p1 =	por p2, p2;
	v63 =	vld.idx.msk [tilespmem:v39+s12+$0x0], $0xffff  }
.Ltmp5:
0x14c: {  	_ = 	snop;
	(pc) =	sbr.rel @p1 .LBB2_7-.Ltmp5, $4  }
0x14d: {  	[tilespmem:s26+$0xA770] =	vst v32  }
0x14e: {  	[tilespmem:s26+$0xA7F0] =	vst v61  }
0x14f: {  	[tilespmem:s26+$0xA870] =	vst v62  }
0x150: {  	s28 =	simm.s32 $0x4;
	p2 =	por $0x0, $0x0;
	[tilespmem:s26+$0xA8F0] =	vst v63  }
0x151: {  	p1 =	sne.s32 s24, $0x18  }
.Ltmp6:
0x152: {  	_ = 	snop;
	(pc) =	sbr.rel @p1 .LBB2_10-.Ltmp6, $4  }
0x153: {  	s0 =	sshll.u32 s24, $0xF  }
0x154: {  	s26 =	sor.u32 s6, s0  }
0x155: {  	s0 =	sadd.s32 s2, s26  }
0x156: {  	[hbm4b:s0+s16] =	stream.strided.scatter [tilespmem:s18], [sflag:$0x3], $0x1000, s17, s16, $0x38;
	[tilespmem:$0xBB00] =	vst v63  }
.Ltmp7:
0x157: {  	(pc) =	sbr.rel .LBB2_11-.Ltmp7, $4  }
0x158: {  	_ = 	snop  }
0x159: {  	_ =	swait.ge [sflag:s19], $0x4000  }
0x15a: {  	[sflag:s19] =	ssyncset.done $0x0  }
0x15b: {  	[sflag:s19] =	ssyncadd.s32 $0xFFFFC000  }
.LBB2_10:
0x15c: {  	s0 =	sadd.s32 $0x2, s25  }
0x15d: {  	v24 =	vadd.s32 s0, v0;
	_ =	sdelay $0x4  }
0x15e: {  	v24 =	vld.idx.msk [tilespmem:v24+s3+$0x0], $0xffff;
	_ =	sdelay $0x1  }
0x15f: {  	s5 =	sadd.s32 $0x322, s25  }
0x160: {  	v25 =	vadd.s32 s5, v0;
	_ =	sdelay $0x1  }
0x161: {  	v26 =	vshrl.u32 v24, $0x2;
	v24 =	vshll.u32 v24, $0x5  }
0x162: {  	[tilespmem:$0x1900] =	vst v26;
	v24 =	vand.u32 $0x60, v24  }
0x163: {  	[tilespmem:$0x1A00] =	vst v24  }
0x164: {  	v24 =	vld.idx.msk [tilespmem:v25+s3+$0x0], $0xffff;
	_ =	sdelay $0x1  }
0x165: {  	s8 =	sadd.s32 $0x642, s25  }
0x166: {  	v52 =	vadd.s32 s8, v0;
	_ =	sdelay $0x1  }
0x167: {  	v53 =	vshrl.u32 v24, $0x2;
	v24 =	vshll.u32 v24, $0x5  }
0x168: {  	[tilespmem:$0x1910] =	vst v53;
	v24 =	vand.u32 $0x60, v24  }
0x169: {  	[tilespmem:$0x1A10] =	vst v24  }
0x16a: {  	v24 =	vld.idx.msk [tilespmem:v52+s3+$0x0], $0xffff;
	_ =	sdelay $0x1  }
0x16b: {  	s9 =	sadd.s32 $0x962, s25  }
0x16c: {  	v54 =	vadd.s32 s9, v0;
	_ =	sdelay $0x1  }
0x16d: {  	v55 =	vshrl.u32 v24, $0x2;
	v24 =	vshll.u32 v24, $0x5  }
0x16e: {  	[tilespmem:$0x1920] =	vst v55;
	v24 =	vand.u32 $0x60, v24  }
0x16f: {  	[tilespmem:$0x1A20] =	vst v24  }
0x170: {  	v24 =	vld.idx.msk [tilespmem:v54+s3+$0x0], $0xffff;
	_ =	sdelay $0x1  }
0x171: {  	s28 =	sadd.s32 $0xC82, s25  }
0x172: {  	v56 =	vadd.s32 s28, v0;
	_ =	sdelay $0x1  }
0x173: {  	v57 =	vshrl.u32 v24, $0x2;
	v24 =	vshll.u32 v24, $0x5  }
0x174: {  	[tilespmem:$0x1930] =	vst v57;
	v24 =	vand.u32 $0x60, v24  }
0x175: {  	[tilespmem:$0x1A30] =	vst v24  }
0x176: {  	v24 =	vld.idx.msk [tilespmem:v56+s3+$0x0], $0xffff;
	_ =	sdelay $0x1  }
0x177: {  	s29 =	sadd.s32 $0xFA2, s25  }
0x178: {  	v58 =	vadd.s32 s29, v0;
	_ =	sdelay $0x1  }
0x179: {  	v59 =	vshrl.u32 v24, $0x2;
	v24 =	vshll.u32 v24, $0x5  }
0x17a: {  	[tilespmem:$0x1940] =	vst v59;
	v24 =	vand.u32 $0x60, v24  }
0x17b: {  	[tilespmem:$0x1A40] =	vst v24  }
0x17c: {  	v24 =	vld.idx.msk [tilespmem:v58+s3+$0x0], $0xffff;
	_ =	sdelay $0x1  }
0x17d: {  	s30 =	sadd.s32 $0x12C2, s25  }
0x17e: {  	v60 =	vadd.s32 s30, v0;
	_ =	sdelay $0x1  }
0x17f: {  	v61 =	vshrl.u32 v24, $0x2;
	v24 =	vshll.u32 v24, $0x5  }
0x180: {  	[tilespmem:$0x1950] =	vst v61;
	v24 =	vand.u32 $0x60, v24  }
0x181: {  	[tilespmem:$0x1A50] =	vst v24  }
0x182: {  	v24 =	vld.idx.msk [tilespmem:v60+s3+$0x0], $0xffff;
	_ =	sdelay $0x1  }
0x183: {  	s31 =	sadd.s32 $0x15E2, s25  }
0x184: {  	v62 =	vadd.s32 s31, v0;
	_ =	sdelay $0x1  }
0x185: {  	v63 =	vshrl.u32 v24, $0x2;
	v24 =	vshll.u32 v24, $0x5  }
0x186: {  	[tilespmem:$0x1960] =	vst v63;
	v24 =	vand.u32 $0x60, v24  }
0x187: {  	[tilespmem:$0x1A60] =	vst v24  }
0x188: {  	v24 =	vld.idx.msk [tilespmem:v62+s3+$0x0], $0xffff;
	_ =	sdelay $0x4  }
0x189: {  	v25 =	vshrl.u32 v24, $0x2;
	v24 =	vshll.u32 v24, $0x5  }
0x18a: {  	[tilespmem:$0x1970] =	vst v25;
	v24 =	vand.u32 $0x60, v24  }
.Ltmp8:
0x18b: {  	[tilespmem:$0x1A70] =	vst v24;
	(pc) =	sbr.rel @p0 .LBB2_12-.Ltmp8, $4  }
0x18c: {  	[tilespmem:s12], [sflag:$0x1] =	stream.indirect.gather [hbm4b:s4+s10], $0x80, s11, s10, $0xb8;
	[tilespmem:$0xBB00] =	vst v63  }
0x18d: {  	_ =	swait.ge [sflag:s19], $0x4000  }
0x18e: {  	[sflag:s19] =	ssyncset.done $0x0  }
0x18f: {  	[sflag:s19] =	ssyncadd.s32 $0xFFFFC000  }
.LBB2_11:
0x190: {  	_ =	swait.ge [sflag:s20], $0x1000  }
0x191: {  	[sflag:s20] =	ssyncset.done $0x0  }
0x192: {  	[sflag:s20] =	ssyncadd.s32 $0xFFFFF000  }
.LBB2_12:
0x193: {  	v24 =	vld [tilespmem:$0x1A80]  }
0x194: {  	v25 =	vld [tilespmem:$0x1A90]  }
0x195: {  	v26 =	vld [tilespmem:$0x1AA0]  }
0x196: {  	v27 =	vld [tilespmem:$0x1AB0]  }
0x197: {  	v28 =	vld [tilespmem:$0x1AC0]  }
0x198: {  	v29 =	vld [tilespmem:$0x1AD0]  }
0x199: {  	v30 =	vld [tilespmem:$0x1AE0];
	s28 =	simm.s32 $0x0  }
0x19a: {  	p0 =	por $0x1, $0x1;
	v31 =	vld [tilespmem:$0x1AF0];
	p1 =	por $0x1, $0x1;
	s29 =	simm.s32 $0x0  }
.LBB2_13:
0x19b: {  	v32 =	vadd.s32 s29, v24;
	s1 =	sor.u32 $0x1, s29  }
0x19c: {  	s31 =	sor.u32 $0x2, s29;
	v32 =	vadd.s32 v11, v32;
	v33 =	vadd.s32 s1, v24  }
0x19d: {  	s30 =	sor.u32 $0x3, s29;
	v34 =	vadd.s32 s31, v24;
	v33 =	vadd.s32 v11, v33  }
0x19e: {  	v35 =	vadd.s32 s30, v24;
	v34 =	vadd.s32 v11, v34  }
0x19f: {  	v35 =	vadd.s32 v11, v35;
	_ =	sdelay $0x1  }
0x1a0: {  	v36 =	vadd.s32 s29, v25;
	v32 =	vld.idx.msk [tilespmem:v32+s14+$0x0], $0xffff  }
0x1a1: {  	v36 =	vadd.s32 v17, v36;
	v37 =	vadd.s32 s1, v25;
	v33 =	vld.idx.msk [tilespmem:v33+s14+$0x0], $0xffff  }
0x1a2: {  	v38 =	vadd.s32 s31, v25;
	v37 =	vadd.s32 v17, v37;
	v34 =	vld.idx.msk [tilespmem:v34+s14+$0x0], $0xffff  }
0x1a3: {  	s0 =	sshll.u32 s29, $0x7;
	v39 =	vadd.s32 s30, v25;
	v38 =	vadd.s32 v17, v38;
	v35 =	vld.idx.msk [tilespmem:v35+s14+$0x0], $0xffff  }
0x1a4: {  	s0 =	sand.u32 $0x3FFFFF80, s0;
	s5 =	sshll.u32 s1, $0x7;
	v39 =	vadd.s32 v17, v39  }
0x1a5: {  	s8 =	sshll.u32 s31, $0x7;
	s5 =	sand.u32 $0x3FFFFF80, s5;
	[tilespmem:s0+$0xAB00] =	vst v32  }
0x1a6: {  	v53 =	vadd.s32 s29, v26;
	s9 =	sshll.u32 s30, $0x7;
	s8 =	sand.u32 $0x3FFFFF80, s8;
	v32 =	vld.idx.msk [tilespmem:v36+s14+$0x0], $0xffff;
	[tilespmem:s5+$0xAB00] =	vst v33  }
0x1a7: {  	v54 =	vadd.s32 v18, v53;
	v56 =	vadd.s32 s1, v26;
	s9 =	sand.u32 $0x3FFFFF80, s9;
	[tilespmem:s8+$0xAB00] =	vst v34;
	v55 =	vld.idx.msk [tilespmem:v37+s14+$0x0], $0xffff  }
0x1a8: {  	v59 =	vadd.s32 s31, v26;
	v57 =	vadd.s32 v18, v56;
	[tilespmem:s9+$0xAB00] =	vst v35;
	v58 =	vld.idx.msk [tilespmem:v38+s14+$0x0], $0xffff  }
0x1a9: {  	v62 =	vadd.s32 s30, v26;
	v60 =	vadd.s32 v18, v59;
	v61 =	vld.idx.msk [tilespmem:v39+s14+$0x0], $0xffff  }
0x1aa: {  	v39 =	vadd.s32 v18, v62  }
0x1ab: {  	[tilespmem:s0+$0xAB10] =	vst v32  }
0x1ac: {  	v63 =	vadd.s32 s29, v27;
	v32 =	vld.idx.msk [tilespmem:v54+s14+$0x0], $0xffff;
	[tilespmem:s5+$0xAB10] =	vst v55  }
0x1ad: {  	v40 =	vadd.s32 s1, v27;
	v33 =	vadd.s32 v19, v63;
	[tilespmem:s8+$0xAB10] =	vst v58;
	v34 =	vld.idx.msk [tilespmem:v57+s14+$0x0], $0xffff  }
0x1ae: {  	v41 =	vadd.s32 s31, v27;
	v36 =	vadd.s32 v19, v40;
	[tilespmem:s9+$0xAB10] =	vst v61;
	v35 =	vld.idx.msk [tilespmem:v60+s14+$0x0], $0xffff  }
0x1af: {  	v42 =	vadd.s32 s30, v27;
	v37 =	vadd.s32 v19, v41;
	v38 =	vld.idx.msk [tilespmem:v39+s14+$0x0], $0xffff  }
0x1b0: {  	v39 =	vadd.s32 v19, v42  }
0x1b1: {  	[tilespmem:s0+$0xAB20] =	vst v32  }
0x1b2: {  	v43 =	vadd.s32 s29, v28;
	v32 =	vld.idx.msk [tilespmem:v33+s14+$0x0], $0xffff;
	[tilespmem:s5+$0xAB20] =	vst v34  }
0x1b3: {  	v44 =	vadd.s32 s1, v28;
	v33 =	vadd.s32 v20, v43;
	[tilespmem:s8+$0xAB20] =	vst v35;
	v34 =	vld.idx.msk [tilespmem:v36+s14+$0x0], $0xffff  }
0x1b4: {  	v47 =	vadd.s32 s31, v28;
	v45 =	vadd.s32 v20, v44;
	[tilespmem:s9+$0xAB20] =	vst v38;
	v46 =	vld.idx.msk [tilespmem:v37+s14+$0x0], $0xffff  }
0x1b5: {  	v48 =	vadd.s32 s30, v28;
	v37 =	vadd.s32 v20, v47;
	v38 =	vld.idx.msk [tilespmem:v39+s14+$0x0], $0xffff  }
0x1b6: {  	v39 =	vadd.s32 v20, v48  }
0x1b7: {  	[tilespmem:s0+$0xAB30] =	vst v32  }
0x1b8: {  	v49 =	vadd.s32 s29, v29;
	v32 =	vld.idx.msk [tilespmem:v33+s14+$0x0], $0xffff;
	[tilespmem:s5+$0xAB30] =	vst v34  }
0x1b9: {  	v50 =	vadd.s32 s1, v29;
	v33 =	vadd.s32 v21, v49;
	[tilespmem:s8+$0xAB30] =	vst v46;
	v34 =	vld.idx.msk [tilespmem:v45+s14+$0x0], $0xffff  }
0x1ba: {  	v51 =	vadd.s32 s31, v29;
	v35 =	vadd.s32 v21, v50;
	[tilespmem:s9+$0xAB30] =	vst v38;
	v36 =	vld.idx.msk [tilespmem:v37+s14+$0x0], $0xffff  }
0x1bb: {  	v52 =	vadd.s32 s30, v29;
	v37 =	vadd.s32 v21, v51;
	v38 =	vld.idx.msk [tilespmem:v39+s14+$0x0], $0xffff  }
0x1bc: {  	v39 =	vadd.s32 v21, v52  }
0x1bd: {  	[tilespmem:s0+$0xAB40] =	vst v32  }
0x1be: {  	v53 =	vadd.s32 s29, v30;
	v32 =	vld.idx.msk [tilespmem:v33+s14+$0x0], $0xffff;
	[tilespmem:s5+$0xAB40] =	vst v34  }
0x1bf: {  	v54 =	vadd.s32 s1, v30;
	v33 =	vadd.s32 v22, v53;
	[tilespmem:s8+$0xAB40] =	vst v36;
	v34 =	vld.idx.msk [tilespmem:v35+s14+$0x0], $0xffff  }
0x1c0: {  	v55 =	vadd.s32 s31, v30;
	[tilespmem:s9+$0xAB40] =	vst v38;
	v35 =	vadd.s32 v22, v54;
	v36 =	vld.idx.msk [tilespmem:v37+s14+$0x0], $0xffff  }
0x1c1: {  	v56 =	vadd.s32 s30, v30;
	v37 =	vadd.s32 v22, v55;
	v38 =	vld.idx.msk [tilespmem:v39+s14+$0x0], $0xffff  }
0x1c2: {  	v39 =	vadd.s32 v22, v56  }
0x1c3: {  	[tilespmem:s0+$0xAB50] =	vst v32  }
0x1c4: {  	v57 =	vadd.s32 s29, v31;
	v33 =	vld.idx.msk [tilespmem:v33+s14+$0x0], $0xffff;
	[tilespmem:s5+$0xAB50] =	vst v34  }
0x1c5: {  	v58 =	vadd.s32 s1, v31;
	v32 =	vadd.s32 v23, v57;
	[tilespmem:s8+$0xAB50] =	vst v36;
	v35 =	vld.idx.msk [tilespmem:v35+s14+$0x0], $0xffff  }
0x1c6: {  	v59 =	vadd.s32 s31, v31;
	v34 =	vadd.s32 v23, v58;
	[tilespmem:s9+$0xAB50] =	vst v38;
	v37 =	vld.idx.msk [tilespmem:v37+s14+$0x0], $0xffff  }
0x1c7: {  	v60 =	vadd.s32 s30, v31;
	v36 =	vadd.s32 v23, v59;
	v39 =	vld.idx.msk [tilespmem:v39+s14+$0x0], $0xffff  }
0x1c8: {  	v38 =	vadd.s32 v23, v60  }
0x1c9: {  	[tilespmem:s0+$0xAB60] =	vst v33  }
0x1ca: {  	[tilespmem:s5+$0xAB60] =	vst v35;
	v32 =	vld.idx.msk [tilespmem:v32+s14+$0x0], $0xffff  }
0x1cb: {  	[tilespmem:s8+$0xAB60] =	vst v37;
	v61 =	vld.idx.msk [tilespmem:v34+s14+$0x0], $0xffff  }
0x1cc: {  	[tilespmem:s9+$0xAB60] =	vst v39;
	v62 =	vld.idx.msk [tilespmem:v36+s14+$0x0], $0xffff  }
0x1cd: {  	p2 =	por p1, p1;
	v63 =	vld.idx.msk [tilespmem:v38+s14+$0x0], $0xffff  }
.Ltmp9:
0x1ce: {  	_ = 	snop;
	(pc) =	sbr.rel @p2 .LBB2_13-.Ltmp9, $4  }
0x1cf: {  	[tilespmem:s0+$0xAB70] =	vst v32  }
0x1d0: {  	[tilespmem:s5+$0xAB70] =	vst v61  }
0x1d1: {  	[tilespmem:s8+$0xAB70] =	vst v62  }
0x1d2: {  	p1 =	por $0x0, $0x0;
	s29 =	simm.s32 $0x4;
	[tilespmem:s9+$0xAB70] =	vst v63  }
.LBB2_14:
0x1d3: {  	s30 =	sor.u32 $0x8, s28  }
0x1d4: {  	s5 =	sor.u32 $0x9, s28;
	v32 =	vadd.s32 s30, v24  }
0x1d5: {  	s29 =	sor.u32 $0xA, s28;
	v33 =	vadd.s32 s5, v24;
	v32 =	vadd.s32 v11, v32  }
0x1d6: {  	s0 =	sor.u32 $0xB, s28;
	v34 =	vadd.s32 s29, v24;
	v33 =	vadd.s32 v11, v33  }
0x1d7: {  	v35 =	vadd.s32 s0, v24;
	v34 =	vadd.s32 v11, v34  }
0x1d8: {  	v35 =	vadd.s32 v11, v35;
	_ =	sdelay $0x1  }
0x1d9: {  	v36 =	vadd.s32 s30, v25;
	v32 =	vld.idx.msk [tilespmem:v32+s14+$0x0], $0xffff  }
0x1da: {  	v37 =	vadd.s32 s5, v25;
	v36 =	vadd.s32 v17, v36;
	v33 =	vld.idx.msk [tilespmem:v33+s14+$0x0], $0xffff  }
0x1db: {  	v38 =	vadd.s32 s29, v25;
	v37 =	vadd.s32 v17, v37;
	v34 =	vld.idx.msk [tilespmem:v34+s14+$0x0], $0xffff  }
0x1dc: {  	s1 =	sshll.u32 s28, $0x7;
	v39 =	vadd.s32 s0, v25;
	v38 =	vadd.s32 v17, v38;
	v35 =	vld.idx.msk [tilespmem:v35+s14+$0x0], $0xffff  }
0x1dd: {  	s1 =	sand.u32 $0x3FFFFF80, s1;
	v39 =	vadd.s32 v17, v39  }
0x1de: {  	[tilespmem:s1+$0xAF00] =	vst v32  }
0x1df: {  	v53 =	vadd.s32 s30, v26;
	[tilespmem:s1+$0xAF80] =	vst v33;
	v32 =	vld.idx.msk [tilespmem:v36+s14+$0x0], $0xffff  }
0x1e0: {  	v56 =	vadd.s32 s5, v26;
	v54 =	vadd.s32 v18, v53;
	[tilespmem:s1+$0xB000] =	vst v34;
	v55 =	vld.idx.msk [tilespmem:v37+s14+$0x0], $0xffff  }
0x1e1: {  	v59 =	vadd.s32 s29, v26;
	v57 =	vadd.s32 v18, v56;
	[tilespmem:s1+$0xB080] =	vst v35;
	v58 =	vld.idx.msk [tilespmem:v38+s14+$0x0], $0xffff  }
0x1e2: {  	v62 =	vadd.s32 s0, v26;
	v60 =	vadd.s32 v18, v59;
	v61 =	vld.idx.msk [tilespmem:v39+s14+$0x0], $0xffff  }
0x1e3: {  	v39 =	vadd.s32 v18, v62  }
0x1e4: {  	[tilespmem:s1+$0xAF10] =	vst v32  }
0x1e5: {  	v63 =	vadd.s32 s30, v27;
	[tilespmem:s1+$0xAF90] =	vst v55;
	v32 =	vld.idx.msk [tilespmem:v54+s14+$0x0], $0xffff  }
0x1e6: {  	v40 =	vadd.s32 s5, v27;
	v33 =	vadd.s32 v19, v63;
	[tilespmem:s1+$0xB010] =	vst v58;
	v34 =	vld.idx.msk [tilespmem:v57+s14+$0x0], $0xffff  }
0x1e7: {  	v41 =	vadd.s32 s29, v27;
	v36 =	vadd.s32 v19, v40;
	[tilespmem:s1+$0xB090] =	vst v61;
	v35 =	vld.idx.msk [tilespmem:v60+s14+$0x0], $0xffff  }
0x1e8: {  	v42 =	vadd.s32 s0, v27;
	v37 =	vadd.s32 v19, v41;
	v38 =	vld.idx.msk [tilespmem:v39+s14+$0x0], $0xffff  }
0x1e9: {  	v39 =	vadd.s32 v19, v42  }
0x1ea: {  	[tilespmem:s1+$0xAF20] =	vst v32  }
0x1eb: {  	v43 =	vadd.s32 s30, v28;
	[tilespmem:s1+$0xAFA0] =	vst v34;
	v32 =	vld.idx.msk [tilespmem:v33+s14+$0x0], $0xffff  }
0x1ec: {  	v44 =	vadd.s32 s5, v28;
	[tilespmem:s1+$0xB020] =	vst v35;
	v33 =	vadd.s32 v20, v43;
	v34 =	vld.idx.msk [tilespmem:v36+s14+$0x0], $0xffff  }
0x1ed: {  	v47 =	vadd.s32 s29, v28;
	v45 =	vadd.s32 v20, v44;
	[tilespmem:s1+$0xB0A0] =	vst v38;
	v46 =	vld.idx.msk [tilespmem:v37+s14+$0x0], $0xffff  }
0x1ee: {  	v48 =	vadd.s32 s0, v28;
	v37 =	vadd.s32 v20, v47;
	v38 =	vld.idx.msk [tilespmem:v39+s14+$0x0], $0xffff  }
0x1ef: {  	v39 =	vadd.s32 v20, v48  }
0x1f0: {  	[tilespmem:s1+$0xAF30] =	vst v32  }
0x1f1: {  	v49 =	vadd.s32 s30, v29;
	[tilespmem:s1+$0xAFB0] =	vst v34;
	v32 =	vld.idx.msk [tilespmem:v33+s14+$0x0], $0xffff  }
0x1f2: {  	v50 =	vadd.s32 s5, v29;
	[tilespmem:s1+$0xB030] =	vst v46;
	v33 =	vadd.s32 v21, v49;
	v34 =	vld.idx.msk [tilespmem:v45+s14+$0x0], $0xffff  }
0x1f3: {  	v51 =	vadd.s32 s29, v29;
	v35 =	vadd.s32 v21, v50;
	[tilespmem:s1+$0xB0B0] =	vst v38;
	v36 =	vld.idx.msk [tilespmem:v37+s14+$0x0], $0xffff  }
0x1f4: {  	v52 =	vadd.s32 s0, v29;
	v37 =	vadd.s32 v21, v51;
	v38 =	vld.idx.msk [tilespmem:v39+s14+$0x0], $0xffff  }
0x1f5: {  	v39 =	vadd.s32 v21, v52  }
0x1f6: {  	[tilespmem:s1+$0xAF40] =	vst v32  }
0x1f7: {  	v53 =	vadd.s32 s30, v30;
	[tilespmem:s1+$0xAFC0] =	vst v34;
	v32 =	vld.idx.msk [tilespmem:v33+s14+$0x0], $0xffff  }
0x1f8: {  	v54 =	vadd.s32 s5, v30;
	[tilespmem:s1+$0xB040] =	vst v36;
	v33 =	vadd.s32 v22, v53;
	v34 =	vld.idx.msk [tilespmem:v35+s14+$0x0], $0xffff  }
0x1f9: {  	v55 =	vadd.s32 s29, v30;
	[tilespmem:s1+$0xB0C0] =	vst v38;
	v35 =	vadd.s32 v22, v54;
	v36 =	vld.idx.msk [tilespmem:v37+s14+$0x0], $0xffff  }
0x1fa: {  	v56 =	vadd.s32 s0, v30;
	v37 =	vadd.s32 v22, v55;
	v38 =	vld.idx.msk [tilespmem:v39+s14+$0x0], $0xffff  }
0x1fb: {  	v39 =	vadd.s32 v22, v56  }
0x1fc: {  	[tilespmem:s1+$0xAF50] =	vst v32  }
0x1fd: {  	v57 =	vadd.s32 s30, v31;
	[tilespmem:s1+$0xAFD0] =	vst v34;
	v33 =	vld.idx.msk [tilespmem:v33+s14+$0x0], $0xffff  }
0x1fe: {  	v58 =	vadd.s32 s5, v31;
	v32 =	vadd.s32 v23, v57;
	[tilespmem:s1+$0xB050] =	vst v36;
	v35 =	vld.idx.msk [tilespmem:v35+s14+$0x0], $0xffff  }
0x1ff: {  	v59 =	vadd.s32 s29, v31;
	v34 =	vadd.s32 v23, v58;
	[tilespmem:s1+$0xB0D0] =	vst v38;
	v36 =	vld.idx.msk [tilespmem:v37+s14+$0x0], $0xffff  }
0x200: {  	v60 =	vadd.s32 s0, v31;
	v37 =	vadd.s32 v23, v59;
	v38 =	vld.idx.msk [tilespmem:v39+s14+$0x0], $0xffff  }
0x201: {  	v39 =	vadd.s32 v23, v60  }
0x202: {  	[tilespmem:s1+$0xAF60] =	vst v33  }
0x203: {  	[tilespmem:s1+$0xAFE0] =	vst v35;
	v32 =	vld.idx.msk [tilespmem:v32+s14+$0x0], $0xffff  }
0x204: {  	[tilespmem:s1+$0xB060] =	vst v36;
	v61 =	vld.idx.msk [tilespmem:v34+s14+$0x0], $0xffff  }
0x205: {  	[tilespmem:s1+$0xB0E0] =	vst v38;
	v62 =	vld.idx.msk [tilespmem:v37+s14+$0x0], $0xffff  }
0x206: {  	p2 =	por p0, p0;
	v63 =	vld.idx.msk [tilespmem:v39+s14+$0x0], $0xffff  }
.Ltmp10:
0x207: {  	_ = 	snop;
	(pc) =	sbr.rel @p2 .LBB2_14-.Ltmp10, $4  }
0x208: {  	[tilespmem:s1+$0xAF70] =	vst v32  }
0x209: {  	[tilespmem:s1+$0xAFF0] =	vst v61  }
0x20a: {  	p1 =	por $0x1, $0x1;
	[tilespmem:s1+$0xB070] =	vst v62  }
0x20b: {  	s28 =	simm.s32 $0x4;
	p0 =	por $0x0, $0x0;
	s29 =	simm.s32 $0x0;
	[tilespmem:s1+$0xB0F0] =	vst v63  }
0x20c: {  	p0 =	por $0x1, $0x1;
	s8 =	simm.s32 $0x0  }
.LBB2_16:
0x20d: {  	s30 =	sor.u32 $0x10, s8  }
0x20e: {  	s5 =	sor.u32 $0x11, s8;
	v32 =	vadd.s32 s30, v24  }
0x20f: {  	s1 =	sor.u32 $0x12, s8;
	v33 =	vadd.s32 s5, v24;
	v32 =	vadd.s32 v11, v32  }
0x210: {  	s0 =	sor.u32 $0x13, s8;
	v34 =	vadd.s32 s1, v24;
	v33 =	vadd.s32 v11, v33  }
0x211: {  	v35 =	vadd.s32 s0, v24;
	v34 =	vadd.s32 v11, v34  }
0x212: {  	v35 =	vadd.s32 v11, v35;
	_ =	sdelay $0x1  }
0x213: {  	v36 =	vadd.s32 s30, v25;
	v32 =	vld.idx.msk [tilespmem:v32+s14+$0x0], $0xffff  }
0x214: {  	v37 =	vadd.s32 s5, v25;
	v36 =	vadd.s32 v17, v36;
	v33 =	vld.idx.msk [tilespmem:v33+s14+$0x0], $0xffff  }
0x215: {  	v38 =	vadd.s32 s1, v25;
	v37 =	vadd.s32 v17, v37;
	v34 =	vld.idx.msk [tilespmem:v34+s14+$0x0], $0xffff  }
0x216: {  	s31 =	sshll.u32 s8, $0x7;
	v39 =	vadd.s32 s0, v25;
	v38 =	vadd.s32 v17, v38;
	v35 =	vld.idx.msk [tilespmem:v35+s14+$0x0], $0xffff  }
0x217: {  	s28 =	sand.u32 $0x3FFFFF80, s31;
	v39 =	vadd.s32 v17, v39  }
0x218: {  	[tilespmem:s28+$0xB300] =	vst v32  }
0x219: {  	v53 =	vadd.s32 s30, v26;
	[tilespmem:s28+$0xB380] =	vst v33;
	v32 =	vld.idx.msk [tilespmem:v36+s14+$0x0], $0xffff  }
0x21a: {  	v56 =	vadd.s32 s5, v26;
	v54 =	vadd.s32 v18, v53;
	[tilespmem:s28+$0xB400] =	vst v34;
	v55 =	vld.idx.msk [tilespmem:v37+s14+$0x0], $0xffff  }
0x21b: {  	v59 =	vadd.s32 s1, v26;
	v57 =	vadd.s32 v18, v56;
	[tilespmem:s28+$0xB480] =	vst v35;
	v58 =	vld.idx.msk [tilespmem:v38+s14+$0x0], $0xffff  }
0x21c: {  	v62 =	vadd.s32 s0, v26;
	v60 =	vadd.s32 v18, v59;
	v61 =	vld.idx.msk [tilespmem:v39+s14+$0x0], $0xffff  }
0x21d: {  	v39 =	vadd.s32 v18, v62  }
0x21e: {  	[tilespmem:s28+$0xB310] =	vst v32  }
0x21f: {  	v63 =	vadd.s32 s30, v27;
	[tilespmem:s28+$0xB390] =	vst v55;
	v32 =	vld.idx.msk [tilespmem:v54+s14+$0x0], $0xffff  }
0x220: {  	v40 =	vadd.s32 s5, v27;
	v33 =	vadd.s32 v19, v63;
	[tilespmem:s28+$0xB410] =	vst v58;
	v34 =	vld.idx.msk [tilespmem:v57+s14+$0x0], $0xffff  }
0x221: {  	v41 =	vadd.s32 s1, v27;
	v36 =	vadd.s32 v19, v40;
	[tilespmem:s28+$0xB490] =	vst v61;
	v35 =	vld.idx.msk [tilespmem:v60+s14+$0x0], $0xffff  }
0x222: {  	v42 =	vadd.s32 s0, v27;
	v37 =	vadd.s32 v19, v41;
	v38 =	vld.idx.msk [tilespmem:v39+s14+$0x0], $0xffff  }
0x223: {  	v39 =	vadd.s32 v19, v42  }
0x224: {  	[tilespmem:s28+$0xB320] =	vst v32  }
0x225: {  	v43 =	vadd.s32 s30, v28;
	[tilespmem:s28+$0xB3A0] =	vst v34;
	v32 =	vld.idx.msk [tilespmem:v33+s14+$0x0], $0xffff  }
0x226: {  	v44 =	vadd.s32 s5, v28;
	[tilespmem:s28+$0xB420] =	vst v35;
	v33 =	vadd.s32 v20, v43;
	v34 =	vld.idx.msk [tilespmem:v36+s14+$0x0], $0xffff  }
0x227: {  	v47 =	vadd.s32 s1, v28;
	v45 =	vadd.s32 v20, v44;
	[tilespmem:s28+$0xB4A0] =	vst v38;
	v46 =	vld.idx.msk [tilespmem:v37+s14+$0x0], $0xffff  }
0x228: {  	v48 =	vadd.s32 s0, v28;
	v37 =	vadd.s32 v20, v47;
	v38 =	vld.idx.msk [tilespmem:v39+s14+$0x0], $0xffff  }
0x229: {  	v39 =	vadd.s32 v20, v48  }
0x22a: {  	[tilespmem:s28+$0xB330] =	vst v32  }
0x22b: {  	v49 =	vadd.s32 s30, v29;
	[tilespmem:s28+$0xB3B0] =	vst v34;
	v32 =	vld.idx.msk [tilespmem:v33+s14+$0x0], $0xffff  }
0x22c: {  	v50 =	vadd.s32 s5, v29;
	[tilespmem:s28+$0xB430] =	vst v46;
	v33 =	vadd.s32 v21, v49;
	v34 =	vld.idx.msk [tilespmem:v45+s14+$0x0], $0xffff  }
0x22d: {  	v51 =	vadd.s32 s1, v29;
	v35 =	vadd.s32 v21, v50;
	[tilespmem:s28+$0xB4B0] =	vst v38;
	v36 =	vld.idx.msk [tilespmem:v37+s14+$0x0], $0xffff  }
0x22e: {  	v52 =	vadd.s32 s0, v29;
	v37 =	vadd.s32 v21, v51;
	v38 =	vld.idx.msk [tilespmem:v39+s14+$0x0], $0xffff  }
0x22f: {  	v39 =	vadd.s32 v21, v52  }
0x230: {  	[tilespmem:s28+$0xB340] =	vst v32  }
0x231: {  	v53 =	vadd.s32 s30, v30;
	[tilespmem:s28+$0xB3C0] =	vst v34;
	v32 =	vld.idx.msk [tilespmem:v33+s14+$0x0], $0xffff  }
0x232: {  	v54 =	vadd.s32 s5, v30;
	[tilespmem:s28+$0xB440] =	vst v36;
	v33 =	vadd.s32 v22, v53;
	v34 =	vld.idx.msk [tilespmem:v35+s14+$0x0], $0xffff  }
0x233: {  	v55 =	vadd.s32 s1, v30;
	[tilespmem:s28+$0xB4C0] =	vst v38;
	v35 =	vadd.s32 v22, v54;
	v36 =	vld.idx.msk [tilespmem:v37+s14+$0x0], $0xffff  }
0x234: {  	v56 =	vadd.s32 s0, v30;
	v37 =	vadd.s32 v22, v55;
	v38 =	vld.idx.msk [tilespmem:v39+s14+$0x0], $0xffff  }
0x235: {  	v39 =	vadd.s32 v22, v56  }
0x236: {  	[tilespmem:s28+$0xB350] =	vst v32  }
0x237: {  	v57 =	vadd.s32 s30, v31;
	[tilespmem:s28+$0xB3D0] =	vst v34;
	v33 =	vld.idx.msk [tilespmem:v33+s14+$0x0], $0xffff  }
0x238: {  	v58 =	vadd.s32 s5, v31;
	v32 =	vadd.s32 v23, v57;
	[tilespmem:s28+$0xB450] =	vst v36;
	v35 =	vld.idx.msk [tilespmem:v35+s14+$0x0], $0xffff  }
0x239: {  	v59 =	vadd.s32 s1, v31;
	v34 =	vadd.s32 v23, v58;
	[tilespmem:s28+$0xB4D0] =	vst v38;
	v36 =	vld.idx.msk [tilespmem:v37+s14+$0x0], $0xffff  }
0x23a: {  	v60 =	vadd.s32 s0, v31;
	v37 =	vadd.s32 v23, v59;
	v38 =	vld.idx.msk [tilespmem:v39+s14+$0x0], $0xffff  }
0x23b: {  	v39 =	vadd.s32 v23, v60  }
0x23c: {  	[tilespmem:s28+$0xB360] =	vst v33  }
0x23d: {  	[tilespmem:s28+$0xB3E0] =	vst v35;
	v32 =	vld.idx.msk [tilespmem:v32+s14+$0x0], $0xffff  }
0x23e: {  	[tilespmem:s28+$0xB460] =	vst v36;
	v61 =	vld.idx.msk [tilespmem:v34+s14+$0x0], $0xffff  }
0x23f: {  	[tilespmem:s28+$0xB4E0] =	vst v38;
	v62 =	vld.idx.msk [tilespmem:v37+s14+$0x0], $0xffff  }
0x240: {  	p2 =	por p0, p0;
	v63 =	vld.idx.msk [tilespmem:v39+s14+$0x0], $0xffff  }
.Ltmp11:
0x241: {  	_ = 	snop;
	(pc) =	sbr.rel @p2 .LBB2_16-.Ltmp11, $4  }
0x242: {  	[tilespmem:s28+$0xB370] =	vst v32  }
0x243: {  	[tilespmem:s28+$0xB3F0] =	vst v61  }
0x244: {  	[tilespmem:s28+$0xB470] =	vst v62  }
0x245: {  	s8 =	simm.s32 $0x4;
	p0 =	por $0x0, $0x0;
	[tilespmem:s28+$0xB4F0] =	vst v63  }
.LBB2_17:
0x246: {  	s30 =	sor.u32 $0x18, s29  }
0x247: {  	s5 =	sor.u32 $0x19, s29;
	v32 =	vadd.s32 s30, v24  }
0x248: {  	s1 =	sor.u32 $0x1A, s29;
	v33 =	vadd.s32 s5, v24;
	v32 =	vadd.s32 v11, v32  }
0x249: {  	s0 =	sor.u32 $0x1B, s29;
	v34 =	vadd.s32 s1, v24;
	v33 =	vadd.s32 v11, v33  }
0x24a: {  	v35 =	vadd.s32 s0, v24;
	v34 =	vadd.s32 v11, v34  }
0x24b: {  	v35 =	vadd.s32 v11, v35;
	_ =	sdelay $0x1  }
0x24c: {  	v36 =	vadd.s32 s30, v25;
	v32 =	vld.idx.msk [tilespmem:v32+s14+$0x0], $0xffff  }
0x24d: {  	v37 =	vadd.s32 s5, v25;
	v36 =	vadd.s32 v17, v36;
	v33 =	vld.idx.msk [tilespmem:v33+s14+$0x0], $0xffff  }
0x24e: {  	v38 =	vadd.s32 s1, v25;
	v37 =	vadd.s32 v17, v37;
	v34 =	vld.idx.msk [tilespmem:v34+s14+$0x0], $0xffff  }
0x24f: {  	s8 =	sshll.u32 s29, $0x7;
	v39 =	vadd.s32 s0, v25;
	v38 =	vadd.s32 v17, v38;
	v35 =	vld.idx.msk [tilespmem:v35+s14+$0x0], $0xffff  }
0x250: {  	s28 =	sand.u32 $0x3FFFFF80, s8;
	v39 =	vadd.s32 v17, v39  }
0x251: {  	[tilespmem:s28+$0xB700] =	vst v32  }
0x252: {  	v53 =	vadd.s32 s30, v26;
	[tilespmem:s28+$0xB780] =	vst v33;
	v32 =	vld.idx.msk [tilespmem:v36+s14+$0x0], $0xffff  }
0x253: {  	v56 =	vadd.s32 s5, v26;
	v54 =	vadd.s32 v18, v53;
	[tilespmem:s28+$0xB800] =	vst v34;
	v55 =	vld.idx.msk [tilespmem:v37+s14+$0x0], $0xffff  }
0x254: {  	v59 =	vadd.s32 s1, v26;
	v57 =	vadd.s32 v18, v56;
	[tilespmem:s28+$0xB880] =	vst v35;
	v58 =	vld.idx.msk [tilespmem:v38+s14+$0x0], $0xffff  }
0x255: {  	v62 =	vadd.s32 s0, v26;
	v60 =	vadd.s32 v18, v59;
	v61 =	vld.idx.msk [tilespmem:v39+s14+$0x0], $0xffff  }
0x256: {  	v39 =	vadd.s32 v18, v62  }
0x257: {  	[tilespmem:s28+$0xB710] =	vst v32  }
0x258: {  	v63 =	vadd.s32 s30, v27;
	[tilespmem:s28+$0xB790] =	vst v55;
	v32 =	vld.idx.msk [tilespmem:v54+s14+$0x0], $0xffff  }
0x259: {  	v40 =	vadd.s32 s5, v27;
	v33 =	vadd.s32 v19, v63;
	[tilespmem:s28+$0xB810] =	vst v58;
	v34 =	vld.idx.msk [tilespmem:v57+s14+$0x0], $0xffff  }
0x25a: {  	v41 =	vadd.s32 s1, v27;
	v36 =	vadd.s32 v19, v40;
	[tilespmem:s28+$0xB890] =	vst v61;
	v35 =	vld.idx.msk [tilespmem:v60+s14+$0x0], $0xffff  }
0x25b: {  	v42 =	vadd.s32 s0, v27;
	v37 =	vadd.s32 v19, v41;
	v38 =	vld.idx.msk [tilespmem:v39+s14+$0x0], $0xffff  }
0x25c: {  	v39 =	vadd.s32 v19, v42  }
0x25d: {  	[tilespmem:s28+$0xB720] =	vst v32  }
0x25e: {  	v43 =	vadd.s32 s30, v28;
	[tilespmem:s28+$0xB7A0] =	vst v34;
	v32 =	vld.idx.msk [tilespmem:v33+s14+$0x0], $0xffff  }
0x25f: {  	v44 =	vadd.s32 s5, v28;
	[tilespmem:s28+$0xB820] =	vst v35;
	v33 =	vadd.s32 v20, v43;
	v34 =	vld.idx.msk [tilespmem:v36+s14+$0x0], $0xffff  }
0x260: {  	v47 =	vadd.s32 s1, v28;
	v45 =	vadd.s32 v20, v44;
	[tilespmem:s28+$0xB8A0] =	vst v38;
	v46 =	vld.idx.msk [tilespmem:v37+s14+$0x0], $0xffff  }
0x261: {  	v48 =	vadd.s32 s0, v28;
	v37 =	vadd.s32 v20, v47;
	v38 =	vld.idx.msk [tilespmem:v39+s14+$0x0], $0xffff  }
0x262: {  	v39 =	vadd.s32 v20, v48  }
0x263: {  	[tilespmem:s28+$0xB730] =	vst v32  }
0x264: {  	v49 =	vadd.s32 s30, v29;
	[tilespmem:s28+$0xB7B0] =	vst v34;
	v32 =	vld.idx.msk [tilespmem:v33+s14+$0x0], $0xffff  }
0x265: {  	v50 =	vadd.s32 s5, v29;
	[tilespmem:s28+$0xB830] =	vst v46;
	v33 =	vadd.s32 v21, v49;
	v34 =	vld.idx.msk [tilespmem:v45+s14+$0x0], $0xffff  }
0x266: {  	v51 =	vadd.s32 s1, v29;
	v35 =	vadd.s32 v21, v50;
	[tilespmem:s28+$0xB8B0] =	vst v38;
	v36 =	vld.idx.msk [tilespmem:v37+s14+$0x0], $0xffff  }
0x267: {  	v52 =	vadd.s32 s0, v29;
	v37 =	vadd.s32 v21, v51;
	v38 =	vld.idx.msk [tilespmem:v39+s14+$0x0], $0xffff  }
0x268: {  	v39 =	vadd.s32 v21, v52  }
0x269: {  	[tilespmem:s28+$0xB740] =	vst v32  }
0x26a: {  	v53 =	vadd.s32 s30, v30;
	[tilespmem:s28+$0xB7C0] =	vst v34;
	v32 =	vld.idx.msk [tilespmem:v33+s14+$0x0], $0xffff  }
0x26b: {  	v54 =	vadd.s32 s5, v30;
	[tilespmem:s28+$0xB840] =	vst v36;
	v33 =	vadd.s32 v22, v53;
	v34 =	vld.idx.msk [tilespmem:v35+s14+$0x0], $0xffff  }
0x26c: {  	v55 =	vadd.s32 s1, v30;
	[tilespmem:s28+$0xB8C0] =	vst v38;
	v35 =	vadd.s32 v22, v54;
	v36 =	vld.idx.msk [tilespmem:v37+s14+$0x0], $0xffff  }
0x26d: {  	v56 =	vadd.s32 s0, v30;
	v37 =	vadd.s32 v22, v55;
	v38 =	vld.idx.msk [tilespmem:v39+s14+$0x0], $0xffff  }
0x26e: {  	v39 =	vadd.s32 v22, v56  }
0x26f: {  	[tilespmem:s28+$0xB750] =	vst v32  }
0x270: {  	v57 =	vadd.s32 s30, v31;
	[tilespmem:s28+$0xB7D0] =	vst v34;
	v33 =	vld.idx.msk [tilespmem:v33+s14+$0x0], $0xffff  }
0x271: {  	v58 =	vadd.s32 s5, v31;
	v32 =	vadd.s32 v23, v57;
	[tilespmem:s28+$0xB850] =	vst v36;
	v35 =	vld.idx.msk [tilespmem:v35+s14+$0x0], $0xffff  }
0x272: {  	v59 =	vadd.s32 s1, v31;
	v34 =	vadd.s32 v23, v58;
	[tilespmem:s28+$0xB8D0] =	vst v38;
	v36 =	vld.idx.msk [tilespmem:v37+s14+$0x0], $0xffff  }
0x273: {  	v60 =	vadd.s32 s0, v31;
	v37 =	vadd.s32 v23, v59;
	v38 =	vld.idx.msk [tilespmem:v39+s14+$0x0], $0xffff  }
0x274: {  	v39 =	vadd.s32 v23, v60  }
0x275: {  	[tilespmem:s28+$0xB760] =	vst v33  }
0x276: {  	[tilespmem:s28+$0xB7E0] =	vst v35;
	v32 =	vld.idx.msk [tilespmem:v32+s14+$0x0], $0xffff  }
0x277: {  	[tilespmem:s28+$0xB860] =	vst v36;
	v61 =	vld.idx.msk [tilespmem:v34+s14+$0x0], $0xffff  }
0x278: {  	[tilespmem:s28+$0xB8E0] =	vst v38;
	v62 =	vld.idx.msk [tilespmem:v37+s14+$0x0], $0xffff  }
0x279: {  	p0 =	por p1, p1;
	v63 =	vld.idx.msk [tilespmem:v39+s14+$0x0], $0xffff  }
.Ltmp12:
0x27a: {  	_ = 	snop;
	(pc) =	sbr.rel @p0 .LBB2_17-.Ltmp12, $4  }
0x27b: {  	[tilespmem:s28+$0xB770] =	vst v32  }
0x27c: {  	[tilespmem:s28+$0xB7F0] =	vst v61  }
0x27d: {  	[tilespmem:s28+$0xB870] =	vst v62  }
0x27e: {  	s29 =	simm.s32 $0x4;
	p1 =	por $0x0, $0x0;
	[tilespmem:s28+$0xB8F0] =	vst v63  }
0x27f: {  	p0 =	seq.s32 s24, $0x18  }
.Ltmp13:
0x280: {  	_ = 	snop;
	(pc) =	sbr.rel @p0 .LBB2_20-.Ltmp13, $3  }
0x281: {  	_ =	sdelay $0x1  }
0x282: {  	s0 =	sadd.s32 s26, s7  }
0x283: {  	[hbm4b:s0+s16] =	stream.strided.scatter [tilespmem:s21], [sflag:$0x4], $0x1000, s17, s16, $0x38;
	[tilespmem:$0xBB00] =	vst v63  }
0x284: {  	s0 =	sadd.s32 $0x3, s25  }
0x285: {  	v24 =	vadd.s32 s0, v0;
	_ =	sdelay $0x4  }
0x286: {  	v24 =	vld.idx.msk [tilespmem:v24+s3+$0x0], $0xffff;
	_ =	sdelay $0x1  }
0x287: {  	s8 =	sadd.s32 $0x323, s25  }
0x288: {  	v25 =	vadd.s32 s8, v0;
	_ =	sdelay $0x1  }
0x289: {  	v26 =	vshrl.u32 v24, $0x2;
	v24 =	vshll.u32 v24, $0x5  }
0x28a: {  	[tilespmem:$0x1980] =	vst v26;
	v24 =	vand.u32 $0x60, v24  }
0x28b: {  	[tilespmem:$0x1A80] =	vst v24  }
0x28c: {  	v24 =	vld.idx.msk [tilespmem:v25+s3+$0x0], $0xffff;
	_ =	sdelay $0x1  }
0x28d: {  	s9 =	sadd.s32 $0x643, s25  }
0x28e: {  	v52 =	vadd.s32 s9, v0;
	_ =	sdelay $0x1  }
0x28f: {  	v53 =	vshrl.u32 v24, $0x2;
	v24 =	vshll.u32 v24, $0x5  }
0x290: {  	[tilespmem:$0x1990] =	vst v53;
	v24 =	vand.u32 $0x60, v24  }
0x291: {  	[tilespmem:$0x1A90] =	vst v24  }
0x292: {  	v24 =	vld.idx.msk [tilespmem:v52+s3+$0x0], $0xffff;
	_ =	sdelay $0x1  }
0x293: {  	s26 =	sadd.s32 $0x963, s25  }
0x294: {  	v54 =	vadd.s32 s26, v0;
	_ =	sdelay $0x1  }
0x295: {  	v55 =	vshrl.u32 v24, $0x2;
	v24 =	vshll.u32 v24, $0x5  }
0x296: {  	[tilespmem:$0x19A0] =	vst v55;
	v24 =	vand.u32 $0x60, v24  }
0x297: {  	[tilespmem:$0x1AA0] =	vst v24  }
0x298: {  	v24 =	vld.idx.msk [tilespmem:v54+s3+$0x0], $0xffff;
	_ =	sdelay $0x1  }
0x299: {  	s28 =	sadd.s32 $0xC83, s25  }
0x29a: {  	v56 =	vadd.s32 s28, v0;
	_ =	sdelay $0x1  }
0x29b: {  	v57 =	vshrl.u32 v24, $0x2;
	v24 =	vshll.u32 v24, $0x5  }
0x29c: {  	[tilespmem:$0x19B0] =	vst v57;
	v24 =	vand.u32 $0x60, v24  }
0x29d: {  	[tilespmem:$0x1AB0] =	vst v24  }
0x29e: {  	v24 =	vld.idx.msk [tilespmem:v56+s3+$0x0], $0xffff;
	_ =	sdelay $0x1  }
0x29f: {  	s29 =	sadd.s32 $0xFA3, s25  }
0x2a0: {  	v58 =	vadd.s32 s29, v0;
	_ =	sdelay $0x1  }
0x2a1: {  	v59 =	vshrl.u32 v24, $0x2;
	v24 =	vshll.u32 v24, $0x5  }
0x2a2: {  	[tilespmem:$0x19C0] =	vst v59;
	v24 =	vand.u32 $0x60, v24  }
0x2a3: {  	[tilespmem:$0x1AC0] =	vst v24  }
0x2a4: {  	v24 =	vld.idx.msk [tilespmem:v58+s3+$0x0], $0xffff;
	_ =	sdelay $0x1  }
0x2a5: {  	s30 =	sadd.s32 $0x12C3, s25  }
0x2a6: {  	v60 =	vadd.s32 s30, v0;
	_ =	sdelay $0x1  }
0x2a7: {  	v61 =	vshrl.u32 v24, $0x2;
	v24 =	vshll.u32 v24, $0x5  }
0x2a8: {  	[tilespmem:$0x19D0] =	vst v61;
	v24 =	vand.u32 $0x60, v24  }
0x2a9: {  	[tilespmem:$0x1AD0] =	vst v24  }
0x2aa: {  	v24 =	vld.idx.msk [tilespmem:v60+s3+$0x0], $0xffff;
	_ =	sdelay $0x1  }
0x2ab: {  	s31 =	sadd.s32 $0x15E3, s25  }
0x2ac: {  	v62 =	vadd.s32 s31, v0;
	_ =	sdelay $0x1  }
0x2ad: {  	v63 =	vshrl.u32 v24, $0x2;
	v24 =	vshll.u32 v24, $0x5  }
0x2ae: {  	[tilespmem:$0x19E0] =	vst v63;
	v24 =	vand.u32 $0x60, v24  }
0x2af: {  	[tilespmem:$0x1AE0] =	vst v24  }
0x2b0: {  	v24 =	vld.idx.msk [tilespmem:v62+s3+$0x0], $0xffff;
	_ =	sdelay $0x3  }
.Ltmp14:
0x2b1: {  	_ = 	snop;
	(pc) =	sbr.rel .LBB2_2-.Ltmp14, $4  }
0x2b2: {  	v25 =	vshrl.u32 v24, $0x2;
	v24 =	vshll.u32 v24, $0x5  }
0x2b3: {  	[tilespmem:$0x19F0] =	vst v25;
	v24 =	vand.u32 $0x60, v24  }
0x2b4: {  	s24 =	sadd.s32 $0x1, s24;
	[tilespmem:$0x1AF0] =	vst v24  }
0x2b5: {  	[tilespmem:s14], [sflag:$0x2] =	stream.indirect.gather [hbm4b:s4+s10], $0x80, s13, s10, $0xb8;
	[tilespmem:$0xBB00] =	vst v63  }
.LBB2_21:
0x2b6: {  	_ =	sfence.sel $0x180000  }
0x2b7: {  	[bflag:$0x0] =	sbarrier.arrive $0xFFFF  }
0x2b8: {  	_ =	strace $0x9000004A  }
0x2b9: {  	s0 =	stileid.u32;
	[bflag:$0x2] =	sbarrier.arrive $0xFFFF  }
0x2ba: {  	p0 =	sne.s32 s0, $0x0;
	s0 =	rddreg [dreg:$0x2]  }
0x2bb: {  	s0 =	sadd.s32 @!p0 $0x100000, s0  }
0x2bc: {  	[sflag:s0] =	ssyncadd.tile.s32 @!p0 $0x1;
	_ =	shalt  }
.Lfunc_end2:
_tile_overlayer_lowered:
.L_overlay_start_2:
0x2bd: {  	(tag) =	ssettag $0x2  }
0x2be: {  	s0 =	rddreg [dreg:$0x0];
	s2 =	stileid.u32  }
0x2bf: {  	s1 =	rddreg [dreg:$0x1];
	p0 =	sne.s32 s2, $0x0  }
0x2c0: {  	s3 =	rddreg [dreg:$0x2];
	[bflag:$0x3] =	sbarrier.arrive $0xFFFF;
	s2 =	simm.s32 @!p0 $0x1C05  }
0x2c1: {  	[timem:s3], [sflag:s2] =	dma.local @!p0 [hbm:s0], s1  }
0x2c2: {  	s0 =	simm.s32 @!p0 $0x5  }
0x2c3: {  	_ =	swait.ge @!p0 [sflag:s0], s1  }
0x2c4: {  	s1 =	ssub.s32 @!p0 $0x0, s1;
	[sflag:s0] =	ssyncset.done @!p0 $0x0  }
0x2c5: {  	[sflag:s0] =	ssyncadd.s32 @!p0 s1  }
0x2c6: {  	[bflag:$0x3] =	sbarrier.arrive $0xFFFF  }
0x2c7: {  	_ =	shalt  }

</sc_bundles>
